<compile_context>
chip_gen: v7x
topology: tpu7x:2x2x1
jax: 0.10.2.dev20260603
libtpu: 0.0.44.dev20260713+nightly
codegen_flags: <defaults>
</compile_context>

<pallas_src>
import jax
import jax.numpy as jnp
from jax import lax
from jax.experimental import pallas as pl
from jax.experimental.pallas import tpu as pltpu
from jax.experimental.pallas import tpu_sc as plsc

N = 10000
D = 128
E = 320000
NW = 32
NPW = 320
NP = NW * NPW
C = 6400
NCHUNK = E // C
B = 64
GPB = B // 16

NEG_INF = float("-inf")


def _mm_body(x_ref, wn_ref, u_ref, xw_ref, xwu_ref):
    xw = jnp.dot(x_ref[...], wn_ref[...], preferred_element_type=jnp.float32)
    xw_ref[...] = xw
    xwu_ref[...] = jnp.dot(xw, u_ref[...], preferred_element_type=jnp.float32)


def _matmuls(xp, Wn, U):
    blk = 1024
    return pl.pallas_call(
        _mm_body,
        grid=(NP // blk,),
        in_specs=[
            pl.BlockSpec((blk, D), lambda i: (i, 0)),
            pl.BlockSpec((D, D), lambda i: (0, 0)),
            pl.BlockSpec((D, D), lambda i: (0, 0)),
        ],
        out_specs=[
            pl.BlockSpec((blk, D), lambda i: (i, 0)),
            pl.BlockSpec((blk, D), lambda i: (i, 0)),
        ],
        out_shape=[
            jax.ShapeDtypeStruct((NP, D), jnp.float32),
            jax.ShapeDtypeStruct((NP, D), jnp.float32),
        ],
    )(xp, Wn, U)


def _edge_body(xwu_hbm, xw_hbm, src_hbm, dst_hbm, out_hbm,
               acc, src_chunk, dst_chunk, sel_src, sel_dst,
               srows3, dstloc, probe, sem0, sem1):
    cid = lax.axis_index("c")
    sid = lax.axis_index("s")
    wid = sid * 2 + cid
    lo = (wid * NPW).astype(jnp.int32)
    hi = lo + NPW
    iota = lax.broadcasted_iota(jnp.int32, (16,), 0)

    pltpu.sync_copy(xwu_hbm.at[pl.ds(lo, NPW)], dstloc)

    def init_acc(r, _):
        for c in range(D // 16):
            acc[r, pl.ds(c * 16, 16)] = jnp.full((16,), NEG_INF, jnp.float32)
        return 0
    lax.fori_loop(0, NPW, init_acc, 0)

    def init_sel(i, _):
        sel_src[pl.ds(i * 16, 16)] = jnp.zeros((16,), jnp.int32)
        sel_dst[pl.ds(i * 16, 16)] = jnp.full((16,), lo, jnp.int32)
        return 0
    lax.fori_loop(0, (C + B) // 16, init_sel, 0)

    def issue(boff, p):

        def go(sem):
            pltpu.async_copy(xwu_hbm.at[sel_src.at[pl.ds(boff, B)]],
                             srows3.at[p], sem)

        @pl.when(p == 0)
        def _():
            go(sem0)

        @pl.when(p == 1)
        def _():
            go(sem1)

    def wait(p):

        def drain(sem):
            pltpu.make_async_copy(xwu_hbm.at[pl.ds(0, B)], srows3.at[p],
                                  sem).wait()

        @pl.when(p == 0)
        def _():
            drain(sem0)

        @pl.when(p == 1)
        def _():
            drain(sem1)

    def compute(p, soff, cnt):
        srows = srows3.at[p]

        def group(g, _):
            sbase = soff + g * 16
            dv = sel_dst[pl.ds(sbase, 16)]
            dl = dv - lo
            valid = (sbase + iota) < cnt
            e16 = g * 16 + iota

            def dot_step(db, acc_dot):
                res = acc_dot
                for j in range(8):
                    col = (jnp.full((16,), db * 8 + j, jnp.int32) + iota) & 127
                    s = plsc.load_gather(srows, [e16, col])
                    t = plsc.load_gather(dstloc, [dl, col])
                    res = res + s * t
                return res
            dot = lax.fori_loop(0, D // 8, dot_step, jnp.zeros((16,), jnp.float32))
            gate = 1.0 / (1.0 + jnp.exp(-dot))

            def has_pending(pending):
                return jnp.max(plsc.all_reduce_population_count(pending)) > 0

            def round_body(pending):
                plsc.store_scatter(probe, [dl], iota, mask=pending)
                back = plsc.load_gather(probe, [dl], mask=pending)
                winners = pending & (back == iota)

                def upd_step(db, _):
                    for j in range(8):
                        col = (jnp.full((16,), db * 8 + j, jnp.int32) + iota) & 127
                        s = plsc.load_gather(srows, [e16, col])
                        m = s * gate
                        a = plsc.load_gather(acc, [dl, col], mask=winners)
                        plsc.store_scatter(acc, [dl, col], jnp.maximum(a, m),
                                           mask=winners)
                    return 0
                lax.fori_loop(0, D // 8, upd_step, 0)
                return pending & jnp.logical_not(winners)

            lax.while_loop(has_pending, round_body, valid)
            return 0

        lax.fori_loop(0, GPB, group, 0)

    def chunk_body(k, rem):
        pltpu.sync_copy(src_hbm.at[pl.ds(k * C, C)], src_chunk)
        pltpu.sync_copy(dst_hbm.at[pl.ds(k * C, C)], dst_chunk)

        def filt(i, cntv):
            cv = cntv
            for u in range(4):
                off = (i * 4 + u) * 16
                d16 = dst_chunk[pl.ds(off, 16)]
                s16 = src_chunk[pl.ds(off, 16)]
                m = (d16 >= lo) & (d16 < hi)
                pos = cv + plsc.cumsum(m.astype(jnp.int32)) - 1
                plsc.store_scatter(sel_dst, [pos], d16, mask=m)
                plsc.store_scatter(sel_src, [pos], s16, mask=m)
                cv = cv + plsc.all_reduce_population_count(m)
            return cv
        cntv = lax.fori_loop(0, C // 64, filt,
                             jnp.full((16,), rem, jnp.int32))
        cnt = jnp.max(cntv)

        nb = cnt >> 6

        @pl.when(nb > 0)
        def _():
            issue(0, jnp.int32(0))

        def batch(b, _):
            p = b & 1

            @pl.when(b + 1 < nb)
            def _():
                issue((b + 1) * B, 1 - p)

            wait(p)
            compute(p, b * B, cnt)
            return 0
        lax.fori_loop(0, nb, batch, 0)

        base = nb << 6
        for i in range(B // 16):
            vs = sel_src[pl.ds(base + i * 16, 16)]
            vd = sel_dst[pl.ds(base + i * 16, 16)]
            sel_src[pl.ds(i * 16, 16)] = vs
            sel_dst[pl.ds(i * 16, 16)] = vd
        return cnt - base

    rem = lax.fori_loop(0, NCHUNK, chunk_body, jnp.int32(0))

    @pl.when(rem > 0)
    def _():
        issue(0, jnp.int32(0))
        wait(jnp.int32(0))
        compute(jnp.int32(0), 0, rem)

    WB = 64

    def wb(blk, _):
        wbuf = srows3.at[0]
        pltpu.sync_copy(xw_hbm.at[pl.ds(lo + blk * WB, WB)], wbuf)

        def row(r, _):
            for c in range(D // 16):
                a = acc[blk * WB + r, pl.ds(c * 16, 16)]
                az = jnp.where(a == NEG_INF, 0.0, a)
                s = wbuf[r, pl.ds(c * 16, 16)] + az
                wbuf[r, pl.ds(c * 16, 16)] = jnp.maximum(s, 0.01 * s)
            return 0
        lax.fori_loop(0, WB, row, 0)
        pltpu.sync_copy(wbuf, out_hbm.at[pl.ds(lo + blk * WB, WB)])
        return 0
    lax.fori_loop(0, NPW // WB, wb, 0)


def _edge_layer(xwu, xw, src, dst):
    mesh = plsc.VectorSubcoreMesh(core_axis_name="c", subcore_axis_name="s")
    f = pl.kernel(
        _edge_body,
        out_type=jax.ShapeDtypeStruct((NP, D), jnp.float32),
        mesh=mesh,
        compiler_params=pltpu.CompilerParams(needs_layout_passes=False, internal_scratch_in_bytes=0),
        scratch_types=[
            pltpu.VMEM((NPW, D), jnp.float32),
            pltpu.VMEM((C,), jnp.int32),
            pltpu.VMEM((C,), jnp.int32),
            pltpu.VMEM((C + B,), jnp.int32),
            pltpu.VMEM((C + B,), jnp.int32),
            pltpu.VMEM((2, B, D), jnp.float32),
            pltpu.VMEM((NPW, D), jnp.float32),
            pltpu.VMEM((NPW,), jnp.int32),
            pltpu.SemaphoreType.DMA,
            pltpu.SemaphoreType.DMA,
        ],
    )
    return f(xwu, xw, src, dst)


def kernel(x, edge_index, edge_attr, Wn1, We1, U1, Wn2, We2, U2):
    ei = edge_index.astype(jnp.int32)
    src = ei[0]
    dst = ei[1]
    xp = jnp.pad(x, ((0, NP - N), (0, 0)))
    xw1, xwu1 = _matmuls(xp, Wn1, U1)
    c1 = _edge_layer(xwu1, xw1, src, dst)
    xw2, xwu2 = _matmuls(c1, Wn2, U2)
    c2 = _edge_layer(xwu2, xw2, src, dst)
    return c2[:N]

# --- scband reference (transcript-rebuilt; emitter-appended) ---
"""Pipeline reference for scband-gatnet-67405216744282 (READ-ONLY COPY).

The authoritative reference and input builder live on the scoring server;
editing this copy changes nothing except your own understanding.
"""

import jax, jax.numpy as jnp
import numpy as np

N = 10000
E = 320000
D = 128
DE = 16


def glorot(key, shape):
    fan_in, fan_out = shape[0], shape[1]
    limit = np.sqrt(6.0 / (fan_in + fan_out))
    return jax.random.uniform(key, shape, minval=-limit, maxval=limit, dtype=jnp.float32)


def setup_inputs(seed: int = 0) -> dict:
    key = jax.random.key(seed)
    ks = jax.random.split(key, 10)
    x = jax.random.normal(ks[0], (N, D), dtype=jnp.float32)
    edge_index = jax.random.randint(ks[1], (2, E), 0, N, dtype=jnp.int64)
    edge_attr = jax.random.normal(ks[2], (E, DE), dtype=jnp.float32)
    Wn1 = glorot(ks[3], (D, D))
    We1 = glorot(ks[4], (DE, D))
    U1 = glorot(ks[5], (D, D))
    Wn2 = glorot(ks[6], (D, D))
    We2 = glorot(ks[7], (DE, D))
    U2 = glorot(ks[8], (D, D))
    return {"x": x, "edge_index": edge_index, "edge_attr": edge_attr,
            "Wn1": Wn1, "We1": We1, "U1": U1,
            "Wn2": Wn2, "We2": We2, "U2": U2}


def gat_conv(x, edge_index, edge_attr, Wn, We, U):
    # node/edge feature transforms (edge transform computed as in torch forward,
    # though message() never consumes it -- kept faithful)
    xw = jnp.matmul(x, Wn)
    eaw = jnp.matmul(edge_attr, We)  # noqa: F841 (unused downstream, as in source)
    src = edge_index[0]  # x_j
    dst = edge_index[1]  # x_i (aggregation target)
    x_i = jnp.matmul(xw[dst], U)
    x_j = jnp.matmul(xw[src], U)
    gate = jax.nn.sigmoid(jnp.sum(x_i * x_j, axis=-1))[:, None]
    msg = x_j * gate
    aggr = jax.ops.segment_max(msg, dst, num_segments=N)
    # PyG max-aggregation leaves empty segments at 0
    aggr = jnp.where(jnp.isneginf(aggr), 0.0, aggr)
    return xw + aggr  # update: residual with transformed x


def reference(x, edge_index, edge_attr, Wn1, We1, U1, Wn2, We2, U2):
    c1 = jax.nn.leaky_relu(gat_conv(x, edge_index, edge_attr, Wn1, We1, U1), negative_slope=0.01)
    c2 = jax.nn.leaky_relu(gat_conv(c1, edge_index, edge_attr, Wn2, We2, U2), negative_slope=0.01)
    return c2

if __name__ == "__main__":
    import jax
    _d = setup_inputs()
    print(jax.jit(kernel)(*tuple(_d.values())))

</pallas_src>

<mosaic_0001>
#map = affine_map<(d0, d1) -> (0, 0)>
#map1 = affine_map<(d0, d1) -> (0)>
module attributes {stable_mosaic.version = 14 : i64} {
  func.func @_edge_body(%arg0: i32, %arg1: i32, %arg2: memref<10240x128xf32, #tpu.memory_space<hbm>>, %arg3: memref<10240x128xf32, #tpu.memory_space<hbm>>, %arg4: memref<320000xi32, #tpu.memory_space<hbm>>, %arg5: memref<320000xi32, #tpu.memory_space<hbm>>, %arg6: memref<10240x128xf32, #tpu.memory_space<hbm>>, %arg7: memref<320x128xf32, #tpu.memory_space<vmem>>, %arg8: memref<6400xi32, #tpu.memory_space<vmem>>, %arg9: memref<6400xi32, #tpu.memory_space<vmem>>, %arg10: memref<6464xi32, #tpu.memory_space<vmem>>, %arg11: memref<6464xi32, #tpu.memory_space<vmem>>, %arg12: memref<2x64x128xf32, #tpu.memory_space<vmem>>, %arg13: memref<320x128xf32, #tpu.memory_space<vmem>>, %arg14: memref<320xi32, #tpu.memory_space<vmem>>, %arg15: memref<!tpu.dma_semaphore, #tpu.memory_space<semaphore_mem>>, %arg16: memref<!tpu.dma_semaphore, #tpu.memory_space<semaphore_mem>>) attributes {dimension_semantics = [#tpu.dimension_semantics<core_parallel>, #tpu.dimension_semantics<subcore_parallel>], iteration_bounds = array<i64: 2, 16>, scalar_prefetch = 0 : i64, scratch_operands = 10 : i64, tpu.core_type = #tpu.core_type<sc_vector_subcore>, window_params = [{transform_indices = #map}, {transform_indices = #map}, {transform_indices = #map1}, {transform_indices = #map1}, {transform_indices = #map}]} {
    %mul3A = arith.constant 2 : i32
    %mul3A_0 = arith.muli %arg1, %mul3A : i32
    %add3A = arith.addi %mul3A_0, %arg0 : i32
    %mul3A_1 = arith.constant 320 : i32
    %mul3A_2 = arith.muli %add3A, %mul3A_1 : i32
    %add3A_3 = arith.constant 320 : i32
    %add3A_4 = arith.addi %mul3A_2, %add3A_3 : i32
    %iota3A = tpu.iota {dimensions = array<i32: 0>} : vector<16xi32>
    "tpu.region"() ({
      %run_scoped3A = tpu.sem_alloc : memref<!tpu.dma_semaphore, #tpu.memory_space<semaphore_mem>>
      %dma_start3A = arith.constant 0 : i32
      %dma_start3A_34 = tpu.memref_slice %arg2[%mul3A_2, %dma_start3A] : memref<10240x128xf32, #tpu.memory_space<hbm>> -> memref<320x128xf32, #tpu.memory_space<hbm>>
      %dma_start3A_35 = arith.constant 0 : i32
      %dma_start3A_36 = tpu.memref_slice %arg2[%mul3A_2, %dma_start3A_35] : memref<10240x128xf32, #tpu.memory_space<hbm>> -> memref<320x128xf32, #tpu.memory_space<hbm>>
      tpu.enqueue_dma source(%dma_start3A_36 : memref<320x128xf32, #tpu.memory_space<hbm>>) target(%arg13 : memref<320x128xf32, #tpu.memory_space<vmem>>) target_semaphore(%run_scoped3A : memref<!tpu.dma_semaphore, #tpu.memory_space<semaphore_mem>>)
      %dma_wait3A = arith.constant 0 : i32
      %dma_wait3A_37 = tpu.memref_slice %arg2[%mul3A_2, %dma_wait3A] : memref<10240x128xf32, #tpu.memory_space<hbm>> -> memref<320x128xf32, #tpu.memory_space<hbm>>
      %dma_wait3A_38 = arith.constant 0 : i32
      %dma_wait3A_39 = tpu.memref_slice %arg2[%mul3A_2, %dma_wait3A_38] : memref<10240x128xf32, #tpu.memory_space<hbm>> -> memref<320x128xf32, #tpu.memory_space<hbm>>
      tpu.wait_dma2 semaphore(%run_scoped3A : memref<!tpu.dma_semaphore, #tpu.memory_space<semaphore_mem>>) src(%dma_wait3A_39 : memref<320x128xf32, #tpu.memory_space<hbm>>) dst(%arg13 : memref<320x128xf32, #tpu.memory_space<vmem>>)
      tpu.yield
    }) : () -> ()
    %scan3A = arith.constant 0 : i32
    %scan3A_5 = arith.constant 0 : i32
    %scan3A_6 = arith.constant 320 : i32
    %scan3A_7 = arith.addi %scan3A_5, %scan3A_6 : i32
    %scan3A_8 = arith.constant 1 : i32
    %scan3A_9 = scf.for %scan3A_34 = %scan3A_5 to %scan3A_7 step %scan3A_8 iter_args(%scan3A_35 = %scan3A) -> (i32)  : i32 {
      %broadcast_in_dim3A = arith.constant 0xFF800000 : f32
      %broadcast_in_dim3A_36 = vector.broadcast %broadcast_in_dim3A : f32 to vector<16xf32>
      %swap3A = arith.index_cast %scan3A_34 : i32 to index
      %swap3A_37 = arith.constant 0 : index
      %swap3A_38 = tpu.vector_load %arg7[%swap3A, %swap3A_37] {strides = array<i32>} : memref<320x128xf32, #tpu.memory_space<vmem>>, vector<16xf32>,
      tpu.vector_store %arg7[%swap3A, %swap3A_37], %broadcast_in_dim3A_36 {strides = array<i32>} : memref<320x128xf32, #tpu.memory_space<vmem>>, vector<16xf32>,
      %broadcast_in_dim3A_39 = arith.constant 0xFF800000 : f32
      %broadcast_in_dim3A_40 = vector.broadcast %broadcast_in_dim3A_39 : f32 to vector<16xf32>
      %swap3A_41 = arith.index_cast %scan3A_34 : i32 to index
      %swap3A_42 = arith.constant 16 : index
      %swap3A_43 = tpu.vector_load %arg7[%swap3A_41, %swap3A_42] {strides = array<i32>} : memref<320x128xf32, #tpu.memory_space<vmem>>, vector<16xf32>,
      tpu.vector_store %arg7[%swap3A_41, %swap3A_42], %broadcast_in_dim3A_40 {strides = array<i32>} : memref<320x128xf32, #tpu.memory_space<vmem>>, vector<16xf32>,
      %broadcast_in_dim3A_44 = arith.constant 0xFF800000 : f32
      %broadcast_in_dim3A_45 = vector.broadcast %broadcast_in_dim3A_44 : f32 to vector<16xf32>
      %swap3A_46 = arith.index_cast %scan3A_34 : i32 to index
      %swap3A_47 = arith.constant 32 : index
      %swap3A_48 = tpu.vector_load %arg7[%swap3A_46, %swap3A_47] {strides = array<i32>} : memref<320x128xf32, #tpu.memory_space<vmem>>, vector<16xf32>,
      tpu.vector_store %arg7[%swap3A_46, %swap3A_47], %broadcast_in_dim3A_45 {strides = array<i32>} : memref<320x128xf32, #tpu.memory_space<vmem>>, vector<16xf32>,
      %broadcast_in_dim3A_49 = arith.constant 0xFF800000 : f32
      %broadcast_in_dim3A_50 = vector.broadcast %broadcast_in_dim3A_49 : f32 to vector<16xf32>
      %swap3A_51 = arith.index_cast %scan3A_34 : i32 to index
      %swap3A_52 = arith.constant 48 : index
      %swap3A_53 = tpu.vector_load %arg7[%swap3A_51, %swap3A_52] {strides = array<i32>} : memref<320x128xf32, #tpu.memory_space<vmem>>, vector<16xf32>,
      tpu.vector_store %arg7[%swap3A_51, %swap3A_52], %broadcast_in_dim3A_50 {strides = array<i32>} : memref<320x128xf32, #tpu.memory_space<vmem>>, vector<16xf32>,
      %broadcast_in_dim3A_54 = arith.constant 0xFF800000 : f32
      %broadcast_in_dim3A_55 = vector.broadcast %broadcast_in_dim3A_54 : f32 to vector<16xf32>
      %swap3A_56 = arith.index_cast %scan3A_34 : i32 to index
      %swap3A_57 = arith.constant 64 : index
      %swap3A_58 = tpu.vector_load %arg7[%swap3A_56, %swap3A_57] {strides = array<i32>} : memref<320x128xf32, #tpu.memory_space<vmem>>, vector<16xf32>,
      tpu.vector_store %arg7[%swap3A_56, %swap3A_57], %broadcast_in_dim3A_55 {strides = array<i32>} : memref<320x128xf32, #tpu.memory_space<vmem>>, vector<16xf32>,
      %broadcast_in_dim3A_59 = arith.constant 0xFF800000 : f32
      %broadcast_in_dim3A_60 = vector.broadcast %broadcast_in_dim3A_59 : f32 to vector<16xf32>
      %swap3A_61 = arith.index_cast %scan3A_34 : i32 to index
      %swap3A_62 = arith.constant 80 : index
      %swap3A_63 = tpu.vector_load %arg7[%swap3A_61, %swap3A_62] {strides = array<i32>} : memref<320x128xf32, #tpu.memory_space<vmem>>, vector<16xf32>,
      tpu.vector_store %arg7[%swap3A_61, %swap3A_62], %broadcast_in_dim3A_60 {strides = array<i32>} : memref<320x128xf32, #tpu.memory_space<vmem>>, vector<16xf32>,
      %broadcast_in_dim3A_64 = arith.constant 0xFF800000 : f32
      %broadcast_in_dim3A_65 = vector.broadcast %broadcast_in_dim3A_64 : f32 to vector<16xf32>
      %swap3A_66 = arith.index_cast %scan3A_34 : i32 to index
      %swap3A_67 = arith.constant 96 : index
      %swap3A_68 = tpu.vector_load %arg7[%swap3A_66, %swap3A_67] {strides = array<i32>} : memref<320x128xf32, #tpu.memory_space<vmem>>, vector<16xf32>,
      tpu.vector_store %arg7[%swap3A_66, %swap3A_67], %broadcast_in_dim3A_65 {strides = array<i32>} : memref<320x128xf32, #tpu.memory_space<vmem>>, vector<16xf32>,
      %broadcast_in_dim3A_69 = arith.constant 0xFF800000 : f32
      %broadcast_in_dim3A_70 = vector.broadcast %broadcast_in_dim3A_69 : f32 to vector<16xf32>
      %swap3A_71 = arith.index_cast %scan3A_34 : i32 to index
      %swap3A_72 = arith.constant 112 : index
      %swap3A_73 = tpu.vector_load %arg7[%swap3A_71, %swap3A_72] {strides = array<i32>} : memref<320x128xf32, #tpu.memory_space<vmem>>, vector<16xf32>,
      tpu.vector_store %arg7[%swap3A_71, %swap3A_72], %broadcast_in_dim3A_70 {strides = array<i32>} : memref<320x128xf32, #tpu.memory_space<vmem>>, vector<16xf32>,
      %scan3A_74 = arith.constant 0 : i32
      scf.yield %scan3A_74 : i32
    }
    %scan3A_10 = arith.constant 320 : i32
    %scan3A_11 = arith.constant 0 : i32
    %scan3A_12 = arith.constant 0 : i32
    %scan3A_13 = arith.constant 404 : i32
    %scan3A_14 = arith.addi %scan3A_12, %scan3A_13 : i32
    %scan3A_15 = arith.constant 1 : i32
    %scan3A_16 = scf.for %scan3A_34 = %scan3A_12 to %scan3A_14 step %scan3A_15 iter_args(%scan3A_35 = %scan3A_11) -> (i32)  : i32 {
      %broadcast_in_dim3A = arith.constant 0 : i32
      %broadcast_in_dim3A_36 = vector.broadcast %broadcast_in_dim3A : i32 to vector<16xi32>
      %mul3A_37 = arith.constant 16 : i32
      %mul3A_38 = arith.muli %scan3A_34, %mul3A_37 : i32
      %swap3A = arith.index_cast %mul3A_38 : i32 to index
      %swap3A_39 = tpu.vector_load %arg10[%swap3A] {strides = array<i32>} : memref<6464xi32, #tpu.memory_space<vmem>>, vector<16xi32>,
      tpu.vector_store %arg10[%swap3A], %broadcast_in_dim3A_36 {strides = array<i32>} : memref<6464xi32, #tpu.memory_space<vmem>>, vector<16xi32>,
      %broadcast_in_dim3A_40 = vector.broadcast %mul3A_2 : i32 to vector<16xi32>
      %mul3A_41 = arith.constant 16 : i32
      %mul3A_42 = arith.muli %scan3A_34, %mul3A_41 : i32
      %swap3A_43 = arith.index_cast %mul3A_42 : i32 to index
      %swap3A_44 = tpu.vector_load %arg11[%swap3A_43] {strides = array<i32>} : memref<6464xi32, #tpu.memory_space<vmem>>, vector<16xi32>,
      tpu.vector_store %arg11[%swap3A_43], %broadcast_in_dim3A_40 {strides = array<i32>} : memref<6464xi32, #tpu.memory_space<vmem>>, vector<16xi32>,
      %scan3A_45 = arith.constant 0 : i32
      scf.yield %scan3A_45 : i32
    }
    %scan3A_17 = arith.constant 404 : i32
    %scan3A_18 = arith.constant 0 : i32
    %scan3A_19 = arith.constant 0 : i32
    %scan3A_20 = arith.constant 50 : i32
    %scan3A_21 = arith.addi %scan3A_19, %scan3A_20 : i32
    %scan3A_22 = arith.constant 1 : i32
    %scan3A_23 = scf.for %scan3A_34 = %scan3A_19 to %scan3A_21 step %scan3A_22 iter_args(%scan3A_35 = %scan3A_18) -> (i32)  : i32 {
      %mul3A_36 = arith.constant 6400 : i32
      %mul3A_37 = arith.muli %scan3A_34, %mul3A_36 : i32
      "tpu.region"() ({
        %run_scoped3A = tpu.sem_alloc : memref<!tpu.dma_semaphore, #tpu.memory_space<semaphore_mem>>
        %dma_start3A = tpu.memref_slice %arg4[%mul3A_37] : memref<320000xi32, #tpu.memory_space<hbm>> -> memref<6400xi32, #tpu.memory_space<hbm>>
        %dma_start3A_117 = tpu.memref_slice %arg4[%mul3A_37] : memref<320000xi32, #tpu.memory_space<hbm>> -> memref<6400xi32, #tpu.memory_space<hbm>>
        tpu.enqueue_dma source(%dma_start3A_117 : memref<6400xi32, #tpu.memory_space<hbm>>) target(%arg8 : memref<6400xi32, #tpu.memory_space<vmem>>) target_semaphore(%run_scoped3A : memref<!tpu.dma_semaphore, #tpu.memory_space<semaphore_mem>>)
        %dma_wait3A = tpu.memref_slice %arg4[%mul3A_37] : memref<320000xi32, #tpu.memory_space<hbm>> -> memref<6400xi32, #tpu.memory_space<hbm>>
        %dma_wait3A_118 = tpu.memref_slice %arg4[%mul3A_37] : memref<320000xi32, #tpu.memory_space<hbm>> -> memref<6400xi32, #tpu.memory_space<hbm>>
        tpu.wait_dma2 semaphore(%run_scoped3A : memref<!tpu.dma_semaphore, #tpu.memory_space<semaphore_mem>>) src(%dma_wait3A_118 : memref<6400xi32, #tpu.memory_space<hbm>>) dst(%arg8 : memref<6400xi32, #tpu.memory_space<vmem>>)
        tpu.yield
      }) : () -> ()
      %mul3A_38 = arith.constant 6400 : i32
      %mul3A_39 = arith.muli %scan3A_34, %mul3A_38 : i32
      "tpu.region"() ({
        %run_scoped3A = tpu.sem_alloc : memref<!tpu.dma_semaphore, #tpu.memory_space<semaphore_mem>>
        %dma_start3A = tpu.memref_slice %arg5[%mul3A_39] : memref<320000xi32, #tpu.memory_space<hbm>> -> memref<6400xi32, #tpu.memory_space<hbm>>
        %dma_start3A_117 = tpu.memref_slice %arg5[%mul3A_39] : memref<320000xi32, #tpu.memory_space<hbm>> -> memref<6400xi32, #tpu.memory_space<hbm>>
        tpu.enqueue_dma source(%dma_start3A_117 : memref<6400xi32, #tpu.memory_space<hbm>>) target(%arg9 : memref<6400xi32, #tpu.memory_space<vmem>>) target_semaphore(%run_scoped3A : memref<!tpu.dma_semaphore, #tpu.memory_space<semaphore_mem>>)
        %dma_wait3A = tpu.memref_slice %arg5[%mul3A_39] : memref<320000xi32, #tpu.memory_space<hbm>> -> memref<6400xi32, #tpu.memory_space<hbm>>
        %dma_wait3A_118 = tpu.memref_slice %arg5[%mul3A_39] : memref<320000xi32, #tpu.memory_space<hbm>> -> memref<6400xi32, #tpu.memory_space<hbm>>
        tpu.wait_dma2 semaphore(%run_scoped3A : memref<!tpu.dma_semaphore, #tpu.memory_space<semaphore_mem>>) src(%dma_wait3A_118 : memref<6400xi32, #tpu.memory_space<hbm>>) dst(%arg9 : memref<6400xi32, #tpu.memory_space<vmem>>)
        tpu.yield
      }) : () -> ()
      %broadcast_in_dim3A = vector.broadcast %scan3A_35 : i32 to vector<16xi32>
      %scan3A_40 = arith.constant 0 : i32
      %scan3A_41 = arith.constant 100 : i32
      %scan3A_42 = arith.addi %scan3A_40, %scan3A_41 : i32
      %scan3A_43 = arith.constant 1 : i32
      %scan3A_44 = scf.for %scan3A_117 = %scan3A_40 to %scan3A_42 step %scan3A_43 iter_args(%scan3A_118 = %broadcast_in_dim3A) -> (vector<16xi32>)  : i32 {
        %mul3A_119 = arith.constant 4 : i32
        %mul3A_120 = arith.muli %scan3A_117, %mul3A_119 : i32
        %add3A_121 = arith.constant 0 : i32
        %add3A_122 = arith.addi %mul3A_120, %add3A_121 : i32
        %mul3A_123 = arith.constant 16 : i32
        %mul3A_124 = arith.muli %add3A_122, %mul3A_123 : i32
        %get3A_125 = arith.index_cast %mul3A_124 : i32 to index
        %get3A_126 = tpu.vector_load %arg9[%get3A_125] {strides = array<i32>} : memref<6400xi32, #tpu.memory_space<vmem>>, vector<16xi32>,
        %get3A_127 = arith.index_cast %mul3A_124 : i32 to index
        %get3A_128 = tpu.vector_load %arg8[%get3A_127] {strides = array<i32>} : memref<6400xi32, #tpu.memory_space<vmem>>, vector<16xi32>,
        %ge3A = vector.broadcast %mul3A_2 : i32 to vector<16xi32>
        %ge3A_129 = arith.cmpi sge, %get3A_126, %ge3A : vector<16xi32>
        %lt3A = vector.broadcast %add3A_4 : i32 to vector<16xi32>
        %lt3A_130 = arith.cmpi slt, %get3A_126, %lt3A : vector<16xi32>
        %and3A = arith.andi %ge3A_129, %lt3A_130 : vector<16xi1>
        %convert_element_type3A_131 = arith.extui %and3A : vector<16xi1> to vector<16xi32>
        %broadcast_in_dim3A_132 = arith.constant true
        %broadcast_in_dim3A_133 = vector.broadcast %broadcast_in_dim3A_132 : i1 to vector<16xi1>
        %masked_cumsum3A = tpu.scan <sum>, %convert_element_type3A_131 masked %broadcast_in_dim3A_133 : vector<16xi32>, vector<16xi1> -> vector<16xi32>
        %add3A_134 = arith.addi %scan3A_118, %masked_cumsum3A : vector<16xi32>
        %sub3A_135 = arith.constant 1 : i32
        %sub3A_136 = vector.broadcast %sub3A_135 : i32 to vector<16xi32>
        %sub3A_137 = arith.subi %add3A_134, %sub3A_136 : vector<16xi32>
        tpu.vector_store_idx %arg11[%sub3A_137], %get3A_126 masked %and3A : memref<6464xi32, #tpu.memory_space<vmem>>[vector<16xi32>], vector<16xi32>, vector<16xi1>
        tpu.vector_store_idx %arg10[%sub3A_137], %get3A_128 masked %and3A : memref<6464xi32, #tpu.memory_space<vmem>>[vector<16xi32>], vector<16xi32>, vector<16xi1>
        %all_reduce_population_count3A = tpu.all_reduce %and3A {dim = 0 : i64, kind = #tpu.reduction_kind<sum>} : vector<16xi1> -> vector<16xi32>
        %add3A_138 = arith.addi %scan3A_118, %all_reduce_population_count3A : vector<16xi32>
        %mul3A_139 = arith.constant 4 : i32
        %mul3A_140 = arith.muli %scan3A_117, %mul3A_139 : i32
        %add3A_141 = arith.constant 1 : i32
        %add3A_142 = arith.addi %mul3A_140, %add3A_141 : i32
        %mul3A_143 = arith.constant 16 : i32
        %mul3A_144 = arith.muli %add3A_142, %mul3A_143 : i32
        %get3A_145 = arith.index_cast %mul3A_144 : i32 to index
        %get3A_146 = tpu.vector_load %arg9[%get3A_145] {strides = array<i32>} : memref<6400xi32, #tpu.memory_space<vmem>>, vector<16xi32>,
        %get3A_147 = arith.index_cast %mul3A_144 : i32 to index
        %get3A_148 = tpu.vector_load %arg8[%get3A_147] {strides = array<i32>} : memref<6400xi32, #tpu.memory_space<vmem>>, vector<16xi32>,
        %ge3A_149 = vector.broadcast %mul3A_2 : i32 to vector<16xi32>
        %ge3A_150 = arith.cmpi sge, %get3A_146, %ge3A_149 : vector<16xi32>
        %lt3A_151 = vector.broadcast %add3A_4 : i32 to vector<16xi32>
        %lt3A_152 = arith.cmpi slt, %get3A_146, %lt3A_151 : vector<16xi32>
        %and3A_153 = arith.andi %ge3A_150, %lt3A_152 : vector<16xi1>
        %convert_element_type3A_154 = arith.extui %and3A_153 : vector<16xi1> to vector<16xi32>
        %broadcast_in_dim3A_155 = arith.constant true
        %broadcast_in_dim3A_156 = vector.broadcast %broadcast_in_dim3A_155 : i1 to vector<16xi1>
        %masked_cumsum3A_157 = tpu.scan <sum>, %convert_element_type3A_154 masked %broadcast_in_dim3A_156 : vector<16xi32>, vector<16xi1> -> vector<16xi32>
        %add3A_158 = arith.addi %add3A_138, %masked_cumsum3A_157 : vector<16xi32>
        %sub3A_159 = arith.constant 1 : i32
        %sub3A_160 = vector.broadcast %sub3A_159 : i32 to vector<16xi32>
        %sub3A_161 = arith.subi %add3A_158, %sub3A_160 : vector<16xi32>
        tpu.vector_store_idx %arg11[%sub3A_161], %get3A_146 masked %and3A_153 : memref<6464xi32, #tpu.memory_space<vmem>>[vector<16xi32>], vector<16xi32>, vector<16xi1>
        tpu.vector_store_idx %arg10[%sub3A_161], %get3A_148 masked %and3A_153 : memref<6464xi32, #tpu.memory_space<vmem>>[vector<16xi32>], vector<16xi32>, vector<16xi1>
        %all_reduce_population_count3A_162 = tpu.all_reduce %and3A_153 {dim = 0 : i64, kind = #tpu.reduction_kind<sum>} : vector<16xi1> -> vector<16xi32>
        %add3A_163 = arith.addi %add3A_138, %all_reduce_population_count3A_162 : vector<16xi32>
        %mul3A_164 = arith.constant 4 : i32
        %mul3A_165 = arith.muli %scan3A_117, %mul3A_164 : i32
        %add3A_166 = arith.constant 2 : i32
        %add3A_167 = arith.addi %mul3A_165, %add3A_166 : i32
        %mul3A_168 = arith.constant 16 : i32
        %mul3A_169 = arith.muli %add3A_167, %mul3A_168 : i32
        %get3A_170 = arith.index_cast %mul3A_169 : i32 to index
        %get3A_171 = tpu.vector_load %arg9[%get3A_170] {strides = array<i32>} : memref<6400xi32, #tpu.memory_space<vmem>>, vector<16xi32>,
        %get3A_172 = arith.index_cast %mul3A_169 : i32 to index
        %get3A_173 = tpu.vector_load %arg8[%get3A_172] {strides = array<i32>} : memref<6400xi32, #tpu.memory_space<vmem>>, vector<16xi32>,
        %ge3A_174 = vector.broadcast %mul3A_2 : i32 to vector<16xi32>
        %ge3A_175 = arith.cmpi sge, %get3A_171, %ge3A_174 : vector<16xi32>
        %lt3A_176 = vector.broadcast %add3A_4 : i32 to vector<16xi32>
        %lt3A_177 = arith.cmpi slt, %get3A_171, %lt3A_176 : vector<16xi32>
        %and3A_178 = arith.andi %ge3A_175, %lt3A_177 : vector<16xi1>
        %convert_element_type3A_179 = arith.extui %and3A_178 : vector<16xi1> to vector<16xi32>
        %broadcast_in_dim3A_180 = arith.constant true
        %broadcast_in_dim3A_181 = vector.broadcast %broadcast_in_dim3A_180 : i1 to vector<16xi1>
        %masked_cumsum3A_182 = tpu.scan <sum>, %convert_element_type3A_179 masked %broadcast_in_dim3A_181 : vector<16xi32>, vector<16xi1> -> vector<16xi32>
        %add3A_183 = arith.addi %add3A_163, %masked_cumsum3A_182 : vector<16xi32>
        %sub3A_184 = arith.constant 1 : i32
        %sub3A_185 = vector.broadcast %sub3A_184 : i32 to vector<16xi32>
        %sub3A_186 = arith.subi %add3A_183, %sub3A_185 : vector<16xi32>
        tpu.vector_store_idx %arg11[%sub3A_186], %get3A_171 masked %and3A_178 : memref<6464xi32, #tpu.memory_space<vmem>>[vector<16xi32>], vector<16xi32>, vector<16xi1>
        tpu.vector_store_idx %arg10[%sub3A_186], %get3A_173 masked %and3A_178 : memref<6464xi32, #tpu.memory_space<vmem>>[vector<16xi32>], vector<16xi32>, vector<16xi1>
        %all_reduce_population_count3A_187 = tpu.all_reduce %and3A_178 {dim = 0 : i64, kind = #tpu.reduction_kind<sum>} : vector<16xi1> -> vector<16xi32>
        %add3A_188 = arith.addi %add3A_163, %all_reduce_population_count3A_187 : vector<16xi32>
        %mul3A_189 = arith.constant 4 : i32
        %mul3A_190 = arith.muli %scan3A_117, %mul3A_189 : i32
        %add3A_191 = arith.constant 3 : i32
        %add3A_192 = arith.addi %mul3A_190, %add3A_191 : i32
        %mul3A_193 = arith.constant 16 : i32
        %mul3A_194 = arith.muli %add3A_192, %mul3A_193 : i32
        %get3A_195 = arith.index_cast %mul3A_194 : i32 to index
        %get3A_196 = tpu.vector_load %arg9[%get3A_195] {strides = array<i32>} : memref<6400xi32, #tpu.memory_space<vmem>>, vector<16xi32>,
        %get3A_197 = arith.index_cast %mul3A_194 : i32 to index
        %get3A_198 = tpu.vector_load %arg8[%get3A_197] {strides = array<i32>} : memref<6400xi32, #tpu.memory_space<vmem>>, vector<16xi32>,
        %ge3A_199 = vector.broadcast %mul3A_2 : i32 to vector<16xi32>
        %ge3A_200 = arith.cmpi sge, %get3A_196, %ge3A_199 : vector<16xi32>
        %lt3A_201 = vector.broadcast %add3A_4 : i32 to vector<16xi32>
        %lt3A_202 = arith.cmpi slt, %get3A_196, %lt3A_201 : vector<16xi32>
        %and3A_203 = arith.andi %ge3A_200, %lt3A_202 : vector<16xi1>
        %convert_element_type3A_204 = arith.extui %and3A_203 : vector<16xi1> to vector<16xi32>
        %broadcast_in_dim3A_205 = arith.constant true
        %broadcast_in_dim3A_206 = vector.broadcast %broadcast_in_dim3A_205 : i1 to vector<16xi1>
        %masked_cumsum3A_207 = tpu.scan <sum>, %convert_element_type3A_204 masked %broadcast_in_dim3A_206 : vector<16xi32>, vector<16xi1> -> vector<16xi32>
        %add3A_208 = arith.addi %add3A_188, %masked_cumsum3A_207 : vector<16xi32>
        %sub3A_209 = arith.constant 1 : i32
        %sub3A_210 = vector.broadcast %sub3A_209 : i32 to vector<16xi32>
        %sub3A_211 = arith.subi %add3A_208, %sub3A_210 : vector<16xi32>
        tpu.vector_store_idx %arg11[%sub3A_211], %get3A_196 masked %and3A_203 : memref<6464xi32, #tpu.memory_space<vmem>>[vector<16xi32>], vector<16xi32>, vector<16xi1>
        tpu.vector_store_idx %arg10[%sub3A_211], %get3A_198 masked %and3A_203 : memref<6464xi32, #tpu.memory_space<vmem>>[vector<16xi32>], vector<16xi32>, vector<16xi1>
        %all_reduce_population_count3A_212 = tpu.all_reduce %and3A_203 {dim = 0 : i64, kind = #tpu.reduction_kind<sum>} : vector<16xi1> -> vector<16xi32>
        %add3A_213 = arith.addi %add3A_188, %all_reduce_population_count3A_212 : vector<16xi32>
        scf.yield %add3A_213 : vector<16xi32>
      }
      %scan3A_45 = arith.constant 100 : i32
      %reduce_max3A = arith.constant true
      %reduce_max3A_46 = vector.broadcast %reduce_max3A : i1 to vector<16xi1>
      %reduce_max3A_47 = arith.constant -2147483648 : i32
      %reduce_max3A_48 = vector.broadcast %reduce_max3A_47 : i32 to vector<16xi32>
      %reduce_max3A_49 = arith.xori %scan3A_44, %reduce_max3A_48 : vector<16xi32>
      %reduce_max3A_50 = tpu.scan <max>, %reduce_max3A_49 masked %reduce_max3A_46 : vector<16xi32>, vector<16xi1> -> vector<16xi32>
      %reduce_max3A_51 = arith.xori %reduce_max3A_50, %reduce_max3A_48 : vector<16xi32>
      %reduce_max3A_52 = vector.extract %reduce_max3A_51[15] : i32 from vector<16xi32>
      %shift_right_arithmetic3A = arith.constant 6 : i32
      %shift_right_arithmetic3A_53 = arith.shrsi %reduce_max3A_52, %shift_right_arithmetic3A : i32
      %gt3A_54 = arith.constant 0 : i32
      %gt3A_55 = arith.cmpi sgt, %shift_right_arithmetic3A_53, %gt3A_54 : i32
      %convert_element_type3A_56 = arith.extui %gt3A_55 : i1 to i32
      %cond3A_57 = arith.constant 0 : i32
      %cond3A_58 = arith.cmpi ne, %convert_element_type3A_56, %cond3A_57 : i32
      scf.if %cond3A_58 {
        %eq3A = arith.constant 0 : i32
        %eq3A_117 = arith.constant 0 : i32
        %eq3A_118 = arith.cmpi eq, %eq3A, %eq3A_117 : i32
        %convert_element_type3A_119 = arith.extui %eq3A_118 : i1 to i32
        %cond3A_120 = arith.constant 0 : i32
        %cond3A_121 = arith.constant 0 : i32
        %cond3A_122 = arith.cmpi ne, %convert_element_type3A_119, %cond3A_121 : i32
        scf.if %cond3A_122 {
          %dma_start3A = arith.constant 0 : i32
          %dma_start3A_130 = arith.constant 0 : i32
          %dma_start3A_131 = tpu.memref_slice %arg12[%cond3A_120, %dma_start3A, %dma_start3A_130] : memref<2x64x128xf32, #tpu.memory_space<vmem>> -> memref<1x64x128xf32, #tpu.memory_space<vmem>>
          %dma_start3A_132 = tpu.memref_squeeze %dma_start3A_131 : memref<1x64x128xf32, #tpu.memory_space<vmem>> -> memref<64x128xf32, #tpu.memory_space<vmem>>
          %dma_start3A_133 = arith.constant 0 : i32
          %dma_start3A_134 = tpu.memref_slice %arg10[%dma_start3A_133] : memref<6464xi32, #tpu.memory_space<vmem>> -> memref<64xi32, #tpu.memory_space<vmem>>
          %dma_start3A_135 = arith.constant 0 : i32
          %dma_start3A_136 = arith.constant 0 : i32
          %dma_start3A_137 = tpu.memref_slice %arg2[%dma_start3A_135, %dma_start3A_136] : memref<10240x128xf32, #tpu.memory_space<hbm>> -> memref<10240x128xf32, #tpu.memory_space<hbm>>
          tpu.enqueue_indirect_dma source(%dma_start3A_137 : memref<10240x128xf32, #tpu.memory_space<hbm>>) target(%dma_start3A_132 : memref<64x128xf32, #tpu.memory_space<vmem>>) offsets(%dma_start3A_134 : memref<64xi32, #tpu.memory_space<vmem>>) semaphore(%arg15 : memref<!tpu.dma_semaphore, #tpu.memory_space<semaphore_mem>>)
        } else {
        }
        %eq3A_123 = arith.constant 0 : i32
        %eq3A_124 = arith.constant 1 : i32
        %eq3A_125 = arith.cmpi eq, %eq3A_123, %eq3A_124 : i32
        %convert_element_type3A_126 = arith.extui %eq3A_125 : i1 to i32
        %cond3A_127 = arith.constant 0 : i32
        %cond3A_128 = arith.constant 0 : i32
        %cond3A_129 = arith.cmpi ne, %convert_element_type3A_126, %cond3A_128 : i32
        scf.if %cond3A_129 {
          %dma_start3A = arith.constant 0 : i32
          %dma_start3A_130 = arith.constant 0 : i32
          %dma_start3A_131 = tpu.memref_slice %arg12[%cond3A_127, %dma_start3A, %dma_start3A_130] : memref<2x64x128xf32, #tpu.memory_space<vmem>> -> memref<1x64x128xf32, #tpu.memory_space<vmem>>
          %dma_start3A_132 = tpu.memref_squeeze %dma_start3A_131 : memref<1x64x128xf32, #tpu.memory_space<vmem>> -> memref<64x128xf32, #tpu.memory_space<vmem>>
          %dma_start3A_133 = arith.constant 0 : i32
          %dma_start3A_134 = tpu.memref_slice %arg10[%dma_start3A_133] : memref<6464xi32, #tpu.memory_space<vmem>> -> memref<64xi32, #tpu.memory_space<vmem>>
          %dma_start3A_135 = arith.constant 0 : i32
          %dma_start3A_136 = arith.constant 0 : i32
          %dma_start3A_137 = tpu.memref_slice %arg2[%dma_start3A_135, %dma_start3A_136] : memref<10240x128xf32, #tpu.memory_space<hbm>> -> memref<10240x128xf32, #tpu.memory_space<hbm>>
          tpu.enqueue_indirect_dma source(%dma_start3A_137 : memref<10240x128xf32, #tpu.memory_space<hbm>>) target(%dma_start3A_132 : memref<64x128xf32, #tpu.memory_space<vmem>>) offsets(%dma_start3A_134 : memref<64xi32, #tpu.memory_space<vmem>>) semaphore(%arg16 : memref<!tpu.dma_semaphore, #tpu.memory_space<semaphore_mem>>)
        } else {
        }
      } else {
      }
      %while3A = arith.constant 0 : i32
      %while3A_59 = arith.constant 0 : i32
      %while3A_60 = arith.subi %shift_right_arithmetic3A_53, %while3A : i32
      %while3A_61 = arith.addi %while3A, %while3A_60 : i32
      %while3A_62 = arith.constant 1 : i32
      %while3A_63 = arith.divsi %while3A_60, %while3A_62 : i32
      %while3A_64 = arith.muli %while3A_63, %while3A_62 : i32
      %while3A_65 = arith.addi %while3A, %while3A_64 : i32
      %while3A_66 = arith.constant 1 : i32
      %while3A_67 = scf.for %while3A_117 = %while3A to %while3A_65 step %while3A_66 iter_args(%while3A_118 = %while3A_59) -> (i32)  : i32 {
        %and3A = arith.constant 1 : i32
        %and3A_119 = arith.andi %while3A_117, %and3A : i32
        %add3A_120 = arith.constant 1 : i32
        %add3A_121 = arith.addi %while3A_117, %add3A_120 : i32
        %lt3A = arith.cmpi slt, %add3A_121, %shift_right_arithmetic3A_53 : i32
        %convert_element_type3A_122 = arith.extui %lt3A : i1 to i32
        %cond3A_123 = arith.constant 0 : i32
        %cond3A_124 = arith.cmpi ne, %convert_element_type3A_122, %cond3A_123 : i32
        scf.if %cond3A_124 {
          %add3A_144 = arith.constant 1 : i32
          %add3A_145 = arith.addi %while3A_117, %add3A_144 : i32
          %mul3A_146 = arith.constant 64 : i32
          %mul3A_147 = arith.muli %add3A_145, %mul3A_146 : i32
          %sub3A_148 = arith.constant 1 : i32
          %sub3A_149 = arith.subi %sub3A_148, %and3A_119 : i32
          %eq3A_150 = arith.constant 0 : i32
          %eq3A_151 = arith.cmpi eq, %sub3A_149, %eq3A_150 : i32
          %convert_element_type3A_152 = arith.extui %eq3A_151 : i1 to i32
          %cond3A_153 = arith.constant 0 : i32
          %cond3A_154 = arith.cmpi ne, %convert_element_type3A_152, %cond3A_153 : i32
          scf.if %cond3A_154 {
            %dma_start3A = arith.constant 0 : i32
            %dma_start3A_160 = arith.constant 0 : i32
            %dma_start3A_161 = tpu.memref_slice %arg12[%sub3A_149, %dma_start3A, %dma_start3A_160] : memref<2x64x128xf32, #tpu.memory_space<vmem>> -> memref<1x64x128xf32, #tpu.memory_space<vmem>>
            %dma_start3A_162 = tpu.memref_squeeze %dma_start3A_161 : memref<1x64x128xf32, #tpu.memory_space<vmem>> -> memref<64x128xf32, #tpu.memory_space<vmem>>
            %dma_start3A_163 = tpu.memref_slice %arg10[%mul3A_147] : memref<6464xi32, #tpu.memory_space<vmem>> -> memref<64xi32, #tpu.memory_space<vmem>>
            %dma_start3A_164 = arith.constant 0 : i32
            %dma_start3A_165 = arith.constant 0 : i32
            %dma_start3A_166 = tpu.memref_slice %arg2[%dma_start3A_164, %dma_start3A_165] : memref<10240x128xf32, #tpu.memory_space<hbm>> -> memref<10240x128xf32, #tpu.memory_space<hbm>>
            tpu.enqueue_indirect_dma source(%dma_start3A_166 : memref<10240x128xf32, #tpu.memory_space<hbm>>) target(%dma_start3A_162 : memref<64x128xf32, #tpu.memory_space<vmem>>) offsets(%dma_start3A_163 : memref<64xi32, #tpu.memory_space<vmem>>) semaphore(%arg15 : memref<!tpu.dma_semaphore, #tpu.memory_space<semaphore_mem>>)
          } else {
          }
          %eq3A_155 = arith.constant 1 : i32
          %eq3A_156 = arith.cmpi eq, %sub3A_149, %eq3A_155 : i32
          %convert_element_type3A_157 = arith.extui %eq3A_156 : i1 to i32
          %cond3A_158 = arith.constant 0 : i32
          %cond3A_159 = arith.cmpi ne, %convert_element_type3A_157, %cond3A_158 : i32
          scf.if %cond3A_159 {
            %dma_start3A = arith.constant 0 : i32
            %dma_start3A_160 = arith.constant 0 : i32
            %dma_start3A_161 = tpu.memref_slice %arg12[%sub3A_149, %dma_start3A, %dma_start3A_160] : memref<2x64x128xf32, #tpu.memory_space<vmem>> -> memref<1x64x128xf32, #tpu.memory_space<vmem>>
            %dma_start3A_162 = tpu.memref_squeeze %dma_start3A_161 : memref<1x64x128xf32, #tpu.memory_space<vmem>> -> memref<64x128xf32, #tpu.memory_space<vmem>>
            %dma_start3A_163 = tpu.memref_slice %arg10[%mul3A_147] : memref<6464xi32, #tpu.memory_space<vmem>> -> memref<64xi32, #tpu.memory_space<vmem>>
            %dma_start3A_164 = arith.constant 0 : i32
            %dma_start3A_165 = arith.constant 0 : i32
            %dma_start3A_166 = tpu.memref_slice %arg2[%dma_start3A_164, %dma_start3A_165] : memref<10240x128xf32, #tpu.memory_space<hbm>> -> memref<10240x128xf32, #tpu.memory_space<hbm>>
            tpu.enqueue_indirect_dma source(%dma_start3A_166 : memref<10240x128xf32, #tpu.memory_space<hbm>>) target(%dma_start3A_162 : memref<64x128xf32, #tpu.memory_space<vmem>>) offsets(%dma_start3A_163 : memref<64xi32, #tpu.memory_space<vmem>>) semaphore(%arg16 : memref<!tpu.dma_semaphore, #tpu.memory_space<semaphore_mem>>)
          } else {
          }
        } else {
        }
        %eq3A = arith.constant 0 : i32
        %eq3A_125 = arith.cmpi eq, %and3A_119, %eq3A : i32
        %convert_element_type3A_126 = arith.extui %eq3A_125 : i1 to i32
        %cond3A_127 = arith.constant 0 : i32
        %cond3A_128 = arith.cmpi ne, %convert_element_type3A_126, %cond3A_127 : i32
        scf.if %cond3A_128 {
          %dma_wait3A = arith.constant 0 : i32
          %dma_wait3A_144 = arith.constant 0 : i32
          %dma_wait3A_145 = tpu.memref_slice %arg12[%and3A_119, %dma_wait3A, %dma_wait3A_144] : memref<2x64x128xf32, #tpu.memory_space<vmem>> -> memref<1x64x128xf32, #tpu.memory_space<vmem>>
          %dma_wait3A_146 = tpu.memref_squeeze %dma_wait3A_145 : memref<1x64x128xf32, #tpu.memory_space<vmem>> -> memref<64x128xf32, #tpu.memory_space<vmem>>
          %dma_wait3A_147 = arith.constant 0 : i32
          %dma_wait3A_148 = arith.constant 0 : i32
          %dma_wait3A_149 = tpu.memref_slice %arg2[%dma_wait3A_147, %dma_wait3A_148] : memref<10240x128xf32, #tpu.memory_space<hbm>> -> memref<64x128xf32, #tpu.memory_space<hbm>>
          %dma_wait3A_150 = arith.constant 0 : i32
          %dma_wait3A_151 = arith.constant 0 : i32
          %dma_wait3A_152 = tpu.memref_slice %arg12[%and3A_119, %dma_wait3A_150, %dma_wait3A_151] : memref<2x64x128xf32, #tpu.memory_space<vmem>> -> memref<1x64x128xf32, #tpu.memory_space<vmem>>
          %dma_wait3A_153 = tpu.memref_squeeze %dma_wait3A_152 : memref<1x64x128xf32, #tpu.memory_space<vmem>> -> memref<64x128xf32, #tpu.memory_space<vmem>>
          %dma_wait3A_154 = arith.constant 0 : i32
          %dma_wait3A_155 = arith.constant 0 : i32
          %dma_wait3A_156 = tpu.memref_slice %arg2[%dma_wait3A_154, %dma_wait3A_155] : memref<10240x128xf32, #tpu.memory_space<hbm>> -> memref<64x128xf32, #tpu.memory_space<hbm>>
          tpu.wait_dma2 semaphore(%arg15 : memref<!tpu.dma_semaphore, #tpu.memory_space<semaphore_mem>>) src(%dma_wait3A_156 : memref<64x128xf32, #tpu.memory_space<hbm>>) dst(%dma_wait3A_153 : memref<64x128xf32, #tpu.memory_space<vmem>>)
        } else {
        }
        %eq3A_129 = arith.constant 1 : i32
        %eq3A_130 = arith.cmpi eq, %and3A_119, %eq3A_129 : i32
        %convert_element_type3A_131 = arith.extui %eq3A_130 : i1 to i32
        %cond3A_132 = arith.constant 0 : i32
        %cond3A_133 = arith.cmpi ne, %convert_element_type3A_131, %cond3A_132 : i32
        scf.if %cond3A_133 {
          %dma_wait3A = arith.constant 0 : i32
          %dma_wait3A_144 = arith.constant 0 : i32
          %dma_wait3A_145 = tpu.memref_slice %arg12[%and3A_119, %dma_wait3A, %dma_wait3A_144] : memref<2x64x128xf32, #tpu.memory_space<vmem>> -> memref<1x64x128xf32, #tpu.memory_space<vmem>>
          %dma_wait3A_146 = tpu.memref_squeeze %dma_wait3A_145 : memref<1x64x128xf32, #tpu.memory_space<vmem>> -> memref<64x128xf32, #tpu.memory_space<vmem>>
          %dma_wait3A_147 = arith.constant 0 : i32
          %dma_wait3A_148 = arith.constant 0 : i32
          %dma_wait3A_149 = tpu.memref_slice %arg2[%dma_wait3A_147, %dma_wait3A_148] : memref<10240x128xf32, #tpu.memory_space<hbm>> -> memref<64x128xf32, #tpu.memory_space<hbm>>
          %dma_wait3A_150 = arith.constant 0 : i32
          %dma_wait3A_151 = arith.constant 0 : i32
          %dma_wait3A_152 = tpu.memref_slice %arg12[%and3A_119, %dma_wait3A_150, %dma_wait3A_151] : memref<2x64x128xf32, #tpu.memory_space<vmem>> -> memref<1x64x128xf32, #tpu.memory_space<vmem>>
          %dma_wait3A_153 = tpu.memref_squeeze %dma_wait3A_152 : memref<1x64x128xf32, #tpu.memory_space<vmem>> -> memref<64x128xf32, #tpu.memory_space<vmem>>
          %dma_wait3A_154 = arith.constant 0 : i32
          %dma_wait3A_155 = arith.constant 0 : i32
          %dma_wait3A_156 = tpu.memref_slice %arg2[%dma_wait3A_154, %dma_wait3A_155] : memref<10240x128xf32, #tpu.memory_space<hbm>> -> memref<64x128xf32, #tpu.memory_space<hbm>>
          tpu.wait_dma2 semaphore(%arg16 : memref<!tpu.dma_semaphore, #tpu.memory_space<semaphore_mem>>) src(%dma_wait3A_156 : memref<64x128xf32, #tpu.memory_space<hbm>>) dst(%dma_wait3A_153 : memref<64x128xf32, #tpu.memory_space<vmem>>)
        } else {
        }
        %mul3A_134 = arith.constant 64 : i32
        %mul3A_135 = arith.muli %while3A_117, %mul3A_134 : i32
        %scan3A_136 = arith.constant 0 : i32
        %scan3A_137 = arith.constant 0 : i32
        %scan3A_138 = arith.constant 4 : i32
        %scan3A_139 = arith.addi %scan3A_137, %scan3A_138 : i32
        %scan3A_140 = arith.constant 1 : i32
        %scan3A_141 = scf.for %scan3A_144 = %scan3A_137 to %scan3A_139 step %scan3A_140 iter_args(%scan3A_145 = %scan3A_136) -> (i32)  : i32 {
          %mul3A_146 = arith.constant 16 : i32
          %mul3A_147 = arith.muli %scan3A_144, %mul3A_146 : i32
          %add3A_148 = arith.addi %mul3A_135, %mul3A_147 : i32
          %get3A_149 = arith.index_cast %add3A_148 : i32 to index
          %get3A_150 = tpu.vector_load %arg11[%get3A_149] {strides = array<i32>} : memref<6464xi32, #tpu.memory_space<vmem>>, vector<16xi32>,
          %sub3A_151 = vector.broadcast %mul3A_2 : i32 to vector<16xi32>
          %sub3A_152 = arith.subi %get3A_150, %sub3A_151 : vector<16xi32>
          %add3A_153 = vector.broadcast %add3A_148 : i32 to vector<16xi32>
          %add3A_154 = arith.addi %add3A_153, %iota3A : vector<16xi32>
          %lt3A_155 = vector.broadcast %reduce_max3A_52 : i32 to vector<16xi32>
          %lt3A_156 = arith.cmpi slt, %add3A_154, %lt3A_155 : vector<16xi32>
          %mul3A_157 = arith.constant 16 : i32
          %mul3A_158 = arith.muli %scan3A_144, %mul3A_157 : i32
          %add3A_159 = vector.broadcast %mul3A_158 : i32 to vector<16xi32>
          %add3A_160 = arith.addi %add3A_159, %iota3A : vector<16xi32>
          %broadcast_in_dim3A_161 = arith.constant 0.000000e+00 : f32
          %broadcast_in_dim3A_162 = vector.broadcast %broadcast_in_dim3A_161 : f32 to vector<16xf32>
          %scan3A_163 = arith.constant 0 : i32
          %scan3A_164 = arith.constant 16 : i32
          %scan3A_165 = arith.addi %scan3A_163, %scan3A_164 : i32
          %scan3A_166 = arith.constant 1 : i32
          %scan3A_167 = scf.for %scan3A_178 = %scan3A_163 to %scan3A_165 step %scan3A_166 iter_args(%scan3A_179 = %broadcast_in_dim3A_162) -> (vector<16xf32>)  : i32 {
            %mul3A_180 = arith.constant 8 : i32
            %mul3A_181 = arith.muli %scan3A_178, %mul3A_180 : i32
            %add3A_182 = arith.constant 0 : i32
            %add3A_183 = arith.addi %mul3A_181, %add3A_182 : i32
            %broadcast_in_dim3A_184 = vector.broadcast %add3A_183 : i32 to vector<16xi32>
            %add3A_185 = arith.addi %broadcast_in_dim3A_184, %iota3A : vector<16xi32>
            %and3A_186 = arith.constant 127 : i32
            %and3A_187 = vector.broadcast %and3A_186 : i32 to vector<16xi32>
            %and3A_188 = arith.andi %add3A_185, %and3A_187 : vector<16xi32>
            %gather3A = arith.constant 0 : i32
            %gather3A_189 = arith.constant 0 : i32
            %gather3A_190 = tpu.memref_slice %arg12[%and3A_119, %gather3A, %gather3A_189] : memref<2x64x128xf32, #tpu.memory_space<vmem>> -> memref<1x64x128xf32, #tpu.memory_space<vmem>>
            %gather3A_191 = tpu.memref_squeeze %gather3A_190 : memref<1x64x128xf32, #tpu.memory_space<vmem>> -> memref<64x128xf32, #tpu.memory_space<vmem>>
            %gather3A_192 = tpu.vector_load_idx %gather3A_191[%add3A_160, %and3A_188] : memref<64x128xf32, #tpu.memory_space<vmem>>[vector<16xi32>, vector<16xi32>], vector<16xf32>,
            %gather3A_193 = tpu.vector_load_idx %arg13[%sub3A_152, %and3A_188] : memref<320x128xf32, #tpu.memory_space<vmem>>[vector<16xi32>, vector<16xi32>], vector<16xf32>,
            %mul3A_194 = arith.mulf %gather3A_192, %gather3A_193 : vector<16xf32>
            %add3A_195 = arith.addf %scan3A_179, %mul3A_194 : vector<16xf32>
            %mul3A_196 = arith.constant 8 : i32
            %mul3A_197 = arith.muli %scan3A_178, %mul3A_196 : i32
            %add3A_198 = arith.constant 1 : i32
            %add3A_199 = arith.addi %mul3A_197, %add3A_198 : i32
            %broadcast_in_dim3A_200 = vector.broadcast %add3A_199 : i32 to vector<16xi32>
            %add3A_201 = arith.addi %broadcast_in_dim3A_200, %iota3A : vector<16xi32>
            %and3A_202 = arith.constant 127 : i32
            %and3A_203 = vector.broadcast %and3A_202 : i32 to vector<16xi32>
            %and3A_204 = arith.andi %add3A_201, %and3A_203 : vector<16xi32>
            %gather3A_205 = arith.constant 0 : i32
            %gather3A_206 = arith.constant 0 : i32
            %gather3A_207 = tpu.memref_slice %arg12[%and3A_119, %gather3A_205, %gather3A_206] : memref<2x64x128xf32, #tpu.memory_space<vmem>> -> memref<1x64x128xf32, #tpu.memory_space<vmem>>
            %gather3A_208 = tpu.memref_squeeze %gather3A_207 : memref<1x64x128xf32, #tpu.memory_space<vmem>> -> memref<64x128xf32, #tpu.memory_space<vmem>>
            %gather3A_209 = tpu.vector_load_idx %gather3A_208[%add3A_160, %and3A_204] : memref<64x128xf32, #tpu.memory_space<vmem>>[vector<16xi32>, vector<16xi32>], vector<16xf32>,
            %gather3A_210 = tpu.vector_load_idx %arg13[%sub3A_152, %and3A_204] : memref<320x128xf32, #tpu.memory_space<vmem>>[vector<16xi32>, vector<16xi32>], vector<16xf32>,
            %mul3A_211 = arith.mulf %gather3A_209, %gather3A_210 : vector<16xf32>
            %add3A_212 = arith.addf %add3A_195, %mul3A_211 : vector<16xf32>
            %mul3A_213 = arith.constant 8 : i32
            %mul3A_214 = arith.muli %scan3A_178, %mul3A_213 : i32
            %add3A_215 = arith.constant 2 : i32
            %add3A_216 = arith.addi %mul3A_214, %add3A_215 : i32
            %broadcast_in_dim3A_217 = vector.broadcast %add3A_216 : i32 to vector<16xi32>
            %add3A_218 = arith.addi %broadcast_in_dim3A_217, %iota3A : vector<16xi32>
            %and3A_219 = arith.constant 127 : i32
            %and3A_220 = vector.broadcast %and3A_219 : i32 to vector<16xi32>
            %and3A_221 = arith.andi %add3A_218, %and3A_220 : vector<16xi32>
            %gather3A_222 = arith.constant 0 : i32
            %gather3A_223 = arith.constant 0 : i32
            %gather3A_224 = tpu.memref_slice %arg12[%and3A_119, %gather3A_222, %gather3A_223] : memref<2x64x128xf32, #tpu.memory_space<vmem>> -> memref<1x64x128xf32, #tpu.memory_space<vmem>>
            %gather3A_225 = tpu.memref_squeeze %gather3A_224 : memref<1x64x128xf32, #tpu.memory_space<vmem>> -> memref<64x128xf32, #tpu.memory_space<vmem>>
            %gather3A_226 = tpu.vector_load_idx %gather3A_225[%add3A_160, %and3A_221] : memref<64x128xf32, #tpu.memory_space<vmem>>[vector<16xi32>, vector<16xi32>], vector<16xf32>,
            %gather3A_227 = tpu.vector_load_idx %arg13[%sub3A_152, %and3A_221] : memref<320x128xf32, #tpu.memory_space<vmem>>[vector<16xi32>, vector<16xi32>], vector<16xf32>,
            %mul3A_228 = arith.mulf %gather3A_226, %gather3A_227 : vector<16xf32>
            %add3A_229 = arith.addf %add3A_212, %mul3A_228 : vector<16xf32>
            %mul3A_230 = arith.constant 8 : i32
            %mul3A_231 = arith.muli %scan3A_178, %mul3A_230 : i32
            %add3A_232 = arith.constant 3 : i32
            %add3A_233 = arith.addi %mul3A_231, %add3A_232 : i32
            %broadcast_in_dim3A_234 = vector.broadcast %add3A_233 : i32 to vector<16xi32>
            %add3A_235 = arith.addi %broadcast_in_dim3A_234, %iota3A : vector<16xi32>
            %and3A_236 = arith.constant 127 : i32
            %and3A_237 = vector.broadcast %and3A_236 : i32 to vector<16xi32>
            %and3A_238 = arith.andi %add3A_235, %and3A_237 : vector<16xi32>
            %gather3A_239 = arith.constant 0 : i32
            %gather3A_240 = arith.constant 0 : i32
            %gather3A_241 = tpu.memref_slice %arg12[%and3A_119, %gather3A_239, %gather3A_240] : memref<2x64x128xf32, #tpu.memory_space<vmem>> -> memref<1x64x128xf32, #tpu.memory_space<vmem>>
            %gather3A_242 = tpu.memref_squeeze %gather3A_241 : memref<1x64x128xf32, #tpu.memory_space<vmem>> -> memref<64x128xf32, #tpu.memory_space<vmem>>
            %gather3A_243 = tpu.vector_load_idx %gather3A_242[%add3A_160, %and3A_238] : memref<64x128xf32, #tpu.memory_space<vmem>>[vector<16xi32>, vector<16xi32>], vector<16xf32>,
            %gather3A_244 = tpu.vector_load_idx %arg13[%sub3A_152, %and3A_238] : memref<320x128xf32, #tpu.memory_space<vmem>>[vector<16xi32>, vector<16xi32>], vector<16xf32>,
            %mul3A_245 = arith.mulf %gather3A_243, %gather3A_244 : vector<16xf32>
            %add3A_246 = arith.addf %add3A_229, %mul3A_245 : vector<16xf32>
            %mul3A_247 = arith.constant 8 : i32
            %mul3A_248 = arith.muli %scan3A_178, %mul3A_247 : i32
            %add3A_249 = arith.constant 4 : i32
            %add3A_250 = arith.addi %mul3A_248, %add3A_249 : i32
            %broadcast_in_dim3A_251 = vector.broadcast %add3A_250 : i32 to vector<16xi32>
            %add3A_252 = arith.addi %broadcast_in_dim3A_251, %iota3A : vector<16xi32>
            %and3A_253 = arith.constant 127 : i32
            %and3A_254 = vector.broadcast %and3A_253 : i32 to vector<16xi32>
            %and3A_255 = arith.andi %add3A_252, %and3A_254 : vector<16xi32>
            %gather3A_256 = arith.constant 0 : i32
            %gather3A_257 = arith.constant 0 : i32
            %gather3A_258 = tpu.memref_slice %arg12[%and3A_119, %gather3A_256, %gather3A_257] : memref<2x64x128xf32, #tpu.memory_space<vmem>> -> memref<1x64x128xf32, #tpu.memory_space<vmem>>
            %gather3A_259 = tpu.memref_squeeze %gather3A_258 : memref<1x64x128xf32, #tpu.memory_space<vmem>> -> memref<64x128xf32, #tpu.memory_space<vmem>>
            %gather3A_260 = tpu.vector_load_idx %gather3A_259[%add3A_160, %and3A_255] : memref<64x128xf32, #tpu.memory_space<vmem>>[vector<16xi32>, vector<16xi32>], vector<16xf32>,
            %gather3A_261 = tpu.vector_load_idx %arg13[%sub3A_152, %and3A_255] : memref<320x128xf32, #tpu.memory_space<vmem>>[vector<16xi32>, vector<16xi32>], vector<16xf32>,
            %mul3A_262 = arith.mulf %gather3A_260, %gather3A_261 : vector<16xf32>
            %add3A_263 = arith.addf %add3A_246, %mul3A_262 : vector<16xf32>
            %mul3A_264 = arith.constant 8 : i32
            %mul3A_265 = arith.muli %scan3A_178, %mul3A_264 : i32
            %add3A_266 = arith.constant 5 : i32
            %add3A_267 = arith.addi %mul3A_265, %add3A_266 : i32
            %broadcast_in_dim3A_268 = vector.broadcast %add3A_267 : i32 to vector<16xi32>
            %add3A_269 = arith.addi %broadcast_in_dim3A_268, %iota3A : vector<16xi32>
            %and3A_270 = arith.constant 127 : i32
            %and3A_271 = vector.broadcast %and3A_270 : i32 to vector<16xi32>
            %and3A_272 = arith.andi %add3A_269, %and3A_271 : vector<16xi32>
            %gather3A_273 = arith.constant 0 : i32
            %gather3A_274 = arith.constant 0 : i32
            %gather3A_275 = tpu.memref_slice %arg12[%and3A_119, %gather3A_273, %gather3A_274] : memref<2x64x128xf32, #tpu.memory_space<vmem>> -> memref<1x64x128xf32, #tpu.memory_space<vmem>>
            %gather3A_276 = tpu.memref_squeeze %gather3A_275 : memref<1x64x128xf32, #tpu.memory_space<vmem>> -> memref<64x128xf32, #tpu.memory_space<vmem>>
            %gather3A_277 = tpu.vector_load_idx %gather3A_276[%add3A_160, %and3A_272] : memref<64x128xf32, #tpu.memory_space<vmem>>[vector<16xi32>, vector<16xi32>], vector<16xf32>,
            %gather3A_278 = tpu.vector_load_idx %arg13[%sub3A_152, %and3A_272] : memref<320x128xf32, #tpu.memory_space<vmem>>[vector<16xi32>, vector<16xi32>], vector<16xf32>,
            %mul3A_279 = arith.mulf %gather3A_277, %gather3A_278 : vector<16xf32>
            %add3A_280 = arith.addf %add3A_263, %mul3A_279 : vector<16xf32>
            %mul3A_281 = arith.constant 8 : i32
            %mul3A_282 = arith.muli %scan3A_178, %mul3A_281 : i32
            %add3A_283 = arith.constant 6 : i32
            %add3A_284 = arith.addi %mul3A_282, %add3A_283 : i32
            %broadcast_in_dim3A_285 = vector.broadcast %add3A_284 : i32 to vector<16xi32>
            %add3A_286 = arith.addi %broadcast_in_dim3A_285, %iota3A : vector<16xi32>
            %and3A_287 = arith.constant 127 : i32
            %and3A_288 = vector.broadcast %and3A_287 : i32 to vector<16xi32>
            %and3A_289 = arith.andi %add3A_286, %and3A_288 : vector<16xi32>
            %gather3A_290 = arith.constant 0 : i32
            %gather3A_291 = arith.constant 0 : i32
            %gather3A_292 = tpu.memref_slice %arg12[%and3A_119, %gather3A_290, %gather3A_291] : memref<2x64x128xf32, #tpu.memory_space<vmem>> -> memref<1x64x128xf32, #tpu.memory_space<vmem>>
            %gather3A_293 = tpu.memref_squeeze %gather3A_292 : memref<1x64x128xf32, #tpu.memory_space<vmem>> -> memref<64x128xf32, #tpu.memory_space<vmem>>
            %gather3A_294 = tpu.vector_load_idx %gather3A_293[%add3A_160, %and3A_289] : memref<64x128xf32, #tpu.memory_space<vmem>>[vector<16xi32>, vector<16xi32>], vector<16xf32>,
            %gather3A_295 = tpu.vector_load_idx %arg13[%sub3A_152, %and3A_289] : memref<320x128xf32, #tpu.memory_space<vmem>>[vector<16xi32>, vector<16xi32>], vector<16xf32>,
            %mul3A_296 = arith.mulf %gather3A_294, %gather3A_295 : vector<16xf32>
            %add3A_297 = arith.addf %add3A_280, %mul3A_296 : vector<16xf32>
            %mul3A_298 = arith.constant 8 : i32
            %mul3A_299 = arith.muli %scan3A_178, %mul3A_298 : i32
            %add3A_300 = arith.constant 7 : i32
            %add3A_301 = arith.addi %mul3A_299, %add3A_300 : i32
            %broadcast_in_dim3A_302 = vector.broadcast %add3A_301 : i32 to vector<16xi32>
            %add3A_303 = arith.addi %broadcast_in_dim3A_302, %iota3A : vector<16xi32>
            %and3A_304 = arith.constant 127 : i32
            %and3A_305 = vector.broadcast %and3A_304 : i32 to vector<16xi32>
            %and3A_306 = arith.andi %add3A_303, %and3A_305 : vector<16xi32>
            %gather3A_307 = arith.constant 0 : i32
            %gather3A_308 = arith.constant 0 : i32
            %gather3A_309 = tpu.memref_slice %arg12[%and3A_119, %gather3A_307, %gather3A_308] : memref<2x64x128xf32, #tpu.memory_space<vmem>> -> memref<1x64x128xf32, #tpu.memory_space<vmem>>
            %gather3A_310 = tpu.memref_squeeze %gather3A_309 : memref<1x64x128xf32, #tpu.memory_space<vmem>> -> memref<64x128xf32, #tpu.memory_space<vmem>>
            %gather3A_311 = tpu.vector_load_idx %gather3A_310[%add3A_160, %and3A_306] : memref<64x128xf32, #tpu.memory_space<vmem>>[vector<16xi32>, vector<16xi32>], vector<16xf32>,
            %gather3A_312 = tpu.vector_load_idx %arg13[%sub3A_152, %and3A_306] : memref<320x128xf32, #tpu.memory_space<vmem>>[vector<16xi32>, vector<16xi32>], vector<16xf32>,
            %mul3A_313 = arith.mulf %gather3A_311, %gather3A_312 : vector<16xf32>
            %add3A_314 = arith.addf %add3A_297, %mul3A_313 : vector<16xf32>
            scf.yield %add3A_314 : vector<16xf32>
          }
          %scan3A_168 = arith.constant 16 : i32
          %neg3A = arith.constant 0.000000e+00 : f32
          %neg3A_169 = vector.broadcast %neg3A : f32 to vector<16xf32>
          %neg3A_170 = arith.subf %neg3A_169, %scan3A_167 : vector<16xf32>
          %exp3A = math.exp %neg3A_170 : vector<16xf32>
          %add3A_171 = arith.constant 1.000000e+00 : f32
          %add3A_172 = vector.broadcast %add3A_171 : f32 to vector<16xf32>
          %add3A_173 = arith.addf %add3A_172, %exp3A : vector<16xf32>
          %div3A = arith.constant 1.000000e+00 : f32
          %div3A_174 = vector.broadcast %div3A : f32 to vector<16xf32>
          %div3A_175 = arith.divf %div3A_174, %add3A_173 : vector<16xf32>
          %while3A_176 = scf.while (%while3A_178 = %lt3A_156) : (vector<16xi1>) -> vector<16xi1> {
            %all_reduce_population_count3A = tpu.all_reduce %while3A_178 {dim = 0 : i64, kind = #tpu.reduction_kind<sum>} : vector<16xi1> -> vector<16xi32>
            %reduce_max3A_179 = arith.constant true
            %reduce_max3A_180 = vector.broadcast %reduce_max3A_179 : i1 to vector<16xi1>
            %reduce_max3A_181 = arith.constant -2147483648 : i32
            %reduce_max3A_182 = vector.broadcast %reduce_max3A_181 : i32 to vector<16xi32>
            %reduce_max3A_183 = arith.xori %all_reduce_population_count3A, %reduce_max3A_182 : vector<16xi32>
            %reduce_max3A_184 = tpu.scan <max>, %reduce_max3A_183 masked %reduce_max3A_180 : vector<16xi32>, vector<16xi1> -> vector<16xi32>
            %reduce_max3A_185 = arith.xori %reduce_max3A_184, %reduce_max3A_182 : vector<16xi32>
            %reduce_max3A_186 = vector.extract %reduce_max3A_185[15] : i32 from vector<16xi32>
            %gt3A_187 = arith.constant 0 : i32
            %gt3A_188 = arith.cmpi sgt, %reduce_max3A_186, %gt3A_187 : i32
            scf.condition(%gt3A_188) %while3A_178 : vector<16xi1>
          } do {
          ^bb0(%while3A_178: vector<16xi1>):
            tpu.vector_store_idx %arg14[%sub3A_152], %iota3A masked %while3A_178 : memref<320xi32, #tpu.memory_space<vmem>>[vector<16xi32>], vector<16xi32>, vector<16xi1>
            %gather3A = tpu.vector_load_idx %arg14[%sub3A_152] masked %while3A_178 : memref<320xi32, #tpu.memory_space<vmem>>[vector<16xi32>], vector<16xi32>, vector<16xi1>
            %eq3A_179 = arith.cmpi eq, %gather3A, %iota3A : vector<16xi32>
            %and3A_180 = arith.andi %while3A_178, %eq3A_179 : vector<16xi1>
            %scan3A_181 = arith.constant 0 : i32
            %scan3A_182 = arith.constant 0 : i32
            %scan3A_183 = arith.constant 16 : i32
            %scan3A_184 = arith.addi %scan3A_182, %scan3A_183 : i32
            %scan3A_185 = arith.constant 1 : i32
            %scan3A_186 = scf.for %scan3A_190 = %scan3A_182 to %scan3A_184 step %scan3A_185 iter_args(%scan3A_191 = %scan3A_181) -> (i32)  : i32 {
              %mul3A_192 = arith.constant 8 : i32
              %mul3A_193 = arith.muli %scan3A_190, %mul3A_192 : i32
              %add3A_194 = arith.constant 0 : i32
              %add3A_195 = arith.addi %mul3A_193, %add3A_194 : i32
              %broadcast_in_dim3A_196 = vector.broadcast %add3A_195 : i32 to vector<16xi32>
              %add3A_197 = arith.addi %broadcast_in_dim3A_196, %iota3A : vector<16xi32>
              %and3A_198 = arith.constant 127 : i32
              %and3A_199 = vector.broadcast %and3A_198 : i32 to vector<16xi32>
              %and3A_200 = arith.andi %add3A_197, %and3A_199 : vector<16xi32>
              %gather3A_201 = arith.constant 0 : i32
              %gather3A_202 = arith.constant 0 : i32
              %gather3A_203 = tpu.memref_slice %arg12[%and3A_119, %gather3A_201, %gather3A_202] : memref<2x64x128xf32, #tpu.memory_space<vmem>> -> memref<1x64x128xf32, #tpu.memory_space<vmem>>
              %gather3A_204 = tpu.memref_squeeze %gather3A_203 : memref<1x64x128xf32, #tpu.memory_space<vmem>> -> memref<64x128xf32, #tpu.memory_space<vmem>>
              %gather3A_205 = tpu.vector_load_idx %gather3A_204[%add3A_160, %and3A_200] : memref<64x128xf32, #tpu.memory_space<vmem>>[vector<16xi32>, vector<16xi32>], vector<16xf32>,
              %mul3A_206 = arith.mulf %gather3A_205, %div3A_175 : vector<16xf32>
              %gather3A_207 = tpu.vector_load_idx %arg7[%sub3A_152, %and3A_200] masked %and3A_180 : memref<320x128xf32, #tpu.memory_space<vmem>>[vector<16xi32>, vector<16xi32>], vector<16xf32>, vector<16xi1>
              %max3A = arith.maximumf %gather3A_207, %mul3A_206 : vector<16xf32>
              tpu.vector_store_idx %arg7[%sub3A_152, %and3A_200], %max3A masked %and3A_180 : memref<320x128xf32, #tpu.memory_space<vmem>>[vector<16xi32>, vector<16xi32>], vector<16xf32>, vector<16xi1>
              %mul3A_208 = arith.constant 8 : i32
              %mul3A_209 = arith.muli %scan3A_190, %mul3A_208 : i32
              %add3A_210 = arith.constant 1 : i32
              %add3A_211 = arith.addi %mul3A_209, %add3A_210 : i32
              %broadcast_in_dim3A_212 = vector.broadcast %add3A_211 : i32 to vector<16xi32>
              %add3A_213 = arith.addi %broadcast_in_dim3A_212, %iota3A : vector<16xi32>
              %and3A_214 = arith.constant 127 : i32
              %and3A_215 = vector.broadcast %and3A_214 : i32 to vector<16xi32>
              %and3A_216 = arith.andi %add3A_213, %and3A_215 : vector<16xi32>
              %gather3A_217 = arith.constant 0 : i32
              %gather3A_218 = arith.constant 0 : i32
              %gather3A_219 = tpu.memref_slice %arg12[%and3A_119, %gather3A_217, %gather3A_218] : memref<2x64x128xf32, #tpu.memory_space<vmem>> -> memref<1x64x128xf32, #tpu.memory_space<vmem>>
              %gather3A_220 = tpu.memref_squeeze %gather3A_219 : memref<1x64x128xf32, #tpu.memory_space<vmem>> -> memref<64x128xf32, #tpu.memory_space<vmem>>
              %gather3A_221 = tpu.vector_load_idx %gather3A_220[%add3A_160, %and3A_216] : memref<64x128xf32, #tpu.memory_space<vmem>>[vector<16xi32>, vector<16xi32>], vector<16xf32>,
              %mul3A_222 = arith.mulf %gather3A_221, %div3A_175 : vector<16xf32>
              %gather3A_223 = tpu.vector_load_idx %arg7[%sub3A_152, %and3A_216] masked %and3A_180 : memref<320x128xf32, #tpu.memory_space<vmem>>[vector<16xi32>, vector<16xi32>], vector<16xf32>, vector<16xi1>
              %max3A_224 = arith.maximumf %gather3A_223, %mul3A_222 : vector<16xf32>
              tpu.vector_store_idx %arg7[%sub3A_152, %and3A_216], %max3A_224 masked %and3A_180 : memref<320x128xf32, #tpu.memory_space<vmem>>[vector<16xi32>, vector<16xi32>], vector<16xf32>, vector<16xi1>
              %mul3A_225 = arith.constant 8 : i32
              %mul3A_226 = arith.muli %scan3A_190, %mul3A_225 : i32
              %add3A_227 = arith.constant 2 : i32
              %add3A_228 = arith.addi %mul3A_226, %add3A_227 : i32
              %broadcast_in_dim3A_229 = vector.broadcast %add3A_228 : i32 to vector<16xi32>
              %add3A_230 = arith.addi %broadcast_in_dim3A_229, %iota3A : vector<16xi32>
              %and3A_231 = arith.constant 127 : i32
              %and3A_232 = vector.broadcast %and3A_231 : i32 to vector<16xi32>
              %and3A_233 = arith.andi %add3A_230, %and3A_232 : vector<16xi32>
              %gather3A_234 = arith.constant 0 : i32
              %gather3A_235 = arith.constant 0 : i32
              %gather3A_236 = tpu.memref_slice %arg12[%and3A_119, %gather3A_234, %gather3A_235] : memref<2x64x128xf32, #tpu.memory_space<vmem>> -> memref<1x64x128xf32, #tpu.memory_space<vmem>>
              %gather3A_237 = tpu.memref_squeeze %gather3A_236 : memref<1x64x128xf32, #tpu.memory_space<vmem>> -> memref<64x128xf32, #tpu.memory_space<vmem>>
              %gather3A_238 = tpu.vector_load_idx %gather3A_237[%add3A_160, %and3A_233] : memref<64x128xf32, #tpu.memory_space<vmem>>[vector<16xi32>, vector<16xi32>], vector<16xf32>,
              %mul3A_239 = arith.mulf %gather3A_238, %div3A_175 : vector<16xf32>
              %gather3A_240 = tpu.vector_load_idx %arg7[%sub3A_152, %and3A_233] masked %and3A_180 : memref<320x128xf32, #tpu.memory_space<vmem>>[vector<16xi32>, vector<16xi32>], vector<16xf32>, vector<16xi1>
              %max3A_241 = arith.maximumf %gather3A_240, %mul3A_239 : vector<16xf32>
              tpu.vector_store_idx %arg7[%sub3A_152, %and3A_233], %max3A_241 masked %and3A_180 : memref<320x128xf32, #tpu.memory_space<vmem>>[vector<16xi32>, vector<16xi32>], vector<16xf32>, vector<16xi1>
              %mul3A_242 = arith.constant 8 : i32
              %mul3A_243 = arith.muli %scan3A_190, %mul3A_242 : i32
              %add3A_244 = arith.constant 3 : i32
              %add3A_245 = arith.addi %mul3A_243, %add3A_244 : i32
              %broadcast_in_dim3A_246 = vector.broadcast %add3A_245 : i32 to vector<16xi32>
              %add3A_247 = arith.addi %broadcast_in_dim3A_246, %iota3A : vector<16xi32>
              %and3A_248 = arith.constant 127 : i32
              %and3A_249 = vector.broadcast %and3A_248 : i32 to vector<16xi32>
              %and3A_250 = arith.andi %add3A_247, %and3A_249 : vector<16xi32>
              %gather3A_251 = arith.constant 0 : i32
              %gather3A_252 = arith.constant 0 : i32
              %gather3A_253 = tpu.memref_slice %arg12[%and3A_119, %gather3A_251, %gather3A_252] : memref<2x64x128xf32, #tpu.memory_space<vmem>> -> memref<1x64x128xf32, #tpu.memory_space<vmem>>
              %gather3A_254 = tpu.memref_squeeze %gather3A_253 : memref<1x64x128xf32, #tpu.memory_space<vmem>> -> memref<64x128xf32, #tpu.memory_space<vmem>>
              %gather3A_255 = tpu.vector_load_idx %gather3A_254[%add3A_160, %and3A_250] : memref<64x128xf32, #tpu.memory_space<vmem>>[vector<16xi32>, vector<16xi32>], vector<16xf32>,
              %mul3A_256 = arith.mulf %gather3A_255, %div3A_175 : vector<16xf32>
              %gather3A_257 = tpu.vector_load_idx %arg7[%sub3A_152, %and3A_250] masked %and3A_180 : memref<320x128xf32, #tpu.memory_space<vmem>>[vector<16xi32>, vector<16xi32>], vector<16xf32>, vector<16xi1>
              %max3A_258 = arith.maximumf %gather3A_257, %mul3A_256 : vector<16xf32>
              tpu.vector_store_idx %arg7[%sub3A_152, %and3A_250], %max3A_258 masked %and3A_180 : memref<320x128xf32, #tpu.memory_space<vmem>>[vector<16xi32>, vector<16xi32>], vector<16xf32>, vector<16xi1>
              %mul3A_259 = arith.constant 8 : i32
              %mul3A_260 = arith.muli %scan3A_190, %mul3A_259 : i32
              %add3A_261 = arith.constant 4 : i32
              %add3A_262 = arith.addi %mul3A_260, %add3A_261 : i32
              %broadcast_in_dim3A_263 = vector.broadcast %add3A_262 : i32 to vector<16xi32>
              %add3A_264 = arith.addi %broadcast_in_dim3A_263, %iota3A : vector<16xi32>
              %and3A_265 = arith.constant 127 : i32
              %and3A_266 = vector.broadcast %and3A_265 : i32 to vector<16xi32>
              %and3A_267 = arith.andi %add3A_264, %and3A_266 : vector<16xi32>
              %gather3A_268 = arith.constant 0 : i32
              %gather3A_269 = arith.constant 0 : i32
              %gather3A_270 = tpu.memref_slice %arg12[%and3A_119, %gather3A_268, %gather3A_269] : memref<2x64x128xf32, #tpu.memory_space<vmem>> -> memref<1x64x128xf32, #tpu.memory_space<vmem>>
              %gather3A_271 = tpu.memref_squeeze %gather3A_270 : memref<1x64x128xf32, #tpu.memory_space<vmem>> -> memref<64x128xf32, #tpu.memory_space<vmem>>
              %gather3A_272 = tpu.vector_load_idx %gather3A_271[%add3A_160, %and3A_267] : memref<64x128xf32, #tpu.memory_space<vmem>>[vector<16xi32>, vector<16xi32>], vector<16xf32>,
              %mul3A_273 = arith.mulf %gather3A_272, %div3A_175 : vector<16xf32>
              %gather3A_274 = tpu.vector_load_idx %arg7[%sub3A_152, %and3A_267] masked %and3A_180 : memref<320x128xf32, #tpu.memory_space<vmem>>[vector<16xi32>, vector<16xi32>], vector<16xf32>, vector<16xi1>
              %max3A_275 = arith.maximumf %gather3A_274, %mul3A_273 : vector<16xf32>
              tpu.vector_store_idx %arg7[%sub3A_152, %and3A_267], %max3A_275 masked %and3A_180 : memref<320x128xf32, #tpu.memory_space<vmem>>[vector<16xi32>, vector<16xi32>], vector<16xf32>, vector<16xi1>
              %mul3A_276 = arith.constant 8 : i32
              %mul3A_277 = arith.muli %scan3A_190, %mul3A_276 : i32
              %add3A_278 = arith.constant 5 : i32
              %add3A_279 = arith.addi %mul3A_277, %add3A_278 : i32
              %broadcast_in_dim3A_280 = vector.broadcast %add3A_279 : i32 to vector<16xi32>
              %add3A_281 = arith.addi %broadcast_in_dim3A_280, %iota3A : vector<16xi32>
              %and3A_282 = arith.constant 127 : i32
              %and3A_283 = vector.broadcast %and3A_282 : i32 to vector<16xi32>
              %and3A_284 = arith.andi %add3A_281, %and3A_283 : vector<16xi32>
              %gather3A_285 = arith.constant 0 : i32
              %gather3A_286 = arith.constant 0 : i32
              %gather3A_287 = tpu.memref_slice %arg12[%and3A_119, %gather3A_285, %gather3A_286] : memref<2x64x128xf32, #tpu.memory_space<vmem>> -> memref<1x64x128xf32, #tpu.memory_space<vmem>>
              %gather3A_288 = tpu.memref_squeeze %gather3A_287 : memref<1x64x128xf32, #tpu.memory_space<vmem>> -> memref<64x128xf32, #tpu.memory_space<vmem>>
              %gather3A_289 = tpu.vector_load_idx %gather3A_288[%add3A_160, %and3A_284] : memref<64x128xf32, #tpu.memory_space<vmem>>[vector<16xi32>, vector<16xi32>], vector<16xf32>,
              %mul3A_290 = arith.mulf %gather3A_289, %div3A_175 : vector<16xf32>
              %gather3A_291 = tpu.vector_load_idx %arg7[%sub3A_152, %and3A_284] masked %and3A_180 : memref<320x128xf32, #tpu.memory_space<vmem>>[vector<16xi32>, vector<16xi32>], vector<16xf32>, vector<16xi1>
              %max3A_292 = arith.maximumf %gather3A_291, %mul3A_290 : vector<16xf32>
              tpu.vector_store_idx %arg7[%sub3A_152, %and3A_284], %max3A_292 masked %and3A_180 : memref<320x128xf32, #tpu.memory_space<vmem>>[vector<16xi32>, vector<16xi32>], vector<16xf32>, vector<16xi1>
              %mul3A_293 = arith.constant 8 : i32
              %mul3A_294 = arith.muli %scan3A_190, %mul3A_293 : i32
              %add3A_295 = arith.constant 6 : i32
              %add3A_296 = arith.addi %mul3A_294, %add3A_295 : i32
              %broadcast_in_dim3A_297 = vector.broadcast %add3A_296 : i32 to vector<16xi32>
              %add3A_298 = arith.addi %broadcast_in_dim3A_297, %iota3A : vector<16xi32>
              %and3A_299 = arith.constant 127 : i32
              %and3A_300 = vector.broadcast %and3A_299 : i32 to vector<16xi32>
              %and3A_301 = arith.andi %add3A_298, %and3A_300 : vector<16xi32>
              %gather3A_302 = arith.constant 0 : i32
              %gather3A_303 = arith.constant 0 : i32
              %gather3A_304 = tpu.memref_slice %arg12[%and3A_119, %gather3A_302, %gather3A_303] : memref<2x64x128xf32, #tpu.memory_space<vmem>> -> memref<1x64x128xf32, #tpu.memory_space<vmem>>
              %gather3A_305 = tpu.memref_squeeze %gather3A_304 : memref<1x64x128xf32, #tpu.memory_space<vmem>> -> memref<64x128xf32, #tpu.memory_space<vmem>>
              %gather3A_306 = tpu.vector_load_idx %gather3A_305[%add3A_160, %and3A_301] : memref<64x128xf32, #tpu.memory_space<vmem>>[vector<16xi32>, vector<16xi32>], vector<16xf32>,
              %mul3A_307 = arith.mulf %gather3A_306, %div3A_175 : vector<16xf32>
              %gather3A_308 = tpu.vector_load_idx %arg7[%sub3A_152, %and3A_301] masked %and3A_180 : memref<320x128xf32, #tpu.memory_space<vmem>>[vector<16xi32>, vector<16xi32>], vector<16xf32>, vector<16xi1>
              %max3A_309 = arith.maximumf %gather3A_308, %mul3A_307 : vector<16xf32>
              tpu.vector_store_idx %arg7[%sub3A_152, %and3A_301], %max3A_309 masked %and3A_180 : memref<320x128xf32, #tpu.memory_space<vmem>>[vector<16xi32>, vector<16xi32>], vector<16xf32>, vector<16xi1>
              %mul3A_310 = arith.constant 8 : i32
              %mul3A_311 = arith.muli %scan3A_190, %mul3A_310 : i32
              %add3A_312 = arith.constant 7 : i32
              %add3A_313 = arith.addi %mul3A_311, %add3A_312 : i32
              %broadcast_in_dim3A_314 = vector.broadcast %add3A_313 : i32 to vector<16xi32>
              %add3A_315 = arith.addi %broadcast_in_dim3A_314, %iota3A : vector<16xi32>
              %and3A_316 = arith.constant 127 : i32
              %and3A_317 = vector.broadcast %and3A_316 : i32 to vector<16xi32>
              %and3A_318 = arith.andi %add3A_315, %and3A_317 : vector<16xi32>
              %gather3A_319 = arith.constant 0 : i32
              %gather3A_320 = arith.constant 0 : i32
              %gather3A_321 = tpu.memref_slice %arg12[%and3A_119, %gather3A_319, %gather3A_320] : memref<2x64x128xf32, #tpu.memory_space<vmem>> -> memref<1x64x128xf32, #tpu.memory_space<vmem>>
              %gather3A_322 = tpu.memref_squeeze %gather3A_321 : memref<1x64x128xf32, #tpu.memory_space<vmem>> -> memref<64x128xf32, #tpu.memory_space<vmem>>
              %gather3A_323 = tpu.vector_load_idx %gather3A_322[%add3A_160, %and3A_318] : memref<64x128xf32, #tpu.memory_space<vmem>>[vector<16xi32>, vector<16xi32>], vector<16xf32>,
              %mul3A_324 = arith.mulf %gather3A_323, %div3A_175 : vector<16xf32>
              %gather3A_325 = tpu.vector_load_idx %arg7[%sub3A_152, %and3A_318] masked %and3A_180 : memref<320x128xf32, #tpu.memory_space<vmem>>[vector<16xi32>, vector<16xi32>], vector<16xf32>, vector<16xi1>
              %max3A_326 = arith.maximumf %gather3A_325, %mul3A_324 : vector<16xf32>
              tpu.vector_store_idx %arg7[%sub3A_152, %and3A_318], %max3A_326 masked %and3A_180 : memref<320x128xf32, #tpu.memory_space<vmem>>[vector<16xi32>, vector<16xi32>], vector<16xf32>, vector<16xi1>
              %scan3A_327 = arith.constant 0 : i32
              scf.yield %scan3A_327 : i32
            }
            %scan3A_187 = arith.constant 16 : i32
            %not3A = arith.constant dense<true> : vector<16xi1>
            %not3A_188 = arith.xori %and3A_180, %not3A : vector<16xi1>
            %and3A_189 = arith.andi %while3A_178, %not3A_188 : vector<16xi1>
            scf.yield %and3A_189 : vector<16xi1>
          }
          %scan3A_177 = arith.constant 0 : i32
          scf.yield %scan3A_177 : i32
        }
        %scan3A_142 = arith.constant 4 : i32
        %while3A_143 = arith.constant 0 : i32
        scf.yield %while3A_143 : i32
      }
      %while3A_68 = arith.constant 1 : i32
      %while3A_69 = scf.for %while3A_117 = %while3A_65 to %while3A_61 step %while3A_68 iter_args(%while3A_118 = %while3A_67) -> (i32)  : i32 {
        %and3A = arith.constant 1 : i32
        %and3A_119 = arith.andi %while3A_117, %and3A : i32
        %add3A_120 = arith.constant 1 : i32
        %add3A_121 = arith.addi %while3A_117, %add3A_120 : i32
        %lt3A = arith.cmpi slt, %add3A_121, %shift_right_arithmetic3A_53 : i32
        %convert_element_type3A_122 = arith.extui %lt3A : i1 to i32
        %cond3A_123 = arith.constant 0 : i32
        %cond3A_124 = arith.cmpi ne, %convert_element_type3A_122, %cond3A_123 : i32
        scf.if %cond3A_124 {
          %add3A_144 = arith.constant 1 : i32
          %add3A_145 = arith.addi %while3A_117, %add3A_144 : i32
          %mul3A_146 = arith.constant 64 : i32
          %mul3A_147 = arith.muli %add3A_145, %mul3A_146 : i32
          %sub3A_148 = arith.constant 1 : i32
          %sub3A_149 = arith.subi %sub3A_148, %and3A_119 : i32
          %eq3A_150 = arith.constant 0 : i32
          %eq3A_151 = arith.cmpi eq, %sub3A_149, %eq3A_150 : i32
          %convert_element_type3A_152 = arith.extui %eq3A_151 : i1 to i32
          %cond3A_153 = arith.constant 0 : i32
          %cond3A_154 = arith.cmpi ne, %convert_element_type3A_152, %cond3A_153 : i32
          scf.if %cond3A_154 {
            %dma_start3A = arith.constant 0 : i32
            %dma_start3A_160 = arith.constant 0 : i32
            %dma_start3A_161 = tpu.memref_slice %arg12[%sub3A_149, %dma_start3A, %dma_start3A_160] : memref<2x64x128xf32, #tpu.memory_space<vmem>> -> memref<1x64x128xf32, #tpu.memory_space<vmem>>
            %dma_start3A_162 = tpu.memref_squeeze %dma_start3A_161 : memref<1x64x128xf32, #tpu.memory_space<vmem>> -> memref<64x128xf32, #tpu.memory_space<vmem>>
            %dma_start3A_163 = tpu.memref_slice %arg10[%mul3A_147] : memref<6464xi32, #tpu.memory_space<vmem>> -> memref<64xi32, #tpu.memory_space<vmem>>
            %dma_start3A_164 = arith.constant 0 : i32
            %dma_start3A_165 = arith.constant 0 : i32
            %dma_start3A_166 = tpu.memref_slice %arg2[%dma_start3A_164, %dma_start3A_165] : memref<10240x128xf32, #tpu.memory_space<hbm>> -> memref<10240x128xf32, #tpu.memory_space<hbm>>
            tpu.enqueue_indirect_dma source(%dma_start3A_166 : memref<10240x128xf32, #tpu.memory_space<hbm>>) target(%dma_start3A_162 : memref<64x128xf32, #tpu.memory_space<vmem>>) offsets(%dma_start3A_163 : memref<64xi32, #tpu.memory_space<vmem>>) semaphore(%arg15 : memref<!tpu.dma_semaphore, #tpu.memory_space<semaphore_mem>>)
          } else {
          }
          %eq3A_155 = arith.constant 1 : i32
          %eq3A_156 = arith.cmpi eq, %sub3A_149, %eq3A_155 : i32
          %convert_element_type3A_157 = arith.extui %eq3A_156 : i1 to i32
          %cond3A_158 = arith.constant 0 : i32
          %cond3A_159 = arith.cmpi ne, %convert_element_type3A_157, %cond3A_158 : i32
          scf.if %cond3A_159 {
            %dma_start3A = arith.constant 0 : i32
            %dma_start3A_160 = arith.constant 0 : i32
            %dma_start3A_161 = tpu.memref_slice %arg12[%sub3A_149, %dma_start3A, %dma_start3A_160] : memref<2x64x128xf32, #tpu.memory_space<vmem>> -> memref<1x64x128xf32, #tpu.memory_space<vmem>>
            %dma_start3A_162 = tpu.memref_squeeze %dma_start3A_161 : memref<1x64x128xf32, #tpu.memory_space<vmem>> -> memref<64x128xf32, #tpu.memory_space<vmem>>
            %dma_start3A_163 = tpu.memref_slice %arg10[%mul3A_147] : memref<6464xi32, #tpu.memory_space<vmem>> -> memref<64xi32, #tpu.memory_space<vmem>>
            %dma_start3A_164 = arith.constant 0 : i32
            %dma_start3A_165 = arith.constant 0 : i32
            %dma_start3A_166 = tpu.memref_slice %arg2[%dma_start3A_164, %dma_start3A_165] : memref<10240x128xf32, #tpu.memory_space<hbm>> -> memref<10240x128xf32, #tpu.memory_space<hbm>>
            tpu.enqueue_indirect_dma source(%dma_start3A_166 : memref<10240x128xf32, #tpu.memory_space<hbm>>) target(%dma_start3A_162 : memref<64x128xf32, #tpu.memory_space<vmem>>) offsets(%dma_start3A_163 : memref<64xi32, #tpu.memory_space<vmem>>) semaphore(%arg16 : memref<!tpu.dma_semaphore, #tpu.memory_space<semaphore_mem>>)
          } else {
          }
        } else {
        }
        %eq3A = arith.constant 0 : i32
        %eq3A_125 = arith.cmpi eq, %and3A_119, %eq3A : i32
        %convert_element_type3A_126 = arith.extui %eq3A_125 : i1 to i32
        %cond3A_127 = arith.constant 0 : i32
        %cond3A_128 = arith.cmpi ne, %convert_element_type3A_126, %cond3A_127 : i32
        scf.if %cond3A_128 {
          %dma_wait3A = arith.constant 0 : i32
          %dma_wait3A_144 = arith.constant 0 : i32
          %dma_wait3A_145 = tpu.memref_slice %arg12[%and3A_119, %dma_wait3A, %dma_wait3A_144] : memref<2x64x128xf32, #tpu.memory_space<vmem>> -> memref<1x64x128xf32, #tpu.memory_space<vmem>>
          %dma_wait3A_146 = tpu.memref_squeeze %dma_wait3A_145 : memref<1x64x128xf32, #tpu.memory_space<vmem>> -> memref<64x128xf32, #tpu.memory_space<vmem>>
          %dma_wait3A_147 = arith.constant 0 : i32
          %dma_wait3A_148 = arith.constant 0 : i32
          %dma_wait3A_149 = tpu.memref_slice %arg2[%dma_wait3A_147, %dma_wait3A_148] : memref<10240x128xf32, #tpu.memory_space<hbm>> -> memref<64x128xf32, #tpu.memory_space<hbm>>
          %dma_wait3A_150 = arith.constant 0 : i32
          %dma_wait3A_151 = arith.constant 0 : i32
          %dma_wait3A_152 = tpu.memref_slice %arg12[%and3A_119, %dma_wait3A_150, %dma_wait3A_151] : memref<2x64x128xf32, #tpu.memory_space<vmem>> -> memref<1x64x128xf32, #tpu.memory_space<vmem>>
          %dma_wait3A_153 = tpu.memref_squeeze %dma_wait3A_152 : memref<1x64x128xf32, #tpu.memory_space<vmem>> -> memref<64x128xf32, #tpu.memory_space<vmem>>
          %dma_wait3A_154 = arith.constant 0 : i32
          %dma_wait3A_155 = arith.constant 0 : i32
          %dma_wait3A_156 = tpu.memref_slice %arg2[%dma_wait3A_154, %dma_wait3A_155] : memref<10240x128xf32, #tpu.memory_space<hbm>> -> memref<64x128xf32, #tpu.memory_space<hbm>>
          tpu.wait_dma2 semaphore(%arg15 : memref<!tpu.dma_semaphore, #tpu.memory_space<semaphore_mem>>) src(%dma_wait3A_156 : memref<64x128xf32, #tpu.memory_space<hbm>>) dst(%dma_wait3A_153 : memref<64x128xf32, #tpu.memory_space<vmem>>)
        } else {
        }
        %eq3A_129 = arith.constant 1 : i32
        %eq3A_130 = arith.cmpi eq, %and3A_119, %eq3A_129 : i32
        %convert_element_type3A_131 = arith.extui %eq3A_130 : i1 to i32
        %cond3A_132 = arith.constant 0 : i32
        %cond3A_133 = arith.cmpi ne, %convert_element_type3A_131, %cond3A_132 : i32
        scf.if %cond3A_133 {
          %dma_wait3A = arith.constant 0 : i32
          %dma_wait3A_144 = arith.constant 0 : i32
          %dma_wait3A_145 = tpu.memref_slice %arg12[%and3A_119, %dma_wait3A, %dma_wait3A_144] : memref<2x64x128xf32, #tpu.memory_space<vmem>> -> memref<1x64x128xf32, #tpu.memory_space<vmem>>
          %dma_wait3A_146 = tpu.memref_squeeze %dma_wait3A_145 : memref<1x64x128xf32, #tpu.memory_space<vmem>> -> memref<64x128xf32, #tpu.memory_space<vmem>>
          %dma_wait3A_147 = arith.constant 0 : i32
          %dma_wait3A_148 = arith.constant 0 : i32
          %dma_wait3A_149 = tpu.memref_slice %arg2[%dma_wait3A_147, %dma_wait3A_148] : memref<10240x128xf32, #tpu.memory_space<hbm>> -> memref<64x128xf32, #tpu.memory_space<hbm>>
          %dma_wait3A_150 = arith.constant 0 : i32
          %dma_wait3A_151 = arith.constant 0 : i32
          %dma_wait3A_152 = tpu.memref_slice %arg12[%and3A_119, %dma_wait3A_150, %dma_wait3A_151] : memref<2x64x128xf32, #tpu.memory_space<vmem>> -> memref<1x64x128xf32, #tpu.memory_space<vmem>>
          %dma_wait3A_153 = tpu.memref_squeeze %dma_wait3A_152 : memref<1x64x128xf32, #tpu.memory_space<vmem>> -> memref<64x128xf32, #tpu.memory_space<vmem>>
          %dma_wait3A_154 = arith.constant 0 : i32
          %dma_wait3A_155 = arith.constant 0 : i32
          %dma_wait3A_156 = tpu.memref_slice %arg2[%dma_wait3A_154, %dma_wait3A_155] : memref<10240x128xf32, #tpu.memory_space<hbm>> -> memref<64x128xf32, #tpu.memory_space<hbm>>
          tpu.wait_dma2 semaphore(%arg16 : memref<!tpu.dma_semaphore, #tpu.memory_space<semaphore_mem>>) src(%dma_wait3A_156 : memref<64x128xf32, #tpu.memory_space<hbm>>) dst(%dma_wait3A_153 : memref<64x128xf32, #tpu.memory_space<vmem>>)
        } else {
        }
        %mul3A_134 = arith.constant 64 : i32
        %mul3A_135 = arith.muli %while3A_117, %mul3A_134 : i32
        %scan3A_136 = arith.constant 0 : i32
        %scan3A_137 = arith.constant 0 : i32
        %scan3A_138 = arith.constant 4 : i32
        %scan3A_139 = arith.addi %scan3A_137, %scan3A_138 : i32
        %scan3A_140 = arith.constant 1 : i32
        %scan3A_141 = scf.for %scan3A_144 = %scan3A_137 to %scan3A_139 step %scan3A_140 iter_args(%scan3A_145 = %scan3A_136) -> (i32)  : i32 {
          %mul3A_146 = arith.constant 16 : i32
          %mul3A_147 = arith.muli %scan3A_144, %mul3A_146 : i32
          %add3A_148 = arith.addi %mul3A_135, %mul3A_147 : i32
          %get3A_149 = arith.index_cast %add3A_148 : i32 to index
          %get3A_150 = tpu.vector_load %arg11[%get3A_149] {strides = array<i32>} : memref<6464xi32, #tpu.memory_space<vmem>>, vector<16xi32>,
          %sub3A_151 = vector.broadcast %mul3A_2 : i32 to vector<16xi32>
          %sub3A_152 = arith.subi %get3A_150, %sub3A_151 : vector<16xi32>
          %add3A_153 = vector.broadcast %add3A_148 : i32 to vector<16xi32>
          %add3A_154 = arith.addi %add3A_153, %iota3A : vector<16xi32>
          %lt3A_155 = vector.broadcast %reduce_max3A_52 : i32 to vector<16xi32>
          %lt3A_156 = arith.cmpi slt, %add3A_154, %lt3A_155 : vector<16xi32>
          %mul3A_157 = arith.constant 16 : i32
          %mul3A_158 = arith.muli %scan3A_144, %mul3A_157 : i32
          %add3A_159 = vector.broadcast %mul3A_158 : i32 to vector<16xi32>
          %add3A_160 = arith.addi %add3A_159, %iota3A : vector<16xi32>
          %broadcast_in_dim3A_161 = arith.constant 0.000000e+00 : f32
          %broadcast_in_dim3A_162 = vector.broadcast %broadcast_in_dim3A_161 : f32 to vector<16xf32>
          %scan3A_163 = arith.constant 0 : i32
          %scan3A_164 = arith.constant 16 : i32
          %scan3A_165 = arith.addi %scan3A_163, %scan3A_164 : i32
          %scan3A_166 = arith.constant 1 : i32
          %scan3A_167 = scf.for %scan3A_178 = %scan3A_163 to %scan3A_165 step %scan3A_166 iter_args(%scan3A_179 = %broadcast_in_dim3A_162) -> (vector<16xf32>)  : i32 {
            %mul3A_180 = arith.constant 8 : i32
            %mul3A_181 = arith.muli %scan3A_178, %mul3A_180 : i32
            %add3A_182 = arith.constant 0 : i32
            %add3A_183 = arith.addi %mul3A_181, %add3A_182 : i32
            %broadcast_in_dim3A_184 = vector.broadcast %add3A_183 : i32 to vector<16xi32>
            %add3A_185 = arith.addi %broadcast_in_dim3A_184, %iota3A : vector<16xi32>
            %and3A_186 = arith.constant 127 : i32
            %and3A_187 = vector.broadcast %and3A_186 : i32 to vector<16xi32>
            %and3A_188 = arith.andi %add3A_185, %and3A_187 : vector<16xi32>
            %gather3A = arith.constant 0 : i32
            %gather3A_189 = arith.constant 0 : i32
            %gather3A_190 = tpu.memref_slice %arg12[%and3A_119, %gather3A, %gather3A_189] : memref<2x64x128xf32, #tpu.memory_space<vmem>> -> memref<1x64x128xf32, #tpu.memory_space<vmem>>
            %gather3A_191 = tpu.memref_squeeze %gather3A_190 : memref<1x64x128xf32, #tpu.memory_space<vmem>> -> memref<64x128xf32, #tpu.memory_space<vmem>>
            %gather3A_192 = tpu.vector_load_idx %gather3A_191[%add3A_160, %and3A_188] : memref<64x128xf32, #tpu.memory_space<vmem>>[vector<16xi32>, vector<16xi32>], vector<16xf32>,
            %gather3A_193 = tpu.vector_load_idx %arg13[%sub3A_152, %and3A_188] : memref<320x128xf32, #tpu.memory_space<vmem>>[vector<16xi32>, vector<16xi32>], vector<16xf32>,
            %mul3A_194 = arith.mulf %gather3A_192, %gather3A_193 : vector<16xf32>
            %add3A_195 = arith.addf %scan3A_179, %mul3A_194 : vector<16xf32>
            %mul3A_196 = arith.constant 8 : i32
            %mul3A_197 = arith.muli %scan3A_178, %mul3A_196 : i32
            %add3A_198 = arith.constant 1 : i32
            %add3A_199 = arith.addi %mul3A_197, %add3A_198 : i32
            %broadcast_in_dim3A_200 = vector.broadcast %add3A_199 : i32 to vector<16xi32>
            %add3A_201 = arith.addi %broadcast_in_dim3A_200, %iota3A : vector<16xi32>
            %and3A_202 = arith.constant 127 : i32
            %and3A_203 = vector.broadcast %and3A_202 : i32 to vector<16xi32>
            %and3A_204 = arith.andi %add3A_201, %and3A_203 : vector<16xi32>
            %gather3A_205 = arith.constant 0 : i32
            %gather3A_206 = arith.constant 0 : i32
            %gather3A_207 = tpu.memref_slice %arg12[%and3A_119, %gather3A_205, %gather3A_206] : memref<2x64x128xf32, #tpu.memory_space<vmem>> -> memref<1x64x128xf32, #tpu.memory_space<vmem>>
            %gather3A_208 = tpu.memref_squeeze %gather3A_207 : memref<1x64x128xf32, #tpu.memory_space<vmem>> -> memref<64x128xf32, #tpu.memory_space<vmem>>
            %gather3A_209 = tpu.vector_load_idx %gather3A_208[%add3A_160, %and3A_204] : memref<64x128xf32, #tpu.memory_space<vmem>>[vector<16xi32>, vector<16xi32>], vector<16xf32>,
            %gather3A_210 = tpu.vector_load_idx %arg13[%sub3A_152, %and3A_204] : memref<320x128xf32, #tpu.memory_space<vmem>>[vector<16xi32>, vector<16xi32>], vector<16xf32>,
            %mul3A_211 = arith.mulf %gather3A_209, %gather3A_210 : vector<16xf32>
            %add3A_212 = arith.addf %add3A_195, %mul3A_211 : vector<16xf32>
            %mul3A_213 = arith.constant 8 : i32
            %mul3A_214 = arith.muli %scan3A_178, %mul3A_213 : i32
            %add3A_215 = arith.constant 2 : i32
            %add3A_216 = arith.addi %mul3A_214, %add3A_215 : i32
            %broadcast_in_dim3A_217 = vector.broadcast %add3A_216 : i32 to vector<16xi32>
            %add3A_218 = arith.addi %broadcast_in_dim3A_217, %iota3A : vector<16xi32>
            %and3A_219 = arith.constant 127 : i32
            %and3A_220 = vector.broadcast %and3A_219 : i32 to vector<16xi32>
            %and3A_221 = arith.andi %add3A_218, %and3A_220 : vector<16xi32>
            %gather3A_222 = arith.constant 0 : i32
            %gather3A_223 = arith.constant 0 : i32
            %gather3A_224 = tpu.memref_slice %arg12[%and3A_119, %gather3A_222, %gather3A_223] : memref<2x64x128xf32, #tpu.memory_space<vmem>> -> memref<1x64x128xf32, #tpu.memory_space<vmem>>
            %gather3A_225 = tpu.memref_squeeze %gather3A_224 : memref<1x64x128xf32, #tpu.memory_space<vmem>> -> memref<64x128xf32, #tpu.memory_space<vmem>>
            %gather3A_226 = tpu.vector_load_idx %gather3A_225[%add3A_160, %and3A_221] : memref<64x128xf32, #tpu.memory_space<vmem>>[vector<16xi32>, vector<16xi32>], vector<16xf32>,
            %gather3A_227 = tpu.vector_load_idx %arg13[%sub3A_152, %and3A_221] : memref<320x128xf32, #tpu.memory_space<vmem>>[vector<16xi32>, vector<16xi32>], vector<16xf32>,
            %mul3A_228 = arith.mulf %gather3A_226, %gather3A_227 : vector<16xf32>
            %add3A_229 = arith.addf %add3A_212, %mul3A_228 : vector<16xf32>
            %mul3A_230 = arith.constant 8 : i32
            %mul3A_231 = arith.muli %scan3A_178, %mul3A_230 : i32
            %add3A_232 = arith.constant 3 : i32
            %add3A_233 = arith.addi %mul3A_231, %add3A_232 : i32
            %broadcast_in_dim3A_234 = vector.broadcast %add3A_233 : i32 to vector<16xi32>
            %add3A_235 = arith.addi %broadcast_in_dim3A_234, %iota3A : vector<16xi32>
            %and3A_236 = arith.constant 127 : i32
            %and3A_237 = vector.broadcast %and3A_236 : i32 to vector<16xi32>
            %and3A_238 = arith.andi %add3A_235, %and3A_237 : vector<16xi32>
            %gather3A_239 = arith.constant 0 : i32
            %gather3A_240 = arith.constant 0 : i32
            %gather3A_241 = tpu.memref_slice %arg12[%and3A_119, %gather3A_239, %gather3A_240] : memref<2x64x128xf32, #tpu.memory_space<vmem>> -> memref<1x64x128xf32, #tpu.memory_space<vmem>>
            %gather3A_242 = tpu.memref_squeeze %gather3A_241 : memref<1x64x128xf32, #tpu.memory_space<vmem>> -> memref<64x128xf32, #tpu.memory_space<vmem>>
            %gather3A_243 = tpu.vector_load_idx %gather3A_242[%add3A_160, %and3A_238] : memref<64x128xf32, #tpu.memory_space<vmem>>[vector<16xi32>, vector<16xi32>], vector<16xf32>,
            %gather3A_244 = tpu.vector_load_idx %arg13[%sub3A_152, %and3A_238] : memref<320x128xf32, #tpu.memory_space<vmem>>[vector<16xi32>, vector<16xi32>], vector<16xf32>,
            %mul3A_245 = arith.mulf %gather3A_243, %gather3A_244 : vector<16xf32>
            %add3A_246 = arith.addf %add3A_229, %mul3A_245 : vector<16xf32>
            %mul3A_247 = arith.constant 8 : i32
            %mul3A_248 = arith.muli %scan3A_178, %mul3A_247 : i32
            %add3A_249 = arith.constant 4 : i32
            %add3A_250 = arith.addi %mul3A_248, %add3A_249 : i32
            %broadcast_in_dim3A_251 = vector.broadcast %add3A_250 : i32 to vector<16xi32>
            %add3A_252 = arith.addi %broadcast_in_dim3A_251, %iota3A : vector<16xi32>
            %and3A_253 = arith.constant 127 : i32
            %and3A_254 = vector.broadcast %and3A_253 : i32 to vector<16xi32>
            %and3A_255 = arith.andi %add3A_252, %and3A_254 : vector<16xi32>
            %gather3A_256 = arith.constant 0 : i32
            %gather3A_257 = arith.constant 0 : i32
            %gather3A_258 = tpu.memref_slice %arg12[%and3A_119, %gather3A_256, %gather3A_257] : memref<2x64x128xf32, #tpu.memory_space<vmem>> -> memref<1x64x128xf32, #tpu.memory_space<vmem>>
            %gather3A_259 = tpu.memref_squeeze %gather3A_258 : memref<1x64x128xf32, #tpu.memory_space<vmem>> -> memref<64x128xf32, #tpu.memory_space<vmem>>
            %gather3A_260 = tpu.vector_load_idx %gather3A_259[%add3A_160, %and3A_255] : memref<64x128xf32, #tpu.memory_space<vmem>>[vector<16xi32>, vector<16xi32>], vector<16xf32>,
            %gather3A_261 = tpu.vector_load_idx %arg13[%sub3A_152, %and3A_255] : memref<320x128xf32, #tpu.memory_space<vmem>>[vector<16xi32>, vector<16xi32>], vector<16xf32>,
            %mul3A_262 = arith.mulf %gather3A_260, %gather3A_261 : vector<16xf32>
            %add3A_263 = arith.addf %add3A_246, %mul3A_262 : vector<16xf32>
            %mul3A_264 = arith.constant 8 : i32
            %mul3A_265 = arith.muli %scan3A_178, %mul3A_264 : i32
            %add3A_266 = arith.constant 5 : i32
            %add3A_267 = arith.addi %mul3A_265, %add3A_266 : i32
            %broadcast_in_dim3A_268 = vector.broadcast %add3A_267 : i32 to vector<16xi32>
            %add3A_269 = arith.addi %broadcast_in_dim3A_268, %iota3A : vector<16xi32>
            %and3A_270 = arith.constant 127 : i32
            %and3A_271 = vector.broadcast %and3A_270 : i32 to vector<16xi32>
            %and3A_272 = arith.andi %add3A_269, %and3A_271 : vector<16xi32>
            %gather3A_273 = arith.constant 0 : i32
            %gather3A_274 = arith.constant 0 : i32
            %gather3A_275 = tpu.memref_slice %arg12[%and3A_119, %gather3A_273, %gather3A_274] : memref<2x64x128xf32, #tpu.memory_space<vmem>> -> memref<1x64x128xf32, #tpu.memory_space<vmem>>
            %gather3A_276 = tpu.memref_squeeze %gather3A_275 : memref<1x64x128xf32, #tpu.memory_space<vmem>> -> memref<64x128xf32, #tpu.memory_space<vmem>>
            %gather3A_277 = tpu.vector_load_idx %gather3A_276[%add3A_160, %and3A_272] : memref<64x128xf32, #tpu.memory_space<vmem>>[vector<16xi32>, vector<16xi32>], vector<16xf32>,
            %gather3A_278 = tpu.vector_load_idx %arg13[%sub3A_152, %and3A_272] : memref<320x128xf32, #tpu.memory_space<vmem>>[vector<16xi32>, vector<16xi32>], vector<16xf32>,
            %mul3A_279 = arith.mulf %gather3A_277, %gather3A_278 : vector<16xf32>
            %add3A_280 = arith.addf %add3A_263, %mul3A_279 : vector<16xf32>
            %mul3A_281 = arith.constant 8 : i32
            %mul3A_282 = arith.muli %scan3A_178, %mul3A_281 : i32
            %add3A_283 = arith.constant 6 : i32
            %add3A_284 = arith.addi %mul3A_282, %add3A_283 : i32
            %broadcast_in_dim3A_285 = vector.broadcast %add3A_284 : i32 to vector<16xi32>
            %add3A_286 = arith.addi %broadcast_in_dim3A_285, %iota3A : vector<16xi32>
            %and3A_287 = arith.constant 127 : i32
            %and3A_288 = vector.broadcast %and3A_287 : i32 to vector<16xi32>
            %and3A_289 = arith.andi %add3A_286, %and3A_288 : vector<16xi32>
            %gather3A_290 = arith.constant 0 : i32
            %gather3A_291 = arith.constant 0 : i32
            %gather3A_292 = tpu.memref_slice %arg12[%and3A_119, %gather3A_290, %gather3A_291] : memref<2x64x128xf32, #tpu.memory_space<vmem>> -> memref<1x64x128xf32, #tpu.memory_space<vmem>>
            %gather3A_293 = tpu.memref_squeeze %gather3A_292 : memref<1x64x128xf32, #tpu.memory_space<vmem>> -> memref<64x128xf32, #tpu.memory_space<vmem>>
            %gather3A_294 = tpu.vector_load_idx %gather3A_293[%add3A_160, %and3A_289] : memref<64x128xf32, #tpu.memory_space<vmem>>[vector<16xi32>, vector<16xi32>], vector<16xf32>,
            %gather3A_295 = tpu.vector_load_idx %arg13[%sub3A_152, %and3A_289] : memref<320x128xf32, #tpu.memory_space<vmem>>[vector<16xi32>, vector<16xi32>], vector<16xf32>,
            %mul3A_296 = arith.mulf %gather3A_294, %gather3A_295 : vector<16xf32>
            %add3A_297 = arith.addf %add3A_280, %mul3A_296 : vector<16xf32>
            %mul3A_298 = arith.constant 8 : i32
            %mul3A_299 = arith.muli %scan3A_178, %mul3A_298 : i32
            %add3A_300 = arith.constant 7 : i32
            %add3A_301 = arith.addi %mul3A_299, %add3A_300 : i32
            %broadcast_in_dim3A_302 = vector.broadcast %add3A_301 : i32 to vector<16xi32>
            %add3A_303 = arith.addi %broadcast_in_dim3A_302, %iota3A : vector<16xi32>
            %and3A_304 = arith.constant 127 : i32
            %and3A_305 = vector.broadcast %and3A_304 : i32 to vector<16xi32>
            %and3A_306 = arith.andi %add3A_303, %and3A_305 : vector<16xi32>
            %gather3A_307 = arith.constant 0 : i32
            %gather3A_308 = arith.constant 0 : i32
            %gather3A_309 = tpu.memref_slice %arg12[%and3A_119, %gather3A_307, %gather3A_308] : memref<2x64x128xf32, #tpu.memory_space<vmem>> -> memref<1x64x128xf32, #tpu.memory_space<vmem>>
            %gather3A_310 = tpu.memref_squeeze %gather3A_309 : memref<1x64x128xf32, #tpu.memory_space<vmem>> -> memref<64x128xf32, #tpu.memory_space<vmem>>
            %gather3A_311 = tpu.vector_load_idx %gather3A_310[%add3A_160, %and3A_306] : memref<64x128xf32, #tpu.memory_space<vmem>>[vector<16xi32>, vector<16xi32>], vector<16xf32>,
            %gather3A_312 = tpu.vector_load_idx %arg13[%sub3A_152, %and3A_306] : memref<320x128xf32, #tpu.memory_space<vmem>>[vector<16xi32>, vector<16xi32>], vector<16xf32>,
            %mul3A_313 = arith.mulf %gather3A_311, %gather3A_312 : vector<16xf32>
            %add3A_314 = arith.addf %add3A_297, %mul3A_313 : vector<16xf32>
            scf.yield %add3A_314 : vector<16xf32>
          }
          %scan3A_168 = arith.constant 16 : i32
          %neg3A = arith.constant 0.000000e+00 : f32
          %neg3A_169 = vector.broadcast %neg3A : f32 to vector<16xf32>
          %neg3A_170 = arith.subf %neg3A_169, %scan3A_167 : vector<16xf32>
          %exp3A = math.exp %neg3A_170 : vector<16xf32>
          %add3A_171 = arith.constant 1.000000e+00 : f32
          %add3A_172 = vector.broadcast %add3A_171 : f32 to vector<16xf32>
          %add3A_173 = arith.addf %add3A_172, %exp3A : vector<16xf32>
          %div3A = arith.constant 1.000000e+00 : f32
          %div3A_174 = vector.broadcast %div3A : f32 to vector<16xf32>
          %div3A_175 = arith.divf %div3A_174, %add3A_173 : vector<16xf32>
          %while3A_176 = scf.while (%while3A_178 = %lt3A_156) : (vector<16xi1>) -> vector<16xi1> {
            %all_reduce_population_count3A = tpu.all_reduce %while3A_178 {dim = 0 : i64, kind = #tpu.reduction_kind<sum>} : vector<16xi1> -> vector<16xi32>
            %reduce_max3A_179 = arith.constant true
            %reduce_max3A_180 = vector.broadcast %reduce_max3A_179 : i1 to vector<16xi1>
            %reduce_max3A_181 = arith.constant -2147483648 : i32
            %reduce_max3A_182 = vector.broadcast %reduce_max3A_181 : i32 to vector<16xi32>
            %reduce_max3A_183 = arith.xori %all_reduce_population_count3A, %reduce_max3A_182 : vector<16xi32>
            %reduce_max3A_184 = tpu.scan <max>, %reduce_max3A_183 masked %reduce_max3A_180 : vector<16xi32>, vector<16xi1> -> vector<16xi32>
            %reduce_max3A_185 = arith.xori %reduce_max3A_184, %reduce_max3A_182 : vector<16xi32>
            %reduce_max3A_186 = vector.extract %reduce_max3A_185[15] : i32 from vector<16xi32>
            %gt3A_187 = arith.constant 0 : i32
            %gt3A_188 = arith.cmpi sgt, %reduce_max3A_186, %gt3A_187 : i32
            scf.condition(%gt3A_188) %while3A_178 : vector<16xi1>
          } do {
          ^bb0(%while3A_178: vector<16xi1>):
            tpu.vector_store_idx %arg14[%sub3A_152], %iota3A masked %while3A_178 : memref<320xi32, #tpu.memory_space<vmem>>[vector<16xi32>], vector<16xi32>, vector<16xi1>
            %gather3A = tpu.vector_load_idx %arg14[%sub3A_152] masked %while3A_178 : memref<320xi32, #tpu.memory_space<vmem>>[vector<16xi32>], vector<16xi32>, vector<16xi1>
            %eq3A_179 = arith.cmpi eq, %gather3A, %iota3A : vector<16xi32>
            %and3A_180 = arith.andi %while3A_178, %eq3A_179 : vector<16xi1>
            %scan3A_181 = arith.constant 0 : i32
            %scan3A_182 = arith.constant 0 : i32
            %scan3A_183 = arith.constant 16 : i32
            %scan3A_184 = arith.addi %scan3A_182, %scan3A_183 : i32
            %scan3A_185 = arith.constant 1 : i32
            %scan3A_186 = scf.for %scan3A_190 = %scan3A_182 to %scan3A_184 step %scan3A_185 iter_args(%scan3A_191 = %scan3A_181) -> (i32)  : i32 {
              %mul3A_192 = arith.constant 8 : i32
              %mul3A_193 = arith.muli %scan3A_190, %mul3A_192 : i32
              %add3A_194 = arith.constant 0 : i32
              %add3A_195 = arith.addi %mul3A_193, %add3A_194 : i32
              %broadcast_in_dim3A_196 = vector.broadcast %add3A_195 : i32 to vector<16xi32>
              %add3A_197 = arith.addi %broadcast_in_dim3A_196, %iota3A : vector<16xi32>
              %and3A_198 = arith.constant 127 : i32
              %and3A_199 = vector.broadcast %and3A_198 : i32 to vector<16xi32>
              %and3A_200 = arith.andi %add3A_197, %and3A_199 : vector<16xi32>
              %gather3A_201 = arith.constant 0 : i32
              %gather3A_202 = arith.constant 0 : i32
              %gather3A_203 = tpu.memref_slice %arg12[%and3A_119, %gather3A_201, %gather3A_202] : memref<2x64x128xf32, #tpu.memory_space<vmem>> -> memref<1x64x128xf32, #tpu.memory_space<vmem>>
              %gather3A_204 = tpu.memref_squeeze %gather3A_203 : memref<1x64x128xf32, #tpu.memory_space<vmem>> -> memref<64x128xf32, #tpu.memory_space<vmem>>
              %gather3A_205 = tpu.vector_load_idx %gather3A_204[%add3A_160, %and3A_200] : memref<64x128xf32, #tpu.memory_space<vmem>>[vector<16xi32>, vector<16xi32>], vector<16xf32>,
              %mul3A_206 = arith.mulf %gather3A_205, %div3A_175 : vector<16xf32>
              %gather3A_207 = tpu.vector_load_idx %arg7[%sub3A_152, %and3A_200] masked %and3A_180 : memref<320x128xf32, #tpu.memory_space<vmem>>[vector<16xi32>, vector<16xi32>], vector<16xf32>, vector<16xi1>
              %max3A = arith.maximumf %gather3A_207, %mul3A_206 : vector<16xf32>
              tpu.vector_store_idx %arg7[%sub3A_152, %and3A_200], %max3A masked %and3A_180 : memref<320x128xf32, #tpu.memory_space<vmem>>[vector<16xi32>, vector<16xi32>], vector<16xf32>, vector<16xi1>
              %mul3A_208 = arith.constant 8 : i32
              %mul3A_209 = arith.muli %scan3A_190, %mul3A_208 : i32
              %add3A_210 = arith.constant 1 : i32
              %add3A_211 = arith.addi %mul3A_209, %add3A_210 : i32
              %broadcast_in_dim3A_212 = vector.broadcast %add3A_211 : i32 to vector<16xi32>
              %add3A_213 = arith.addi %broadcast_in_dim3A_212, %iota3A : vector<16xi32>
              %and3A_214 = arith.constant 127 : i32
              %and3A_215 = vector.broadcast %and3A_214 : i32 to vector<16xi32>
              %and3A_216 = arith.andi %add3A_213, %and3A_215 : vector<16xi32>
              %gather3A_217 = arith.constant 0 : i32
              %gather3A_218 = arith.constant 0 : i32
              %gather3A_219 = tpu.memref_slice %arg12[%and3A_119, %gather3A_217, %gather3A_218] : memref<2x64x128xf32, #tpu.memory_space<vmem>> -> memref<1x64x128xf32, #tpu.memory_space<vmem>>
              %gather3A_220 = tpu.memref_squeeze %gather3A_219 : memref<1x64x128xf32, #tpu.memory_space<vmem>> -> memref<64x128xf32, #tpu.memory_space<vmem>>
              %gather3A_221 = tpu.vector_load_idx %gather3A_220[%add3A_160, %and3A_216] : memref<64x128xf32, #tpu.memory_space<vmem>>[vector<16xi32>, vector<16xi32>], vector<16xf32>,
              %mul3A_222 = arith.mulf %gather3A_221, %div3A_175 : vector<16xf32>
              %gather3A_223 = tpu.vector_load_idx %arg7[%sub3A_152, %and3A_216] masked %and3A_180 : memref<320x128xf32, #tpu.memory_space<vmem>>[vector<16xi32>, vector<16xi32>], vector<16xf32>, vector<16xi1>
              %max3A_224 = arith.maximumf %gather3A_223, %mul3A_222 : vector<16xf32>
              tpu.vector_store_idx %arg7[%sub3A_152, %and3A_216], %max3A_224 masked %and3A_180 : memref<320x128xf32, #tpu.memory_space<vmem>>[vector<16xi32>, vector<16xi32>], vector<16xf32>, vector<16xi1>
              %mul3A_225 = arith.constant 8 : i32
              %mul3A_226 = arith.muli %scan3A_190, %mul3A_225 : i32
              %add3A_227 = arith.constant 2 : i32
              %add3A_228 = arith.addi %mul3A_226, %add3A_227 : i32
              %broadcast_in_dim3A_229 = vector.broadcast %add3A_228 : i32 to vector<16xi32>
              %add3A_230 = arith.addi %broadcast_in_dim3A_229, %iota3A : vector<16xi32>
              %and3A_231 = arith.constant 127 : i32
              %and3A_232 = vector.broadcast %and3A_231 : i32 to vector<16xi32>
              %and3A_233 = arith.andi %add3A_230, %and3A_232 : vector<16xi32>
              %gather3A_234 = arith.constant 0 : i32
              %gather3A_235 = arith.constant 0 : i32
              %gather3A_236 = tpu.memref_slice %arg12[%and3A_119, %gather3A_234, %gather3A_235] : memref<2x64x128xf32, #tpu.memory_space<vmem>> -> memref<1x64x128xf32, #tpu.memory_space<vmem>>
              %gather3A_237 = tpu.memref_squeeze %gather3A_236 : memref<1x64x128xf32, #tpu.memory_space<vmem>> -> memref<64x128xf32, #tpu.memory_space<vmem>>
              %gather3A_238 = tpu.vector_load_idx %gather3A_237[%add3A_160, %and3A_233] : memref<64x128xf32, #tpu.memory_space<vmem>>[vector<16xi32>, vector<16xi32>], vector<16xf32>,
              %mul3A_239 = arith.mulf %gather3A_238, %div3A_175 : vector<16xf32>
              %gather3A_240 = tpu.vector_load_idx %arg7[%sub3A_152, %and3A_233] masked %and3A_180 : memref<320x128xf32, #tpu.memory_space<vmem>>[vector<16xi32>, vector<16xi32>], vector<16xf32>, vector<16xi1>
              %max3A_241 = arith.maximumf %gather3A_240, %mul3A_239 : vector<16xf32>
              tpu.vector_store_idx %arg7[%sub3A_152, %and3A_233], %max3A_241 masked %and3A_180 : memref<320x128xf32, #tpu.memory_space<vmem>>[vector<16xi32>, vector<16xi32>], vector<16xf32>, vector<16xi1>
              %mul3A_242 = arith.constant 8 : i32
              %mul3A_243 = arith.muli %scan3A_190, %mul3A_242 : i32
              %add3A_244 = arith.constant 3 : i32
              %add3A_245 = arith.addi %mul3A_243, %add3A_244 : i32
              %broadcast_in_dim3A_246 = vector.broadcast %add3A_245 : i32 to vector<16xi32>
              %add3A_247 = arith.addi %broadcast_in_dim3A_246, %iota3A : vector<16xi32>
              %and3A_248 = arith.constant 127 : i32
              %and3A_249 = vector.broadcast %and3A_248 : i32 to vector<16xi32>
              %and3A_250 = arith.andi %add3A_247, %and3A_249 : vector<16xi32>
              %gather3A_251 = arith.constant 0 : i32
              %gather3A_252 = arith.constant 0 : i32
              %gather3A_253 = tpu.memref_slice %arg12[%and3A_119, %gather3A_251, %gather3A_252] : memref<2x64x128xf32, #tpu.memory_space<vmem>> -> memref<1x64x128xf32, #tpu.memory_space<vmem>>
              %gather3A_254 = tpu.memref_squeeze %gather3A_253 : memref<1x64x128xf32, #tpu.memory_space<vmem>> -> memref<64x128xf32, #tpu.memory_space<vmem>>
              %gather3A_255 = tpu.vector_load_idx %gather3A_254[%add3A_160, %and3A_250] : memref<64x128xf32, #tpu.memory_space<vmem>>[vector<16xi32>, vector<16xi32>], vector<16xf32>,
              %mul3A_256 = arith.mulf %gather3A_255, %div3A_175 : vector<16xf32>
              %gather3A_257 = tpu.vector_load_idx %arg7[%sub3A_152, %and3A_250] masked %and3A_180 : memref<320x128xf32, #tpu.memory_space<vmem>>[vector<16xi32>, vector<16xi32>], vector<16xf32>, vector<16xi1>
              %max3A_258 = arith.maximumf %gather3A_257, %mul3A_256 : vector<16xf32>
              tpu.vector_store_idx %arg7[%sub3A_152, %and3A_250], %max3A_258 masked %and3A_180 : memref<320x128xf32, #tpu.memory_space<vmem>>[vector<16xi32>, vector<16xi32>], vector<16xf32>, vector<16xi1>
              %mul3A_259 = arith.constant 8 : i32
              %mul3A_260 = arith.muli %scan3A_190, %mul3A_259 : i32
              %add3A_261 = arith.constant 4 : i32
              %add3A_262 = arith.addi %mul3A_260, %add3A_261 : i32
              %broadcast_in_dim3A_263 = vector.broadcast %add3A_262 : i32 to vector<16xi32>
              %add3A_264 = arith.addi %broadcast_in_dim3A_263, %iota3A : vector<16xi32>
              %and3A_265 = arith.constant 127 : i32
              %and3A_266 = vector.broadcast %and3A_265 : i32 to vector<16xi32>
              %and3A_267 = arith.andi %add3A_264, %and3A_266 : vector<16xi32>
              %gather3A_268 = arith.constant 0 : i32
              %gather3A_269 = arith.constant 0 : i32
              %gather3A_270 = tpu.memref_slice %arg12[%and3A_119, %gather3A_268, %gather3A_269] : memref<2x64x128xf32, #tpu.memory_space<vmem>> -> memref<1x64x128xf32, #tpu.memory_space<vmem>>
              %gather3A_271 = tpu.memref_squeeze %gather3A_270 : memref<1x64x128xf32, #tpu.memory_space<vmem>> -> memref<64x128xf32, #tpu.memory_space<vmem>>
              %gather3A_272 = tpu.vector_load_idx %gather3A_271[%add3A_160, %and3A_267] : memref<64x128xf32, #tpu.memory_space<vmem>>[vector<16xi32>, vector<16xi32>], vector<16xf32>,
              %mul3A_273 = arith.mulf %gather3A_272, %div3A_175 : vector<16xf32>
              %gather3A_274 = tpu.vector_load_idx %arg7[%sub3A_152, %and3A_267] masked %and3A_180 : memref<320x128xf32, #tpu.memory_space<vmem>>[vector<16xi32>, vector<16xi32>], vector<16xf32>, vector<16xi1>
              %max3A_275 = arith.maximumf %gather3A_274, %mul3A_273 : vector<16xf32>
              tpu.vector_store_idx %arg7[%sub3A_152, %and3A_267], %max3A_275 masked %and3A_180 : memref<320x128xf32, #tpu.memory_space<vmem>>[vector<16xi32>, vector<16xi32>], vector<16xf32>, vector<16xi1>
              %mul3A_276 = arith.constant 8 : i32
              %mul3A_277 = arith.muli %scan3A_190, %mul3A_276 : i32
              %add3A_278 = arith.constant 5 : i32
              %add3A_279 = arith.addi %mul3A_277, %add3A_278 : i32
              %broadcast_in_dim3A_280 = vector.broadcast %add3A_279 : i32 to vector<16xi32>
              %add3A_281 = arith.addi %broadcast_in_dim3A_280, %iota3A : vector<16xi32>
              %and3A_282 = arith.constant 127 : i32
              %and3A_283 = vector.broadcast %and3A_282 : i32 to vector<16xi32>
              %and3A_284 = arith.andi %add3A_281, %and3A_283 : vector<16xi32>
              %gather3A_285 = arith.constant 0 : i32
              %gather3A_286 = arith.constant 0 : i32
              %gather3A_287 = tpu.memref_slice %arg12[%and3A_119, %gather3A_285, %gather3A_286] : memref<2x64x128xf32, #tpu.memory_space<vmem>> -> memref<1x64x128xf32, #tpu.memory_space<vmem>>
              %gather3A_288 = tpu.memref_squeeze %gather3A_287 : memref<1x64x128xf32, #tpu.memory_space<vmem>> -> memref<64x128xf32, #tpu.memory_space<vmem>>
              %gather3A_289 = tpu.vector_load_idx %gather3A_288[%add3A_160, %and3A_284] : memref<64x128xf32, #tpu.memory_space<vmem>>[vector<16xi32>, vector<16xi32>], vector<16xf32>,
              %mul3A_290 = arith.mulf %gather3A_289, %div3A_175 : vector<16xf32>
              %gather3A_291 = tpu.vector_load_idx %arg7[%sub3A_152, %and3A_284] masked %and3A_180 : memref<320x128xf32, #tpu.memory_space<vmem>>[vector<16xi32>, vector<16xi32>], vector<16xf32>, vector<16xi1>
              %max3A_292 = arith.maximumf %gather3A_291, %mul3A_290 : vector<16xf32>
              tpu.vector_store_idx %arg7[%sub3A_152, %and3A_284], %max3A_292 masked %and3A_180 : memref<320x128xf32, #tpu.memory_space<vmem>>[vector<16xi32>, vector<16xi32>], vector<16xf32>, vector<16xi1>
              %mul3A_293 = arith.constant 8 : i32
              %mul3A_294 = arith.muli %scan3A_190, %mul3A_293 : i32
              %add3A_295 = arith.constant 6 : i32
              %add3A_296 = arith.addi %mul3A_294, %add3A_295 : i32
              %broadcast_in_dim3A_297 = vector.broadcast %add3A_296 : i32 to vector<16xi32>
              %add3A_298 = arith.addi %broadcast_in_dim3A_297, %iota3A : vector<16xi32>
              %and3A_299 = arith.constant 127 : i32
              %and3A_300 = vector.broadcast %and3A_299 : i32 to vector<16xi32>
              %and3A_301 = arith.andi %add3A_298, %and3A_300 : vector<16xi32>
              %gather3A_302 = arith.constant 0 : i32
              %gather3A_303 = arith.constant 0 : i32
              %gather3A_304 = tpu.memref_slice %arg12[%and3A_119, %gather3A_302, %gather3A_303] : memref<2x64x128xf32, #tpu.memory_space<vmem>> -> memref<1x64x128xf32, #tpu.memory_space<vmem>>
              %gather3A_305 = tpu.memref_squeeze %gather3A_304 : memref<1x64x128xf32, #tpu.memory_space<vmem>> -> memref<64x128xf32, #tpu.memory_space<vmem>>
              %gather3A_306 = tpu.vector_load_idx %gather3A_305[%add3A_160, %and3A_301] : memref<64x128xf32, #tpu.memory_space<vmem>>[vector<16xi32>, vector<16xi32>], vector<16xf32>,
              %mul3A_307 = arith.mulf %gather3A_306, %div3A_175 : vector<16xf32>
              %gather3A_308 = tpu.vector_load_idx %arg7[%sub3A_152, %and3A_301] masked %and3A_180 : memref<320x128xf32, #tpu.memory_space<vmem>>[vector<16xi32>, vector<16xi32>], vector<16xf32>, vector<16xi1>
              %max3A_309 = arith.maximumf %gather3A_308, %mul3A_307 : vector<16xf32>
              tpu.vector_store_idx %arg7[%sub3A_152, %and3A_301], %max3A_309 masked %and3A_180 : memref<320x128xf32, #tpu.memory_space<vmem>>[vector<16xi32>, vector<16xi32>], vector<16xf32>, vector<16xi1>
              %mul3A_310 = arith.constant 8 : i32
              %mul3A_311 = arith.muli %scan3A_190, %mul3A_310 : i32
              %add3A_312 = arith.constant 7 : i32
              %add3A_313 = arith.addi %mul3A_311, %add3A_312 : i32
              %broadcast_in_dim3A_314 = vector.broadcast %add3A_313 : i32 to vector<16xi32>
              %add3A_315 = arith.addi %broadcast_in_dim3A_314, %iota3A : vector<16xi32>
              %and3A_316 = arith.constant 127 : i32
              %and3A_317 = vector.broadcast %and3A_316 : i32 to vector<16xi32>
              %and3A_318 = arith.andi %add3A_315, %and3A_317 : vector<16xi32>
              %gather3A_319 = arith.constant 0 : i32
              %gather3A_320 = arith.constant 0 : i32
              %gather3A_321 = tpu.memref_slice %arg12[%and3A_119, %gather3A_319, %gather3A_320] : memref<2x64x128xf32, #tpu.memory_space<vmem>> -> memref<1x64x128xf32, #tpu.memory_space<vmem>>
              %gather3A_322 = tpu.memref_squeeze %gather3A_321 : memref<1x64x128xf32, #tpu.memory_space<vmem>> -> memref<64x128xf32, #tpu.memory_space<vmem>>
              %gather3A_323 = tpu.vector_load_idx %gather3A_322[%add3A_160, %and3A_318] : memref<64x128xf32, #tpu.memory_space<vmem>>[vector<16xi32>, vector<16xi32>], vector<16xf32>,
              %mul3A_324 = arith.mulf %gather3A_323, %div3A_175 : vector<16xf32>
              %gather3A_325 = tpu.vector_load_idx %arg7[%sub3A_152, %and3A_318] masked %and3A_180 : memref<320x128xf32, #tpu.memory_space<vmem>>[vector<16xi32>, vector<16xi32>], vector<16xf32>, vector<16xi1>
              %max3A_326 = arith.maximumf %gather3A_325, %mul3A_324 : vector<16xf32>
              tpu.vector_store_idx %arg7[%sub3A_152, %and3A_318], %max3A_326 masked %and3A_180 : memref<320x128xf32, #tpu.memory_space<vmem>>[vector<16xi32>, vector<16xi32>], vector<16xf32>, vector<16xi1>
              %scan3A_327 = arith.constant 0 : i32
              scf.yield %scan3A_327 : i32
            }
            %scan3A_187 = arith.constant 16 : i32
            %not3A = arith.constant dense<true> : vector<16xi1>
            %not3A_188 = arith.xori %and3A_180, %not3A : vector<16xi1>
            %and3A_189 = arith.andi %while3A_178, %not3A_188 : vector<16xi1>
            scf.yield %and3A_189 : vector<16xi1>
          }
          %scan3A_177 = arith.constant 0 : i32
          scf.yield %scan3A_177 : i32
        }
        %scan3A_142 = arith.constant 4 : i32
        %while3A_143 = arith.constant 0 : i32
        scf.yield %while3A_143 : i32
      }
      %shift_left3A = arith.constant 6 : i32
      %shift_left3A_70 = arith.shli %shift_right_arithmetic3A_53, %shift_left3A : i32
      %add3A_71 = arith.constant 0 : i32
      %add3A_72 = arith.addi %shift_left3A_70, %add3A_71 : i32
      %get3A = arith.index_cast %add3A_72 : i32 to index
      %get3A_73 = tpu.vector_load %arg10[%get3A] {strides = array<i32>} : memref<6464xi32, #tpu.memory_space<vmem>>, vector<16xi32>,
      %add3A_74 = arith.constant 0 : i32
      %add3A_75 = arith.addi %shift_left3A_70, %add3A_74 : i32
      %get3A_76 = arith.index_cast %add3A_75 : i32 to index
      %get3A_77 = tpu.vector_load %arg11[%get3A_76] {strides = array<i32>} : memref<6464xi32, #tpu.memory_space<vmem>>, vector<16xi32>,
      %swap3A = arith.constant 0 : index
      %swap3A_78 = tpu.vector_load %arg10[%swap3A] {strides = array<i32>} : memref<6464xi32, #tpu.memory_space<vmem>>, vector<16xi32>,
      tpu.vector_store %arg10[%swap3A], %get3A_73 {strides = array<i32>} : memref<6464xi32, #tpu.memory_space<vmem>>, vector<16xi32>,
      %swap3A_79 = arith.constant 0 : index
      %swap3A_80 = tpu.vector_load %arg11[%swap3A_79] {strides = array<i32>} : memref<6464xi32, #tpu.memory_space<vmem>>, vector<16xi32>,
      tpu.vector_store %arg11[%swap3A_79], %get3A_77 {strides = array<i32>} : memref<6464xi32, #tpu.memory_space<vmem>>, vector<16xi32>,
      %add3A_81 = arith.constant 16 : i32
      %add3A_82 = arith.addi %shift_left3A_70, %add3A_81 : i32
      %get3A_83 = arith.index_cast %add3A_82 : i32 to index
      %get3A_84 = tpu.vector_load %arg10[%get3A_83] {strides = array<i32>} : memref<6464xi32, #tpu.memory_space<vmem>>, vector<16xi32>,
      %add3A_85 = arith.constant 16 : i32
      %add3A_86 = arith.addi %shift_left3A_70, %add3A_85 : i32
      %get3A_87 = arith.index_cast %add3A_86 : i32 to index
      %get3A_88 = tpu.vector_load %arg11[%get3A_87] {strides = array<i32>} : memref<6464xi32, #tpu.memory_space<vmem>>, vector<16xi32>,
      %swap3A_89 = arith.constant 16 : index
      %swap3A_90 = tpu.vector_load %arg10[%swap3A_89] {strides = array<i32>} : memref<6464xi32, #tpu.memory_space<vmem>>, vector<16xi32>,
      tpu.vector_store %arg10[%swap3A_89], %get3A_84 {strides = array<i32>} : memref<6464xi32, #tpu.memory_space<vmem>>, vector<16xi32>,
      %swap3A_91 = arith.constant 16 : index
      %swap3A_92 = tpu.vector_load %arg11[%swap3A_91] {strides = array<i32>} : memref<6464xi32, #tpu.memory_space<vmem>>, vector<16xi32>,
      tpu.vector_store %arg11[%swap3A_91], %get3A_88 {strides = array<i32>} : memref<6464xi32, #tpu.memory_space<vmem>>, vector<16xi32>,
      %add3A_93 = arith.constant 32 : i32
      %add3A_94 = arith.addi %shift_left3A_70, %add3A_93 : i32
      %get3A_95 = arith.index_cast %add3A_94 : i32 to index
      %get3A_96 = tpu.vector_load %arg10[%get3A_95] {strides = array<i32>} : memref<6464xi32, #tpu.memory_space<vmem>>, vector<16xi32>,
      %add3A_97 = arith.constant 32 : i32
      %add3A_98 = arith.addi %shift_left3A_70, %add3A_97 : i32
      %get3A_99 = arith.index_cast %add3A_98 : i32 to index
      %get3A_100 = tpu.vector_load %arg11[%get3A_99] {strides = array<i32>} : memref<6464xi32, #tpu.memory_space<vmem>>, vector<16xi32>,
      %swap3A_101 = arith.constant 32 : index
      %swap3A_102 = tpu.vector_load %arg10[%swap3A_101] {strides = array<i32>} : memref<6464xi32, #tpu.memory_space<vmem>>, vector<16xi32>,
      tpu.vector_store %arg10[%swap3A_101], %get3A_96 {strides = array<i32>} : memref<6464xi32, #tpu.memory_space<vmem>>, vector<16xi32>,
      %swap3A_103 = arith.constant 32 : index
      %swap3A_104 = tpu.vector_load %arg11[%swap3A_103] {strides = array<i32>} : memref<6464xi32, #tpu.memory_space<vmem>>, vector<16xi32>,
      tpu.vector_store %arg11[%swap3A_103], %get3A_100 {strides = array<i32>} : memref<6464xi32, #tpu.memory_space<vmem>>, vector<16xi32>,
      %add3A_105 = arith.constant 48 : i32
      %add3A_106 = arith.addi %shift_left3A_70, %add3A_105 : i32
      %get3A_107 = arith.index_cast %add3A_106 : i32 to index
      %get3A_108 = tpu.vector_load %arg10[%get3A_107] {strides = array<i32>} : memref<6464xi32, #tpu.memory_space<vmem>>, vector<16xi32>,
      %add3A_109 = arith.constant 48 : i32
      %add3A_110 = arith.addi %shift_left3A_70, %add3A_109 : i32
      %get3A_111 = arith.index_cast %add3A_110 : i32 to index
      %get3A_112 = tpu.vector_load %arg11[%get3A_111] {strides = array<i32>} : memref<6464xi32, #tpu.memory_space<vmem>>, vector<16xi32>,
      %swap3A_113 = arith.constant 48 : index
      %swap3A_114 = tpu.vector_load %arg10[%swap3A_113] {strides = array<i32>} : memref<6464xi32, #tpu.memory_space<vmem>>, vector<16xi32>,
      tpu.vector_store %arg10[%swap3A_113], %get3A_108 {strides = array<i32>} : memref<6464xi32, #tpu.memory_space<vmem>>, vector<16xi32>,
      %swap3A_115 = arith.constant 48 : index
      %swap3A_116 = tpu.vector_load %arg11[%swap3A_115] {strides = array<i32>} : memref<6464xi32, #tpu.memory_space<vmem>>, vector<16xi32>,
      tpu.vector_store %arg11[%swap3A_115], %get3A_112 {strides = array<i32>} : memref<6464xi32, #tpu.memory_space<vmem>>, vector<16xi32>,
      %sub3A = arith.subi %reduce_max3A_52, %shift_left3A_70 : i32
      scf.yield %sub3A : i32
    }
    %scan3A_24 = arith.constant 50 : i32
    %gt3A = arith.constant 0 : i32
    %gt3A_25 = arith.cmpi sgt, %scan3A_23, %gt3A : i32
    %convert_element_type3A = arith.extui %gt3A_25 : i1 to i32
    %cond3A = arith.constant 0 : i32
    %cond3A_26 = arith.cmpi ne, %convert_element_type3A, %cond3A : i32
    scf.if %cond3A_26 {
      %eq3A = arith.constant 0 : i32
      %eq3A_34 = arith.constant 0 : i32
      %eq3A_35 = arith.cmpi eq, %eq3A, %eq3A_34 : i32
      %convert_element_type3A_36 = arith.extui %eq3A_35 : i1 to i32
      %cond3A_37 = arith.constant 0 : i32
      %cond3A_38 = arith.constant 0 : i32
      %cond3A_39 = arith.cmpi ne, %convert_element_type3A_36, %cond3A_38 : i32
      scf.if %cond3A_39 {
        %dma_start3A = arith.constant 0 : i32
        %dma_start3A_69 = arith.constant 0 : i32
        %dma_start3A_70 = tpu.memref_slice %arg12[%cond3A_37, %dma_start3A, %dma_start3A_69] : memref<2x64x128xf32, #tpu.memory_space<vmem>> -> memref<1x64x128xf32, #tpu.memory_space<vmem>>
        %dma_start3A_71 = tpu.memref_squeeze %dma_start3A_70 : memref<1x64x128xf32, #tpu.memory_space<vmem>> -> memref<64x128xf32, #tpu.memory_space<vmem>>
        %dma_start3A_72 = arith.constant 0 : i32
        %dma_start3A_73 = tpu.memref_slice %arg10[%dma_start3A_72] : memref<6464xi32, #tpu.memory_space<vmem>> -> memref<64xi32, #tpu.memory_space<vmem>>
        %dma_start3A_74 = arith.constant 0 : i32
        %dma_start3A_75 = arith.constant 0 : i32
        %dma_start3A_76 = tpu.memref_slice %arg2[%dma_start3A_74, %dma_start3A_75] : memref<10240x128xf32, #tpu.memory_space<hbm>> -> memref<10240x128xf32, #tpu.memory_space<hbm>>
        tpu.enqueue_indirect_dma source(%dma_start3A_76 : memref<10240x128xf32, #tpu.memory_space<hbm>>) target(%dma_start3A_71 : memref<64x128xf32, #tpu.memory_space<vmem>>) offsets(%dma_start3A_73 : memref<64xi32, #tpu.memory_space<vmem>>) semaphore(%arg15 : memref<!tpu.dma_semaphore, #tpu.memory_space<semaphore_mem>>)
      } else {
      }
      %eq3A_40 = arith.constant 0 : i32
      %eq3A_41 = arith.constant 1 : i32
      %eq3A_42 = arith.cmpi eq, %eq3A_40, %eq3A_41 : i32
      %convert_element_type3A_43 = arith.extui %eq3A_42 : i1 to i32
      %cond3A_44 = arith.constant 0 : i32
      %cond3A_45 = arith.constant 0 : i32
      %cond3A_46 = arith.cmpi ne, %convert_element_type3A_43, %cond3A_45 : i32
      scf.if %cond3A_46 {
        %dma_start3A = arith.constant 0 : i32
        %dma_start3A_69 = arith.constant 0 : i32
        %dma_start3A_70 = tpu.memref_slice %arg12[%cond3A_44, %dma_start3A, %dma_start3A_69] : memref<2x64x128xf32, #tpu.memory_space<vmem>> -> memref<1x64x128xf32, #tpu.memory_space<vmem>>
        %dma_start3A_71 = tpu.memref_squeeze %dma_start3A_70 : memref<1x64x128xf32, #tpu.memory_space<vmem>> -> memref<64x128xf32, #tpu.memory_space<vmem>>
        %dma_start3A_72 = arith.constant 0 : i32
        %dma_start3A_73 = tpu.memref_slice %arg10[%dma_start3A_72] : memref<6464xi32, #tpu.memory_space<vmem>> -> memref<64xi32, #tpu.memory_space<vmem>>
        %dma_start3A_74 = arith.constant 0 : i32
        %dma_start3A_75 = arith.constant 0 : i32
        %dma_start3A_76 = tpu.memref_slice %arg2[%dma_start3A_74, %dma_start3A_75] : memref<10240x128xf32, #tpu.memory_space<hbm>> -> memref<10240x128xf32, #tpu.memory_space<hbm>>
        tpu.enqueue_indirect_dma source(%dma_start3A_76 : memref<10240x128xf32, #tpu.memory_space<hbm>>) target(%dma_start3A_71 : memref<64x128xf32, #tpu.memory_space<vmem>>) offsets(%dma_start3A_73 : memref<64xi32, #tpu.memory_space<vmem>>) semaphore(%arg16 : memref<!tpu.dma_semaphore, #tpu.memory_space<semaphore_mem>>)
      } else {
      }
      %eq3A_47 = arith.constant 0 : i32
      %eq3A_48 = arith.constant 0 : i32
      %eq3A_49 = arith.cmpi eq, %eq3A_47, %eq3A_48 : i32
      %convert_element_type3A_50 = arith.extui %eq3A_49 : i1 to i32
      %cond3A_51 = arith.constant 0 : i32
      %cond3A_52 = arith.constant 0 : i32
      %cond3A_53 = arith.cmpi ne, %convert_element_type3A_50, %cond3A_52 : i32
      scf.if %cond3A_53 {
        %dma_wait3A = arith.constant 0 : i32
        %dma_wait3A_69 = arith.constant 0 : i32
        %dma_wait3A_70 = tpu.memref_slice %arg12[%cond3A_51, %dma_wait3A, %dma_wait3A_69] : memref<2x64x128xf32, #tpu.memory_space<vmem>> -> memref<1x64x128xf32, #tpu.memory_space<vmem>>
        %dma_wait3A_71 = tpu.memref_squeeze %dma_wait3A_70 : memref<1x64x128xf32, #tpu.memory_space<vmem>> -> memref<64x128xf32, #tpu.memory_space<vmem>>
        %dma_wait3A_72 = arith.constant 0 : i32
        %dma_wait3A_73 = arith.constant 0 : i32
        %dma_wait3A_74 = tpu.memref_slice %arg2[%dma_wait3A_72, %dma_wait3A_73] : memref<10240x128xf32, #tpu.memory_space<hbm>> -> memref<64x128xf32, #tpu.memory_space<hbm>>
        %dma_wait3A_75 = arith.constant 0 : i32
        %dma_wait3A_76 = arith.constant 0 : i32
        %dma_wait3A_77 = tpu.memref_slice %arg12[%cond3A_51, %dma_wait3A_75, %dma_wait3A_76] : memref<2x64x128xf32, #tpu.memory_space<vmem>> -> memref<1x64x128xf32, #tpu.memory_space<vmem>>
        %dma_wait3A_78 = tpu.memref_squeeze %dma_wait3A_77 : memref<1x64x128xf32, #tpu.memory_space<vmem>> -> memref<64x128xf32, #tpu.memory_space<vmem>>
        %dma_wait3A_79 = arith.constant 0 : i32
        %dma_wait3A_80 = arith.constant 0 : i32
        %dma_wait3A_81 = tpu.memref_slice %arg2[%dma_wait3A_79, %dma_wait3A_80] : memref<10240x128xf32, #tpu.memory_space<hbm>> -> memref<64x128xf32, #tpu.memory_space<hbm>>
        tpu.wait_dma2 semaphore(%arg15 : memref<!tpu.dma_semaphore, #tpu.memory_space<semaphore_mem>>) src(%dma_wait3A_81 : memref<64x128xf32, #tpu.memory_space<hbm>>) dst(%dma_wait3A_78 : memref<64x128xf32, #tpu.memory_space<vmem>>)
      } else {
      }
      %eq3A_54 = arith.constant 0 : i32
      %eq3A_55 = arith.constant 1 : i32
      %eq3A_56 = arith.cmpi eq, %eq3A_54, %eq3A_55 : i32
      %convert_element_type3A_57 = arith.extui %eq3A_56 : i1 to i32
      %cond3A_58 = arith.constant 0 : i32
      %cond3A_59 = arith.constant 0 : i32
      %cond3A_60 = arith.cmpi ne, %convert_element_type3A_57, %cond3A_59 : i32
      scf.if %cond3A_60 {
        %dma_wait3A = arith.constant 0 : i32
        %dma_wait3A_69 = arith.constant 0 : i32
        %dma_wait3A_70 = tpu.memref_slice %arg12[%cond3A_58, %dma_wait3A, %dma_wait3A_69] : memref<2x64x128xf32, #tpu.memory_space<vmem>> -> memref<1x64x128xf32, #tpu.memory_space<vmem>>
        %dma_wait3A_71 = tpu.memref_squeeze %dma_wait3A_70 : memref<1x64x128xf32, #tpu.memory_space<vmem>> -> memref<64x128xf32, #tpu.memory_space<vmem>>
        %dma_wait3A_72 = arith.constant 0 : i32
        %dma_wait3A_73 = arith.constant 0 : i32
        %dma_wait3A_74 = tpu.memref_slice %arg2[%dma_wait3A_72, %dma_wait3A_73] : memref<10240x128xf32, #tpu.memory_space<hbm>> -> memref<64x128xf32, #tpu.memory_space<hbm>>
        %dma_wait3A_75 = arith.constant 0 : i32
        %dma_wait3A_76 = arith.constant 0 : i32
        %dma_wait3A_77 = tpu.memref_slice %arg12[%cond3A_58, %dma_wait3A_75, %dma_wait3A_76] : memref<2x64x128xf32, #tpu.memory_space<vmem>> -> memref<1x64x128xf32, #tpu.memory_space<vmem>>
        %dma_wait3A_78 = tpu.memref_squeeze %dma_wait3A_77 : memref<1x64x128xf32, #tpu.memory_space<vmem>> -> memref<64x128xf32, #tpu.memory_space<vmem>>
        %dma_wait3A_79 = arith.constant 0 : i32
        %dma_wait3A_80 = arith.constant 0 : i32
        %dma_wait3A_81 = tpu.memref_slice %arg2[%dma_wait3A_79, %dma_wait3A_80] : memref<10240x128xf32, #tpu.memory_space<hbm>> -> memref<64x128xf32, #tpu.memory_space<hbm>>
        tpu.wait_dma2 semaphore(%arg16 : memref<!tpu.dma_semaphore, #tpu.memory_space<semaphore_mem>>) src(%dma_wait3A_81 : memref<64x128xf32, #tpu.memory_space<hbm>>) dst(%dma_wait3A_78 : memref<64x128xf32, #tpu.memory_space<vmem>>)
      } else {
      }
      %scan3A_61 = arith.constant 0 : i32
      %scan3A_62 = arith.constant 0 : i32
      %scan3A_63 = arith.constant 0 : i32
      %scan3A_64 = arith.constant 4 : i32
      %scan3A_65 = arith.addi %scan3A_63, %scan3A_64 : i32
      %scan3A_66 = arith.constant 1 : i32
      %scan3A_67 = scf.for %scan3A_69 = %scan3A_63 to %scan3A_65 step %scan3A_66 iter_args(%scan3A_70 = %scan3A_62) -> (i32)  : i32 {
        %mul3A_71 = arith.constant 16 : i32
        %mul3A_72 = arith.muli %scan3A_69, %mul3A_71 : i32
        %add3A_73 = arith.constant 0 : i32
        %add3A_74 = arith.addi %add3A_73, %mul3A_72 : i32
        %get3A = arith.index_cast %add3A_74 : i32 to index
        %get3A_75 = tpu.vector_load %arg11[%get3A] {strides = array<i32>} : memref<6464xi32, #tpu.memory_space<vmem>>, vector<16xi32>,
        %sub3A = vector.broadcast %mul3A_2 : i32 to vector<16xi32>
        %sub3A_76 = arith.subi %get3A_75, %sub3A : vector<16xi32>
        %add3A_77 = vector.broadcast %add3A_74 : i32 to vector<16xi32>
        %add3A_78 = arith.addi %add3A_77, %iota3A : vector<16xi32>
        %lt3A = vector.broadcast %scan3A_23 : i32 to vector<16xi32>
        %lt3A_79 = arith.cmpi slt, %add3A_78, %lt3A : vector<16xi32>
        %mul3A_80 = arith.constant 16 : i32
        %mul3A_81 = arith.muli %scan3A_69, %mul3A_80 : i32
        %add3A_82 = vector.broadcast %mul3A_81 : i32 to vector<16xi32>
        %add3A_83 = arith.addi %add3A_82, %iota3A : vector<16xi32>
        %broadcast_in_dim3A = arith.constant 0.000000e+00 : f32
        %broadcast_in_dim3A_84 = vector.broadcast %broadcast_in_dim3A : f32 to vector<16xf32>
        %scan3A_85 = arith.constant 0 : i32
        %scan3A_86 = arith.constant 16 : i32
        %scan3A_87 = arith.addi %scan3A_85, %scan3A_86 : i32
        %scan3A_88 = arith.constant 1 : i32
        %scan3A_89 = scf.for %scan3A_99 = %scan3A_85 to %scan3A_87 step %scan3A_88 iter_args(%scan3A_100 = %broadcast_in_dim3A_84) -> (vector<16xf32>)  : i32 {
          %mul3A_101 = arith.constant 8 : i32
          %mul3A_102 = arith.muli %scan3A_99, %mul3A_101 : i32
          %add3A_103 = arith.constant 0 : i32
          %add3A_104 = arith.addi %mul3A_102, %add3A_103 : i32
          %broadcast_in_dim3A_105 = vector.broadcast %add3A_104 : i32 to vector<16xi32>
          %add3A_106 = arith.addi %broadcast_in_dim3A_105, %iota3A : vector<16xi32>
          %and3A = arith.constant 127 : i32
          %and3A_107 = vector.broadcast %and3A : i32 to vector<16xi32>
          %and3A_108 = arith.andi %add3A_106, %and3A_107 : vector<16xi32>
          %gather3A = arith.constant 0 : i32
          %gather3A_109 = arith.constant 0 : i32
          %gather3A_110 = tpu.memref_slice %arg12[%scan3A_61, %gather3A, %gather3A_109] : memref<2x64x128xf32, #tpu.memory_space<vmem>> -> memref<1x64x128xf32, #tpu.memory_space<vmem>>
          %gather3A_111 = tpu.memref_squeeze %gather3A_110 : memref<1x64x128xf32, #tpu.memory_space<vmem>> -> memref<64x128xf32, #tpu.memory_space<vmem>>
          %gather3A_112 = tpu.vector_load_idx %gather3A_111[%add3A_83, %and3A_108] : memref<64x128xf32, #tpu.memory_space<vmem>>[vector<16xi32>, vector<16xi32>], vector<16xf32>,
          %gather3A_113 = tpu.vector_load_idx %arg13[%sub3A_76, %and3A_108] : memref<320x128xf32, #tpu.memory_space<vmem>>[vector<16xi32>, vector<16xi32>], vector<16xf32>,
          %mul3A_114 = arith.mulf %gather3A_112, %gather3A_113 : vector<16xf32>
          %add3A_115 = arith.addf %scan3A_100, %mul3A_114 : vector<16xf32>
          %mul3A_116 = arith.constant 8 : i32
          %mul3A_117 = arith.muli %scan3A_99, %mul3A_116 : i32
          %add3A_118 = arith.constant 1 : i32
          %add3A_119 = arith.addi %mul3A_117, %add3A_118 : i32
          %broadcast_in_dim3A_120 = vector.broadcast %add3A_119 : i32 to vector<16xi32>
          %add3A_121 = arith.addi %broadcast_in_dim3A_120, %iota3A : vector<16xi32>
          %and3A_122 = arith.constant 127 : i32
          %and3A_123 = vector.broadcast %and3A_122 : i32 to vector<16xi32>
          %and3A_124 = arith.andi %add3A_121, %and3A_123 : vector<16xi32>
          %gather3A_125 = arith.constant 0 : i32
          %gather3A_126 = arith.constant 0 : i32
          %gather3A_127 = tpu.memref_slice %arg12[%scan3A_61, %gather3A_125, %gather3A_126] : memref<2x64x128xf32, #tpu.memory_space<vmem>> -> memref<1x64x128xf32, #tpu.memory_space<vmem>>
          %gather3A_128 = tpu.memref_squeeze %gather3A_127 : memref<1x64x128xf32, #tpu.memory_space<vmem>> -> memref<64x128xf32, #tpu.memory_space<vmem>>
          %gather3A_129 = tpu.vector_load_idx %gather3A_128[%add3A_83, %and3A_124] : memref<64x128xf32, #tpu.memory_space<vmem>>[vector<16xi32>, vector<16xi32>], vector<16xf32>,
          %gather3A_130 = tpu.vector_load_idx %arg13[%sub3A_76, %and3A_124] : memref<320x128xf32, #tpu.memory_space<vmem>>[vector<16xi32>, vector<16xi32>], vector<16xf32>,
          %mul3A_131 = arith.mulf %gather3A_129, %gather3A_130 : vector<16xf32>
          %add3A_132 = arith.addf %add3A_115, %mul3A_131 : vector<16xf32>
          %mul3A_133 = arith.constant 8 : i32
          %mul3A_134 = arith.muli %scan3A_99, %mul3A_133 : i32
          %add3A_135 = arith.constant 2 : i32
          %add3A_136 = arith.addi %mul3A_134, %add3A_135 : i32
          %broadcast_in_dim3A_137 = vector.broadcast %add3A_136 : i32 to vector<16xi32>
          %add3A_138 = arith.addi %broadcast_in_dim3A_137, %iota3A : vector<16xi32>
          %and3A_139 = arith.constant 127 : i32
          %and3A_140 = vector.broadcast %and3A_139 : i32 to vector<16xi32>
          %and3A_141 = arith.andi %add3A_138, %and3A_140 : vector<16xi32>
          %gather3A_142 = arith.constant 0 : i32
          %gather3A_143 = arith.constant 0 : i32
          %gather3A_144 = tpu.memref_slice %arg12[%scan3A_61, %gather3A_142, %gather3A_143] : memref<2x64x128xf32, #tpu.memory_space<vmem>> -> memref<1x64x128xf32, #tpu.memory_space<vmem>>
          %gather3A_145 = tpu.memref_squeeze %gather3A_144 : memref<1x64x128xf32, #tpu.memory_space<vmem>> -> memref<64x128xf32, #tpu.memory_space<vmem>>
          %gather3A_146 = tpu.vector_load_idx %gather3A_145[%add3A_83, %and3A_141] : memref<64x128xf32, #tpu.memory_space<vmem>>[vector<16xi32>, vector<16xi32>], vector<16xf32>,
          %gather3A_147 = tpu.vector_load_idx %arg13[%sub3A_76, %and3A_141] : memref<320x128xf32, #tpu.memory_space<vmem>>[vector<16xi32>, vector<16xi32>], vector<16xf32>,
          %mul3A_148 = arith.mulf %gather3A_146, %gather3A_147 : vector<16xf32>
          %add3A_149 = arith.addf %add3A_132, %mul3A_148 : vector<16xf32>
          %mul3A_150 = arith.constant 8 : i32
          %mul3A_151 = arith.muli %scan3A_99, %mul3A_150 : i32
          %add3A_152 = arith.constant 3 : i32
          %add3A_153 = arith.addi %mul3A_151, %add3A_152 : i32
          %broadcast_in_dim3A_154 = vector.broadcast %add3A_153 : i32 to vector<16xi32>
          %add3A_155 = arith.addi %broadcast_in_dim3A_154, %iota3A : vector<16xi32>
          %and3A_156 = arith.constant 127 : i32
          %and3A_157 = vector.broadcast %and3A_156 : i32 to vector<16xi32>
          %and3A_158 = arith.andi %add3A_155, %and3A_157 : vector<16xi32>
          %gather3A_159 = arith.constant 0 : i32
          %gather3A_160 = arith.constant 0 : i32
          %gather3A_161 = tpu.memref_slice %arg12[%scan3A_61, %gather3A_159, %gather3A_160] : memref<2x64x128xf32, #tpu.memory_space<vmem>> -> memref<1x64x128xf32, #tpu.memory_space<vmem>>
          %gather3A_162 = tpu.memref_squeeze %gather3A_161 : memref<1x64x128xf32, #tpu.memory_space<vmem>> -> memref<64x128xf32, #tpu.memory_space<vmem>>
          %gather3A_163 = tpu.vector_load_idx %gather3A_162[%add3A_83, %and3A_158] : memref<64x128xf32, #tpu.memory_space<vmem>>[vector<16xi32>, vector<16xi32>], vector<16xf32>,
          %gather3A_164 = tpu.vector_load_idx %arg13[%sub3A_76, %and3A_158] : memref<320x128xf32, #tpu.memory_space<vmem>>[vector<16xi32>, vector<16xi32>], vector<16xf32>,
          %mul3A_165 = arith.mulf %gather3A_163, %gather3A_164 : vector<16xf32>
          %add3A_166 = arith.addf %add3A_149, %mul3A_165 : vector<16xf32>
          %mul3A_167 = arith.constant 8 : i32
          %mul3A_168 = arith.muli %scan3A_99, %mul3A_167 : i32
          %add3A_169 = arith.constant 4 : i32
          %add3A_170 = arith.addi %mul3A_168, %add3A_169 : i32
          %broadcast_in_dim3A_171 = vector.broadcast %add3A_170 : i32 to vector<16xi32>
          %add3A_172 = arith.addi %broadcast_in_dim3A_171, %iota3A : vector<16xi32>
          %and3A_173 = arith.constant 127 : i32
          %and3A_174 = vector.broadcast %and3A_173 : i32 to vector<16xi32>
          %and3A_175 = arith.andi %add3A_172, %and3A_174 : vector<16xi32>
          %gather3A_176 = arith.constant 0 : i32
          %gather3A_177 = arith.constant 0 : i32
          %gather3A_178 = tpu.memref_slice %arg12[%scan3A_61, %gather3A_176, %gather3A_177] : memref<2x64x128xf32, #tpu.memory_space<vmem>> -> memref<1x64x128xf32, #tpu.memory_space<vmem>>
          %gather3A_179 = tpu.memref_squeeze %gather3A_178 : memref<1x64x128xf32, #tpu.memory_space<vmem>> -> memref<64x128xf32, #tpu.memory_space<vmem>>
          %gather3A_180 = tpu.vector_load_idx %gather3A_179[%add3A_83, %and3A_175] : memref<64x128xf32, #tpu.memory_space<vmem>>[vector<16xi32>, vector<16xi32>], vector<16xf32>,
          %gather3A_181 = tpu.vector_load_idx %arg13[%sub3A_76, %and3A_175] : memref<320x128xf32, #tpu.memory_space<vmem>>[vector<16xi32>, vector<16xi32>], vector<16xf32>,
          %mul3A_182 = arith.mulf %gather3A_180, %gather3A_181 : vector<16xf32>
          %add3A_183 = arith.addf %add3A_166, %mul3A_182 : vector<16xf32>
          %mul3A_184 = arith.constant 8 : i32
          %mul3A_185 = arith.muli %scan3A_99, %mul3A_184 : i32
          %add3A_186 = arith.constant 5 : i32
          %add3A_187 = arith.addi %mul3A_185, %add3A_186 : i32
          %broadcast_in_dim3A_188 = vector.broadcast %add3A_187 : i32 to vector<16xi32>
          %add3A_189 = arith.addi %broadcast_in_dim3A_188, %iota3A : vector<16xi32>
          %and3A_190 = arith.constant 127 : i32
          %and3A_191 = vector.broadcast %and3A_190 : i32 to vector<16xi32>
          %and3A_192 = arith.andi %add3A_189, %and3A_191 : vector<16xi32>
          %gather3A_193 = arith.constant 0 : i32
          %gather3A_194 = arith.constant 0 : i32
          %gather3A_195 = tpu.memref_slice %arg12[%scan3A_61, %gather3A_193, %gather3A_194] : memref<2x64x128xf32, #tpu.memory_space<vmem>> -> memref<1x64x128xf32, #tpu.memory_space<vmem>>
          %gather3A_196 = tpu.memref_squeeze %gather3A_195 : memref<1x64x128xf32, #tpu.memory_space<vmem>> -> memref<64x128xf32, #tpu.memory_space<vmem>>
          %gather3A_197 = tpu.vector_load_idx %gather3A_196[%add3A_83, %and3A_192] : memref<64x128xf32, #tpu.memory_space<vmem>>[vector<16xi32>, vector<16xi32>], vector<16xf32>,
          %gather3A_198 = tpu.vector_load_idx %arg13[%sub3A_76, %and3A_192] : memref<320x128xf32, #tpu.memory_space<vmem>>[vector<16xi32>, vector<16xi32>], vector<16xf32>,
          %mul3A_199 = arith.mulf %gather3A_197, %gather3A_198 : vector<16xf32>
          %add3A_200 = arith.addf %add3A_183, %mul3A_199 : vector<16xf32>
          %mul3A_201 = arith.constant 8 : i32
          %mul3A_202 = arith.muli %scan3A_99, %mul3A_201 : i32
          %add3A_203 = arith.constant 6 : i32
          %add3A_204 = arith.addi %mul3A_202, %add3A_203 : i32
          %broadcast_in_dim3A_205 = vector.broadcast %add3A_204 : i32 to vector<16xi32>
          %add3A_206 = arith.addi %broadcast_in_dim3A_205, %iota3A : vector<16xi32>
          %and3A_207 = arith.constant 127 : i32
          %and3A_208 = vector.broadcast %and3A_207 : i32 to vector<16xi32>
          %and3A_209 = arith.andi %add3A_206, %and3A_208 : vector<16xi32>
          %gather3A_210 = arith.constant 0 : i32
          %gather3A_211 = arith.constant 0 : i32
          %gather3A_212 = tpu.memref_slice %arg12[%scan3A_61, %gather3A_210, %gather3A_211] : memref<2x64x128xf32, #tpu.memory_space<vmem>> -> memref<1x64x128xf32, #tpu.memory_space<vmem>>
          %gather3A_213 = tpu.memref_squeeze %gather3A_212 : memref<1x64x128xf32, #tpu.memory_space<vmem>> -> memref<64x128xf32, #tpu.memory_space<vmem>>
          %gather3A_214 = tpu.vector_load_idx %gather3A_213[%add3A_83, %and3A_209] : memref<64x128xf32, #tpu.memory_space<vmem>>[vector<16xi32>, vector<16xi32>], vector<16xf32>,
          %gather3A_215 = tpu.vector_load_idx %arg13[%sub3A_76, %and3A_209] : memref<320x128xf32, #tpu.memory_space<vmem>>[vector<16xi32>, vector<16xi32>], vector<16xf32>,
          %mul3A_216 = arith.mulf %gather3A_214, %gather3A_215 : vector<16xf32>
          %add3A_217 = arith.addf %add3A_200, %mul3A_216 : vector<16xf32>
          %mul3A_218 = arith.constant 8 : i32
          %mul3A_219 = arith.muli %scan3A_99, %mul3A_218 : i32
          %add3A_220 = arith.constant 7 : i32
          %add3A_221 = arith.addi %mul3A_219, %add3A_220 : i32
          %broadcast_in_dim3A_222 = vector.broadcast %add3A_221 : i32 to vector<16xi32>
          %add3A_223 = arith.addi %broadcast_in_dim3A_222, %iota3A : vector<16xi32>
          %and3A_224 = arith.constant 127 : i32
          %and3A_225 = vector.broadcast %and3A_224 : i32 to vector<16xi32>
          %and3A_226 = arith.andi %add3A_223, %and3A_225 : vector<16xi32>
          %gather3A_227 = arith.constant 0 : i32
          %gather3A_228 = arith.constant 0 : i32
          %gather3A_229 = tpu.memref_slice %arg12[%scan3A_61, %gather3A_227, %gather3A_228] : memref<2x64x128xf32, #tpu.memory_space<vmem>> -> memref<1x64x128xf32, #tpu.memory_space<vmem>>
          %gather3A_230 = tpu.memref_squeeze %gather3A_229 : memref<1x64x128xf32, #tpu.memory_space<vmem>> -> memref<64x128xf32, #tpu.memory_space<vmem>>
          %gather3A_231 = tpu.vector_load_idx %gather3A_230[%add3A_83, %and3A_226] : memref<64x128xf32, #tpu.memory_space<vmem>>[vector<16xi32>, vector<16xi32>], vector<16xf32>,
          %gather3A_232 = tpu.vector_load_idx %arg13[%sub3A_76, %and3A_226] : memref<320x128xf32, #tpu.memory_space<vmem>>[vector<16xi32>, vector<16xi32>], vector<16xf32>,
          %mul3A_233 = arith.mulf %gather3A_231, %gather3A_232 : vector<16xf32>
          %add3A_234 = arith.addf %add3A_217, %mul3A_233 : vector<16xf32>
          scf.yield %add3A_234 : vector<16xf32>
        }
        %scan3A_90 = arith.constant 16 : i32
        %neg3A = arith.constant 0.000000e+00 : f32
        %neg3A_91 = vector.broadcast %neg3A : f32 to vector<16xf32>
        %neg3A_92 = arith.subf %neg3A_91, %scan3A_89 : vector<16xf32>
        %exp3A = math.exp %neg3A_92 : vector<16xf32>
        %add3A_93 = arith.constant 1.000000e+00 : f32
        %add3A_94 = vector.broadcast %add3A_93 : f32 to vector<16xf32>
        %add3A_95 = arith.addf %add3A_94, %exp3A : vector<16xf32>
        %div3A = arith.constant 1.000000e+00 : f32
        %div3A_96 = vector.broadcast %div3A : f32 to vector<16xf32>
        %div3A_97 = arith.divf %div3A_96, %add3A_95 : vector<16xf32>
        %while3A = scf.while (%while3A_99 = %lt3A_79) : (vector<16xi1>) -> vector<16xi1> {
          %all_reduce_population_count3A = tpu.all_reduce %while3A_99 {dim = 0 : i64, kind = #tpu.reduction_kind<sum>} : vector<16xi1> -> vector<16xi32>
          %reduce_max3A = arith.constant true
          %reduce_max3A_100 = vector.broadcast %reduce_max3A : i1 to vector<16xi1>
          %reduce_max3A_101 = arith.constant -2147483648 : i32
          %reduce_max3A_102 = vector.broadcast %reduce_max3A_101 : i32 to vector<16xi32>
          %reduce_max3A_103 = arith.xori %all_reduce_population_count3A, %reduce_max3A_102 : vector<16xi32>
          %reduce_max3A_104 = tpu.scan <max>, %reduce_max3A_103 masked %reduce_max3A_100 : vector<16xi32>, vector<16xi1> -> vector<16xi32>
          %reduce_max3A_105 = arith.xori %reduce_max3A_104, %reduce_max3A_102 : vector<16xi32>
          %reduce_max3A_106 = vector.extract %reduce_max3A_105[15] : i32 from vector<16xi32>
          %gt3A_107 = arith.constant 0 : i32
          %gt3A_108 = arith.cmpi sgt, %reduce_max3A_106, %gt3A_107 : i32
          scf.condition(%gt3A_108) %while3A_99 : vector<16xi1>
        } do {
        ^bb0(%while3A_99: vector<16xi1>):
          tpu.vector_store_idx %arg14[%sub3A_76], %iota3A masked %while3A_99 : memref<320xi32, #tpu.memory_space<vmem>>[vector<16xi32>], vector<16xi32>, vector<16xi1>
          %gather3A = tpu.vector_load_idx %arg14[%sub3A_76] masked %while3A_99 : memref<320xi32, #tpu.memory_space<vmem>>[vector<16xi32>], vector<16xi32>, vector<16xi1>
          %eq3A_100 = arith.cmpi eq, %gather3A, %iota3A : vector<16xi32>
          %and3A = arith.andi %while3A_99, %eq3A_100 : vector<16xi1>
          %scan3A_101 = arith.constant 0 : i32
          %scan3A_102 = arith.constant 0 : i32
          %scan3A_103 = arith.constant 16 : i32
          %scan3A_104 = arith.addi %scan3A_102, %scan3A_103 : i32
          %scan3A_105 = arith.constant 1 : i32
          %scan3A_106 = scf.for %scan3A_110 = %scan3A_102 to %scan3A_104 step %scan3A_105 iter_args(%scan3A_111 = %scan3A_101) -> (i32)  : i32 {
            %mul3A_112 = arith.constant 8 : i32
            %mul3A_113 = arith.muli %scan3A_110, %mul3A_112 : i32
            %add3A_114 = arith.constant 0 : i32
            %add3A_115 = arith.addi %mul3A_113, %add3A_114 : i32
            %broadcast_in_dim3A_116 = vector.broadcast %add3A_115 : i32 to vector<16xi32>
            %add3A_117 = arith.addi %broadcast_in_dim3A_116, %iota3A : vector<16xi32>
            %and3A_118 = arith.constant 127 : i32
            %and3A_119 = vector.broadcast %and3A_118 : i32 to vector<16xi32>
            %and3A_120 = arith.andi %add3A_117, %and3A_119 : vector<16xi32>
            %gather3A_121 = arith.constant 0 : i32
            %gather3A_122 = arith.constant 0 : i32
            %gather3A_123 = tpu.memref_slice %arg12[%scan3A_61, %gather3A_121, %gather3A_122] : memref<2x64x128xf32, #tpu.memory_space<vmem>> -> memref<1x64x128xf32, #tpu.memory_space<vmem>>
            %gather3A_124 = tpu.memref_squeeze %gather3A_123 : memref<1x64x128xf32, #tpu.memory_space<vmem>> -> memref<64x128xf32, #tpu.memory_space<vmem>>
            %gather3A_125 = tpu.vector_load_idx %gather3A_124[%add3A_83, %and3A_120] : memref<64x128xf32, #tpu.memory_space<vmem>>[vector<16xi32>, vector<16xi32>], vector<16xf32>,
            %mul3A_126 = arith.mulf %gather3A_125, %div3A_97 : vector<16xf32>
            %gather3A_127 = tpu.vector_load_idx %arg7[%sub3A_76, %and3A_120] masked %and3A : memref<320x128xf32, #tpu.memory_space<vmem>>[vector<16xi32>, vector<16xi32>], vector<16xf32>, vector<16xi1>
            %max3A = arith.maximumf %gather3A_127, %mul3A_126 : vector<16xf32>
            tpu.vector_store_idx %arg7[%sub3A_76, %and3A_120], %max3A masked %and3A : memref<320x128xf32, #tpu.memory_space<vmem>>[vector<16xi32>, vector<16xi32>], vector<16xf32>, vector<16xi1>
            %mul3A_128 = arith.constant 8 : i32
            %mul3A_129 = arith.muli %scan3A_110, %mul3A_128 : i32
            %add3A_130 = arith.constant 1 : i32
            %add3A_131 = arith.addi %mul3A_129, %add3A_130 : i32
            %broadcast_in_dim3A_132 = vector.broadcast %add3A_131 : i32 to vector<16xi32>
            %add3A_133 = arith.addi %broadcast_in_dim3A_132, %iota3A : vector<16xi32>
            %and3A_134 = arith.constant 127 : i32
            %and3A_135 = vector.broadcast %and3A_134 : i32 to vector<16xi32>
            %and3A_136 = arith.andi %add3A_133, %and3A_135 : vector<16xi32>
            %gather3A_137 = arith.constant 0 : i32
            %gather3A_138 = arith.constant 0 : i32
            %gather3A_139 = tpu.memref_slice %arg12[%scan3A_61, %gather3A_137, %gather3A_138] : memref<2x64x128xf32, #tpu.memory_space<vmem>> -> memref<1x64x128xf32, #tpu.memory_space<vmem>>
            %gather3A_140 = tpu.memref_squeeze %gather3A_139 : memref<1x64x128xf32, #tpu.memory_space<vmem>> -> memref<64x128xf32, #tpu.memory_space<vmem>>
            %gather3A_141 = tpu.vector_load_idx %gather3A_140[%add3A_83, %and3A_136] : memref<64x128xf32, #tpu.memory_space<vmem>>[vector<16xi32>, vector<16xi32>], vector<16xf32>,
            %mul3A_142 = arith.mulf %gather3A_141, %div3A_97 : vector<16xf32>
            %gather3A_143 = tpu.vector_load_idx %arg7[%sub3A_76, %and3A_136] masked %and3A : memref<320x128xf32, #tpu.memory_space<vmem>>[vector<16xi32>, vector<16xi32>], vector<16xf32>, vector<16xi1>
            %max3A_144 = arith.maximumf %gather3A_143, %mul3A_142 : vector<16xf32>
            tpu.vector_store_idx %arg7[%sub3A_76, %and3A_136], %max3A_144 masked %and3A : memref<320x128xf32, #tpu.memory_space<vmem>>[vector<16xi32>, vector<16xi32>], vector<16xf32>, vector<16xi1>
            %mul3A_145 = arith.constant 8 : i32
            %mul3A_146 = arith.muli %scan3A_110, %mul3A_145 : i32
            %add3A_147 = arith.constant 2 : i32
            %add3A_148 = arith.addi %mul3A_146, %add3A_147 : i32
            %broadcast_in_dim3A_149 = vector.broadcast %add3A_148 : i32 to vector<16xi32>
            %add3A_150 = arith.addi %broadcast_in_dim3A_149, %iota3A : vector<16xi32>
            %and3A_151 = arith.constant 127 : i32
            %and3A_152 = vector.broadcast %and3A_151 : i32 to vector<16xi32>
            %and3A_153 = arith.andi %add3A_150, %and3A_152 : vector<16xi32>
            %gather3A_154 = arith.constant 0 : i32
            %gather3A_155 = arith.constant 0 : i32
            %gather3A_156 = tpu.memref_slice %arg12[%scan3A_61, %gather3A_154, %gather3A_155] : memref<2x64x128xf32, #tpu.memory_space<vmem>> -> memref<1x64x128xf32, #tpu.memory_space<vmem>>
            %gather3A_157 = tpu.memref_squeeze %gather3A_156 : memref<1x64x128xf32, #tpu.memory_space<vmem>> -> memref<64x128xf32, #tpu.memory_space<vmem>>
            %gather3A_158 = tpu.vector_load_idx %gather3A_157[%add3A_83, %and3A_153] : memref<64x128xf32, #tpu.memory_space<vmem>>[vector<16xi32>, vector<16xi32>], vector<16xf32>,
            %mul3A_159 = arith.mulf %gather3A_158, %div3A_97 : vector<16xf32>
            %gather3A_160 = tpu.vector_load_idx %arg7[%sub3A_76, %and3A_153] masked %and3A : memref<320x128xf32, #tpu.memory_space<vmem>>[vector<16xi32>, vector<16xi32>], vector<16xf32>, vector<16xi1>
            %max3A_161 = arith.maximumf %gather3A_160, %mul3A_159 : vector<16xf32>
            tpu.vector_store_idx %arg7[%sub3A_76, %and3A_153], %max3A_161 masked %and3A : memref<320x128xf32, #tpu.memory_space<vmem>>[vector<16xi32>, vector<16xi32>], vector<16xf32>, vector<16xi1>
            %mul3A_162 = arith.constant 8 : i32
            %mul3A_163 = arith.muli %scan3A_110, %mul3A_162 : i32
            %add3A_164 = arith.constant 3 : i32
            %add3A_165 = arith.addi %mul3A_163, %add3A_164 : i32
            %broadcast_in_dim3A_166 = vector.broadcast %add3A_165 : i32 to vector<16xi32>
            %add3A_167 = arith.addi %broadcast_in_dim3A_166, %iota3A : vector<16xi32>
            %and3A_168 = arith.constant 127 : i32
            %and3A_169 = vector.broadcast %and3A_168 : i32 to vector<16xi32>
            %and3A_170 = arith.andi %add3A_167, %and3A_169 : vector<16xi32>
            %gather3A_171 = arith.constant 0 : i32
            %gather3A_172 = arith.constant 0 : i32
            %gather3A_173 = tpu.memref_slice %arg12[%scan3A_61, %gather3A_171, %gather3A_172] : memref<2x64x128xf32, #tpu.memory_space<vmem>> -> memref<1x64x128xf32, #tpu.memory_space<vmem>>
            %gather3A_174 = tpu.memref_squeeze %gather3A_173 : memref<1x64x128xf32, #tpu.memory_space<vmem>> -> memref<64x128xf32, #tpu.memory_space<vmem>>
            %gather3A_175 = tpu.vector_load_idx %gather3A_174[%add3A_83, %and3A_170] : memref<64x128xf32, #tpu.memory_space<vmem>>[vector<16xi32>, vector<16xi32>], vector<16xf32>,
            %mul3A_176 = arith.mulf %gather3A_175, %div3A_97 : vector<16xf32>
            %gather3A_177 = tpu.vector_load_idx %arg7[%sub3A_76, %and3A_170] masked %and3A : memref<320x128xf32, #tpu.memory_space<vmem>>[vector<16xi32>, vector<16xi32>], vector<16xf32>, vector<16xi1>
            %max3A_178 = arith.maximumf %gather3A_177, %mul3A_176 : vector<16xf32>
            tpu.vector_store_idx %arg7[%sub3A_76, %and3A_170], %max3A_178 masked %and3A : memref<320x128xf32, #tpu.memory_space<vmem>>[vector<16xi32>, vector<16xi32>], vector<16xf32>, vector<16xi1>
            %mul3A_179 = arith.constant 8 : i32
            %mul3A_180 = arith.muli %scan3A_110, %mul3A_179 : i32
            %add3A_181 = arith.constant 4 : i32
            %add3A_182 = arith.addi %mul3A_180, %add3A_181 : i32
            %broadcast_in_dim3A_183 = vector.broadcast %add3A_182 : i32 to vector<16xi32>
            %add3A_184 = arith.addi %broadcast_in_dim3A_183, %iota3A : vector<16xi32>
            %and3A_185 = arith.constant 127 : i32
            %and3A_186 = vector.broadcast %and3A_185 : i32 to vector<16xi32>
            %and3A_187 = arith.andi %add3A_184, %and3A_186 : vector<16xi32>
            %gather3A_188 = arith.constant 0 : i32
            %gather3A_189 = arith.constant 0 : i32
            %gather3A_190 = tpu.memref_slice %arg12[%scan3A_61, %gather3A_188, %gather3A_189] : memref<2x64x128xf32, #tpu.memory_space<vmem>> -> memref<1x64x128xf32, #tpu.memory_space<vmem>>
            %gather3A_191 = tpu.memref_squeeze %gather3A_190 : memref<1x64x128xf32, #tpu.memory_space<vmem>> -> memref<64x128xf32, #tpu.memory_space<vmem>>
            %gather3A_192 = tpu.vector_load_idx %gather3A_191[%add3A_83, %and3A_187] : memref<64x128xf32, #tpu.memory_space<vmem>>[vector<16xi32>, vector<16xi32>], vector<16xf32>,
            %mul3A_193 = arith.mulf %gather3A_192, %div3A_97 : vector<16xf32>
            %gather3A_194 = tpu.vector_load_idx %arg7[%sub3A_76, %and3A_187] masked %and3A : memref<320x128xf32, #tpu.memory_space<vmem>>[vector<16xi32>, vector<16xi32>], vector<16xf32>, vector<16xi1>
            %max3A_195 = arith.maximumf %gather3A_194, %mul3A_193 : vector<16xf32>
            tpu.vector_store_idx %arg7[%sub3A_76, %and3A_187], %max3A_195 masked %and3A : memref<320x128xf32, #tpu.memory_space<vmem>>[vector<16xi32>, vector<16xi32>], vector<16xf32>, vector<16xi1>
            %mul3A_196 = arith.constant 8 : i32
            %mul3A_197 = arith.muli %scan3A_110, %mul3A_196 : i32
            %add3A_198 = arith.constant 5 : i32
            %add3A_199 = arith.addi %mul3A_197, %add3A_198 : i32
            %broadcast_in_dim3A_200 = vector.broadcast %add3A_199 : i32 to vector<16xi32>
            %add3A_201 = arith.addi %broadcast_in_dim3A_200, %iota3A : vector<16xi32>
            %and3A_202 = arith.constant 127 : i32
            %and3A_203 = vector.broadcast %and3A_202 : i32 to vector<16xi32>
            %and3A_204 = arith.andi %add3A_201, %and3A_203 : vector<16xi32>
            %gather3A_205 = arith.constant 0 : i32
            %gather3A_206 = arith.constant 0 : i32
            %gather3A_207 = tpu.memref_slice %arg12[%scan3A_61, %gather3A_205, %gather3A_206] : memref<2x64x128xf32, #tpu.memory_space<vmem>> -> memref<1x64x128xf32, #tpu.memory_space<vmem>>
            %gather3A_208 = tpu.memref_squeeze %gather3A_207 : memref<1x64x128xf32, #tpu.memory_space<vmem>> -> memref<64x128xf32, #tpu.memory_space<vmem>>
            %gather3A_209 = tpu.vector_load_idx %gather3A_208[%add3A_83, %and3A_204] : memref<64x128xf32, #tpu.memory_space<vmem>>[vector<16xi32>, vector<16xi32>], vector<16xf32>,
            %mul3A_210 = arith.mulf %gather3A_209, %div3A_97 : vector<16xf32>
            %gather3A_211 = tpu.vector_load_idx %arg7[%sub3A_76, %and3A_204] masked %and3A : memref<320x128xf32, #tpu.memory_space<vmem>>[vector<16xi32>, vector<16xi32>], vector<16xf32>, vector<16xi1>
            %max3A_212 = arith.maximumf %gather3A_211, %mul3A_210 : vector<16xf32>
            tpu.vector_store_idx %arg7[%sub3A_76, %and3A_204], %max3A_212 masked %and3A : memref<320x128xf32, #tpu.memory_space<vmem>>[vector<16xi32>, vector<16xi32>], vector<16xf32>, vector<16xi1>
            %mul3A_213 = arith.constant 8 : i32
            %mul3A_214 = arith.muli %scan3A_110, %mul3A_213 : i32
            %add3A_215 = arith.constant 6 : i32
            %add3A_216 = arith.addi %mul3A_214, %add3A_215 : i32
            %broadcast_in_dim3A_217 = vector.broadcast %add3A_216 : i32 to vector<16xi32>
            %add3A_218 = arith.addi %broadcast_in_dim3A_217, %iota3A : vector<16xi32>
            %and3A_219 = arith.constant 127 : i32
            %and3A_220 = vector.broadcast %and3A_219 : i32 to vector<16xi32>
            %and3A_221 = arith.andi %add3A_218, %and3A_220 : vector<16xi32>
            %gather3A_222 = arith.constant 0 : i32
            %gather3A_223 = arith.constant 0 : i32
            %gather3A_224 = tpu.memref_slice %arg12[%scan3A_61, %gather3A_222, %gather3A_223] : memref<2x64x128xf32, #tpu.memory_space<vmem>> -> memref<1x64x128xf32, #tpu.memory_space<vmem>>
            %gather3A_225 = tpu.memref_squeeze %gather3A_224 : memref<1x64x128xf32, #tpu.memory_space<vmem>> -> memref<64x128xf32, #tpu.memory_space<vmem>>
            %gather3A_226 = tpu.vector_load_idx %gather3A_225[%add3A_83, %and3A_221] : memref<64x128xf32, #tpu.memory_space<vmem>>[vector<16xi32>, vector<16xi32>], vector<16xf32>,
            %mul3A_227 = arith.mulf %gather3A_226, %div3A_97 : vector<16xf32>
            %gather3A_228 = tpu.vector_load_idx %arg7[%sub3A_76, %and3A_221] masked %and3A : memref<320x128xf32, #tpu.memory_space<vmem>>[vector<16xi32>, vector<16xi32>], vector<16xf32>, vector<16xi1>
            %max3A_229 = arith.maximumf %gather3A_228, %mul3A_227 : vector<16xf32>
            tpu.vector_store_idx %arg7[%sub3A_76, %and3A_221], %max3A_229 masked %and3A : memref<320x128xf32, #tpu.memory_space<vmem>>[vector<16xi32>, vector<16xi32>], vector<16xf32>, vector<16xi1>
            %mul3A_230 = arith.constant 8 : i32
            %mul3A_231 = arith.muli %scan3A_110, %mul3A_230 : i32
            %add3A_232 = arith.constant 7 : i32
            %add3A_233 = arith.addi %mul3A_231, %add3A_232 : i32
            %broadcast_in_dim3A_234 = vector.broadcast %add3A_233 : i32 to vector<16xi32>
            %add3A_235 = arith.addi %broadcast_in_dim3A_234, %iota3A : vector<16xi32>
            %and3A_236 = arith.constant 127 : i32
            %and3A_237 = vector.broadcast %and3A_236 : i32 to vector<16xi32>
            %and3A_238 = arith.andi %add3A_235, %and3A_237 : vector<16xi32>
            %gather3A_239 = arith.constant 0 : i32
            %gather3A_240 = arith.constant 0 : i32
            %gather3A_241 = tpu.memref_slice %arg12[%scan3A_61, %gather3A_239, %gather3A_240] : memref<2x64x128xf32, #tpu.memory_space<vmem>> -> memref<1x64x128xf32, #tpu.memory_space<vmem>>
            %gather3A_242 = tpu.memref_squeeze %gather3A_241 : memref<1x64x128xf32, #tpu.memory_space<vmem>> -> memref<64x128xf32, #tpu.memory_space<vmem>>
            %gather3A_243 = tpu.vector_load_idx %gather3A_242[%add3A_83, %and3A_238] : memref<64x128xf32, #tpu.memory_space<vmem>>[vector<16xi32>, vector<16xi32>], vector<16xf32>,
            %mul3A_244 = arith.mulf %gather3A_243, %div3A_97 : vector<16xf32>
            %gather3A_245 = tpu.vector_load_idx %arg7[%sub3A_76, %and3A_238] masked %and3A : memref<320x128xf32, #tpu.memory_space<vmem>>[vector<16xi32>, vector<16xi32>], vector<16xf32>, vector<16xi1>
            %max3A_246 = arith.maximumf %gather3A_245, %mul3A_244 : vector<16xf32>
            tpu.vector_store_idx %arg7[%sub3A_76, %and3A_238], %max3A_246 masked %and3A : memref<320x128xf32, #tpu.memory_space<vmem>>[vector<16xi32>, vector<16xi32>], vector<16xf32>, vector<16xi1>
            %scan3A_247 = arith.constant 0 : i32
            scf.yield %scan3A_247 : i32
          }
          %scan3A_107 = arith.constant 16 : i32
          %not3A = arith.constant dense<true> : vector<16xi1>
          %not3A_108 = arith.xori %and3A, %not3A : vector<16xi1>
          %and3A_109 = arith.andi %while3A_99, %not3A_108 : vector<16xi1>
          scf.yield %and3A_109 : vector<16xi1>
        }
        %scan3A_98 = arith.constant 0 : i32
        scf.yield %scan3A_98 : i32
      }
      %scan3A_68 = arith.constant 4 : i32
    } else {
    }
    %scan3A_27 = arith.constant 0 : i32
    %scan3A_28 = arith.constant 0 : i32
    %scan3A_29 = arith.constant 5 : i32
    %scan3A_30 = arith.addi %scan3A_28, %scan3A_29 : i32
    %scan3A_31 = arith.constant 1 : i32
    %scan3A_32 = scf.for %scan3A_34 = %scan3A_28 to %scan3A_30 step %scan3A_31 iter_args(%scan3A_35 = %scan3A_27) -> (i32)  : i32 {
      %mul3A_36 = arith.constant 64 : i32
      %mul3A_37 = arith.muli %scan3A_34, %mul3A_36 : i32
      %add3A_38 = arith.addi %mul3A_2, %mul3A_37 : i32
      %run_scoped3A = arith.constant 0 : i32
      "tpu.region"() ({
        %run_scoped3A_52 = tpu.sem_alloc : memref<!tpu.dma_semaphore, #tpu.memory_space<semaphore_mem>>
        %dma_start3A = arith.constant 0 : i32
        %dma_start3A_53 = arith.constant 0 : i32
        %dma_start3A_54 = tpu.memref_slice %arg12[%run_scoped3A, %dma_start3A, %dma_start3A_53] : memref<2x64x128xf32, #tpu.memory_space<vmem>> -> memref<1x64x128xf32, #tpu.memory_space<vmem>>
        %dma_start3A_55 = tpu.memref_squeeze %dma_start3A_54 : memref<1x64x128xf32, #tpu.memory_space<vmem>> -> memref<64x128xf32, #tpu.memory_space<vmem>>
        %dma_start3A_56 = arith.constant 0 : i32
        %dma_start3A_57 = tpu.memref_slice %arg3[%add3A_38, %dma_start3A_56] : memref<10240x128xf32, #tpu.memory_space<hbm>> -> memref<64x128xf32, #tpu.memory_space<hbm>>
        %dma_start3A_58 = arith.constant 0 : i32
        %dma_start3A_59 = arith.constant 0 : i32
        %dma_start3A_60 = tpu.memref_slice %arg12[%run_scoped3A, %dma_start3A_58, %dma_start3A_59] : memref<2x64x128xf32, #tpu.memory_space<vmem>> -> memref<1x64x128xf32, #tpu.memory_space<vmem>>
        %dma_start3A_61 = tpu.memref_squeeze %dma_start3A_60 : memref<1x64x128xf32, #tpu.memory_space<vmem>> -> memref<64x128xf32, #tpu.memory_space<vmem>>
        %dma_start3A_62 = arith.constant 0 : i32
        %dma_start3A_63 = tpu.memref_slice %arg3[%add3A_38, %dma_start3A_62] : memref<10240x128xf32, #tpu.memory_space<hbm>> -> memref<64x128xf32, #tpu.memory_space<hbm>>
        tpu.enqueue_dma source(%dma_start3A_63 : memref<64x128xf32, #tpu.memory_space<hbm>>) target(%dma_start3A_61 : memref<64x128xf32, #tpu.memory_space<vmem>>) target_semaphore(%run_scoped3A_52 : memref<!tpu.dma_semaphore, #tpu.memory_space<semaphore_mem>>)
        %dma_wait3A = arith.constant 0 : i32
        %dma_wait3A_64 = arith.constant 0 : i32
        %dma_wait3A_65 = tpu.memref_slice %arg12[%run_scoped3A, %dma_wait3A, %dma_wait3A_64] : memref<2x64x128xf32, #tpu.memory_space<vmem>> -> memref<1x64x128xf32, #tpu.memory_space<vmem>>
        %dma_wait3A_66 = tpu.memref_squeeze %dma_wait3A_65 : memref<1x64x128xf32, #tpu.memory_space<vmem>> -> memref<64x128xf32, #tpu.memory_space<vmem>>
        %dma_wait3A_67 = arith.constant 0 : i32
        %dma_wait3A_68 = tpu.memref_slice %arg3[%add3A_38, %dma_wait3A_67] : memref<10240x128xf32, #tpu.memory_space<hbm>> -> memref<64x128xf32, #tpu.memory_space<hbm>>
        %dma_wait3A_69 = arith.constant 0 : i32
        %dma_wait3A_70 = arith.constant 0 : i32
        %dma_wait3A_71 = tpu.memref_slice %arg12[%run_scoped3A, %dma_wait3A_69, %dma_wait3A_70] : memref<2x64x128xf32, #tpu.memory_space<vmem>> -> memref<1x64x128xf32, #tpu.memory_space<vmem>>
        %dma_wait3A_72 = tpu.memref_squeeze %dma_wait3A_71 : memref<1x64x128xf32, #tpu.memory_space<vmem>> -> memref<64x128xf32, #tpu.memory_space<vmem>>
        %dma_wait3A_73 = arith.constant 0 : i32
        %dma_wait3A_74 = tpu.memref_slice %arg3[%add3A_38, %dma_wait3A_73] : memref<10240x128xf32, #tpu.memory_space<hbm>> -> memref<64x128xf32, #tpu.memory_space<hbm>>
        tpu.wait_dma2 semaphore(%run_scoped3A_52 : memref<!tpu.dma_semaphore, #tpu.memory_space<semaphore_mem>>) src(%dma_wait3A_74 : memref<64x128xf32, #tpu.memory_space<hbm>>) dst(%dma_wait3A_72 : memref<64x128xf32, #tpu.memory_space<vmem>>)
        tpu.yield
      }) : () -> ()
      %scan3A_39 = arith.constant 0 : i32
      %scan3A_40 = arith.constant 0 : i32
      %scan3A_41 = arith.constant 0 : i32
      %scan3A_42 = arith.constant 64 : i32
      %scan3A_43 = arith.addi %scan3A_41, %scan3A_42 : i32
      %scan3A_44 = arith.constant 1 : i32
      %scan3A_45 = scf.for %scan3A_52 = %scan3A_41 to %scan3A_43 step %scan3A_44 iter_args(%scan3A_53 = %scan3A_40) -> (i32)  : i32 {
        %mul3A_54 = arith.constant 64 : i32
        %mul3A_55 = arith.muli %scan3A_34, %mul3A_54 : i32
        %add3A_56 = arith.addi %mul3A_55, %scan3A_52 : i32
        %get3A = arith.index_cast %add3A_56 : i32 to index
        %get3A_57 = arith.constant 0 : index
        %get3A_58 = tpu.vector_load %arg7[%get3A, %get3A_57] {strides = array<i32>} : memref<320x128xf32, #tpu.memory_space<vmem>>, vector<16xf32>,
        %eq3A = arith.constant 0xFF800000 : f32
        %eq3A_59 = vector.broadcast %eq3A : f32 to vector<16xf32>
        %eq3A_60 = arith.cmpf oeq, %get3A_58, %eq3A_59 : vector<16xf32>
        %jit3A = arith.constant 0.000000e+00 : f32
        %broadcast_in_dim3A = vector.broadcast %jit3A : f32 to vector<16xf32>
        %select_n3A = arith.select %eq3A_60, %broadcast_in_dim3A, %get3A_58 : vector<16xi1>, vector<16xf32>
        %get3A_61 = arith.constant 0 : i32
        %get3A_62 = arith.constant 0 : i32
        %get3A_63 = tpu.memref_slice %arg12[%scan3A_39, %get3A_61, %get3A_62] : memref<2x64x128xf32, #tpu.memory_space<vmem>> -> memref<1x64x128xf32, #tpu.memory_space<vmem>>
        %get3A_64 = tpu.memref_squeeze %get3A_63 : memref<1x64x128xf32, #tpu.memory_space<vmem>> -> memref<64x128xf32, #tpu.memory_space<vmem>>
        %get3A_65 = arith.index_cast %scan3A_52 : i32 to index
        %get3A_66 = arith.constant 0 : index
        %get3A_67 = tpu.vector_load %get3A_64[%get3A_65, %get3A_66] {strides = array<i32>} : memref<64x128xf32, #tpu.memory_space<vmem>>, vector<16xf32>,
        %add3A_68 = arith.addf %get3A_67, %select_n3A : vector<16xf32>
        %mul3A_69 = arith.constant 0.00999999977 : f32
        %mul3A_70 = vector.broadcast %mul3A_69 : f32 to vector<16xf32>
        %mul3A_71 = arith.mulf %mul3A_70, %add3A_68 : vector<16xf32>
        %max3A = arith.maximumf %add3A_68, %mul3A_71 : vector<16xf32>
        %swap3A = arith.constant 0 : i32
        %swap3A_72 = arith.constant 0 : i32
        %swap3A_73 = tpu.memref_slice %arg12[%scan3A_39, %swap3A, %swap3A_72] : memref<2x64x128xf32, #tpu.memory_space<vmem>> -> memref<1x64x128xf32, #tpu.memory_space<vmem>>
        %swap3A_74 = tpu.memref_squeeze %swap3A_73 : memref<1x64x128xf32, #tpu.memory_space<vmem>> -> memref<64x128xf32, #tpu.memory_space<vmem>>
        %swap3A_75 = arith.index_cast %scan3A_52 : i32 to index
        %swap3A_76 = arith.constant 0 : index
        %swap3A_77 = tpu.vector_load %swap3A_74[%swap3A_75, %swap3A_76] {strides = array<i32>} : memref<64x128xf32, #tpu.memory_space<vmem>>, vector<16xf32>,
        tpu.vector_store %swap3A_74[%swap3A_75, %swap3A_76], %max3A {strides = array<i32>} : memref<64x128xf32, #tpu.memory_space<vmem>>, vector<16xf32>,
        %mul3A_78 = arith.constant 64 : i32
        %mul3A_79 = arith.muli %scan3A_34, %mul3A_78 : i32
        %add3A_80 = arith.addi %mul3A_79, %scan3A_52 : i32
        %get3A_81 = arith.index_cast %add3A_80 : i32 to index
        %get3A_82 = arith.constant 16 : index
        %get3A_83 = tpu.vector_load %arg7[%get3A_81, %get3A_82] {strides = array<i32>} : memref<320x128xf32, #tpu.memory_space<vmem>>, vector<16xf32>,
        %eq3A_84 = arith.constant 0xFF800000 : f32
        %eq3A_85 = vector.broadcast %eq3A_84 : f32 to vector<16xf32>
        %eq3A_86 = arith.cmpf oeq, %get3A_83, %eq3A_85 : vector<16xf32>
        %jit3A_87 = arith.constant 0.000000e+00 : f32
        %broadcast_in_dim3A_88 = vector.broadcast %jit3A_87 : f32 to vector<16xf32>
        %select_n3A_89 = arith.select %eq3A_86, %broadcast_in_dim3A_88, %get3A_83 : vector<16xi1>, vector<16xf32>
        %get3A_90 = arith.constant 0 : i32
        %get3A_91 = arith.constant 0 : i32
        %get3A_92 = tpu.memref_slice %arg12[%scan3A_39, %get3A_90, %get3A_91] : memref<2x64x128xf32, #tpu.memory_space<vmem>> -> memref<1x64x128xf32, #tpu.memory_space<vmem>>
        %get3A_93 = tpu.memref_squeeze %get3A_92 : memref<1x64x128xf32, #tpu.memory_space<vmem>> -> memref<64x128xf32, #tpu.memory_space<vmem>>
        %get3A_94 = arith.index_cast %scan3A_52 : i32 to index
        %get3A_95 = arith.constant 16 : index
        %get3A_96 = tpu.vector_load %get3A_93[%get3A_94, %get3A_95] {strides = array<i32>} : memref<64x128xf32, #tpu.memory_space<vmem>>, vector<16xf32>,
        %add3A_97 = arith.addf %get3A_96, %select_n3A_89 : vector<16xf32>
        %mul3A_98 = arith.constant 0.00999999977 : f32
        %mul3A_99 = vector.broadcast %mul3A_98 : f32 to vector<16xf32>
        %mul3A_100 = arith.mulf %mul3A_99, %add3A_97 : vector<16xf32>
        %max3A_101 = arith.maximumf %add3A_97, %mul3A_100 : vector<16xf32>
        %swap3A_102 = arith.constant 0 : i32
        %swap3A_103 = arith.constant 0 : i32
        %swap3A_104 = tpu.memref_slice %arg12[%scan3A_39, %swap3A_102, %swap3A_103] : memref<2x64x128xf32, #tpu.memory_space<vmem>> -> memref<1x64x128xf32, #tpu.memory_space<vmem>>
        %swap3A_105 = tpu.memref_squeeze %swap3A_104 : memref<1x64x128xf32, #tpu.memory_space<vmem>> -> memref<64x128xf32, #tpu.memory_space<vmem>>
        %swap3A_106 = arith.index_cast %scan3A_52 : i32 to index
        %swap3A_107 = arith.constant 16 : index
        %swap3A_108 = tpu.vector_load %swap3A_105[%swap3A_106, %swap3A_107] {strides = array<i32>} : memref<64x128xf32, #tpu.memory_space<vmem>>, vector<16xf32>,
        tpu.vector_store %swap3A_105[%swap3A_106, %swap3A_107], %max3A_101 {strides = array<i32>} : memref<64x128xf32, #tpu.memory_space<vmem>>, vector<16xf32>,
        %mul3A_109 = arith.constant 64 : i32
        %mul3A_110 = arith.muli %scan3A_34, %mul3A_109 : i32
        %add3A_111 = arith.addi %mul3A_110, %scan3A_52 : i32
        %get3A_112 = arith.index_cast %add3A_111 : i32 to index
        %get3A_113 = arith.constant 32 : index
        %get3A_114 = tpu.vector_load %arg7[%get3A_112, %get3A_113] {strides = array<i32>} : memref<320x128xf32, #tpu.memory_space<vmem>>, vector<16xf32>,
        %eq3A_115 = arith.constant 0xFF800000 : f32
        %eq3A_116 = vector.broadcast %eq3A_115 : f32 to vector<16xf32>
        %eq3A_117 = arith.cmpf oeq, %get3A_114, %eq3A_116 : vector<16xf32>
        %jit3A_118 = arith.constant 0.000000e+00 : f32
        %broadcast_in_dim3A_119 = vector.broadcast %jit3A_118 : f32 to vector<16xf32>
        %select_n3A_120 = arith.select %eq3A_117, %broadcast_in_dim3A_119, %get3A_114 : vector<16xi1>, vector<16xf32>
        %get3A_121 = arith.constant 0 : i32
        %get3A_122 = arith.constant 0 : i32
        %get3A_123 = tpu.memref_slice %arg12[%scan3A_39, %get3A_121, %get3A_122] : memref<2x64x128xf32, #tpu.memory_space<vmem>> -> memref<1x64x128xf32, #tpu.memory_space<vmem>>
        %get3A_124 = tpu.memref_squeeze %get3A_123 : memref<1x64x128xf32, #tpu.memory_space<vmem>> -> memref<64x128xf32, #tpu.memory_space<vmem>>
        %get3A_125 = arith.index_cast %scan3A_52 : i32 to index
        %get3A_126 = arith.constant 32 : index
        %get3A_127 = tpu.vector_load %get3A_124[%get3A_125, %get3A_126] {strides = array<i32>} : memref<64x128xf32, #tpu.memory_space<vmem>>, vector<16xf32>,
        %add3A_128 = arith.addf %get3A_127, %select_n3A_120 : vector<16xf32>
        %mul3A_129 = arith.constant 0.00999999977 : f32
        %mul3A_130 = vector.broadcast %mul3A_129 : f32 to vector<16xf32>
        %mul3A_131 = arith.mulf %mul3A_130, %add3A_128 : vector<16xf32>
        %max3A_132 = arith.maximumf %add3A_128, %mul3A_131 : vector<16xf32>
        %swap3A_133 = arith.constant 0 : i32
        %swap3A_134 = arith.constant 0 : i32
        %swap3A_135 = tpu.memref_slice %arg12[%scan3A_39, %swap3A_133, %swap3A_134] : memref<2x64x128xf32, #tpu.memory_space<vmem>> -> memref<1x64x128xf32, #tpu.memory_space<vmem>>
        %swap3A_136 = tpu.memref_squeeze %swap3A_135 : memref<1x64x128xf32, #tpu.memory_space<vmem>> -> memref<64x128xf32, #tpu.memory_space<vmem>>
        %swap3A_137 = arith.index_cast %scan3A_52 : i32 to index
        %swap3A_138 = arith.constant 32 : index
        %swap3A_139 = tpu.vector_load %swap3A_136[%swap3A_137, %swap3A_138] {strides = array<i32>} : memref<64x128xf32, #tpu.memory_space<vmem>>, vector<16xf32>,
        tpu.vector_store %swap3A_136[%swap3A_137, %swap3A_138], %max3A_132 {strides = array<i32>} : memref<64x128xf32, #tpu.memory_space<vmem>>, vector<16xf32>,
        %mul3A_140 = arith.constant 64 : i32
        %mul3A_141 = arith.muli %scan3A_34, %mul3A_140 : i32
        %add3A_142 = arith.addi %mul3A_141, %scan3A_52 : i32
        %get3A_143 = arith.index_cast %add3A_142 : i32 to index
        %get3A_144 = arith.constant 48 : index
        %get3A_145 = tpu.vector_load %arg7[%get3A_143, %get3A_144] {strides = array<i32>} : memref<320x128xf32, #tpu.memory_space<vmem>>, vector<16xf32>,
        %eq3A_146 = arith.constant 0xFF800000 : f32
        %eq3A_147 = vector.broadcast %eq3A_146 : f32 to vector<16xf32>
        %eq3A_148 = arith.cmpf oeq, %get3A_145, %eq3A_147 : vector<16xf32>
        %jit3A_149 = arith.constant 0.000000e+00 : f32
        %broadcast_in_dim3A_150 = vector.broadcast %jit3A_149 : f32 to vector<16xf32>
        %select_n3A_151 = arith.select %eq3A_148, %broadcast_in_dim3A_150, %get3A_145 : vector<16xi1>, vector<16xf32>
        %get3A_152 = arith.constant 0 : i32
        %get3A_153 = arith.constant 0 : i32
        %get3A_154 = tpu.memref_slice %arg12[%scan3A_39, %get3A_152, %get3A_153] : memref<2x64x128xf32, #tpu.memory_space<vmem>> -> memref<1x64x128xf32, #tpu.memory_space<vmem>>
        %get3A_155 = tpu.memref_squeeze %get3A_154 : memref<1x64x128xf32, #tpu.memory_space<vmem>> -> memref<64x128xf32, #tpu.memory_space<vmem>>
        %get3A_156 = arith.index_cast %scan3A_52 : i32 to index
        %get3A_157 = arith.constant 48 : index
        %get3A_158 = tpu.vector_load %get3A_155[%get3A_156, %get3A_157] {strides = array<i32>} : memref<64x128xf32, #tpu.memory_space<vmem>>, vector<16xf32>,
        %add3A_159 = arith.addf %get3A_158, %select_n3A_151 : vector<16xf32>
        %mul3A_160 = arith.constant 0.00999999977 : f32
        %mul3A_161 = vector.broadcast %mul3A_160 : f32 to vector<16xf32>
        %mul3A_162 = arith.mulf %mul3A_161, %add3A_159 : vector<16xf32>
        %max3A_163 = arith.maximumf %add3A_159, %mul3A_162 : vector<16xf32>
        %swap3A_164 = arith.constant 0 : i32
        %swap3A_165 = arith.constant 0 : i32
        %swap3A_166 = tpu.memref_slice %arg12[%scan3A_39, %swap3A_164, %swap3A_165] : memref<2x64x128xf32, #tpu.memory_space<vmem>> -> memref<1x64x128xf32, #tpu.memory_space<vmem>>
        %swap3A_167 = tpu.memref_squeeze %swap3A_166 : memref<1x64x128xf32, #tpu.memory_space<vmem>> -> memref<64x128xf32, #tpu.memory_space<vmem>>
        %swap3A_168 = arith.index_cast %scan3A_52 : i32 to index
        %swap3A_169 = arith.constant 48 : index
        %swap3A_170 = tpu.vector_load %swap3A_167[%swap3A_168, %swap3A_169] {strides = array<i32>} : memref<64x128xf32, #tpu.memory_space<vmem>>, vector<16xf32>,
        tpu.vector_store %swap3A_167[%swap3A_168, %swap3A_169], %max3A_163 {strides = array<i32>} : memref<64x128xf32, #tpu.memory_space<vmem>>, vector<16xf32>,
        %mul3A_171 = arith.constant 64 : i32
        %mul3A_172 = arith.muli %scan3A_34, %mul3A_171 : i32
        %add3A_173 = arith.addi %mul3A_172, %scan3A_52 : i32
        %get3A_174 = arith.index_cast %add3A_173 : i32 to index
        %get3A_175 = arith.constant 64 : index
        %get3A_176 = tpu.vector_load %arg7[%get3A_174, %get3A_175] {strides = array<i32>} : memref<320x128xf32, #tpu.memory_space<vmem>>, vector<16xf32>,
        %eq3A_177 = arith.constant 0xFF800000 : f32
        %eq3A_178 = vector.broadcast %eq3A_177 : f32 to vector<16xf32>
        %eq3A_179 = arith.cmpf oeq, %get3A_176, %eq3A_178 : vector<16xf32>
        %jit3A_180 = arith.constant 0.000000e+00 : f32
        %broadcast_in_dim3A_181 = vector.broadcast %jit3A_180 : f32 to vector<16xf32>
        %select_n3A_182 = arith.select %eq3A_179, %broadcast_in_dim3A_181, %get3A_176 : vector<16xi1>, vector<16xf32>
        %get3A_183 = arith.constant 0 : i32
        %get3A_184 = arith.constant 0 : i32
        %get3A_185 = tpu.memref_slice %arg12[%scan3A_39, %get3A_183, %get3A_184] : memref<2x64x128xf32, #tpu.memory_space<vmem>> -> memref<1x64x128xf32, #tpu.memory_space<vmem>>
        %get3A_186 = tpu.memref_squeeze %get3A_185 : memref<1x64x128xf32, #tpu.memory_space<vmem>> -> memref<64x128xf32, #tpu.memory_space<vmem>>
        %get3A_187 = arith.index_cast %scan3A_52 : i32 to index
        %get3A_188 = arith.constant 64 : index
        %get3A_189 = tpu.vector_load %get3A_186[%get3A_187, %get3A_188] {strides = array<i32>} : memref<64x128xf32, #tpu.memory_space<vmem>>, vector<16xf32>,
        %add3A_190 = arith.addf %get3A_189, %select_n3A_182 : vector<16xf32>
        %mul3A_191 = arith.constant 0.00999999977 : f32
        %mul3A_192 = vector.broadcast %mul3A_191 : f32 to vector<16xf32>
        %mul3A_193 = arith.mulf %mul3A_192, %add3A_190 : vector<16xf32>
        %max3A_194 = arith.maximumf %add3A_190, %mul3A_193 : vector<16xf32>
        %swap3A_195 = arith.constant 0 : i32
        %swap3A_196 = arith.constant 0 : i32
        %swap3A_197 = tpu.memref_slice %arg12[%scan3A_39, %swap3A_195, %swap3A_196] : memref<2x64x128xf32, #tpu.memory_space<vmem>> -> memref<1x64x128xf32, #tpu.memory_space<vmem>>
        %swap3A_198 = tpu.memref_squeeze %swap3A_197 : memref<1x64x128xf32, #tpu.memory_space<vmem>> -> memref<64x128xf32, #tpu.memory_space<vmem>>
        %swap3A_199 = arith.index_cast %scan3A_52 : i32 to index
        %swap3A_200 = arith.constant 64 : index
        %swap3A_201 = tpu.vector_load %swap3A_198[%swap3A_199, %swap3A_200] {strides = array<i32>} : memref<64x128xf32, #tpu.memory_space<vmem>>, vector<16xf32>,
        tpu.vector_store %swap3A_198[%swap3A_199, %swap3A_200], %max3A_194 {strides = array<i32>} : memref<64x128xf32, #tpu.memory_space<vmem>>, vector<16xf32>,
        %mul3A_202 = arith.constant 64 : i32
        %mul3A_203 = arith.muli %scan3A_34, %mul3A_202 : i32
        %add3A_204 = arith.addi %mul3A_203, %scan3A_52 : i32
        %get3A_205 = arith.index_cast %add3A_204 : i32 to index
        %get3A_206 = arith.constant 80 : index
        %get3A_207 = tpu.vector_load %arg7[%get3A_205, %get3A_206] {strides = array<i32>} : memref<320x128xf32, #tpu.memory_space<vmem>>, vector<16xf32>,
        %eq3A_208 = arith.constant 0xFF800000 : f32
        %eq3A_209 = vector.broadcast %eq3A_208 : f32 to vector<16xf32>
        %eq3A_210 = arith.cmpf oeq, %get3A_207, %eq3A_209 : vector<16xf32>
        %jit3A_211 = arith.constant 0.000000e+00 : f32
        %broadcast_in_dim3A_212 = vector.broadcast %jit3A_211 : f32 to vector<16xf32>
        %select_n3A_213 = arith.select %eq3A_210, %broadcast_in_dim3A_212, %get3A_207 : vector<16xi1>, vector<16xf32>
        %get3A_214 = arith.constant 0 : i32
        %get3A_215 = arith.constant 0 : i32
        %get3A_216 = tpu.memref_slice %arg12[%scan3A_39, %get3A_214, %get3A_215] : memref<2x64x128xf32, #tpu.memory_space<vmem>> -> memref<1x64x128xf32, #tpu.memory_space<vmem>>
        %get3A_217 = tpu.memref_squeeze %get3A_216 : memref<1x64x128xf32, #tpu.memory_space<vmem>> -> memref<64x128xf32, #tpu.memory_space<vmem>>
        %get3A_218 = arith.index_cast %scan3A_52 : i32 to index
        %get3A_219 = arith.constant 80 : index
        %get3A_220 = tpu.vector_load %get3A_217[%get3A_218, %get3A_219] {strides = array<i32>} : memref<64x128xf32, #tpu.memory_space<vmem>>, vector<16xf32>,
        %add3A_221 = arith.addf %get3A_220, %select_n3A_213 : vector<16xf32>
        %mul3A_222 = arith.constant 0.00999999977 : f32
        %mul3A_223 = vector.broadcast %mul3A_222 : f32 to vector<16xf32>
        %mul3A_224 = arith.mulf %mul3A_223, %add3A_221 : vector<16xf32>
        %max3A_225 = arith.maximumf %add3A_221, %mul3A_224 : vector<16xf32>
        %swap3A_226 = arith.constant 0 : i32
        %swap3A_227 = arith.constant 0 : i32
        %swap3A_228 = tpu.memref_slice %arg12[%scan3A_39, %swap3A_226, %swap3A_227] : memref<2x64x128xf32, #tpu.memory_space<vmem>> -> memref<1x64x128xf32, #tpu.memory_space<vmem>>
        %swap3A_229 = tpu.memref_squeeze %swap3A_228 : memref<1x64x128xf32, #tpu.memory_space<vmem>> -> memref<64x128xf32, #tpu.memory_space<vmem>>
        %swap3A_230 = arith.index_cast %scan3A_52 : i32 to index
        %swap3A_231 = arith.constant 80 : index
        %swap3A_232 = tpu.vector_load %swap3A_229[%swap3A_230, %swap3A_231] {strides = array<i32>} : memref<64x128xf32, #tpu.memory_space<vmem>>, vector<16xf32>,
        tpu.vector_store %swap3A_229[%swap3A_230, %swap3A_231], %max3A_225 {strides = array<i32>} : memref<64x128xf32, #tpu.memory_space<vmem>>, vector<16xf32>,
        %mul3A_233 = arith.constant 64 : i32
        %mul3A_234 = arith.muli %scan3A_34, %mul3A_233 : i32
        %add3A_235 = arith.addi %mul3A_234, %scan3A_52 : i32
        %get3A_236 = arith.index_cast %add3A_235 : i32 to index
        %get3A_237 = arith.constant 96 : index
        %get3A_238 = tpu.vector_load %arg7[%get3A_236, %get3A_237] {strides = array<i32>} : memref<320x128xf32, #tpu.memory_space<vmem>>, vector<16xf32>,
        %eq3A_239 = arith.constant 0xFF800000 : f32
        %eq3A_240 = vector.broadcast %eq3A_239 : f32 to vector<16xf32>
        %eq3A_241 = arith.cmpf oeq, %get3A_238, %eq3A_240 : vector<16xf32>
        %jit3A_242 = arith.constant 0.000000e+00 : f32
        %broadcast_in_dim3A_243 = vector.broadcast %jit3A_242 : f32 to vector<16xf32>
        %select_n3A_244 = arith.select %eq3A_241, %broadcast_in_dim3A_243, %get3A_238 : vector<16xi1>, vector<16xf32>
        %get3A_245 = arith.constant 0 : i32
        %get3A_246 = arith.constant 0 : i32
        %get3A_247 = tpu.memref_slice %arg12[%scan3A_39, %get3A_245, %get3A_246] : memref<2x64x128xf32, #tpu.memory_space<vmem>> -> memref<1x64x128xf32, #tpu.memory_space<vmem>>
        %get3A_248 = tpu.memref_squeeze %get3A_247 : memref<1x64x128xf32, #tpu.memory_space<vmem>> -> memref<64x128xf32, #tpu.memory_space<vmem>>
        %get3A_249 = arith.index_cast %scan3A_52 : i32 to index
        %get3A_250 = arith.constant 96 : index
        %get3A_251 = tpu.vector_load %get3A_248[%get3A_249, %get3A_250] {strides = array<i32>} : memref<64x128xf32, #tpu.memory_space<vmem>>, vector<16xf32>,
        %add3A_252 = arith.addf %get3A_251, %select_n3A_244 : vector<16xf32>
        %mul3A_253 = arith.constant 0.00999999977 : f32
        %mul3A_254 = vector.broadcast %mul3A_253 : f32 to vector<16xf32>
        %mul3A_255 = arith.mulf %mul3A_254, %add3A_252 : vector<16xf32>
        %max3A_256 = arith.maximumf %add3A_252, %mul3A_255 : vector<16xf32>
        %swap3A_257 = arith.constant 0 : i32
        %swap3A_258 = arith.constant 0 : i32
        %swap3A_259 = tpu.memref_slice %arg12[%scan3A_39, %swap3A_257, %swap3A_258] : memref<2x64x128xf32, #tpu.memory_space<vmem>> -> memref<1x64x128xf32, #tpu.memory_space<vmem>>
        %swap3A_260 = tpu.memref_squeeze %swap3A_259 : memref<1x64x128xf32, #tpu.memory_space<vmem>> -> memref<64x128xf32, #tpu.memory_space<vmem>>
        %swap3A_261 = arith.index_cast %scan3A_52 : i32 to index
        %swap3A_262 = arith.constant 96 : index
        %swap3A_263 = tpu.vector_load %swap3A_260[%swap3A_261, %swap3A_262] {strides = array<i32>} : memref<64x128xf32, #tpu.memory_space<vmem>>, vector<16xf32>,
        tpu.vector_store %swap3A_260[%swap3A_261, %swap3A_262], %max3A_256 {strides = array<i32>} : memref<64x128xf32, #tpu.memory_space<vmem>>, vector<16xf32>,
        %mul3A_264 = arith.constant 64 : i32
        %mul3A_265 = arith.muli %scan3A_34, %mul3A_264 : i32
        %add3A_266 = arith.addi %mul3A_265, %scan3A_52 : i32
        %get3A_267 = arith.index_cast %add3A_266 : i32 to index
        %get3A_268 = arith.constant 112 : index
        %get3A_269 = tpu.vector_load %arg7[%get3A_267, %get3A_268] {strides = array<i32>} : memref<320x128xf32, #tpu.memory_space<vmem>>, vector<16xf32>,
        %eq3A_270 = arith.constant 0xFF800000 : f32
        %eq3A_271 = vector.broadcast %eq3A_270 : f32 to vector<16xf32>
        %eq3A_272 = arith.cmpf oeq, %get3A_269, %eq3A_271 : vector<16xf32>
        %jit3A_273 = arith.constant 0.000000e+00 : f32
        %broadcast_in_dim3A_274 = vector.broadcast %jit3A_273 : f32 to vector<16xf32>
        %select_n3A_275 = arith.select %eq3A_272, %broadcast_in_dim3A_274, %get3A_269 : vector<16xi1>, vector<16xf32>
        %get3A_276 = arith.constant 0 : i32
        %get3A_277 = arith.constant 0 : i32
        %get3A_278 = tpu.memref_slice %arg12[%scan3A_39, %get3A_276, %get3A_277] : memref<2x64x128xf32, #tpu.memory_space<vmem>> -> memref<1x64x128xf32, #tpu.memory_space<vmem>>
        %get3A_279 = tpu.memref_squeeze %get3A_278 : memref<1x64x128xf32, #tpu.memory_space<vmem>> -> memref<64x128xf32, #tpu.memory_space<vmem>>
        %get3A_280 = arith.index_cast %scan3A_52 : i32 to index
        %get3A_281 = arith.constant 112 : index
        %get3A_282 = tpu.vector_load %get3A_279[%get3A_280, %get3A_281] {strides = array<i32>} : memref<64x128xf32, #tpu.memory_space<vmem>>, vector<16xf32>,
        %add3A_283 = arith.addf %get3A_282, %select_n3A_275 : vector<16xf32>
        %mul3A_284 = arith.constant 0.00999999977 : f32
        %mul3A_285 = vector.broadcast %mul3A_284 : f32 to vector<16xf32>
        %mul3A_286 = arith.mulf %mul3A_285, %add3A_283 : vector<16xf32>
        %max3A_287 = arith.maximumf %add3A_283, %mul3A_286 : vector<16xf32>
        %swap3A_288 = arith.constant 0 : i32
        %swap3A_289 = arith.constant 0 : i32
        %swap3A_290 = tpu.memref_slice %arg12[%scan3A_39, %swap3A_288, %swap3A_289] : memref<2x64x128xf32, #tpu.memory_space<vmem>> -> memref<1x64x128xf32, #tpu.memory_space<vmem>>
        %swap3A_291 = tpu.memref_squeeze %swap3A_290 : memref<1x64x128xf32, #tpu.memory_space<vmem>> -> memref<64x128xf32, #tpu.memory_space<vmem>>
        %swap3A_292 = arith.index_cast %scan3A_52 : i32 to index
        %swap3A_293 = arith.constant 112 : index
        %swap3A_294 = tpu.vector_load %swap3A_291[%swap3A_292, %swap3A_293] {strides = array<i32>} : memref<64x128xf32, #tpu.memory_space<vmem>>, vector<16xf32>,
        tpu.vector_store %swap3A_291[%swap3A_292, %swap3A_293], %max3A_287 {strides = array<i32>} : memref<64x128xf32, #tpu.memory_space<vmem>>, vector<16xf32>,
        %scan3A_295 = arith.constant 0 : i32
        scf.yield %scan3A_295 : i32
      }
      %scan3A_46 = arith.constant 64 : i32
      %mul3A_47 = arith.constant 64 : i32
      %mul3A_48 = arith.muli %scan3A_34, %mul3A_47 : i32
      %add3A_49 = arith.addi %mul3A_2, %mul3A_48 : i32
      %run_scoped3A_50 = arith.constant 0 : i32
      "tpu.region"() ({
        %run_scoped3A_52 = tpu.sem_alloc : memref<!tpu.dma_semaphore, #tpu.memory_space<semaphore_mem>>
        %dma_start3A = arith.constant 0 : i32
        %dma_start3A_53 = arith.constant 0 : i32
        %dma_start3A_54 = tpu.memref_slice %arg12[%run_scoped3A_50, %dma_start3A, %dma_start3A_53] : memref<2x64x128xf32, #tpu.memory_space<vmem>> -> memref<1x64x128xf32, #tpu.memory_space<vmem>>
        %dma_start3A_55 = tpu.memref_squeeze %dma_start3A_54 : memref<1x64x128xf32, #tpu.memory_space<vmem>> -> memref<64x128xf32, #tpu.memory_space<vmem>>
        %dma_start3A_56 = arith.constant 0 : i32
        %dma_start3A_57 = tpu.memref_slice %arg6[%add3A_49, %dma_start3A_56] : memref<10240x128xf32, #tpu.memory_space<hbm>> -> memref<64x128xf32, #tpu.memory_space<hbm>>
        %dma_start3A_58 = arith.constant 0 : i32
        %dma_start3A_59 = tpu.memref_slice %arg6[%add3A_49, %dma_start3A_58] : memref<10240x128xf32, #tpu.memory_space<hbm>> -> memref<64x128xf32, #tpu.memory_space<hbm>>
        %dma_start3A_60 = arith.constant 0 : i32
        %dma_start3A_61 = arith.constant 0 : i32
        %dma_start3A_62 = tpu.memref_slice %arg12[%run_scoped3A_50, %dma_start3A_60, %dma_start3A_61] : memref<2x64x128xf32, #tpu.memory_space<vmem>> -> memref<1x64x128xf32, #tpu.memory_space<vmem>>
        %dma_start3A_63 = tpu.memref_squeeze %dma_start3A_62 : memref<1x64x128xf32, #tpu.memory_space<vmem>> -> memref<64x128xf32, #tpu.memory_space<vmem>>
        tpu.enqueue_dma source(%dma_start3A_63 : memref<64x128xf32, #tpu.memory_space<vmem>>) target(%dma_start3A_59 : memref<64x128xf32, #tpu.memory_space<hbm>>) target_semaphore(%run_scoped3A_52 : memref<!tpu.dma_semaphore, #tpu.memory_space<semaphore_mem>>)
        %dma_wait3A = arith.constant 0 : i32
        %dma_wait3A_64 = arith.constant 0 : i32
        %dma_wait3A_65 = tpu.memref_slice %arg12[%run_scoped3A_50, %dma_wait3A, %dma_wait3A_64] : memref<2x64x128xf32, #tpu.memory_space<vmem>> -> memref<1x64x128xf32, #tpu.memory_space<vmem>>
        %dma_wait3A_66 = tpu.memref_squeeze %dma_wait3A_65 : memref<1x64x128xf32, #tpu.memory_space<vmem>> -> memref<64x128xf32, #tpu.memory_space<vmem>>
        %dma_wait3A_67 = arith.constant 0 : i32
        %dma_wait3A_68 = tpu.memref_slice %arg6[%add3A_49, %dma_wait3A_67] : memref<10240x128xf32, #tpu.memory_space<hbm>> -> memref<64x128xf32, #tpu.memory_space<hbm>>
        %dma_wait3A_69 = arith.constant 0 : i32
        %dma_wait3A_70 = tpu.memref_slice %arg6[%add3A_49, %dma_wait3A_69] : memref<10240x128xf32, #tpu.memory_space<hbm>> -> memref<64x128xf32, #tpu.memory_space<hbm>>
        %dma_wait3A_71 = arith.constant 0 : i32
        %dma_wait3A_72 = arith.constant 0 : i32
        %dma_wait3A_73 = tpu.memref_slice %arg12[%run_scoped3A_50, %dma_wait3A_71, %dma_wait3A_72] : memref<2x64x128xf32, #tpu.memory_space<vmem>> -> memref<1x64x128xf32, #tpu.memory_space<vmem>>
        %dma_wait3A_74 = tpu.memref_squeeze %dma_wait3A_73 : memref<1x64x128xf32, #tpu.memory_space<vmem>> -> memref<64x128xf32, #tpu.memory_space<vmem>>
        tpu.wait_dma2 semaphore(%run_scoped3A_52 : memref<!tpu.dma_semaphore, #tpu.memory_space<semaphore_mem>>) src(%dma_wait3A_74 : memref<64x128xf32, #tpu.memory_space<vmem>>) dst(%dma_wait3A_70 : memref<64x128xf32, #tpu.memory_space<hbm>>)
        tpu.yield
      }) : () -> ()
      %scan3A_51 = arith.constant 0 : i32
      scf.yield %scan3A_51 : i32
    }
    %scan3A_33 = arith.constant 5 : i32
    return
  }
}

#map = affine_map<(d0, d1) -> (0, 0)>
#map1 = affine_map<(d0, d1) -> (0)>
module attributes {stable_mosaic.version = 14 : i64} {
  func.func @_edge_body(%arg0: i32, %arg1: i32, %arg2: memref<10240x128xf32, #tpu.memory_space<hbm>>, %arg3: memref<10240x128xf32, #tpu.memory_space<hbm>>, %arg4: memref<320000xi32, #tpu.memory_space<hbm>>, %arg5: memref<320000xi32, #tpu.memory_space<hbm>>, %arg6: memref<10240x128xf32, #tpu.memory_space<hbm>>, %arg7: memref<320x128xf32, #tpu.memory_space<vmem>>, %arg8: memref<6400xi32, #tpu.memory_space<vmem>>, %arg9: memref<6400xi32, #tpu.memory_space<vmem>>, %arg10: memref<6464xi32, #tpu.memory_space<vmem>>, %arg11: memref<6464xi32, #tpu.memory_space<vmem>>, %arg12: memref<2x64x128xf32, #tpu.memory_space<vmem>>, %arg13: memref<320x128xf32, #tpu.memory_space<vmem>>, %arg14: memref<320xi32, #tpu.memory_space<vmem>>, %arg15: memref<!tpu.dma_semaphore, #tpu.memory_space<semaphore_mem>>, %arg16: memref<!tpu.dma_semaphore, #tpu.memory_space<semaphore_mem>>) attributes {dimension_semantics = [#tpu.dimension_semantics<core_parallel>, #tpu.dimension_semantics<subcore_parallel>], iteration_bounds = array<i64: 2, 16>, scalar_prefetch = 0 : i64, scratch_operands = 10 : i64, tpu.core_type = #tpu.core_type<sc_vector_subcore>, window_params = [{transform_indices = #map}, {transform_indices = #map}, {transform_indices = #map1}, {transform_indices = #map1}, {transform_indices = #map}]} {
    %mul3A = arith.constant 2 : i32
    %mul3A_0 = arith.muli %arg1, %mul3A : i32
    %add3A = arith.addi %mul3A_0, %arg0 : i32
    %mul3A_1 = arith.constant 320 : i32
    %mul3A_2 = arith.muli %add3A, %mul3A_1 : i32
    %add3A_3 = arith.constant 320 : i32
    %add3A_4 = arith.addi %mul3A_2, %add3A_3 : i32
    %iota3A = tpu.iota {dimensions = array<i32: 0>} : vector<16xi32>
    "tpu.region"() ({
      %run_scoped3A = tpu.sem_alloc : memref<!tpu.dma_semaphore, #tpu.memory_space<semaphore_mem>>
      %dma_start3A = arith.constant 0 : i32
      %dma_start3A_34 = tpu.memref_slice %arg2[%mul3A_2, %dma_start3A] : memref<10240x128xf32, #tpu.memory_space<hbm>> -> memref<320x128xf32, #tpu.memory_space<hbm>>
      %dma_start3A_35 = arith.constant 0 : i32
      %dma_start3A_36 = tpu.memref_slice %arg2[%mul3A_2, %dma_start3A_35] : memref<10240x128xf32, #tpu.memory_space<hbm>> -> memref<320x128xf32, #tpu.memory_space<hbm>>
      tpu.enqueue_dma source(%dma_start3A_36 : memref<320x128xf32, #tpu.memory_space<hbm>>) target(%arg13 : memref<320x128xf32, #tpu.memory_space<vmem>>) target_semaphore(%run_scoped3A : memref<!tpu.dma_semaphore, #tpu.memory_space<semaphore_mem>>)
      %dma_wait3A = arith.constant 0 : i32
      %dma_wait3A_37 = tpu.memref_slice %arg2[%mul3A_2, %dma_wait3A] : memref<10240x128xf32, #tpu.memory_space<hbm>> -> memref<320x128xf32, #tpu.memory_space<hbm>>
      %dma_wait3A_38 = arith.constant 0 : i32
      %dma_wait3A_39 = tpu.memref_slice %arg2[%mul3A_2, %dma_wait3A_38] : memref<10240x128xf32, #tpu.memory_space<hbm>> -> memref<320x128xf32, #tpu.memory_space<hbm>>
      tpu.wait_dma2 semaphore(%run_scoped3A : memref<!tpu.dma_semaphore, #tpu.memory_space<semaphore_mem>>) src(%dma_wait3A_39 : memref<320x128xf32, #tpu.memory_space<hbm>>) dst(%arg13 : memref<320x128xf32, #tpu.memory_space<vmem>>)
      tpu.yield
    }) : () -> ()
    %scan3A = arith.constant 0 : i32
    %scan3A_5 = arith.constant 0 : i32
    %scan3A_6 = arith.constant 320 : i32
    %scan3A_7 = arith.addi %scan3A_5, %scan3A_6 : i32
    %scan3A_8 = arith.constant 1 : i32
    %scan3A_9 = scf.for %scan3A_34 = %scan3A_5 to %scan3A_7 step %scan3A_8 iter_args(%scan3A_35 = %scan3A) -> (i32)  : i32 {
      %broadcast_in_dim3A = arith.constant 0xFF800000 : f32
      %broadcast_in_dim3A_36 = vector.broadcast %broadcast_in_dim3A : f32 to vector<16xf32>
      %swap3A = arith.index_cast %scan3A_34 : i32 to index
      %swap3A_37 = arith.constant 0 : index
      %swap3A_38 = tpu.vector_load %arg7[%swap3A, %swap3A_37] {strides = array<i32>} : memref<320x128xf32, #tpu.memory_space<vmem>>, vector<16xf32>,
      tpu.vector_store %arg7[%swap3A, %swap3A_37], %broadcast_in_dim3A_36 {strides = array<i32>} : memref<320x128xf32, #tpu.memory_space<vmem>>, vector<16xf32>,
      %broadcast_in_dim3A_39 = arith.constant 0xFF800000 : f32
      %broadcast_in_dim3A_40 = vector.broadcast %broadcast_in_dim3A_39 : f32 to vector<16xf32>
      %swap3A_41 = arith.index_cast %scan3A_34 : i32 to index
      %swap3A_42 = arith.constant 16 : index
      %swap3A_43 = tpu.vector_load %arg7[%swap3A_41, %swap3A_42] {strides = array<i32>} : memref<320x128xf32, #tpu.memory_space<vmem>>, vector<16xf32>,
      tpu.vector_store %arg7[%swap3A_41, %swap3A_42], %broadcast_in_dim3A_40 {strides = array<i32>} : memref<320x128xf32, #tpu.memory_space<vmem>>, vector<16xf32>,
      %broadcast_in_dim3A_44 = arith.constant 0xFF800000 : f32
      %broadcast_in_dim3A_45 = vector.broadcast %broadcast_in_dim3A_44 : f32 to vector<16xf32>
      %swap3A_46 = arith.index_cast %scan3A_34 : i32 to index
      %swap3A_47 = arith.constant 32 : index
      %swap3A_48 = tpu.vector_load %arg7[%swap3A_46, %swap3A_47] {strides = array<i32>} : memref<320x128xf32, #tpu.memory_space<vmem>>, vector<16xf32>,
      tpu.vector_store %arg7[%swap3A_46, %swap3A_47], %broadcast_in_dim3A_45 {strides = array<i32>} : memref<320x128xf32, #tpu.memory_space<vmem>>, vector<16xf32>,
      %broadcast_in_dim3A_49 = arith.constant 0xFF800000 : f32
      %broadcast_in_dim3A_50 = vector.broadcast %broadcast_in_dim3A_49 : f32 to vector<16xf32>
      %swap3A_51 = arith.index_cast %scan3A_34 : i32 to index
      %swap3A_52 = arith.constant 48 : index
      %swap3A_53 = tpu.vector_load %arg7[%swap3A_51, %swap3A_52] {strides = array<i32>} : memref<320x128xf32, #tpu.memory_space<vmem>>, vector<16xf32>,
      tpu.vector_store %arg7[%swap3A_51, %swap3A_52], %broadcast_in_dim3A_50 {strides = array<i32>} : memref<320x128xf32, #tpu.memory_space<vmem>>, vector<16xf32>,
      %broadcast_in_dim3A_54 = arith.constant 0xFF800000 : f32
      %broadcast_in_dim3A_55 = vector.broadcast %broadcast_in_dim3A_54 : f32 to vector<16xf32>
      %swap3A_56 = arith.index_cast %scan3A_34 : i32 to index
      %swap3A_57 = arith.constant 64 : index
      %swap3A_58 = tpu.vector_load %arg7[%swap3A_56, %swap3A_57] {strides = array<i32>} : memref<320x128xf32, #tpu.memory_space<vmem>>, vector<16xf32>,
      tpu.vector_store %arg7[%swap3A_56, %swap3A_57], %broadcast_in_dim3A_55 {strides = array<i32>} : memref<320x128xf32, #tpu.memory_space<vmem>>, vector<16xf32>,
      %broadcast_in_dim3A_59 = arith.constant 0xFF800000 : f32
      %broadcast_in_dim3A_60 = vector.broadcast %broadcast_in_dim3A_59 : f32 to vector<16xf32>
      %swap3A_61 = arith.index_cast %scan3A_34 : i32 to index
      %swap3A_62 = arith.constant 80 : index
      %swap3A_63 = tpu.vector_load %arg7[%swap3A_61, %swap3A_62] {strides = array<i32>} : memref<320x128xf32, #tpu.memory_space<vmem>>, vector<16xf32>,
      tpu.vector_store %arg7[%swap3A_61, %swap3A_62], %broadcast_in_dim3A_60 {strides = array<i32>} : memref<320x128xf32, #tpu.memory_space<vmem>>, vector<16xf32>,
      %broadcast_in_dim3A_64 = arith.constant 0xFF800000 : f32
      %broadcast_in_dim3A_65 = vector.broadcast %broadcast_in_dim3A_64 : f32 to vector<16xf32>
      %swap3A_66 = arith.index_cast %scan3A_34 : i32 to index
      %swap3A_67 = arith.constant 96 : index
      %swap3A_68 = tpu.vector_load %arg7[%swap3A_66, %swap3A_67] {strides = array<i32>} : memref<320x128xf32, #tpu.memory_space<vmem>>, vector<16xf32>,
      tpu.vector_store %arg7[%swap3A_66, %swap3A_67], %broadcast_in_dim3A_65 {strides = array<i32>} : memref<320x128xf32, #tpu.memory_space<vmem>>, vector<16xf32>,
      %broadcast_in_dim3A_69 = arith.constant 0xFF800000 : f32
      %broadcast_in_dim3A_70 = vector.broadcast %broadcast_in_dim3A_69 : f32 to vector<16xf32>
      %swap3A_71 = arith.index_cast %scan3A_34 : i32 to index
      %swap3A_72 = arith.constant 112 : index
      %swap3A_73 = tpu.vector_load %arg7[%swap3A_71, %swap3A_72] {strides = array<i32>} : memref<320x128xf32, #tpu.memory_space<vmem>>, vector<16xf32>,
      tpu.vector_store %arg7[%swap3A_71, %swap3A_72], %broadcast_in_dim3A_70 {strides = array<i32>} : memref<320x128xf32, #tpu.memory_space<vmem>>, vector<16xf32>,
      %scan3A_74 = arith.constant 0 : i32
      scf.yield %scan3A_74 : i32
    }
    %scan3A_10 = arith.constant 320 : i32
    %scan3A_11 = arith.constant 0 : i32
    %scan3A_12 = arith.constant 0 : i32
    %scan3A_13 = arith.constant 404 : i32
    %scan3A_14 = arith.addi %scan3A_12, %scan3A_13 : i32
    %scan3A_15 = arith.constant 1 : i32
    %scan3A_16 = scf.for %scan3A_34 = %scan3A_12 to %scan3A_14 step %scan3A_15 iter_args(%scan3A_35 = %scan3A_11) -> (i32)  : i32 {
      %broadcast_in_dim3A = arith.constant 0 : i32
      %broadcast_in_dim3A_36 = vector.broadcast %broadcast_in_dim3A : i32 to vector<16xi32>
      %mul3A_37 = arith.constant 16 : i32
      %mul3A_38 = arith.muli %scan3A_34, %mul3A_37 : i32
      %swap3A = arith.index_cast %mul3A_38 : i32 to index
      %swap3A_39 = tpu.vector_load %arg10[%swap3A] {strides = array<i32>} : memref<6464xi32, #tpu.memory_space<vmem>>, vector<16xi32>,
      tpu.vector_store %arg10[%swap3A], %broadcast_in_dim3A_36 {strides = array<i32>} : memref<6464xi32, #tpu.memory_space<vmem>>, vector<16xi32>,
      %broadcast_in_dim3A_40 = vector.broadcast %mul3A_2 : i32 to vector<16xi32>
      %mul3A_41 = arith.constant 16 : i32
      %mul3A_42 = arith.muli %scan3A_34, %mul3A_41 : i32
      %swap3A_43 = arith.index_cast %mul3A_42 : i32 to index
      %swap3A_44 = tpu.vector_load %arg11[%swap3A_43] {strides = array<i32>} : memref<6464xi32, #tpu.memory_space<vmem>>, vector<16xi32>,
      tpu.vector_store %arg11[%swap3A_43], %broadcast_in_dim3A_40 {strides = array<i32>} : memref<6464xi32, #tpu.memory_space<vmem>>, vector<16xi32>,
      %scan3A_45 = arith.constant 0 : i32
      scf.yield %scan3A_45 : i32
    }
    %scan3A_17 = arith.constant 404 : i32
    %scan3A_18 = arith.constant 0 : i32
    %scan3A_19 = arith.constant 0 : i32
    %scan3A_20 = arith.constant 50 : i32
    %scan3A_21 = arith.addi %scan3A_19, %scan3A_20 : i32
    %scan3A_22 = arith.constant 1 : i32
    %scan3A_23 = scf.for %scan3A_34 = %scan3A_19 to %scan3A_21 step %scan3A_22 iter_args(%scan3A_35 = %scan3A_18) -> (i32)  : i32 {
      %mul3A_36 = arith.constant 6400 : i32
      %mul3A_37 = arith.muli %scan3A_34, %mul3A_36 : i32
      "tpu.region"() ({
        %run_scoped3A = tpu.sem_alloc : memref<!tpu.dma_semaphore, #tpu.memory_space<semaphore_mem>>
        %dma_start3A = tpu.memref_slice %arg4[%mul3A_37] : memref<320000xi32, #tpu.memory_space<hbm>> -> memref<6400xi32, #tpu.memory_space<hbm>>
        %dma_start3A_117 = tpu.memref_slice %arg4[%mul3A_37] : memref<320000xi32, #tpu.memory_space<hbm>> -> memref<6400xi32, #tpu.memory_space<hbm>>
        tpu.enqueue_dma source(%dma_start3A_117 : memref<6400xi32, #tpu.memory_space<hbm>>) target(%arg8 : memref<6400xi32, #tpu.memory_space<vmem>>) target_semaphore(%run_scoped3A : memref<!tpu.dma_semaphore, #tpu.memory_space<semaphore_mem>>)
        %dma_wait3A = tpu.memref_slice %arg4[%mul3A_37] : memref<320000xi32, #tpu.memory_space<hbm>> -> memref<6400xi32, #tpu.memory_space<hbm>>
        %dma_wait3A_118 = tpu.memref_slice %arg4[%mul3A_37] : memref<320000xi32, #tpu.memory_space<hbm>> -> memref<6400xi32, #tpu.memory_space<hbm>>
        tpu.wait_dma2 semaphore(%run_scoped3A : memref<!tpu.dma_semaphore, #tpu.memory_space<semaphore_mem>>) src(%dma_wait3A_118 : memref<6400xi32, #tpu.memory_space<hbm>>) dst(%arg8 : memref<6400xi32, #tpu.memory_space<vmem>>)
        tpu.yield
      }) : () -> ()
      %mul3A_38 = arith.constant 6400 : i32
      %mul3A_39 = arith.muli %scan3A_34, %mul3A_38 : i32
      "tpu.region"() ({
        %run_scoped3A = tpu.sem_alloc : memref<!tpu.dma_semaphore, #tpu.memory_space<semaphore_mem>>
        %dma_start3A = tpu.memref_slice %arg5[%mul3A_39] : memref<320000xi32, #tpu.memory_space<hbm>> -> memref<6400xi32, #tpu.memory_space<hbm>>
        %dma_start3A_117 = tpu.memref_slice %arg5[%mul3A_39] : memref<320000xi32, #tpu.memory_space<hbm>> -> memref<6400xi32, #tpu.memory_space<hbm>>
        tpu.enqueue_dma source(%dma_start3A_117 : memref<6400xi32, #tpu.memory_space<hbm>>) target(%arg9 : memref<6400xi32, #tpu.memory_space<vmem>>) target_semaphore(%run_scoped3A : memref<!tpu.dma_semaphore, #tpu.memory_space<semaphore_mem>>)
        %dma_wait3A = tpu.memref_slice %arg5[%mul3A_39] : memref<320000xi32, #tpu.memory_space<hbm>> -> memref<6400xi32, #tpu.memory_space<hbm>>
        %dma_wait3A_118 = tpu.memref_slice %arg5[%mul3A_39] : memref<320000xi32, #tpu.memory_space<hbm>> -> memref<6400xi32, #tpu.memory_space<hbm>>
        tpu.wait_dma2 semaphore(%run_scoped3A : memref<!tpu.dma_semaphore, #tpu.memory_space<semaphore_mem>>) src(%dma_wait3A_118 : memref<6400xi32, #tpu.memory_space<hbm>>) dst(%arg9 : memref<6400xi32, #tpu.memory_space<vmem>>)
        tpu.yield
      }) : () -> ()
      %broadcast_in_dim3A = vector.broadcast %scan3A_35 : i32 to vector<16xi32>
      %scan3A_40 = arith.constant 0 : i32
      %scan3A_41 = arith.constant 100 : i32
      %scan3A_42 = arith.addi %scan3A_40, %scan3A_41 : i32
      %scan3A_43 = arith.constant 1 : i32
      %scan3A_44 = scf.for %scan3A_117 = %scan3A_40 to %scan3A_42 step %scan3A_43 iter_args(%scan3A_118 = %broadcast_in_dim3A) -> (vector<16xi32>)  : i32 {
        %mul3A_119 = arith.constant 4 : i32
        %mul3A_120 = arith.muli %scan3A_117, %mul3A_119 : i32
        %add3A_121 = arith.constant 0 : i32
        %add3A_122 = arith.addi %mul3A_120, %add3A_121 : i32
        %mul3A_123 = arith.constant 16 : i32
        %mul3A_124 = arith.muli %add3A_122, %mul3A_123 : i32
        %get3A_125 = arith.index_cast %mul3A_124 : i32 to index
        %get3A_126 = tpu.vector_load %arg9[%get3A_125] {strides = array<i32>} : memref<6400xi32, #tpu.memory_space<vmem>>, vector<16xi32>,
        %get3A_127 = arith.index_cast %mul3A_124 : i32 to index
        %get3A_128 = tpu.vector_load %arg8[%get3A_127] {strides = array<i32>} : memref<6400xi32, #tpu.memory_space<vmem>>, vector<16xi32>,
        %ge3A = vector.broadcast %mul3A_2 : i32 to vector<16xi32>
        %ge3A_129 = arith.cmpi sge, %get3A_126, %ge3A : vector<16xi32>
        %lt3A = vector.broadcast %add3A_4 : i32 to vector<16xi32>
        %lt3A_130 = arith.cmpi slt, %get3A_126, %lt3A : vector<16xi32>
        %and3A = arith.andi %ge3A_129, %lt3A_130 : vector<16xi1>
        %convert_element_type3A_131 = arith.extui %and3A : vector<16xi1> to vector<16xi32>
        %broadcast_in_dim3A_132 = arith.constant true
        %broadcast_in_dim3A_133 = vector.broadcast %broadcast_in_dim3A_132 : i1 to vector<16xi1>
        %masked_cumsum3A = tpu.scan <sum>, %convert_element_type3A_131 masked %broadcast_in_dim3A_133 : vector<16xi32>, vector<16xi1> -> vector<16xi32>
        %add3A_134 = arith.addi %scan3A_118, %masked_cumsum3A : vector<16xi32>
        %sub3A_135 = arith.constant 1 : i32
        %sub3A_136 = vector.broadcast %sub3A_135 : i32 to vector<16xi32>
        %sub3A_137 = arith.subi %add3A_134, %sub3A_136 : vector<16xi32>
        tpu.vector_store_idx %arg11[%sub3A_137], %get3A_126 masked %and3A : memref<6464xi32, #tpu.memory_space<vmem>>[vector<16xi32>], vector<16xi32>, vector<16xi1>
        tpu.vector_store_idx %arg10[%sub3A_137], %get3A_128 masked %and3A : memref<6464xi32, #tpu.memory_space<vmem>>[vector<16xi32>], vector<16xi32>, vector<16xi1>
        %all_reduce_population_count3A = tpu.all_reduce %and3A {dim = 0 : i64, kind = #tpu.reduction_kind<sum>} : vector<16xi1> -> vector<16xi32>
        %add3A_138 = arith.addi %scan3A_118, %all_reduce_population_count3A : vector<16xi32>
        %mul3A_139 = arith.constant 4 : i32
        %mul3A_140 = arith.muli %scan3A_117, %mul3A_139 : i32
        %add3A_141 = arith.constant 1 : i32
        %add3A_142 = arith.addi %mul3A_140, %add3A_141 : i32
        %mul3A_143 = arith.constant 16 : i32
        %mul3A_144 = arith.muli %add3A_142, %mul3A_143 : i32
        %get3A_145 = arith.index_cast %mul3A_144 : i32 to index
        %get3A_146 = tpu.vector_load %arg9[%get3A_145] {strides = array<i32>} : memref<6400xi32, #tpu.memory_space<vmem>>, vector<16xi32>,
        %get3A_147 = arith.index_cast %mul3A_144 : i32 to index
        %get3A_148 = tpu.vector_load %arg8[%get3A_147] {strides = array<i32>} : memref<6400xi32, #tpu.memory_space<vmem>>, vector<16xi32>,
        %ge3A_149 = vector.broadcast %mul3A_2 : i32 to vector<16xi32>
        %ge3A_150 = arith.cmpi sge, %get3A_146, %ge3A_149 : vector<16xi32>
        %lt3A_151 = vector.broadcast %add3A_4 : i32 to vector<16xi32>
        %lt3A_152 = arith.cmpi slt, %get3A_146, %lt3A_151 : vector<16xi32>
        %and3A_153 = arith.andi %ge3A_150, %lt3A_152 : vector<16xi1>
        %convert_element_type3A_154 = arith.extui %and3A_153 : vector<16xi1> to vector<16xi32>
        %broadcast_in_dim3A_155 = arith.constant true
        %broadcast_in_dim3A_156 = vector.broadcast %broadcast_in_dim3A_155 : i1 to vector<16xi1>
        %masked_cumsum3A_157 = tpu.scan <sum>, %convert_element_type3A_154 masked %broadcast_in_dim3A_156 : vector<16xi32>, vector<16xi1> -> vector<16xi32>
        %add3A_158 = arith.addi %add3A_138, %masked_cumsum3A_157 : vector<16xi32>
        %sub3A_159 = arith.constant 1 : i32
        %sub3A_160 = vector.broadcast %sub3A_159 : i32 to vector<16xi32>
        %sub3A_161 = arith.subi %add3A_158, %sub3A_160 : vector<16xi32>
        tpu.vector_store_idx %arg11[%sub3A_161], %get3A_146 masked %and3A_153 : memref<6464xi32, #tpu.memory_space<vmem>>[vector<16xi32>], vector<16xi32>, vector<16xi1>
        tpu.vector_store_idx %arg10[%sub3A_161], %get3A_148 masked %and3A_153 : memref<6464xi32, #tpu.memory_space<vmem>>[vector<16xi32>], vector<16xi32>, vector<16xi1>
        %all_reduce_population_count3A_162 = tpu.all_reduce %and3A_153 {dim = 0 : i64, kind = #tpu.reduction_kind<sum>} : vector<16xi1> -> vector<16xi32>
        %add3A_163 = arith.addi %add3A_138, %all_reduce_population_count3A_162 : vector<16xi32>
        %mul3A_164 = arith.constant 4 : i32
        %mul3A_165 = arith.muli %scan3A_117, %mul3A_164 : i32
        %add3A_166 = arith.constant 2 : i32
        %add3A_167 = arith.addi %mul3A_165, %add3A_166 : i32
        %mul3A_168 = arith.constant 16 : i32
        %mul3A_169 = arith.muli %add3A_167, %mul3A_168 : i32
        %get3A_170 = arith.index_cast %mul3A_169 : i32 to index
        %get3A_171 = tpu.vector_load %arg9[%get3A_170] {strides = array<i32>} : memref<6400xi32, #tpu.memory_space<vmem>>, vector<16xi32>,
        %get3A_172 = arith.index_cast %mul3A_169 : i32 to index
        %get3A_173 = tpu.vector_load %arg8[%get3A_172] {strides = array<i32>} : memref<6400xi32, #tpu.memory_space<vmem>>, vector<16xi32>,
        %ge3A_174 = vector.broadcast %mul3A_2 : i32 to vector<16xi32>
        %ge3A_175 = arith.cmpi sge, %get3A_171, %ge3A_174 : vector<16xi32>
        %lt3A_176 = vector.broadcast %add3A_4 : i32 to vector<16xi32>
        %lt3A_177 = arith.cmpi slt, %get3A_171, %lt3A_176 : vector<16xi32>
        %and3A_178 = arith.andi %ge3A_175, %lt3A_177 : vector<16xi1>
        %convert_element_type3A_179 = arith.extui %and3A_178 : vector<16xi1> to vector<16xi32>
        %broadcast_in_dim3A_180 = arith.constant true
        %broadcast_in_dim3A_181 = vector.broadcast %broadcast_in_dim3A_180 : i1 to vector<16xi1>
        %masked_cumsum3A_182 = tpu.scan <sum>, %convert_element_type3A_179 masked %broadcast_in_dim3A_181 : vector<16xi32>, vector<16xi1> -> vector<16xi32>
        %add3A_183 = arith.addi %add3A_163, %masked_cumsum3A_182 : vector<16xi32>
        %sub3A_184 = arith.constant 1 : i32
        %sub3A_185 = vector.broadcast %sub3A_184 : i32 to vector<16xi32>
        %sub3A_186 = arith.subi %add3A_183, %sub3A_185 : vector<16xi32>
        tpu.vector_store_idx %arg11[%sub3A_186], %get3A_171 masked %and3A_178 : memref<6464xi32, #tpu.memory_space<vmem>>[vector<16xi32>], vector<16xi32>, vector<16xi1>
        tpu.vector_store_idx %arg10[%sub3A_186], %get3A_173 masked %and3A_178 : memref<6464xi32, #tpu.memory_space<vmem>>[vector<16xi32>], vector<16xi32>, vector<16xi1>
        %all_reduce_population_count3A_187 = tpu.all_reduce %and3A_178 {dim = 0 : i64, kind = #tpu.reduction_kind<sum>} : vector<16xi1> -> vector<16xi32>
        %add3A_188 = arith.addi %add3A_163, %all_reduce_population_count3A_187 : vector<16xi32>
        %mul3A_189 = arith.constant 4 : i32
        %mul3A_190 = arith.muli %scan3A_117, %mul3A_189 : i32
        %add3A_191 = arith.constant 3 : i32
        %add3A_192 = arith.addi %mul3A_190, %add3A_191 : i32
        %mul3A_193 = arith.constant 16 : i32
        %mul3A_194 = arith.muli %add3A_192, %mul3A_193 : i32
        %get3A_195 = arith.index_cast %mul3A_194 : i32 to index
        %get3A_196 = tpu.vector_load %arg9[%get3A_195] {strides = array<i32>} : memref<6400xi32, #tpu.memory_space<vmem>>, vector<16xi32>,
        %get3A_197 = arith.index_cast %mul3A_194 : i32 to index
        %get3A_198 = tpu.vector_load %arg8[%get3A_197] {strides = array<i32>} : memref<6400xi32, #tpu.memory_space<vmem>>, vector<16xi32>,
        %ge3A_199 = vector.broadcast %mul3A_2 : i32 to vector<16xi32>
        %ge3A_200 = arith.cmpi sge, %get3A_196, %ge3A_199 : vector<16xi32>
        %lt3A_201 = vector.broadcast %add3A_4 : i32 to vector<16xi32>
        %lt3A_202 = arith.cmpi slt, %get3A_196, %lt3A_201 : vector<16xi32>
        %and3A_203 = arith.andi %ge3A_200, %lt3A_202 : vector<16xi1>
        %convert_element_type3A_204 = arith.extui %and3A_203 : vector<16xi1> to vector<16xi32>
        %broadcast_in_dim3A_205 = arith.constant true
        %broadcast_in_dim3A_206 = vector.broadcast %broadcast_in_dim3A_205 : i1 to vector<16xi1>
        %masked_cumsum3A_207 = tpu.scan <sum>, %convert_element_type3A_204 masked %broadcast_in_dim3A_206 : vector<16xi32>, vector<16xi1> -> vector<16xi32>
        %add3A_208 = arith.addi %add3A_188, %masked_cumsum3A_207 : vector<16xi32>
        %sub3A_209 = arith.constant 1 : i32
        %sub3A_210 = vector.broadcast %sub3A_209 : i32 to vector<16xi32>
        %sub3A_211 = arith.subi %add3A_208, %sub3A_210 : vector<16xi32>
        tpu.vector_store_idx %arg11[%sub3A_211], %get3A_196 masked %and3A_203 : memref<6464xi32, #tpu.memory_space<vmem>>[vector<16xi32>], vector<16xi32>, vector<16xi1>
        tpu.vector_store_idx %arg10[%sub3A_211], %get3A_198 masked %and3A_203 : memref<6464xi32, #tpu.memory_space<vmem>>[vector<16xi32>], vector<16xi32>, vector<16xi1>
        %all_reduce_population_count3A_212 = tpu.all_reduce %and3A_203 {dim = 0 : i64, kind = #tpu.reduction_kind<sum>} : vector<16xi1> -> vector<16xi32>
        %add3A_213 = arith.addi %add3A_188, %all_reduce_population_count3A_212 : vector<16xi32>
        scf.yield %add3A_213 : vector<16xi32>
      }
      %scan3A_45 = arith.constant 100 : i32
      %reduce_max3A = arith.constant true
      %reduce_max3A_46 = vector.broadcast %reduce_max3A : i1 to vector<16xi1>
      %reduce_max3A_47 = arith.constant -2147483648 : i32
      %reduce_max3A_48 = vector.broadcast %reduce_max3A_47 : i32 to vector<16xi32>
      %reduce_max3A_49 = arith.xori %scan3A_44, %reduce_max3A_48 : vector<16xi32>
      %reduce_max3A_50 = tpu.scan <max>, %reduce_max3A_49 masked %reduce_max3A_46 : vector<16xi32>, vector<16xi1> -> vector<16xi32>
      %reduce_max3A_51 = arith.xori %reduce_max3A_50, %reduce_max3A_48 : vector<16xi32>
      %reduce_max3A_52 = vector.extract %reduce_max3A_51[15] : i32 from vector<16xi32>
      %shift_right_arithmetic3A = arith.constant 6 : i32
      %shift_right_arithmetic3A_53 = arith.shrsi %reduce_max3A_52, %shift_right_arithmetic3A : i32
      %gt3A_54 = arith.constant 0 : i32
      %gt3A_55 = arith.cmpi sgt, %shift_right_arithmetic3A_53, %gt3A_54 : i32
      %convert_element_type3A_56 = arith.extui %gt3A_55 : i1 to i32
      %cond3A_57 = arith.constant 0 : i32
      %cond3A_58 = arith.cmpi ne, %convert_element_type3A_56, %cond3A_57 : i32
      scf.if %cond3A_58 {
        %eq3A = arith.constant 0 : i32
        %eq3A_117 = arith.constant 0 : i32
        %eq3A_118 = arith.cmpi eq, %eq3A, %eq3A_117 : i32
        %convert_element_type3A_119 = arith.extui %eq3A_118 : i1 to i32
        %cond3A_120 = arith.constant 0 : i32
        %cond3A_121 = arith.constant 0 : i32
        %cond3A_122 = arith.cmpi ne, %convert_element_type3A_119, %cond3A_121 : i32
        scf.if %cond3A_122 {
          %dma_start3A = arith.constant 0 : i32
          %dma_start3A_130 = arith.constant 0 : i32
          %dma_start3A_131 = tpu.memref_slice %arg12[%cond3A_120, %dma_start3A, %dma_start3A_130] : memref<2x64x128xf32, #tpu.memory_space<vmem>> -> memref<1x64x128xf32, #tpu.memory_space<vmem>>
          %dma_start3A_132 = tpu.memref_squeeze %dma_start3A_131 : memref<1x64x128xf32, #tpu.memory_space<vmem>> -> memref<64x128xf32, #tpu.memory_space<vmem>>
          %dma_start3A_133 = arith.constant 0 : i32
          %dma_start3A_134 = tpu.memref_slice %arg10[%dma_start3A_133] : memref<6464xi32, #tpu.memory_space<vmem>> -> memref<64xi32, #tpu.memory_space<vmem>>
          %dma_start3A_135 = arith.constant 0 : i32
          %dma_start3A_136 = arith.constant 0 : i32
          %dma_start3A_137 = tpu.memref_slice %arg2[%dma_start3A_135, %dma_start3A_136] : memref<10240x128xf32, #tpu.memory_space<hbm>> -> memref<10240x128xf32, #tpu.memory_space<hbm>>
          tpu.enqueue_indirect_dma source(%dma_start3A_137 : memref<10240x128xf32, #tpu.memory_space<hbm>>) target(%dma_start3A_132 : memref<64x128xf32, #tpu.memory_space<vmem>>) offsets(%dma_start3A_134 : memref<64xi32, #tpu.memory_space<vmem>>) semaphore(%arg15 : memref<!tpu.dma_semaphore, #tpu.memory_space<semaphore_mem>>)
        } else {
        }
        %eq3A_123 = arith.constant 0 : i32
        %eq3A_124 = arith.constant 1 : i32
        %eq3A_125 = arith.cmpi eq, %eq3A_123, %eq3A_124 : i32
        %convert_element_type3A_126 = arith.extui %eq3A_125 : i1 to i32
        %cond3A_127 = arith.constant 0 : i32
        %cond3A_128 = arith.constant 0 : i32
        %cond3A_129 = arith.cmpi ne, %convert_element_type3A_126, %cond3A_128 : i32
        scf.if %cond3A_129 {
          %dma_start3A = arith.constant 0 : i32
          %dma_start3A_130 = arith.constant 0 : i32
          %dma_start3A_131 = tpu.memref_slice %arg12[%cond3A_127, %dma_start3A, %dma_start3A_130] : memref<2x64x128xf32, #tpu.memory_space<vmem>> -> memref<1x64x128xf32, #tpu.memory_space<vmem>>
          %dma_start3A_132 = tpu.memref_squeeze %dma_start3A_131 : memref<1x64x128xf32, #tpu.memory_space<vmem>> -> memref<64x128xf32, #tpu.memory_space<vmem>>
          %dma_start3A_133 = arith.constant 0 : i32
          %dma_start3A_134 = tpu.memref_slice %arg10[%dma_start3A_133] : memref<6464xi32, #tpu.memory_space<vmem>> -> memref<64xi32, #tpu.memory_space<vmem>>
          %dma_start3A_135 = arith.constant 0 : i32
          %dma_start3A_136 = arith.constant 0 : i32
          %dma_start3A_137 = tpu.memref_slice %arg2[%dma_start3A_135, %dma_start3A_136] : memref<10240x128xf32, #tpu.memory_space<hbm>> -> memref<10240x128xf32, #tpu.memory_space<hbm>>
          tpu.enqueue_indirect_dma source(%dma_start3A_137 : memref<10240x128xf32, #tpu.memory_space<hbm>>) target(%dma_start3A_132 : memref<64x128xf32, #tpu.memory_space<vmem>>) offsets(%dma_start3A_134 : memref<64xi32, #tpu.memory_space<vmem>>) semaphore(%arg16 : memref<!tpu.dma_semaphore, #tpu.memory_space<semaphore_mem>>)
        } else {
        }
      } else {
      }
      %while3A = arith.constant 0 : i32
      %while3A_59 = arith.constant 0 : i32
      %while3A_60 = arith.subi %shift_right_arithmetic3A_53, %while3A : i32
      %while3A_61 = arith.addi %while3A, %while3A_60 : i32
      %while3A_62 = arith.constant 1 : i32
      %while3A_63 = arith.divsi %while3A_60, %while3A_62 : i32
      %while3A_64 = arith.muli %while3A_63, %while3A_62 : i32
      %while3A_65 = arith.addi %while3A, %while3A_64 : i32
      %while3A_66 = arith.constant 1 : i32
      %while3A_67 = scf.for %while3A_117 = %while3A to %while3A_65 step %while3A_66 iter_args(%while3A_118 = %while3A_59) -> (i32)  : i32 {
        %and3A = arith.constant 1 : i32
        %and3A_119 = arith.andi %while3A_117, %and3A : i32
        %add3A_120 = arith.constant 1 : i32
        %add3A_121 = arith.addi %while3A_117, %add3A_120 : i32
        %lt3A = arith.cmpi slt, %add3A_121, %shift_right_arithmetic3A_53 : i32
        %convert_element_type3A_122 = arith.extui %lt3A : i1 to i32
        %cond3A_123 = arith.constant 0 : i32
        %cond3A_124 = arith.cmpi ne, %convert_element_type3A_122, %cond3A_123 : i32
        scf.if %cond3A_124 {
          %add3A_144 = arith.constant 1 : i32
          %add3A_145 = arith.addi %while3A_117, %add3A_144 : i32
          %mul3A_146 = arith.constant 64 : i32
          %mul3A_147 = arith.muli %add3A_145, %mul3A_146 : i32
          %sub3A_148 = arith.constant 1 : i32
          %sub3A_149 = arith.subi %sub3A_148, %and3A_119 : i32
          %eq3A_150 = arith.constant 0 : i32
          %eq3A_151 = arith.cmpi eq, %sub3A_149, %eq3A_150 : i32
          %convert_element_type3A_152 = arith.extui %eq3A_151 : i1 to i32
          %cond3A_153 = arith.constant 0 : i32
          %cond3A_154 = arith.cmpi ne, %convert_element_type3A_152, %cond3A_153 : i32
          scf.if %cond3A_154 {
            %dma_start3A = arith.constant 0 : i32
            %dma_start3A_160 = arith.constant 0 : i32
            %dma_start3A_161 = tpu.memref_slice %arg12[%sub3A_149, %dma_start3A, %dma_start3A_160] : memref<2x64x128xf32, #tpu.memory_space<vmem>> -> memref<1x64x128xf32, #tpu.memory_space<vmem>>
            %dma_start3A_162 = tpu.memref_squeeze %dma_start3A_161 : memref<1x64x128xf32, #tpu.memory_space<vmem>> -> memref<64x128xf32, #tpu.memory_space<vmem>>
            %dma_start3A_163 = tpu.memref_slice %arg10[%mul3A_147] : memref<6464xi32, #tpu.memory_space<vmem>> -> memref<64xi32, #tpu.memory_space<vmem>>
            %dma_start3A_164 = arith.constant 0 : i32
            %dma_start3A_165 = arith.constant 0 : i32
            %dma_start3A_166 = tpu.memref_slice %arg2[%dma_start3A_164, %dma_start3A_165] : memref<10240x128xf32, #tpu.memory_space<hbm>> -> memref<10240x128xf32, #tpu.memory_space<hbm>>
            tpu.enqueue_indirect_dma source(%dma_start3A_166 : memref<10240x128xf32, #tpu.memory_space<hbm>>) target(%dma_start3A_162 : memref<64x128xf32, #tpu.memory_space<vmem>>) offsets(%dma_start3A_163 : memref<64xi32, #tpu.memory_space<vmem>>) semaphore(%arg15 : memref<!tpu.dma_semaphore, #tpu.memory_space<semaphore_mem>>)
          } else {
          }
          %eq3A_155 = arith.constant 1 : i32
          %eq3A_156 = arith.cmpi eq, %sub3A_149, %eq3A_155 : i32
          %convert_element_type3A_157 = arith.extui %eq3A_156 : i1 to i32
          %cond3A_158 = arith.constant 0 : i32
          %cond3A_159 = arith.cmpi ne, %convert_element_type3A_157, %cond3A_158 : i32
          scf.if %cond3A_159 {
            %dma_start3A = arith.constant 0 : i32
            %dma_start3A_160 = arith.constant 0 : i32
            %dma_start3A_161 = tpu.memref_slice %arg12[%sub3A_149, %dma_start3A, %dma_start3A_160] : memref<2x64x128xf32, #tpu.memory_space<vmem>> -> memref<1x64x128xf32, #tpu.memory_space<vmem>>
            %dma_start3A_162 = tpu.memref_squeeze %dma_start3A_161 : memref<1x64x128xf32, #tpu.memory_space<vmem>> -> memref<64x128xf32, #tpu.memory_space<vmem>>
            %dma_start3A_163 = tpu.memref_slice %arg10[%mul3A_147] : memref<6464xi32, #tpu.memory_space<vmem>> -> memref<64xi32, #tpu.memory_space<vmem>>
            %dma_start3A_164 = arith.constant 0 : i32
            %dma_start3A_165 = arith.constant 0 : i32
            %dma_start3A_166 = tpu.memref_slice %arg2[%dma_start3A_164, %dma_start3A_165] : memref<10240x128xf32, #tpu.memory_space<hbm>> -> memref<10240x128xf32, #tpu.memory_space<hbm>>
            tpu.enqueue_indirect_dma source(%dma_start3A_166 : memref<10240x128xf32, #tpu.memory_space<hbm>>) target(%dma_start3A_162 : memref<64x128xf32, #tpu.memory_space<vmem>>) offsets(%dma_start3A_163 : memref<64xi32, #tpu.memory_space<vmem>>) semaphore(%arg16 : memref<!tpu.dma_semaphore, #tpu.memory_space<semaphore_mem>>)
          } else {
          }
        } else {
        }
        %eq3A = arith.constant 0 : i32
        %eq3A_125 = arith.cmpi eq, %and3A_119, %eq3A : i32
        %convert_element_type3A_126 = arith.extui %eq3A_125 : i1 to i32
        %cond3A_127 = arith.constant 0 : i32
        %cond3A_128 = arith.cmpi ne, %convert_element_type3A_126, %cond3A_127 : i32
        scf.if %cond3A_128 {
          %dma_wait3A = arith.constant 0 : i32
          %dma_wait3A_144 = arith.constant 0 : i32
          %dma_wait3A_145 = tpu.memref_slice %arg12[%and3A_119, %dma_wait3A, %dma_wait3A_144] : memref<2x64x128xf32, #tpu.memory_space<vmem>> -> memref<1x64x128xf32, #tpu.memory_space<vmem>>
          %dma_wait3A_146 = tpu.memref_squeeze %dma_wait3A_145 : memref<1x64x128xf32, #tpu.memory_space<vmem>> -> memref<64x128xf32, #tpu.memory_space<vmem>>
          %dma_wait3A_147 = arith.constant 0 : i32
          %dma_wait3A_148 = arith.constant 0 : i32
          %dma_wait3A_149 = tpu.memref_slice %arg2[%dma_wait3A_147, %dma_wait3A_148] : memref<10240x128xf32, #tpu.memory_space<hbm>> -> memref<64x128xf32, #tpu.memory_space<hbm>>
          %dma_wait3A_150 = arith.constant 0 : i32
          %dma_wait3A_151 = arith.constant 0 : i32
          %dma_wait3A_152 = tpu.memref_slice %arg12[%and3A_119, %dma_wait3A_150, %dma_wait3A_151] : memref<2x64x128xf32, #tpu.memory_space<vmem>> -> memref<1x64x128xf32, #tpu.memory_space<vmem>>
          %dma_wait3A_153 = tpu.memref_squeeze %dma_wait3A_152 : memref<1x64x128xf32, #tpu.memory_space<vmem>> -> memref<64x128xf32, #tpu.memory_space<vmem>>
          %dma_wait3A_154 = arith.constant 0 : i32
          %dma_wait3A_155 = arith.constant 0 : i32
          %dma_wait3A_156 = tpu.memref_slice %arg2[%dma_wait3A_154, %dma_wait3A_155] : memref<10240x128xf32, #tpu.memory_space<hbm>> -> memref<64x128xf32, #tpu.memory_space<hbm>>
          tpu.wait_dma2 semaphore(%arg15 : memref<!tpu.dma_semaphore, #tpu.memory_space<semaphore_mem>>) src(%dma_wait3A_156 : memref<64x128xf32, #tpu.memory_space<hbm>>) dst(%dma_wait3A_153 : memref<64x128xf32, #tpu.memory_space<vmem>>)
        } else {
        }
        %eq3A_129 = arith.constant 1 : i32
        %eq3A_130 = arith.cmpi eq, %and3A_119, %eq3A_129 : i32
        %convert_element_type3A_131 = arith.extui %eq3A_130 : i1 to i32
        %cond3A_132 = arith.constant 0 : i32
        %cond3A_133 = arith.cmpi ne, %convert_element_type3A_131, %cond3A_132 : i32
        scf.if %cond3A_133 {
          %dma_wait3A = arith.constant 0 : i32
          %dma_wait3A_144 = arith.constant 0 : i32
          %dma_wait3A_145 = tpu.memref_slice %arg12[%and3A_119, %dma_wait3A, %dma_wait3A_144] : memref<2x64x128xf32, #tpu.memory_space<vmem>> -> memref<1x64x128xf32, #tpu.memory_space<vmem>>
          %dma_wait3A_146 = tpu.memref_squeeze %dma_wait3A_145 : memref<1x64x128xf32, #tpu.memory_space<vmem>> -> memref<64x128xf32, #tpu.memory_space<vmem>>
          %dma_wait3A_147 = arith.constant 0 : i32
          %dma_wait3A_148 = arith.constant 0 : i32
          %dma_wait3A_149 = tpu.memref_slice %arg2[%dma_wait3A_147, %dma_wait3A_148] : memref<10240x128xf32, #tpu.memory_space<hbm>> -> memref<64x128xf32, #tpu.memory_space<hbm>>
          %dma_wait3A_150 = arith.constant 0 : i32
          %dma_wait3A_151 = arith.constant 0 : i32
          %dma_wait3A_152 = tpu.memref_slice %arg12[%and3A_119, %dma_wait3A_150, %dma_wait3A_151] : memref<2x64x128xf32, #tpu.memory_space<vmem>> -> memref<1x64x128xf32, #tpu.memory_space<vmem>>
          %dma_wait3A_153 = tpu.memref_squeeze %dma_wait3A_152 : memref<1x64x128xf32, #tpu.memory_space<vmem>> -> memref<64x128xf32, #tpu.memory_space<vmem>>
          %dma_wait3A_154 = arith.constant 0 : i32
          %dma_wait3A_155 = arith.constant 0 : i32
          %dma_wait3A_156 = tpu.memref_slice %arg2[%dma_wait3A_154, %dma_wait3A_155] : memref<10240x128xf32, #tpu.memory_space<hbm>> -> memref<64x128xf32, #tpu.memory_space<hbm>>
          tpu.wait_dma2 semaphore(%arg16 : memref<!tpu.dma_semaphore, #tpu.memory_space<semaphore_mem>>) src(%dma_wait3A_156 : memref<64x128xf32, #tpu.memory_space<hbm>>) dst(%dma_wait3A_153 : memref<64x128xf32, #tpu.memory_space<vmem>>)
        } else {
        }
        %mul3A_134 = arith.constant 64 : i32
        %mul3A_135 = arith.muli %while3A_117, %mul3A_134 : i32
        %scan3A_136 = arith.constant 0 : i32
        %scan3A_137 = arith.constant 0 : i32
        %scan3A_138 = arith.constant 4 : i32
        %scan3A_139 = arith.addi %scan3A_137, %scan3A_138 : i32
        %scan3A_140 = arith.constant 1 : i32
        %scan3A_141 = scf.for %scan3A_144 = %scan3A_137 to %scan3A_139 step %scan3A_140 iter_args(%scan3A_145 = %scan3A_136) -> (i32)  : i32 {
          %mul3A_146 = arith.constant 16 : i32
          %mul3A_147 = arith.muli %scan3A_144, %mul3A_146 : i32
          %add3A_148 = arith.addi %mul3A_135, %mul3A_147 : i32
          %get3A_149 = arith.index_cast %add3A_148 : i32 to index
          %get3A_150 = tpu.vector_load %arg11[%get3A_149] {strides = array<i32>} : memref<6464xi32, #tpu.memory_space<vmem>>, vector<16xi32>,
          %sub3A_151 = vector.broadcast %mul3A_2 : i32 to vector<16xi32>
          %sub3A_152 = arith.subi %get3A_150, %sub3A_151 : vector<16xi32>
          %add3A_153 = vector.broadcast %add3A_148 : i32 to vector<16xi32>
          %add3A_154 = arith.addi %add3A_153, %iota3A : vector<16xi32>
          %lt3A_155 = vector.broadcast %reduce_max3A_52 : i32 to vector<16xi32>
          %lt3A_156 = arith.cmpi slt, %add3A_154, %lt3A_155 : vector<16xi32>
          %mul3A_157 = arith.constant 16 : i32
          %mul3A_158 = arith.muli %scan3A_144, %mul3A_157 : i32
          %add3A_159 = vector.broadcast %mul3A_158 : i32 to vector<16xi32>
          %add3A_160 = arith.addi %add3A_159, %iota3A : vector<16xi32>
          %broadcast_in_dim3A_161 = arith.constant 0.000000e+00 : f32
          %broadcast_in_dim3A_162 = vector.broadcast %broadcast_in_dim3A_161 : f32 to vector<16xf32>
          %scan3A_163 = arith.constant 0 : i32
          %scan3A_164 = arith.constant 16 : i32
          %scan3A_165 = arith.addi %scan3A_163, %scan3A_164 : i32
          %scan3A_166 = arith.constant 1 : i32
          %scan3A_167 = scf.for %scan3A_178 = %scan3A_163 to %scan3A_165 step %scan3A_166 iter_args(%scan3A_179 = %broadcast_in_dim3A_162) -> (vector<16xf32>)  : i32 {
            %mul3A_180 = arith.constant 8 : i32
            %mul3A_181 = arith.muli %scan3A_178, %mul3A_180 : i32
            %add3A_182 = arith.constant 0 : i32
            %add3A_183 = arith.addi %mul3A_181, %add3A_182 : i32
            %broadcast_in_dim3A_184 = vector.broadcast %add3A_183 : i32 to vector<16xi32>
            %add3A_185 = arith.addi %broadcast_in_dim3A_184, %iota3A : vector<16xi32>
            %and3A_186 = arith.constant 127 : i32
            %and3A_187 = vector.broadcast %and3A_186 : i32 to vector<16xi32>
            %and3A_188 = arith.andi %add3A_185, %and3A_187 : vector<16xi32>
            %gather3A = arith.constant 0 : i32
            %gather3A_189 = arith.constant 0 : i32
            %gather3A_190 = tpu.memref_slice %arg12[%and3A_119, %gather3A, %gather3A_189] : memref<2x64x128xf32, #tpu.memory_space<vmem>> -> memref<1x64x128xf32, #tpu.memory_space<vmem>>
            %gather3A_191 = tpu.memref_squeeze %gather3A_190 : memref<1x64x128xf32, #tpu.memory_space<vmem>> -> memref<64x128xf32, #tpu.memory_space<vmem>>
            %gather3A_192 = tpu.vector_load_idx %gather3A_191[%add3A_160, %and3A_188] : memref<64x128xf32, #tpu.memory_space<vmem>>[vector<16xi32>, vector<16xi32>], vector<16xf32>,
            %gather3A_193 = tpu.vector_load_idx %arg13[%sub3A_152, %and3A_188] : memref<320x128xf32, #tpu.memory_space<vmem>>[vector<16xi32>, vector<16xi32>], vector<16xf32>,
            %mul3A_194 = arith.mulf %gather3A_192, %gather3A_193 : vector<16xf32>
            %add3A_195 = arith.addf %scan3A_179, %mul3A_194 : vector<16xf32>
            %mul3A_196 = arith.constant 8 : i32
            %mul3A_197 = arith.muli %scan3A_178, %mul3A_196 : i32
            %add3A_198 = arith.constant 1 : i32
            %add3A_199 = arith.addi %mul3A_197, %add3A_198 : i32
            %broadcast_in_dim3A_200 = vector.broadcast %add3A_199 : i32 to vector<16xi32>
            %add3A_201 = arith.addi %broadcast_in_dim3A_200, %iota3A : vector<16xi32>
            %and3A_202 = arith.constant 127 : i32
            %and3A_203 = vector.broadcast %and3A_202 : i32 to vector<16xi32>
            %and3A_204 = arith.andi %add3A_201, %and3A_203 : vector<16xi32>
            %gather3A_205 = arith.constant 0 : i32
            %gather3A_206 = arith.constant 0 : i32
            %gather3A_207 = tpu.memref_slice %arg12[%and3A_119, %gather3A_205, %gather3A_206] : memref<2x64x128xf32, #tpu.memory_space<vmem>> -> memref<1x64x128xf32, #tpu.memory_space<vmem>>
            %gather3A_208 = tpu.memref_squeeze %gather3A_207 : memref<1x64x128xf32, #tpu.memory_space<vmem>> -> memref<64x128xf32, #tpu.memory_space<vmem>>
            %gather3A_209 = tpu.vector_load_idx %gather3A_208[%add3A_160, %and3A_204] : memref<64x128xf32, #tpu.memory_space<vmem>>[vector<16xi32>, vector<16xi32>], vector<16xf32>,
            %gather3A_210 = tpu.vector_load_idx %arg13[%sub3A_152, %and3A_204] : memref<320x128xf32, #tpu.memory_space<vmem>>[vector<16xi32>, vector<16xi32>], vector<16xf32>,
            %mul3A_211 = arith.mulf %gather3A_209, %gather3A_210 : vector<16xf32>
            %add3A_212 = arith.addf %add3A_195, %mul3A_211 : vector<16xf32>
            %mul3A_213 = arith.constant 8 : i32
            %mul3A_214 = arith.muli %scan3A_178, %mul3A_213 : i32
            %add3A_215 = arith.constant 2 : i32
            %add3A_216 = arith.addi %mul3A_214, %add3A_215 : i32
            %broadcast_in_dim3A_217 = vector.broadcast %add3A_216 : i32 to vector<16xi32>
            %add3A_218 = arith.addi %broadcast_in_dim3A_217, %iota3A : vector<16xi32>
            %and3A_219 = arith.constant 127 : i32
            %and3A_220 = vector.broadcast %and3A_219 : i32 to vector<16xi32>
            %and3A_221 = arith.andi %add3A_218, %and3A_220 : vector<16xi32>
            %gather3A_222 = arith.constant 0 : i32
            %gather3A_223 = arith.constant 0 : i32
            %gather3A_224 = tpu.memref_slice %arg12[%and3A_119, %gather3A_222, %gather3A_223] : memref<2x64x128xf32, #tpu.memory_space<vmem>> -> memref<1x64x128xf32, #tpu.memory_space<vmem>>
            %gather3A_225 = tpu.memref_squeeze %gather3A_224 : memref<1x64x128xf32, #tpu.memory_space<vmem>> -> memref<64x128xf32, #tpu.memory_space<vmem>>
            %gather3A_226 = tpu.vector_load_idx %gather3A_225[%add3A_160, %and3A_221] : memref<64x128xf32, #tpu.memory_space<vmem>>[vector<16xi32>, vector<16xi32>], vector<16xf32>,
            %gather3A_227 = tpu.vector_load_idx %arg13[%sub3A_152, %and3A_221] : memref<320x128xf32, #tpu.memory_space<vmem>>[vector<16xi32>, vector<16xi32>], vector<16xf32>,
            %mul3A_228 = arith.mulf %gather3A_226, %gather3A_227 : vector<16xf32>
            %add3A_229 = arith.addf %add3A_212, %mul3A_228 : vector<16xf32>
            %mul3A_230 = arith.constant 8 : i32
            %mul3A_231 = arith.muli %scan3A_178, %mul3A_230 : i32
            %add3A_232 = arith.constant 3 : i32
            %add3A_233 = arith.addi %mul3A_231, %add3A_232 : i32
            %broadcast_in_dim3A_234 = vector.broadcast %add3A_233 : i32 to vector<16xi32>
            %add3A_235 = arith.addi %broadcast_in_dim3A_234, %iota3A : vector<16xi32>
            %and3A_236 = arith.constant 127 : i32
            %and3A_237 = vector.broadcast %and3A_236 : i32 to vector<16xi32>
            %and3A_238 = arith.andi %add3A_235, %and3A_237 : vector<16xi32>
            %gather3A_239 = arith.constant 0 : i32
            %gather3A_240 = arith.constant 0 : i32
            %gather3A_241 = tpu.memref_slice %arg12[%and3A_119, %gather3A_239, %gather3A_240] : memref<2x64x128xf32, #tpu.memory_space<vmem>> -> memref<1x64x128xf32, #tpu.memory_space<vmem>>
            %gather3A_242 = tpu.memref_squeeze %gather3A_241 : memref<1x64x128xf32, #tpu.memory_space<vmem>> -> memref<64x128xf32, #tpu.memory_space<vmem>>
            %gather3A_243 = tpu.vector_load_idx %gather3A_242[%add3A_160, %and3A_238] : memref<64x128xf32, #tpu.memory_space<vmem>>[vector<16xi32>, vector<16xi32>], vector<16xf32>,
            %gather3A_244 = tpu.vector_load_idx %arg13[%sub3A_152, %and3A_238] : memref<320x128xf32, #tpu.memory_space<vmem>>[vector<16xi32>, vector<16xi32>], vector<16xf32>,
            %mul3A_245 = arith.mulf %gather3A_243, %gather3A_244 : vector<16xf32>
            %add3A_246 = arith.addf %add3A_229, %mul3A_245 : vector<16xf32>
            %mul3A_247 = arith.constant 8 : i32
            %mul3A_248 = arith.muli %scan3A_178, %mul3A_247 : i32
            %add3A_249 = arith.constant 4 : i32
            %add3A_250 = arith.addi %mul3A_248, %add3A_249 : i32
            %broadcast_in_dim3A_251 = vector.broadcast %add3A_250 : i32 to vector<16xi32>
            %add3A_252 = arith.addi %broadcast_in_dim3A_251, %iota3A : vector<16xi32>
            %and3A_253 = arith.constant 127 : i32
            %and3A_254 = vector.broadcast %and3A_253 : i32 to vector<16xi32>
            %and3A_255 = arith.andi %add3A_252, %and3A_254 : vector<16xi32>
            %gather3A_256 = arith.constant 0 : i32
            %gather3A_257 = arith.constant 0 : i32
            %gather3A_258 = tpu.memref_slice %arg12[%and3A_119, %gather3A_256, %gather3A_257] : memref<2x64x128xf32, #tpu.memory_space<vmem>> -> memref<1x64x128xf32, #tpu.memory_space<vmem>>
            %gather3A_259 = tpu.memref_squeeze %gather3A_258 : memref<1x64x128xf32, #tpu.memory_space<vmem>> -> memref<64x128xf32, #tpu.memory_space<vmem>>
            %gather3A_260 = tpu.vector_load_idx %gather3A_259[%add3A_160, %and3A_255] : memref<64x128xf32, #tpu.memory_space<vmem>>[vector<16xi32>, vector<16xi32>], vector<16xf32>,
            %gather3A_261 = tpu.vector_load_idx %arg13[%sub3A_152, %and3A_255] : memref<320x128xf32, #tpu.memory_space<vmem>>[vector<16xi32>, vector<16xi32>], vector<16xf32>,
            %mul3A_262 = arith.mulf %gather3A_260, %gather3A_261 : vector<16xf32>
            %add3A_263 = arith.addf %add3A_246, %mul3A_262 : vector<16xf32>
            %mul3A_264 = arith.constant 8 : i32
            %mul3A_265 = arith.muli %scan3A_178, %mul3A_264 : i32
            %add3A_266 = arith.constant 5 : i32
            %add3A_267 = arith.addi %mul3A_265, %add3A_266 : i32
            %broadcast_in_dim3A_268 = vector.broadcast %add3A_267 : i32 to vector<16xi32>
            %add3A_269 = arith.addi %broadcast_in_dim3A_268, %iota3A : vector<16xi32>
            %and3A_270 = arith.constant 127 : i32
            %and3A_271 = vector.broadcast %and3A_270 : i32 to vector<16xi32>
            %and3A_272 = arith.andi %add3A_269, %and3A_271 : vector<16xi32>
            %gather3A_273 = arith.constant 0 : i32
            %gather3A_274 = arith.constant 0 : i32
            %gather3A_275 = tpu.memref_slice %arg12[%and3A_119, %gather3A_273, %gather3A_274] : memref<2x64x128xf32, #tpu.memory_space<vmem>> -> memref<1x64x128xf32, #tpu.memory_space<vmem>>
            %gather3A_276 = tpu.memref_squeeze %gather3A_275 : memref<1x64x128xf32, #tpu.memory_space<vmem>> -> memref<64x128xf32, #tpu.memory_space<vmem>>
            %gather3A_277 = tpu.vector_load_idx %gather3A_276[%add3A_160, %and3A_272] : memref<64x128xf32, #tpu.memory_space<vmem>>[vector<16xi32>, vector<16xi32>], vector<16xf32>,
            %gather3A_278 = tpu.vector_load_idx %arg13[%sub3A_152, %and3A_272] : memref<320x128xf32, #tpu.memory_space<vmem>>[vector<16xi32>, vector<16xi32>], vector<16xf32>,
            %mul3A_279 = arith.mulf %gather3A_277, %gather3A_278 : vector<16xf32>
            %add3A_280 = arith.addf %add3A_263, %mul3A_279 : vector<16xf32>
            %mul3A_281 = arith.constant 8 : i32
            %mul3A_282 = arith.muli %scan3A_178, %mul3A_281 : i32
            %add3A_283 = arith.constant 6 : i32
            %add3A_284 = arith.addi %mul3A_282, %add3A_283 : i32
            %broadcast_in_dim3A_285 = vector.broadcast %add3A_284 : i32 to vector<16xi32>
            %add3A_286 = arith.addi %broadcast_in_dim3A_285, %iota3A : vector<16xi32>
            %and3A_287 = arith.constant 127 : i32
            %and3A_288 = vector.broadcast %and3A_287 : i32 to vector<16xi32>
            %and3A_289 = arith.andi %add3A_286, %and3A_288 : vector<16xi32>
            %gather3A_290 = arith.constant 0 : i32
            %gather3A_291 = arith.constant 0 : i32
            %gather3A_292 = tpu.memref_slice %arg12[%and3A_119, %gather3A_290, %gather3A_291] : memref<2x64x128xf32, #tpu.memory_space<vmem>> -> memref<1x64x128xf32, #tpu.memory_space<vmem>>
            %gather3A_293 = tpu.memref_squeeze %gather3A_292 : memref<1x64x128xf32, #tpu.memory_space<vmem>> -> memref<64x128xf32, #tpu.memory_space<vmem>>
            %gather3A_294 = tpu.vector_load_idx %gather3A_293[%add3A_160, %and3A_289] : memref<64x128xf32, #tpu.memory_space<vmem>>[vector<16xi32>, vector<16xi32>], vector<16xf32>,
            %gather3A_295 = tpu.vector_load_idx %arg13[%sub3A_152, %and3A_289] : memref<320x128xf32, #tpu.memory_space<vmem>>[vector<16xi32>, vector<16xi32>], vector<16xf32>,
            %mul3A_296 = arith.mulf %gather3A_294, %gather3A_295 : vector<16xf32>
            %add3A_297 = arith.addf %add3A_280, %mul3A_296 : vector<16xf32>
            %mul3A_298 = arith.constant 8 : i32
            %mul3A_299 = arith.muli %scan3A_178, %mul3A_298 : i32
            %add3A_300 = arith.constant 7 : i32
            %add3A_301 = arith.addi %mul3A_299, %add3A_300 : i32
            %broadcast_in_dim3A_302 = vector.broadcast %add3A_301 : i32 to vector<16xi32>
            %add3A_303 = arith.addi %broadcast_in_dim3A_302, %iota3A : vector<16xi32>
            %and3A_304 = arith.constant 127 : i32
            %and3A_305 = vector.broadcast %and3A_304 : i32 to vector<16xi32>
            %and3A_306 = arith.andi %add3A_303, %and3A_305 : vector<16xi32>
            %gather3A_307 = arith.constant 0 : i32
            %gather3A_308 = arith.constant 0 : i32
            %gather3A_309 = tpu.memref_slice %arg12[%and3A_119, %gather3A_307, %gather3A_308] : memref<2x64x128xf32, #tpu.memory_space<vmem>> -> memref<1x64x128xf32, #tpu.memory_space<vmem>>
            %gather3A_310 = tpu.memref_squeeze %gather3A_309 : memref<1x64x128xf32, #tpu.memory_space<vmem>> -> memref<64x128xf32, #tpu.memory_space<vmem>>
            %gather3A_311 = tpu.vector_load_idx %gather3A_310[%add3A_160, %and3A_306] : memref<64x128xf32, #tpu.memory_space<vmem>>[vector<16xi32>, vector<16xi32>], vector<16xf32>,
            %gather3A_312 = tpu.vector_load_idx %arg13[%sub3A_152, %and3A_306] : memref<320x128xf32, #tpu.memory_space<vmem>>[vector<16xi32>, vector<16xi32>], vector<16xf32>,
            %mul3A_313 = arith.mulf %gather3A_311, %gather3A_312 : vector<16xf32>
            %add3A_314 = arith.addf %add3A_297, %mul3A_313 : vector<16xf32>
            scf.yield %add3A_314 : vector<16xf32>
          }
          %scan3A_168 = arith.constant 16 : i32
          %neg3A = arith.constant 0.000000e+00 : f32
          %neg3A_169 = vector.broadcast %neg3A : f32 to vector<16xf32>
          %neg3A_170 = arith.subf %neg3A_169, %scan3A_167 : vector<16xf32>
          %exp3A = math.exp %neg3A_170 : vector<16xf32>
          %add3A_171 = arith.constant 1.000000e+00 : f32
          %add3A_172 = vector.broadcast %add3A_171 : f32 to vector<16xf32>
          %add3A_173 = arith.addf %add3A_172, %exp3A : vector<16xf32>
          %div3A = arith.constant 1.000000e+00 : f32
          %div3A_174 = vector.broadcast %div3A : f32 to vector<16xf32>
          %div3A_175 = arith.divf %div3A_174, %add3A_173 : vector<16xf32>
          %while3A_176 = scf.while (%while3A_178 = %lt3A_156) : (vector<16xi1>) -> vector<16xi1> {
            %all_reduce_population_count3A = tpu.all_reduce %while3A_178 {dim = 0 : i64, kind = #tpu.reduction_kind<sum>} : vector<16xi1> -> vector<16xi32>
            %reduce_max3A_179 = arith.constant true
            %reduce_max3A_180 = vector.broadcast %reduce_max3A_179 : i1 to vector<16xi1>
            %reduce_max3A_181 = arith.constant -2147483648 : i32
            %reduce_max3A_182 = vector.broadcast %reduce_max3A_181 : i32 to vector<16xi32>
            %reduce_max3A_183 = arith.xori %all_reduce_population_count3A, %reduce_max3A_182 : vector<16xi32>
            %reduce_max3A_184 = tpu.scan <max>, %reduce_max3A_183 masked %reduce_max3A_180 : vector<16xi32>, vector<16xi1> -> vector<16xi32>
            %reduce_max3A_185 = arith.xori %reduce_max3A_184, %reduce_max3A_182 : vector<16xi32>
            %reduce_max3A_186 = vector.extract %reduce_max3A_185[15] : i32 from vector<16xi32>
            %gt3A_187 = arith.constant 0 : i32
            %gt3A_188 = arith.cmpi sgt, %reduce_max3A_186, %gt3A_187 : i32
            scf.condition(%gt3A_188) %while3A_178 : vector<16xi1>
          } do {
          ^bb0(%while3A_178: vector<16xi1>):
            tpu.vector_store_idx %arg14[%sub3A_152], %iota3A masked %while3A_178 : memref<320xi32, #tpu.memory_space<vmem>>[vector<16xi32>], vector<16xi32>, vector<16xi1>
            %gather3A = tpu.vector_load_idx %arg14[%sub3A_152] masked %while3A_178 : memref<320xi32, #tpu.memory_space<vmem>>[vector<16xi32>], vector<16xi32>, vector<16xi1>
            %eq3A_179 = arith.cmpi eq, %gather3A, %iota3A : vector<16xi32>
            %and3A_180 = arith.andi %while3A_178, %eq3A_179 : vector<16xi1>
            %scan3A_181 = arith.constant 0 : i32
            %scan3A_182 = arith.constant 0 : i32
            %scan3A_183 = arith.constant 16 : i32
            %scan3A_184 = arith.addi %scan3A_182, %scan3A_183 : i32
            %scan3A_185 = arith.constant 1 : i32
            %scan3A_186 = scf.for %scan3A_190 = %scan3A_182 to %scan3A_184 step %scan3A_185 iter_args(%scan3A_191 = %scan3A_181) -> (i32)  : i32 {
              %mul3A_192 = arith.constant 8 : i32
              %mul3A_193 = arith.muli %scan3A_190, %mul3A_192 : i32
              %add3A_194 = arith.constant 0 : i32
              %add3A_195 = arith.addi %mul3A_193, %add3A_194 : i32
              %broadcast_in_dim3A_196 = vector.broadcast %add3A_195 : i32 to vector<16xi32>
              %add3A_197 = arith.addi %broadcast_in_dim3A_196, %iota3A : vector<16xi32>
              %and3A_198 = arith.constant 127 : i32
              %and3A_199 = vector.broadcast %and3A_198 : i32 to vector<16xi32>
              %and3A_200 = arith.andi %add3A_197, %and3A_199 : vector<16xi32>
              %gather3A_201 = arith.constant 0 : i32
              %gather3A_202 = arith.constant 0 : i32
              %gather3A_203 = tpu.memref_slice %arg12[%and3A_119, %gather3A_201, %gather3A_202] : memref<2x64x128xf32, #tpu.memory_space<vmem>> -> memref<1x64x128xf32, #tpu.memory_space<vmem>>
              %gather3A_204 = tpu.memref_squeeze %gather3A_203 : memref<1x64x128xf32, #tpu.memory_space<vmem>> -> memref<64x128xf32, #tpu.memory_space<vmem>>
              %gather3A_205 = tpu.vector_load_idx %gather3A_204[%add3A_160, %and3A_200] : memref<64x128xf32, #tpu.memory_space<vmem>>[vector<16xi32>, vector<16xi32>], vector<16xf32>,
              %mul3A_206 = arith.mulf %gather3A_205, %div3A_175 : vector<16xf32>
              %gather3A_207 = tpu.vector_load_idx %arg7[%sub3A_152, %and3A_200] masked %and3A_180 : memref<320x128xf32, #tpu.memory_space<vmem>>[vector<16xi32>, vector<16xi32>], vector<16xf32>, vector<16xi1>
              %max3A = arith.maximumf %gather3A_207, %mul3A_206 : vector<16xf32>
              tpu.vector_store_idx %arg7[%sub3A_152, %and3A_200], %max3A masked %and3A_180 : memref<320x128xf32, #tpu.memory_space<vmem>>[vector<16xi32>, vector<16xi32>], vector<16xf32>, vector<16xi1>
              %mul3A_208 = arith.constant 8 : i32
              %mul3A_209 = arith.muli %scan3A_190, %mul3A_208 : i32
              %add3A_210 = arith.constant 1 : i32
              %add3A_211 = arith.addi %mul3A_209, %add3A_210 : i32
              %broadcast_in_dim3A_212 = vector.broadcast %add3A_211 : i32 to vector<16xi32>
              %add3A_213 = arith.addi %broadcast_in_dim3A_212, %iota3A : vector<16xi32>
              %and3A_214 = arith.constant 127 : i32
              %and3A_215 = vector.broadcast %and3A_214 : i32 to vector<16xi32>
              %and3A_216 = arith.andi %add3A_213, %and3A_215 : vector<16xi32>
              %gather3A_217 = arith.constant 0 : i32
              %gather3A_218 = arith.constant 0 : i32
              %gather3A_219 = tpu.memref_slice %arg12[%and3A_119, %gather3A_217, %gather3A_218] : memref<2x64x128xf32, #tpu.memory_space<vmem>> -> memref<1x64x128xf32, #tpu.memory_space<vmem>>
              %gather3A_220 = tpu.memref_squeeze %gather3A_219 : memref<1x64x128xf32, #tpu.memory_space<vmem>> -> memref<64x128xf32, #tpu.memory_space<vmem>>
              %gather3A_221 = tpu.vector_load_idx %gather3A_220[%add3A_160, %and3A_216] : memref<64x128xf32, #tpu.memory_space<vmem>>[vector<16xi32>, vector<16xi32>], vector<16xf32>,
              %mul3A_222 = arith.mulf %gather3A_221, %div3A_175 : vector<16xf32>
              %gather3A_223 = tpu.vector_load_idx %arg7[%sub3A_152, %and3A_216] masked %and3A_180 : memref<320x128xf32, #tpu.memory_space<vmem>>[vector<16xi32>, vector<16xi32>], vector<16xf32>, vector<16xi1>
              %max3A_224 = arith.maximumf %gather3A_223, %mul3A_222 : vector<16xf32>
              tpu.vector_store_idx %arg7[%sub3A_152, %and3A_216], %max3A_224 masked %and3A_180 : memref<320x128xf32, #tpu.memory_space<vmem>>[vector<16xi32>, vector<16xi32>], vector<16xf32>, vector<16xi1>
              %mul3A_225 = arith.constant 8 : i32
              %mul3A_226 = arith.muli %scan3A_190, %mul3A_225 : i32
              %add3A_227 = arith.constant 2 : i32
              %add3A_228 = arith.addi %mul3A_226, %add3A_227 : i32
              %broadcast_in_dim3A_229 = vector.broadcast %add3A_228 : i32 to vector<16xi32>
              %add3A_230 = arith.addi %broadcast_in_dim3A_229, %iota3A : vector<16xi32>
              %and3A_231 = arith.constant 127 : i32
              %and3A_232 = vector.broadcast %and3A_231 : i32 to vector<16xi32>
              %and3A_233 = arith.andi %add3A_230, %and3A_232 : vector<16xi32>
              %gather3A_234 = arith.constant 0 : i32
              %gather3A_235 = arith.constant 0 : i32
              %gather3A_236 = tpu.memref_slice %arg12[%and3A_119, %gather3A_234, %gather3A_235] : memref<2x64x128xf32, #tpu.memory_space<vmem>> -> memref<1x64x128xf32, #tpu.memory_space<vmem>>
              %gather3A_237 = tpu.memref_squeeze %gather3A_236 : memref<1x64x128xf32, #tpu.memory_space<vmem>> -> memref<64x128xf32, #tpu.memory_space<vmem>>
              %gather3A_238 = tpu.vector_load_idx %gather3A_237[%add3A_160, %and3A_233] : memref<64x128xf32, #tpu.memory_space<vmem>>[vector<16xi32>, vector<16xi32>], vector<16xf32>,
              %mul3A_239 = arith.mulf %gather3A_238, %div3A_175 : vector<16xf32>
              %gather3A_240 = tpu.vector_load_idx %arg7[%sub3A_152, %and3A_233] masked %and3A_180 : memref<320x128xf32, #tpu.memory_space<vmem>>[vector<16xi32>, vector<16xi32>], vector<16xf32>, vector<16xi1>
              %max3A_241 = arith.maximumf %gather3A_240, %mul3A_239 : vector<16xf32>
              tpu.vector_store_idx %arg7[%sub3A_152, %and3A_233], %max3A_241 masked %and3A_180 : memref<320x128xf32, #tpu.memory_space<vmem>>[vector<16xi32>, vector<16xi32>], vector<16xf32>, vector<16xi1>
              %mul3A_242 = arith.constant 8 : i32
              %mul3A_243 = arith.muli %scan3A_190, %mul3A_242 : i32
              %add3A_244 = arith.constant 3 : i32
              %add3A_245 = arith.addi %mul3A_243, %add3A_244 : i32
              %broadcast_in_dim3A_246 = vector.broadcast %add3A_245 : i32 to vector<16xi32>
              %add3A_247 = arith.addi %broadcast_in_dim3A_246, %iota3A : vector<16xi32>
              %and3A_248 = arith.constant 127 : i32
              %and3A_249 = vector.broadcast %and3A_248 : i32 to vector<16xi32>
              %and3A_250 = arith.andi %add3A_247, %and3A_249 : vector<16xi32>
              %gather3A_251 = arith.constant 0 : i32
              %gather3A_252 = arith.constant 0 : i32
              %gather3A_253 = tpu.memref_slice %arg12[%and3A_119, %gather3A_251, %gather3A_252] : memref<2x64x128xf32, #tpu.memory_space<vmem>> -> memref<1x64x128xf32, #tpu.memory_space<vmem>>
              %gather3A_254 = tpu.memref_squeeze %gather3A_253 : memref<1x64x128xf32, #tpu.memory_space<vmem>> -> memref<64x128xf32, #tpu.memory_space<vmem>>
              %gather3A_255 = tpu.vector_load_idx %gather3A_254[%add3A_160, %and3A_250] : memref<64x128xf32, #tpu.memory_space<vmem>>[vector<16xi32>, vector<16xi32>], vector<16xf32>,
              %mul3A_256 = arith.mulf %gather3A_255, %div3A_175 : vector<16xf32>
              %gather3A_257 = tpu.vector_load_idx %arg7[%sub3A_152, %and3A_250] masked %and3A_180 : memref<320x128xf32, #tpu.memory_space<vmem>>[vector<16xi32>, vector<16xi32>], vector<16xf32>, vector<16xi1>
              %max3A_258 = arith.maximumf %gather3A_257, %mul3A_256 : vector<16xf32>
              tpu.vector_store_idx %arg7[%sub3A_152, %and3A_250], %max3A_258 masked %and3A_180 : memref<320x128xf32, #tpu.memory_space<vmem>>[vector<16xi32>, vector<16xi32>], vector<16xf32>, vector<16xi1>
              %mul3A_259 = arith.constant 8 : i32
              %mul3A_260 = arith.muli %scan3A_190, %mul3A_259 : i32
              %add3A_261 = arith.constant 4 : i32
              %add3A_262 = arith.addi %mul3A_260, %add3A_261 : i32
              %broadcast_in_dim3A_263 = vector.broadcast %add3A_262 : i32 to vector<16xi32>
              %add3A_264 = arith.addi %broadcast_in_dim3A_263, %iota3A : vector<16xi32>
              %and3A_265 = arith.constant 127 : i32
              %and3A_266 = vector.broadcast %and3A_265 : i32 to vector<16xi32>
              %and3A_267 = arith.andi %add3A_264, %and3A_266 : vector<16xi32>
              %gather3A_268 = arith.constant 0 : i32
              %gather3A_269 = arith.constant 0 : i32
              %gather3A_270 = tpu.memref_slice %arg12[%and3A_119, %gather3A_268, %gather3A_269] : memref<2x64x128xf32, #tpu.memory_space<vmem>> -> memref<1x64x128xf32, #tpu.memory_space<vmem>>
              %gather3A_271 = tpu.memref_squeeze %gather3A_270 : memref<1x64x128xf32, #tpu.memory_space<vmem>> -> memref<64x128xf32, #tpu.memory_space<vmem>>
              %gather3A_272 = tpu.vector_load_idx %gather3A_271[%add3A_160, %and3A_267] : memref<64x128xf32, #tpu.memory_space<vmem>>[vector<16xi32>, vector<16xi32>], vector<16xf32>,
              %mul3A_273 = arith.mulf %gather3A_272, %div3A_175 : vector<16xf32>
              %gather3A_274 = tpu.vector_load_idx %arg7[%sub3A_152, %and3A_267] masked %and3A_180 : memref<320x128xf32, #tpu.memory_space<vmem>>[vector<16xi32>, vector<16xi32>], vector<16xf32>, vector<16xi1>
              %max3A_275 = arith.maximumf %gather3A_274, %mul3A_273 : vector<16xf32>
              tpu.vector_store_idx %arg7[%sub3A_152, %and3A_267], %max3A_275 masked %and3A_180 : memref<320x128xf32, #tpu.memory_space<vmem>>[vector<16xi32>, vector<16xi32>], vector<16xf32>, vector<16xi1>
              %mul3A_276 = arith.constant 8 : i32
              %mul3A_277 = arith.muli %scan3A_190, %mul3A_276 : i32
              %add3A_278 = arith.constant 5 : i32
              %add3A_279 = arith.addi %mul3A_277, %add3A_278 : i32
              %broadcast_in_dim3A_280 = vector.broadcast %add3A_279 : i32 to vector<16xi32>
              %add3A_281 = arith.addi %broadcast_in_dim3A_280, %iota3A : vector<16xi32>
              %and3A_282 = arith.constant 127 : i32
              %and3A_283 = vector.broadcast %and3A_282 : i32 to vector<16xi32>
              %and3A_284 = arith.andi %add3A_281, %and3A_283 : vector<16xi32>
              %gather3A_285 = arith.constant 0 : i32
              %gather3A_286 = arith.constant 0 : i32
              %gather3A_287 = tpu.memref_slice %arg12[%and3A_119, %gather3A_285, %gather3A_286] : memref<2x64x128xf32, #tpu.memory_space<vmem>> -> memref<1x64x128xf32, #tpu.memory_space<vmem>>
              %gather3A_288 = tpu.memref_squeeze %gather3A_287 : memref<1x64x128xf32, #tpu.memory_space<vmem>> -> memref<64x128xf32, #tpu.memory_space<vmem>>
              %gather3A_289 = tpu.vector_load_idx %gather3A_288[%add3A_160, %and3A_284] : memref<64x128xf32, #tpu.memory_space<vmem>>[vector<16xi32>, vector<16xi32>], vector<16xf32>,
              %mul3A_290 = arith.mulf %gather3A_289, %div3A_175 : vector<16xf32>
              %gather3A_291 = tpu.vector_load_idx %arg7[%sub3A_152, %and3A_284] masked %and3A_180 : memref<320x128xf32, #tpu.memory_space<vmem>>[vector<16xi32>, vector<16xi32>], vector<16xf32>, vector<16xi1>
              %max3A_292 = arith.maximumf %gather3A_291, %mul3A_290 : vector<16xf32>
              tpu.vector_store_idx %arg7[%sub3A_152, %and3A_284], %max3A_292 masked %and3A_180 : memref<320x128xf32, #tpu.memory_space<vmem>>[vector<16xi32>, vector<16xi32>], vector<16xf32>, vector<16xi1>
              %mul3A_293 = arith.constant 8 : i32
              %mul3A_294 = arith.muli %scan3A_190, %mul3A_293 : i32
              %add3A_295 = arith.constant 6 : i32
              %add3A_296 = arith.addi %mul3A_294, %add3A_295 : i32
              %broadcast_in_dim3A_297 = vector.broadcast %add3A_296 : i32 to vector<16xi32>
              %add3A_298 = arith.addi %broadcast_in_dim3A_297, %iota3A : vector<16xi32>
              %and3A_299 = arith.constant 127 : i32
              %and3A_300 = vector.broadcast %and3A_299 : i32 to vector<16xi32>
              %and3A_301 = arith.andi %add3A_298, %and3A_300 : vector<16xi32>
              %gather3A_302 = arith.constant 0 : i32
              %gather3A_303 = arith.constant 0 : i32
              %gather3A_304 = tpu.memref_slice %arg12[%and3A_119, %gather3A_302, %gather3A_303] : memref<2x64x128xf32, #tpu.memory_space<vmem>> -> memref<1x64x128xf32, #tpu.memory_space<vmem>>
              %gather3A_305 = tpu.memref_squeeze %gather3A_304 : memref<1x64x128xf32, #tpu.memory_space<vmem>> -> memref<64x128xf32, #tpu.memory_space<vmem>>
              %gather3A_306 = tpu.vector_load_idx %gather3A_305[%add3A_160, %and3A_301] : memref<64x128xf32, #tpu.memory_space<vmem>>[vector<16xi32>, vector<16xi32>], vector<16xf32>,
              %mul3A_307 = arith.mulf %gather3A_306, %div3A_175 : vector<16xf32>
              %gather3A_308 = tpu.vector_load_idx %arg7[%sub3A_152, %and3A_301] masked %and3A_180 : memref<320x128xf32, #tpu.memory_space<vmem>>[vector<16xi32>, vector<16xi32>], vector<16xf32>, vector<16xi1>
              %max3A_309 = arith.maximumf %gather3A_308, %mul3A_307 : vector<16xf32>
              tpu.vector_store_idx %arg7[%sub3A_152, %and3A_301], %max3A_309 masked %and3A_180 : memref<320x128xf32, #tpu.memory_space<vmem>>[vector<16xi32>, vector<16xi32>], vector<16xf32>, vector<16xi1>
              %mul3A_310 = arith.constant 8 : i32
              %mul3A_311 = arith.muli %scan3A_190, %mul3A_310 : i32
              %add3A_312 = arith.constant 7 : i32
              %add3A_313 = arith.addi %mul3A_311, %add3A_312 : i32
              %broadcast_in_dim3A_314 = vector.broadcast %add3A_313 : i32 to vector<16xi32>
              %add3A_315 = arith.addi %broadcast_in_dim3A_314, %iota3A : vector<16xi32>
              %and3A_316 = arith.constant 127 : i32
              %and3A_317 = vector.broadcast %and3A_316 : i32 to vector<16xi32>
              %and3A_318 = arith.andi %add3A_315, %and3A_317 : vector<16xi32>
              %gather3A_319 = arith.constant 0 : i32
              %gather3A_320 = arith.constant 0 : i32
              %gather3A_321 = tpu.memref_slice %arg12[%and3A_119, %gather3A_319, %gather3A_320] : memref<2x64x128xf32, #tpu.memory_space<vmem>> -> memref<1x64x128xf32, #tpu.memory_space<vmem>>
              %gather3A_322 = tpu.memref_squeeze %gather3A_321 : memref<1x64x128xf32, #tpu.memory_space<vmem>> -> memref<64x128xf32, #tpu.memory_space<vmem>>
              %gather3A_323 = tpu.vector_load_idx %gather3A_322[%add3A_160, %and3A_318] : memref<64x128xf32, #tpu.memory_space<vmem>>[vector<16xi32>, vector<16xi32>], vector<16xf32>,
              %mul3A_324 = arith.mulf %gather3A_323, %div3A_175 : vector<16xf32>
              %gather3A_325 = tpu.vector_load_idx %arg7[%sub3A_152, %and3A_318] masked %and3A_180 : memref<320x128xf32, #tpu.memory_space<vmem>>[vector<16xi32>, vector<16xi32>], vector<16xf32>, vector<16xi1>
              %max3A_326 = arith.maximumf %gather3A_325, %mul3A_324 : vector<16xf32>
              tpu.vector_store_idx %arg7[%sub3A_152, %and3A_318], %max3A_326 masked %and3A_180 : memref<320x128xf32, #tpu.memory_space<vmem>>[vector<16xi32>, vector<16xi32>], vector<16xf32>, vector<16xi1>
              %scan3A_327 = arith.constant 0 : i32
              scf.yield %scan3A_327 : i32
            }
            %scan3A_187 = arith.constant 16 : i32
            %not3A = arith.constant dense<true> : vector<16xi1>
            %not3A_188 = arith.xori %and3A_180, %not3A : vector<16xi1>
            %and3A_189 = arith.andi %while3A_178, %not3A_188 : vector<16xi1>
            scf.yield %and3A_189 : vector<16xi1>
          }
          %scan3A_177 = arith.constant 0 : i32
          scf.yield %scan3A_177 : i32
        }
        %scan3A_142 = arith.constant 4 : i32
        %while3A_143 = arith.constant 0 : i32
        scf.yield %while3A_143 : i32
      }
      %while3A_68 = arith.constant 1 : i32
      %while3A_69 = scf.for %while3A_117 = %while3A_65 to %while3A_61 step %while3A_68 iter_args(%while3A_118 = %while3A_67) -> (i32)  : i32 {
        %and3A = arith.constant 1 : i32
        %and3A_119 = arith.andi %while3A_117, %and3A : i32
        %add3A_120 = arith.constant 1 : i32
        %add3A_121 = arith.addi %while3A_117, %add3A_120 : i32
        %lt3A = arith.cmpi slt, %add3A_121, %shift_right_arithmetic3A_53 : i32
        %convert_element_type3A_122 = arith.extui %lt3A : i1 to i32
        %cond3A_123 = arith.constant 0 : i32
        %cond3A_124 = arith.cmpi ne, %convert_element_type3A_122, %cond3A_123 : i32
        scf.if %cond3A_124 {
          %add3A_144 = arith.constant 1 : i32
          %add3A_145 = arith.addi %while3A_117, %add3A_144 : i32
          %mul3A_146 = arith.constant 64 : i32
          %mul3A_147 = arith.muli %add3A_145, %mul3A_146 : i32
          %sub3A_148 = arith.constant 1 : i32
          %sub3A_149 = arith.subi %sub3A_148, %and3A_119 : i32
          %eq3A_150 = arith.constant 0 : i32
          %eq3A_151 = arith.cmpi eq, %sub3A_149, %eq3A_150 : i32
          %convert_element_type3A_152 = arith.extui %eq3A_151 : i1 to i32
          %cond3A_153 = arith.constant 0 : i32
          %cond3A_154 = arith.cmpi ne, %convert_element_type3A_152, %cond3A_153 : i32
          scf.if %cond3A_154 {
            %dma_start3A = arith.constant 0 : i32
            %dma_start3A_160 = arith.constant 0 : i32
            %dma_start3A_161 = tpu.memref_slice %arg12[%sub3A_149, %dma_start3A, %dma_start3A_160] : memref<2x64x128xf32, #tpu.memory_space<vmem>> -> memref<1x64x128xf32, #tpu.memory_space<vmem>>
            %dma_start3A_162 = tpu.memref_squeeze %dma_start3A_161 : memref<1x64x128xf32, #tpu.memory_space<vmem>> -> memref<64x128xf32, #tpu.memory_space<vmem>>
            %dma_start3A_163 = tpu.memref_slice %arg10[%mul3A_147] : memref<6464xi32, #tpu.memory_space<vmem>> -> memref<64xi32, #tpu.memory_space<vmem>>
            %dma_start3A_164 = arith.constant 0 : i32
            %dma_start3A_165 = arith.constant 0 : i32
            %dma_start3A_166 = tpu.memref_slice %arg2[%dma_start3A_164, %dma_start3A_165] : memref<10240x128xf32, #tpu.memory_space<hbm>> -> memref<10240x128xf32, #tpu.memory_space<hbm>>
            tpu.enqueue_indirect_dma source(%dma_start3A_166 : memref<10240x128xf32, #tpu.memory_space<hbm>>) target(%dma_start3A_162 : memref<64x128xf32, #tpu.memory_space<vmem>>) offsets(%dma_start3A_163 : memref<64xi32, #tpu.memory_space<vmem>>) semaphore(%arg15 : memref<!tpu.dma_semaphore, #tpu.memory_space<semaphore_mem>>)
          } else {
          }
          %eq3A_155 = arith.constant 1 : i32
          %eq3A_156 = arith.cmpi eq, %sub3A_149, %eq3A_155 : i32
          %convert_element_type3A_157 = arith.extui %eq3A_156 : i1 to i32
          %cond3A_158 = arith.constant 0 : i32
          %cond3A_159 = arith.cmpi ne, %convert_element_type3A_157, %cond3A_158 : i32
          scf.if %cond3A_159 {
            %dma_start3A = arith.constant 0 : i32
            %dma_start3A_160 = arith.constant 0 : i32
            %dma_start3A_161 = tpu.memref_slice %arg12[%sub3A_149, %dma_start3A, %dma_start3A_160] : memref<2x64x128xf32, #tpu.memory_space<vmem>> -> memref<1x64x128xf32, #tpu.memory_space<vmem>>
            %dma_start3A_162 = tpu.memref_squeeze %dma_start3A_161 : memref<1x64x128xf32, #tpu.memory_space<vmem>> -> memref<64x128xf32, #tpu.memory_space<vmem>>
            %dma_start3A_163 = tpu.memref_slice %arg10[%mul3A_147] : memref<6464xi32, #tpu.memory_space<vmem>> -> memref<64xi32, #tpu.memory_space<vmem>>
            %dma_start3A_164 = arith.constant 0 : i32
            %dma_start3A_165 = arith.constant 0 : i32
            %dma_start3A_166 = tpu.memref_slice %arg2[%dma_start3A_164, %dma_start3A_165] : memref<10240x128xf32, #tpu.memory_space<hbm>> -> memref<10240x128xf32, #tpu.memory_space<hbm>>
            tpu.enqueue_indirect_dma source(%dma_start3A_166 : memref<10240x128xf32, #tpu.memory_space<hbm>>) target(%dma_start3A_162 : memref<64x128xf32, #tpu.memory_space<vmem>>) offsets(%dma_start3A_163 : memref<64xi32, #tpu.memory_space<vmem>>) semaphore(%arg16 : memref<!tpu.dma_semaphore, #tpu.memory_space<semaphore_mem>>)
          } else {
          }
        } else {
        }
        %eq3A = arith.constant 0 : i32
        %eq3A_125 = arith.cmpi eq, %and3A_119, %eq3A : i32
        %convert_element_type3A_126 = arith.extui %eq3A_125 : i1 to i32
        %cond3A_127 = arith.constant 0 : i32
        %cond3A_128 = arith.cmpi ne, %convert_element_type3A_126, %cond3A_127 : i32
        scf.if %cond3A_128 {
          %dma_wait3A = arith.constant 0 : i32
          %dma_wait3A_144 = arith.constant 0 : i32
          %dma_wait3A_145 = tpu.memref_slice %arg12[%and3A_119, %dma_wait3A, %dma_wait3A_144] : memref<2x64x128xf32, #tpu.memory_space<vmem>> -> memref<1x64x128xf32, #tpu.memory_space<vmem>>
          %dma_wait3A_146 = tpu.memref_squeeze %dma_wait3A_145 : memref<1x64x128xf32, #tpu.memory_space<vmem>> -> memref<64x128xf32, #tpu.memory_space<vmem>>
          %dma_wait3A_147 = arith.constant 0 : i32
          %dma_wait3A_148 = arith.constant 0 : i32
          %dma_wait3A_149 = tpu.memref_slice %arg2[%dma_wait3A_147, %dma_wait3A_148] : memref<10240x128xf32, #tpu.memory_space<hbm>> -> memref<64x128xf32, #tpu.memory_space<hbm>>
          %dma_wait3A_150 = arith.constant 0 : i32
          %dma_wait3A_151 = arith.constant 0 : i32
          %dma_wait3A_152 = tpu.memref_slice %arg12[%and3A_119, %dma_wait3A_150, %dma_wait3A_151] : memref<2x64x128xf32, #tpu.memory_space<vmem>> -> memref<1x64x128xf32, #tpu.memory_space<vmem>>
          %dma_wait3A_153 = tpu.memref_squeeze %dma_wait3A_152 : memref<1x64x128xf32, #tpu.memory_space<vmem>> -> memref<64x128xf32, #tpu.memory_space<vmem>>
          %dma_wait3A_154 = arith.constant 0 : i32
          %dma_wait3A_155 = arith.constant 0 : i32
          %dma_wait3A_156 = tpu.memref_slice %arg2[%dma_wait3A_154, %dma_wait3A_155] : memref<10240x128xf32, #tpu.memory_space<hbm>> -> memref<64x128xf32, #tpu.memory_space<hbm>>
          tpu.wait_dma2 semaphore(%arg15 : memref<!tpu.dma_semaphore, #tpu.memory_space<semaphore_mem>>) src(%dma_wait3A_156 : memref<64x128xf32, #tpu.memory_space<hbm>>) dst(%dma_wait3A_153 : memref<64x128xf32, #tpu.memory_space<vmem>>)
        } else {
        }
        %eq3A_129 = arith.constant 1 : i32
        %eq3A_130 = arith.cmpi eq, %and3A_119, %eq3A_129 : i32
        %convert_element_type3A_131 = arith.extui %eq3A_130 : i1 to i32
        %cond3A_132 = arith.constant 0 : i32
        %cond3A_133 = arith.cmpi ne, %convert_element_type3A_131, %cond3A_132 : i32
        scf.if %cond3A_133 {
          %dma_wait3A = arith.constant 0 : i32
          %dma_wait3A_144 = arith.constant 0 : i32
          %dma_wait3A_145 = tpu.memref_slice %arg12[%and3A_119, %dma_wait3A, %dma_wait3A_144] : memref<2x64x128xf32, #tpu.memory_space<vmem>> -> memref<1x64x128xf32, #tpu.memory_space<vmem>>
          %dma_wait3A_146 = tpu.memref_squeeze %dma_wait3A_145 : memref<1x64x128xf32, #tpu.memory_space<vmem>> -> memref<64x128xf32, #tpu.memory_space<vmem>>
          %dma_wait3A_147 = arith.constant 0 : i32
          %dma_wait3A_148 = arith.constant 0 : i32
          %dma_wait3A_149 = tpu.memref_slice %arg2[%dma_wait3A_147, %dma_wait3A_148] : memref<10240x128xf32, #tpu.memory_space<hbm>> -> memref<64x128xf32, #tpu.memory_space<hbm>>
          %dma_wait3A_150 = arith.constant 0 : i32
          %dma_wait3A_151 = arith.constant 0 : i32
          %dma_wait3A_152 = tpu.memref_slice %arg12[%and3A_119, %dma_wait3A_150, %dma_wait3A_151] : memref<2x64x128xf32, #tpu.memory_space<vmem>> -> memref<1x64x128xf32, #tpu.memory_space<vmem>>
          %dma_wait3A_153 = tpu.memref_squeeze %dma_wait3A_152 : memref<1x64x128xf32, #tpu.memory_space<vmem>> -> memref<64x128xf32, #tpu.memory_space<vmem>>
          %dma_wait3A_154 = arith.constant 0 : i32
          %dma_wait3A_155 = arith.constant 0 : i32
          %dma_wait3A_156 = tpu.memref_slice %arg2[%dma_wait3A_154, %dma_wait3A_155] : memref<10240x128xf32, #tpu.memory_space<hbm>> -> memref<64x128xf32, #tpu.memory_space<hbm>>
          tpu.wait_dma2 semaphore(%arg16 : memref<!tpu.dma_semaphore, #tpu.memory_space<semaphore_mem>>) src(%dma_wait3A_156 : memref<64x128xf32, #tpu.memory_space<hbm>>) dst(%dma_wait3A_153 : memref<64x128xf32, #tpu.memory_space<vmem>>)
        } else {
        }
        %mul3A_134 = arith.constant 64 : i32
        %mul3A_135 = arith.muli %while3A_117, %mul3A_134 : i32
        %scan3A_136 = arith.constant 0 : i32
        %scan3A_137 = arith.constant 0 : i32
        %scan3A_138 = arith.constant 4 : i32
        %scan3A_139 = arith.addi %scan3A_137, %scan3A_138 : i32
        %scan3A_140 = arith.constant 1 : i32
        %scan3A_141 = scf.for %scan3A_144 = %scan3A_137 to %scan3A_139 step %scan3A_140 iter_args(%scan3A_145 = %scan3A_136) -> (i32)  : i32 {
          %mul3A_146 = arith.constant 16 : i32
          %mul3A_147 = arith.muli %scan3A_144, %mul3A_146 : i32
          %add3A_148 = arith.addi %mul3A_135, %mul3A_147 : i32
          %get3A_149 = arith.index_cast %add3A_148 : i32 to index
          %get3A_150 = tpu.vector_load %arg11[%get3A_149] {strides = array<i32>} : memref<6464xi32, #tpu.memory_space<vmem>>, vector<16xi32>,
          %sub3A_151 = vector.broadcast %mul3A_2 : i32 to vector<16xi32>
          %sub3A_152 = arith.subi %get3A_150, %sub3A_151 : vector<16xi32>
          %add3A_153 = vector.broadcast %add3A_148 : i32 to vector<16xi32>
          %add3A_154 = arith.addi %add3A_153, %iota3A : vector<16xi32>
          %lt3A_155 = vector.broadcast %reduce_max3A_52 : i32 to vector<16xi32>
          %lt3A_156 = arith.cmpi slt, %add3A_154, %lt3A_155 : vector<16xi32>
          %mul3A_157 = arith.constant 16 : i32
          %mul3A_158 = arith.muli %scan3A_144, %mul3A_157 : i32
          %add3A_159 = vector.broadcast %mul3A_158 : i32 to vector<16xi32>
          %add3A_160 = arith.addi %add3A_159, %iota3A : vector<16xi32>
          %broadcast_in_dim3A_161 = arith.constant 0.000000e+00 : f32
          %broadcast_in_dim3A_162 = vector.broadcast %broadcast_in_dim3A_161 : f32 to vector<16xf32>
          %scan3A_163 = arith.constant 0 : i32
          %scan3A_164 = arith.constant 16 : i32
          %scan3A_165 = arith.addi %scan3A_163, %scan3A_164 : i32
          %scan3A_166 = arith.constant 1 : i32
          %scan3A_167 = scf.for %scan3A_178 = %scan3A_163 to %scan3A_165 step %scan3A_166 iter_args(%scan3A_179 = %broadcast_in_dim3A_162) -> (vector<16xf32>)  : i32 {
            %mul3A_180 = arith.constant 8 : i32
            %mul3A_181 = arith.muli %scan3A_178, %mul3A_180 : i32
            %add3A_182 = arith.constant 0 : i32
            %add3A_183 = arith.addi %mul3A_181, %add3A_182 : i32
            %broadcast_in_dim3A_184 = vector.broadcast %add3A_183 : i32 to vector<16xi32>
            %add3A_185 = arith.addi %broadcast_in_dim3A_184, %iota3A : vector<16xi32>
            %and3A_186 = arith.constant 127 : i32
            %and3A_187 = vector.broadcast %and3A_186 : i32 to vector<16xi32>
            %and3A_188 = arith.andi %add3A_185, %and3A_187 : vector<16xi32>
            %gather3A = arith.constant 0 : i32
            %gather3A_189 = arith.constant 0 : i32
            %gather3A_190 = tpu.memref_slice %arg12[%and3A_119, %gather3A, %gather3A_189] : memref<2x64x128xf32, #tpu.memory_space<vmem>> -> memref<1x64x128xf32, #tpu.memory_space<vmem>>
            %gather3A_191 = tpu.memref_squeeze %gather3A_190 : memref<1x64x128xf32, #tpu.memory_space<vmem>> -> memref<64x128xf32, #tpu.memory_space<vmem>>
            %gather3A_192 = tpu.vector_load_idx %gather3A_191[%add3A_160, %and3A_188] : memref<64x128xf32, #tpu.memory_space<vmem>>[vector<16xi32>, vector<16xi32>], vector<16xf32>,
            %gather3A_193 = tpu.vector_load_idx %arg13[%sub3A_152, %and3A_188] : memref<320x128xf32, #tpu.memory_space<vmem>>[vector<16xi32>, vector<16xi32>], vector<16xf32>,
            %mul3A_194 = arith.mulf %gather3A_192, %gather3A_193 : vector<16xf32>
            %add3A_195 = arith.addf %scan3A_179, %mul3A_194 : vector<16xf32>
            %mul3A_196 = arith.constant 8 : i32
            %mul3A_197 = arith.muli %scan3A_178, %mul3A_196 : i32
            %add3A_198 = arith.constant 1 : i32
            %add3A_199 = arith.addi %mul3A_197, %add3A_198 : i32
            %broadcast_in_dim3A_200 = vector.broadcast %add3A_199 : i32 to vector<16xi32>
            %add3A_201 = arith.addi %broadcast_in_dim3A_200, %iota3A : vector<16xi32>
            %and3A_202 = arith.constant 127 : i32
            %and3A_203 = vector.broadcast %and3A_202 : i32 to vector<16xi32>
            %and3A_204 = arith.andi %add3A_201, %and3A_203 : vector<16xi32>
            %gather3A_205 = arith.constant 0 : i32
            %gather3A_206 = arith.constant 0 : i32
            %gather3A_207 = tpu.memref_slice %arg12[%and3A_119, %gather3A_205, %gather3A_206] : memref<2x64x128xf32, #tpu.memory_space<vmem>> -> memref<1x64x128xf32, #tpu.memory_space<vmem>>
            %gather3A_208 = tpu.memref_squeeze %gather3A_207 : memref<1x64x128xf32, #tpu.memory_space<vmem>> -> memref<64x128xf32, #tpu.memory_space<vmem>>
            %gather3A_209 = tpu.vector_load_idx %gather3A_208[%add3A_160, %and3A_204] : memref<64x128xf32, #tpu.memory_space<vmem>>[vector<16xi32>, vector<16xi32>], vector<16xf32>,
            %gather3A_210 = tpu.vector_load_idx %arg13[%sub3A_152, %and3A_204] : memref<320x128xf32, #tpu.memory_space<vmem>>[vector<16xi32>, vector<16xi32>], vector<16xf32>,
            %mul3A_211 = arith.mulf %gather3A_209, %gather3A_210 : vector<16xf32>
            %add3A_212 = arith.addf %add3A_195, %mul3A_211 : vector<16xf32>
            %mul3A_213 = arith.constant 8 : i32
            %mul3A_214 = arith.muli %scan3A_178, %mul3A_213 : i32
            %add3A_215 = arith.constant 2 : i32
            %add3A_216 = arith.addi %mul3A_214, %add3A_215 : i32
            %broadcast_in_dim3A_217 = vector.broadcast %add3A_216 : i32 to vector<16xi32>
            %add3A_218 = arith.addi %broadcast_in_dim3A_217, %iota3A : vector<16xi32>
            %and3A_219 = arith.constant 127 : i32
            %and3A_220 = vector.broadcast %and3A_219 : i32 to vector<16xi32>
            %and3A_221 = arith.andi %add3A_218, %and3A_220 : vector<16xi32>
            %gather3A_222 = arith.constant 0 : i32
            %gather3A_223 = arith.constant 0 : i32
            %gather3A_224 = tpu.memref_slice %arg12[%and3A_119, %gather3A_222, %gather3A_223] : memref<2x64x128xf32, #tpu.memory_space<vmem>> -> memref<1x64x128xf32, #tpu.memory_space<vmem>>
            %gather3A_225 = tpu.memref_squeeze %gather3A_224 : memref<1x64x128xf32, #tpu.memory_space<vmem>> -> memref<64x128xf32, #tpu.memory_space<vmem>>
            %gather3A_226 = tpu.vector_load_idx %gather3A_225[%add3A_160, %and3A_221] : memref<64x128xf32, #tpu.memory_space<vmem>>[vector<16xi32>, vector<16xi32>], vector<16xf32>,
            %gather3A_227 = tpu.vector_load_idx %arg13[%sub3A_152, %and3A_221] : memref<320x128xf32, #tpu.memory_space<vmem>>[vector<16xi32>, vector<16xi32>], vector<16xf32>,
            %mul3A_228 = arith.mulf %gather3A_226, %gather3A_227 : vector<16xf32>
            %add3A_229 = arith.addf %add3A_212, %mul3A_228 : vector<16xf32>
            %mul3A_230 = arith.constant 8 : i32
            %mul3A_231 = arith.muli %scan3A_178, %mul3A_230 : i32
            %add3A_232 = arith.constant 3 : i32
            %add3A_233 = arith.addi %mul3A_231, %add3A_232 : i32
            %broadcast_in_dim3A_234 = vector.broadcast %add3A_233 : i32 to vector<16xi32>
            %add3A_235 = arith.addi %broadcast_in_dim3A_234, %iota3A : vector<16xi32>
            %and3A_236 = arith.constant 127 : i32
            %and3A_237 = vector.broadcast %and3A_236 : i32 to vector<16xi32>
            %and3A_238 = arith.andi %add3A_235, %and3A_237 : vector<16xi32>
            %gather3A_239 = arith.constant 0 : i32
            %gather3A_240 = arith.constant 0 : i32
            %gather3A_241 = tpu.memref_slice %arg12[%and3A_119, %gather3A_239, %gather3A_240] : memref<2x64x128xf32, #tpu.memory_space<vmem>> -> memref<1x64x128xf32, #tpu.memory_space<vmem>>
            %gather3A_242 = tpu.memref_squeeze %gather3A_241 : memref<1x64x128xf32, #tpu.memory_space<vmem>> -> memref<64x128xf32, #tpu.memory_space<vmem>>
            %gather3A_243 = tpu.vector_load_idx %gather3A_242[%add3A_160, %and3A_238] : memref<64x128xf32, #tpu.memory_space<vmem>>[vector<16xi32>, vector<16xi32>], vector<16xf32>,
            %gather3A_244 = tpu.vector_load_idx %arg13[%sub3A_152, %and3A_238] : memref<320x128xf32, #tpu.memory_space<vmem>>[vector<16xi32>, vector<16xi32>], vector<16xf32>,
            %mul3A_245 = arith.mulf %gather3A_243, %gather3A_244 : vector<16xf32>
            %add3A_246 = arith.addf %add3A_229, %mul3A_245 : vector<16xf32>
            %mul3A_247 = arith.constant 8 : i32
            %mul3A_248 = arith.muli %scan3A_178, %mul3A_247 : i32
            %add3A_249 = arith.constant 4 : i32
            %add3A_250 = arith.addi %mul3A_248, %add3A_249 : i32
            %broadcast_in_dim3A_251 = vector.broadcast %add3A_250 : i32 to vector<16xi32>
            %add3A_252 = arith.addi %broadcast_in_dim3A_251, %iota3A : vector<16xi32>
            %and3A_253 = arith.constant 127 : i32
            %and3A_254 = vector.broadcast %and3A_253 : i32 to vector<16xi32>
            %and3A_255 = arith.andi %add3A_252, %and3A_254 : vector<16xi32>
            %gather3A_256 = arith.constant 0 : i32
            %gather3A_257 = arith.constant 0 : i32
            %gather3A_258 = tpu.memref_slice %arg12[%and3A_119, %gather3A_256, %gather3A_257] : memref<2x64x128xf32, #tpu.memory_space<vmem>> -> memref<1x64x128xf32, #tpu.memory_space<vmem>>
            %gather3A_259 = tpu.memref_squeeze %gather3A_258 : memref<1x64x128xf32, #tpu.memory_space<vmem>> -> memref<64x128xf32, #tpu.memory_space<vmem>>
            %gather3A_260 = tpu.vector_load_idx %gather3A_259[%add3A_160, %and3A_255] : memref<64x128xf32, #tpu.memory_space<vmem>>[vector<16xi32>, vector<16xi32>], vector<16xf32>,
            %gather3A_261 = tpu.vector_load_idx %arg13[%sub3A_152, %and3A_255] : memref<320x128xf32, #tpu.memory_space<vmem>>[vector<16xi32>, vector<16xi32>], vector<16xf32>,
            %mul3A_262 = arith.mulf %gather3A_260, %gather3A_261 : vector<16xf32>
            %add3A_263 = arith.addf %add3A_246, %mul3A_262 : vector<16xf32>
            %mul3A_264 = arith.constant 8 : i32
            %mul3A_265 = arith.muli %scan3A_178, %mul3A_264 : i32
            %add3A_266 = arith.constant 5 : i32
            %add3A_267 = arith.addi %mul3A_265, %add3A_266 : i32
            %broadcast_in_dim3A_268 = vector.broadcast %add3A_267 : i32 to vector<16xi32>
            %add3A_269 = arith.addi %broadcast_in_dim3A_268, %iota3A : vector<16xi32>
            %and3A_270 = arith.constant 127 : i32
            %and3A_271 = vector.broadcast %and3A_270 : i32 to vector<16xi32>
            %and3A_272 = arith.andi %add3A_269, %and3A_271 : vector<16xi32>
            %gather3A_273 = arith.constant 0 : i32
            %gather3A_274 = arith.constant 0 : i32
            %gather3A_275 = tpu.memref_slice %arg12[%and3A_119, %gather3A_273, %gather3A_274] : memref<2x64x128xf32, #tpu.memory_space<vmem>> -> memref<1x64x128xf32, #tpu.memory_space<vmem>>
            %gather3A_276 = tpu.memref_squeeze %gather3A_275 : memref<1x64x128xf32, #tpu.memory_space<vmem>> -> memref<64x128xf32, #tpu.memory_space<vmem>>
            %gather3A_277 = tpu.vector_load_idx %gather3A_276[%add3A_160, %and3A_272] : memref<64x128xf32, #tpu.memory_space<vmem>>[vector<16xi32>, vector<16xi32>], vector<16xf32>,
            %gather3A_278 = tpu.vector_load_idx %arg13[%sub3A_152, %and3A_272] : memref<320x128xf32, #tpu.memory_space<vmem>>[vector<16xi32>, vector<16xi32>], vector<16xf32>,
            %mul3A_279 = arith.mulf %gather3A_277, %gather3A_278 : vector<16xf32>
            %add3A_280 = arith.addf %add3A_263, %mul3A_279 : vector<16xf32>
            %mul3A_281 = arith.constant 8 : i32
            %mul3A_282 = arith.muli %scan3A_178, %mul3A_281 : i32
            %add3A_283 = arith.constant 6 : i32
            %add3A_284 = arith.addi %mul3A_282, %add3A_283 : i32
            %broadcast_in_dim3A_285 = vector.broadcast %add3A_284 : i32 to vector<16xi32>
            %add3A_286 = arith.addi %broadcast_in_dim3A_285, %iota3A : vector<16xi32>
            %and3A_287 = arith.constant 127 : i32
            %and3A_288 = vector.broadcast %and3A_287 : i32 to vector<16xi32>
            %and3A_289 = arith.andi %add3A_286, %and3A_288 : vector<16xi32>
            %gather3A_290 = arith.constant 0 : i32
            %gather3A_291 = arith.constant 0 : i32
            %gather3A_292 = tpu.memref_slice %arg12[%and3A_119, %gather3A_290, %gather3A_291] : memref<2x64x128xf32, #tpu.memory_space<vmem>> -> memref<1x64x128xf32, #tpu.memory_space<vmem>>
            %gather3A_293 = tpu.memref_squeeze %gather3A_292 : memref<1x64x128xf32, #tpu.memory_space<vmem>> -> memref<64x128xf32, #tpu.memory_space<vmem>>
            %gather3A_294 = tpu.vector_load_idx %gather3A_293[%add3A_160, %and3A_289] : memref<64x128xf32, #tpu.memory_space<vmem>>[vector<16xi32>, vector<16xi32>], vector<16xf32>,
            %gather3A_295 = tpu.vector_load_idx %arg13[%sub3A_152, %and3A_289] : memref<320x128xf32, #tpu.memory_space<vmem>>[vector<16xi32>, vector<16xi32>], vector<16xf32>,
            %mul3A_296 = arith.mulf %gather3A_294, %gather3A_295 : vector<16xf32>
            %add3A_297 = arith.addf %add3A_280, %mul3A_296 : vector<16xf32>
            %mul3A_298 = arith.constant 8 : i32
            %mul3A_299 = arith.muli %scan3A_178, %mul3A_298 : i32
            %add3A_300 = arith.constant 7 : i32
            %add3A_301 = arith.addi %mul3A_299, %add3A_300 : i32
            %broadcast_in_dim3A_302 = vector.broadcast %add3A_301 : i32 to vector<16xi32>
            %add3A_303 = arith.addi %broadcast_in_dim3A_302, %iota3A : vector<16xi32>
            %and3A_304 = arith.constant 127 : i32
            %and3A_305 = vector.broadcast %and3A_304 : i32 to vector<16xi32>
            %and3A_306 = arith.andi %add3A_303, %and3A_305 : vector<16xi32>
            %gather3A_307 = arith.constant 0 : i32
            %gather3A_308 = arith.constant 0 : i32
            %gather3A_309 = tpu.memref_slice %arg12[%and3A_119, %gather3A_307, %gather3A_308] : memref<2x64x128xf32, #tpu.memory_space<vmem>> -> memref<1x64x128xf32, #tpu.memory_space<vmem>>
            %gather3A_310 = tpu.memref_squeeze %gather3A_309 : memref<1x64x128xf32, #tpu.memory_space<vmem>> -> memref<64x128xf32, #tpu.memory_space<vmem>>
            %gather3A_311 = tpu.vector_load_idx %gather3A_310[%add3A_160, %and3A_306] : memref<64x128xf32, #tpu.memory_space<vmem>>[vector<16xi32>, vector<16xi32>], vector<16xf32>,
            %gather3A_312 = tpu.vector_load_idx %arg13[%sub3A_152, %and3A_306] : memref<320x128xf32, #tpu.memory_space<vmem>>[vector<16xi32>, vector<16xi32>], vector<16xf32>,
            %mul3A_313 = arith.mulf %gather3A_311, %gather3A_312 : vector<16xf32>
            %add3A_314 = arith.addf %add3A_297, %mul3A_313 : vector<16xf32>
            scf.yield %add3A_314 : vector<16xf32>
          }
          %scan3A_168 = arith.constant 16 : i32
          %neg3A = arith.constant 0.000000e+00 : f32
          %neg3A_169 = vector.broadcast %neg3A : f32 to vector<16xf32>
          %neg3A_170 = arith.subf %neg3A_169, %scan3A_167 : vector<16xf32>
          %exp3A = math.exp %neg3A_170 : vector<16xf32>
          %add3A_171 = arith.constant 1.000000e+00 : f32
          %add3A_172 = vector.broadcast %add3A_171 : f32 to vector<16xf32>
          %add3A_173 = arith.addf %add3A_172, %exp3A : vector<16xf32>
          %div3A = arith.constant 1.000000e+00 : f32
          %div3A_174 = vector.broadcast %div3A : f32 to vector<16xf32>
          %div3A_175 = arith.divf %div3A_174, %add3A_173 : vector<16xf32>
          %while3A_176 = scf.while (%while3A_178 = %lt3A_156) : (vector<16xi1>) -> vector<16xi1> {
            %all_reduce_population_count3A = tpu.all_reduce %while3A_178 {dim = 0 : i64, kind = #tpu.reduction_kind<sum>} : vector<16xi1> -> vector<16xi32>
            %reduce_max3A_179 = arith.constant true
            %reduce_max3A_180 = vector.broadcast %reduce_max3A_179 : i1 to vector<16xi1>
            %reduce_max3A_181 = arith.constant -2147483648 : i32
            %reduce_max3A_182 = vector.broadcast %reduce_max3A_181 : i32 to vector<16xi32>
            %reduce_max3A_183 = arith.xori %all_reduce_population_count3A, %reduce_max3A_182 : vector<16xi32>
            %reduce_max3A_184 = tpu.scan <max>, %reduce_max3A_183 masked %reduce_max3A_180 : vector<16xi32>, vector<16xi1> -> vector<16xi32>
            %reduce_max3A_185 = arith.xori %reduce_max3A_184, %reduce_max3A_182 : vector<16xi32>
            %reduce_max3A_186 = vector.extract %reduce_max3A_185[15] : i32 from vector<16xi32>
            %gt3A_187 = arith.constant 0 : i32
            %gt3A_188 = arith.cmpi sgt, %reduce_max3A_186, %gt3A_187 : i32
            scf.condition(%gt3A_188) %while3A_178 : vector<16xi1>
          } do {
          ^bb0(%while3A_178: vector<16xi1>):
            tpu.vector_store_idx %arg14[%sub3A_152], %iota3A masked %while3A_178 : memref<320xi32, #tpu.memory_space<vmem>>[vector<16xi32>], vector<16xi32>, vector<16xi1>
            %gather3A = tpu.vector_load_idx %arg14[%sub3A_152] masked %while3A_178 : memref<320xi32, #tpu.memory_space<vmem>>[vector<16xi32>], vector<16xi32>, vector<16xi1>
            %eq3A_179 = arith.cmpi eq, %gather3A, %iota3A : vector<16xi32>
            %and3A_180 = arith.andi %while3A_178, %eq3A_179 : vector<16xi1>
            %scan3A_181 = arith.constant 0 : i32
            %scan3A_182 = arith.constant 0 : i32
            %scan3A_183 = arith.constant 16 : i32
            %scan3A_184 = arith.addi %scan3A_182, %scan3A_183 : i32
            %scan3A_185 = arith.constant 1 : i32
            %scan3A_186 = scf.for %scan3A_190 = %scan3A_182 to %scan3A_184 step %scan3A_185 iter_args(%scan3A_191 = %scan3A_181) -> (i32)  : i32 {
              %mul3A_192 = arith.constant 8 : i32
              %mul3A_193 = arith.muli %scan3A_190, %mul3A_192 : i32
              %add3A_194 = arith.constant 0 : i32
              %add3A_195 = arith.addi %mul3A_193, %add3A_194 : i32
              %broadcast_in_dim3A_196 = vector.broadcast %add3A_195 : i32 to vector<16xi32>
              %add3A_197 = arith.addi %broadcast_in_dim3A_196, %iota3A : vector<16xi32>
              %and3A_198 = arith.constant 127 : i32
              %and3A_199 = vector.broadcast %and3A_198 : i32 to vector<16xi32>
              %and3A_200 = arith.andi %add3A_197, %and3A_199 : vector<16xi32>
              %gather3A_201 = arith.constant 0 : i32
              %gather3A_202 = arith.constant 0 : i32
              %gather3A_203 = tpu.memref_slice %arg12[%and3A_119, %gather3A_201, %gather3A_202] : memref<2x64x128xf32, #tpu.memory_space<vmem>> -> memref<1x64x128xf32, #tpu.memory_space<vmem>>
              %gather3A_204 = tpu.memref_squeeze %gather3A_203 : memref<1x64x128xf32, #tpu.memory_space<vmem>> -> memref<64x128xf32, #tpu.memory_space<vmem>>
              %gather3A_205 = tpu.vector_load_idx %gather3A_204[%add3A_160, %and3A_200] : memref<64x128xf32, #tpu.memory_space<vmem>>[vector<16xi32>, vector<16xi32>], vector<16xf32>,
              %mul3A_206 = arith.mulf %gather3A_205, %div3A_175 : vector<16xf32>
              %gather3A_207 = tpu.vector_load_idx %arg7[%sub3A_152, %and3A_200] masked %and3A_180 : memref<320x128xf32, #tpu.memory_space<vmem>>[vector<16xi32>, vector<16xi32>], vector<16xf32>, vector<16xi1>
              %max3A = arith.maximumf %gather3A_207, %mul3A_206 : vector<16xf32>
              tpu.vector_store_idx %arg7[%sub3A_152, %and3A_200], %max3A masked %and3A_180 : memref<320x128xf32, #tpu.memory_space<vmem>>[vector<16xi32>, vector<16xi32>], vector<16xf32>, vector<16xi1>
              %mul3A_208 = arith.constant 8 : i32
              %mul3A_209 = arith.muli %scan3A_190, %mul3A_208 : i32
              %add3A_210 = arith.constant 1 : i32
              %add3A_211 = arith.addi %mul3A_209, %add3A_210 : i32
              %broadcast_in_dim3A_212 = vector.broadcast %add3A_211 : i32 to vector<16xi32>
              %add3A_213 = arith.addi %broadcast_in_dim3A_212, %iota3A : vector<16xi32>
              %and3A_214 = arith.constant 127 : i32
              %and3A_215 = vector.broadcast %and3A_214 : i32 to vector<16xi32>
              %and3A_216 = arith.andi %add3A_213, %and3A_215 : vector<16xi32>
              %gather3A_217 = arith.constant 0 : i32
              %gather3A_218 = arith.constant 0 : i32
              %gather3A_219 = tpu.memref_slice %arg12[%and3A_119, %gather3A_217, %gather3A_218] : memref<2x64x128xf32, #tpu.memory_space<vmem>> -> memref<1x64x128xf32, #tpu.memory_space<vmem>>
              %gather3A_220 = tpu.memref_squeeze %gather3A_219 : memref<1x64x128xf32, #tpu.memory_space<vmem>> -> memref<64x128xf32, #tpu.memory_space<vmem>>
              %gather3A_221 = tpu.vector_load_idx %gather3A_220[%add3A_160, %and3A_216] : memref<64x128xf32, #tpu.memory_space<vmem>>[vector<16xi32>, vector<16xi32>], vector<16xf32>,
              %mul3A_222 = arith.mulf %gather3A_221, %div3A_175 : vector<16xf32>
              %gather3A_223 = tpu.vector_load_idx %arg7[%sub3A_152, %and3A_216] masked %and3A_180 : memref<320x128xf32, #tpu.memory_space<vmem>>[vector<16xi32>, vector<16xi32>], vector<16xf32>, vector<16xi1>
              %max3A_224 = arith.maximumf %gather3A_223, %mul3A_222 : vector<16xf32>
              tpu.vector_store_idx %arg7[%sub3A_152, %and3A_216], %max3A_224 masked %and3A_180 : memref<320x128xf32, #tpu.memory_space<vmem>>[vector<16xi32>, vector<16xi32>], vector<16xf32>, vector<16xi1>
              %mul3A_225 = arith.constant 8 : i32
              %mul3A_226 = arith.muli %scan3A_190, %mul3A_225 : i32
              %add3A_227 = arith.constant 2 : i32
              %add3A_228 = arith.addi %mul3A_226, %add3A_227 : i32
              %broadcast_in_dim3A_229 = vector.broadcast %add3A_228 : i32 to vector<16xi32>
              %add3A_230 = arith.addi %broadcast_in_dim3A_229, %iota3A : vector<16xi32>
              %and3A_231 = arith.constant 127 : i32
              %and3A_232 = vector.broadcast %and3A_231 : i32 to vector<16xi32>
              %and3A_233 = arith.andi %add3A_230, %and3A_232 : vector<16xi32>
              %gather3A_234 = arith.constant 0 : i32
              %gather3A_235 = arith.constant 0 : i32
              %gather3A_236 = tpu.memref_slice %arg12[%and3A_119, %gather3A_234, %gather3A_235] : memref<2x64x128xf32, #tpu.memory_space<vmem>> -> memref<1x64x128xf32, #tpu.memory_space<vmem>>
              %gather3A_237 = tpu.memref_squeeze %gather3A_236 : memref<1x64x128xf32, #tpu.memory_space<vmem>> -> memref<64x128xf32, #tpu.memory_space<vmem>>
              %gather3A_238 = tpu.vector_load_idx %gather3A_237[%add3A_160, %and3A_233] : memref<64x128xf32, #tpu.memory_space<vmem>>[vector<16xi32>, vector<16xi32>], vector<16xf32>,
              %mul3A_239 = arith.mulf %gather3A_238, %div3A_175 : vector<16xf32>
              %gather3A_240 = tpu.vector_load_idx %arg7[%sub3A_152, %and3A_233] masked %and3A_180 : memref<320x128xf32, #tpu.memory_space<vmem>>[vector<16xi32>, vector<16xi32>], vector<16xf32>, vector<16xi1>
              %max3A_241 = arith.maximumf %gather3A_240, %mul3A_239 : vector<16xf32>
              tpu.vector_store_idx %arg7[%sub3A_152, %and3A_233], %max3A_241 masked %and3A_180 : memref<320x128xf32, #tpu.memory_space<vmem>>[vector<16xi32>, vector<16xi32>], vector<16xf32>, vector<16xi1>
              %mul3A_242 = arith.constant 8 : i32
              %mul3A_243 = arith.muli %scan3A_190, %mul3A_242 : i32
              %add3A_244 = arith.constant 3 : i32
              %add3A_245 = arith.addi %mul3A_243, %add3A_244 : i32
              %broadcast_in_dim3A_246 = vector.broadcast %add3A_245 : i32 to vector<16xi32>
              %add3A_247 = arith.addi %broadcast_in_dim3A_246, %iota3A : vector<16xi32>
              %and3A_248 = arith.constant 127 : i32
              %and3A_249 = vector.broadcast %and3A_248 : i32 to vector<16xi32>
              %and3A_250 = arith.andi %add3A_247, %and3A_249 : vector<16xi32>
              %gather3A_251 = arith.constant 0 : i32
              %gather3A_252 = arith.constant 0 : i32
              %gather3A_253 = tpu.memref_slice %arg12[%and3A_119, %gather3A_251, %gather3A_252] : memref<2x64x128xf32, #tpu.memory_space<vmem>> -> memref<1x64x128xf32, #tpu.memory_space<vmem>>
              %gather3A_254 = tpu.memref_squeeze %gather3A_253 : memref<1x64x128xf32, #tpu.memory_space<vmem>> -> memref<64x128xf32, #tpu.memory_space<vmem>>
              %gather3A_255 = tpu.vector_load_idx %gather3A_254[%add3A_160, %and3A_250] : memref<64x128xf32, #tpu.memory_space<vmem>>[vector<16xi32>, vector<16xi32>], vector<16xf32>,
              %mul3A_256 = arith.mulf %gather3A_255, %div3A_175 : vector<16xf32>
              %gather3A_257 = tpu.vector_load_idx %arg7[%sub3A_152, %and3A_250] masked %and3A_180 : memref<320x128xf32, #tpu.memory_space<vmem>>[vector<16xi32>, vector<16xi32>], vector<16xf32>, vector<16xi1>
              %max3A_258 = arith.maximumf %gather3A_257, %mul3A_256 : vector<16xf32>
              tpu.vector_store_idx %arg7[%sub3A_152, %and3A_250], %max3A_258 masked %and3A_180 : memref<320x128xf32, #tpu.memory_space<vmem>>[vector<16xi32>, vector<16xi32>], vector<16xf32>, vector<16xi1>
              %mul3A_259 = arith.constant 8 : i32
              %mul3A_260 = arith.muli %scan3A_190, %mul3A_259 : i32
              %add3A_261 = arith.constant 4 : i32
              %add3A_262 = arith.addi %mul3A_260, %add3A_261 : i32
              %broadcast_in_dim3A_263 = vector.broadcast %add3A_262 : i32 to vector<16xi32>
              %add3A_264 = arith.addi %broadcast_in_dim3A_263, %iota3A : vector<16xi32>
              %and3A_265 = arith.constant 127 : i32
              %and3A_266 = vector.broadcast %and3A_265 : i32 to vector<16xi32>
              %and3A_267 = arith.andi %add3A_264, %and3A_266 : vector<16xi32>
              %gather3A_268 = arith.constant 0 : i32
              %gather3A_269 = arith.constant 0 : i32
              %gather3A_270 = tpu.memref_slice %arg12[%and3A_119, %gather3A_268, %gather3A_269] : memref<2x64x128xf32, #tpu.memory_space<vmem>> -> memref<1x64x128xf32, #tpu.memory_space<vmem>>
              %gather3A_271 = tpu.memref_squeeze %gather3A_270 : memref<1x64x128xf32, #tpu.memory_space<vmem>> -> memref<64x128xf32, #tpu.memory_space<vmem>>
              %gather3A_272 = tpu.vector_load_idx %gather3A_271[%add3A_160, %and3A_267] : memref<64x128xf32, #tpu.memory_space<vmem>>[vector<16xi32>, vector<16xi32>], vector<16xf32>,
              %mul3A_273 = arith.mulf %gather3A_272, %div3A_175 : vector<16xf32>
              %gather3A_274 = tpu.vector_load_idx %arg7[%sub3A_152, %and3A_267] masked %and3A_180 : memref<320x128xf32, #tpu.memory_space<vmem>>[vector<16xi32>, vector<16xi32>], vector<16xf32>, vector<16xi1>
              %max3A_275 = arith.maximumf %gather3A_274, %mul3A_273 : vector<16xf32>
              tpu.vector_store_idx %arg7[%sub3A_152, %and3A_267], %max3A_275 masked %and3A_180 : memref<320x128xf32, #tpu.memory_space<vmem>>[vector<16xi32>, vector<16xi32>], vector<16xf32>, vector<16xi1>
              %mul3A_276 = arith.constant 8 : i32
              %mul3A_277 = arith.muli %scan3A_190, %mul3A_276 : i32
              %add3A_278 = arith.constant 5 : i32
              %add3A_279 = arith.addi %mul3A_277, %add3A_278 : i32
              %broadcast_in_dim3A_280 = vector.broadcast %add3A_279 : i32 to vector<16xi32>
              %add3A_281 = arith.addi %broadcast_in_dim3A_280, %iota3A : vector<16xi32>
              %and3A_282 = arith.constant 127 : i32
              %and3A_283 = vector.broadcast %and3A_282 : i32 to vector<16xi32>
              %and3A_284 = arith.andi %add3A_281, %and3A_283 : vector<16xi32>
              %gather3A_285 = arith.constant 0 : i32
              %gather3A_286 = arith.constant 0 : i32
              %gather3A_287 = tpu.memref_slice %arg12[%and3A_119, %gather3A_285, %gather3A_286] : memref<2x64x128xf32, #tpu.memory_space<vmem>> -> memref<1x64x128xf32, #tpu.memory_space<vmem>>
              %gather3A_288 = tpu.memref_squeeze %gather3A_287 : memref<1x64x128xf32, #tpu.memory_space<vmem>> -> memref<64x128xf32, #tpu.memory_space<vmem>>
              %gather3A_289 = tpu.vector_load_idx %gather3A_288[%add3A_160, %and3A_284] : memref<64x128xf32, #tpu.memory_space<vmem>>[vector<16xi32>, vector<16xi32>], vector<16xf32>,
              %mul3A_290 = arith.mulf %gather3A_289, %div3A_175 : vector<16xf32>
              %gather3A_291 = tpu.vector_load_idx %arg7[%sub3A_152, %and3A_284] masked %and3A_180 : memref<320x128xf32, #tpu.memory_space<vmem>>[vector<16xi32>, vector<16xi32>], vector<16xf32>, vector<16xi1>
              %max3A_292 = arith.maximumf %gather3A_291, %mul3A_290 : vector<16xf32>
              tpu.vector_store_idx %arg7[%sub3A_152, %and3A_284], %max3A_292 masked %and3A_180 : memref<320x128xf32, #tpu.memory_space<vmem>>[vector<16xi32>, vector<16xi32>], vector<16xf32>, vector<16xi1>
              %mul3A_293 = arith.constant 8 : i32
              %mul3A_294 = arith.muli %scan3A_190, %mul3A_293 : i32
              %add3A_295 = arith.constant 6 : i32
              %add3A_296 = arith.addi %mul3A_294, %add3A_295 : i32
              %broadcast_in_dim3A_297 = vector.broadcast %add3A_296 : i32 to vector<16xi32>
              %add3A_298 = arith.addi %broadcast_in_dim3A_297, %iota3A : vector<16xi32>
              %and3A_299 = arith.constant 127 : i32
              %and3A_300 = vector.broadcast %and3A_299 : i32 to vector<16xi32>
              %and3A_301 = arith.andi %add3A_298, %and3A_300 : vector<16xi32>
              %gather3A_302 = arith.constant 0 : i32
              %gather3A_303 = arith.constant 0 : i32
              %gather3A_304 = tpu.memref_slice %arg12[%and3A_119, %gather3A_302, %gather3A_303] : memref<2x64x128xf32, #tpu.memory_space<vmem>> -> memref<1x64x128xf32, #tpu.memory_space<vmem>>
              %gather3A_305 = tpu.memref_squeeze %gather3A_304 : memref<1x64x128xf32, #tpu.memory_space<vmem>> -> memref<64x128xf32, #tpu.memory_space<vmem>>
              %gather3A_306 = tpu.vector_load_idx %gather3A_305[%add3A_160, %and3A_301] : memref<64x128xf32, #tpu.memory_space<vmem>>[vector<16xi32>, vector<16xi32>], vector<16xf32>,
              %mul3A_307 = arith.mulf %gather3A_306, %div3A_175 : vector<16xf32>
              %gather3A_308 = tpu.vector_load_idx %arg7[%sub3A_152, %and3A_301] masked %and3A_180 : memref<320x128xf32, #tpu.memory_space<vmem>>[vector<16xi32>, vector<16xi32>], vector<16xf32>, vector<16xi1>
              %max3A_309 = arith.maximumf %gather3A_308, %mul3A_307 : vector<16xf32>
              tpu.vector_store_idx %arg7[%sub3A_152, %and3A_301], %max3A_309 masked %and3A_180 : memref<320x128xf32, #tpu.memory_space<vmem>>[vector<16xi32>, vector<16xi32>], vector<16xf32>, vector<16xi1>
              %mul3A_310 = arith.constant 8 : i32
              %mul3A_311 = arith.muli %scan3A_190, %mul3A_310 : i32
              %add3A_312 = arith.constant 7 : i32
              %add3A_313 = arith.addi %mul3A_311, %add3A_312 : i32
              %broadcast_in_dim3A_314 = vector.broadcast %add3A_313 : i32 to vector<16xi32>
              %add3A_315 = arith.addi %broadcast_in_dim3A_314, %iota3A : vector<16xi32>
              %and3A_316 = arith.constant 127 : i32
              %and3A_317 = vector.broadcast %and3A_316 : i32 to vector<16xi32>
              %and3A_318 = arith.andi %add3A_315, %and3A_317 : vector<16xi32>
              %gather3A_319 = arith.constant 0 : i32
              %gather3A_320 = arith.constant 0 : i32
              %gather3A_321 = tpu.memref_slice %arg12[%and3A_119, %gather3A_319, %gather3A_320] : memref<2x64x128xf32, #tpu.memory_space<vmem>> -> memref<1x64x128xf32, #tpu.memory_space<vmem>>
              %gather3A_322 = tpu.memref_squeeze %gather3A_321 : memref<1x64x128xf32, #tpu.memory_space<vmem>> -> memref<64x128xf32, #tpu.memory_space<vmem>>
              %gather3A_323 = tpu.vector_load_idx %gather3A_322[%add3A_160, %and3A_318] : memref<64x128xf32, #tpu.memory_space<vmem>>[vector<16xi32>, vector<16xi32>], vector<16xf32>,
              %mul3A_324 = arith.mulf %gather3A_323, %div3A_175 : vector<16xf32>
              %gather3A_325 = tpu.vector_load_idx %arg7[%sub3A_152, %and3A_318] masked %and3A_180 : memref<320x128xf32, #tpu.memory_space<vmem>>[vector<16xi32>, vector<16xi32>], vector<16xf32>, vector<16xi1>
              %max3A_326 = arith.maximumf %gather3A_325, %mul3A_324 : vector<16xf32>
              tpu.vector_store_idx %arg7[%sub3A_152, %and3A_318], %max3A_326 masked %and3A_180 : memref<320x128xf32, #tpu.memory_space<vmem>>[vector<16xi32>, vector<16xi32>], vector<16xf32>, vector<16xi1>
              %scan3A_327 = arith.constant 0 : i32
              scf.yield %scan3A_327 : i32
            }
            %scan3A_187 = arith.constant 16 : i32
            %not3A = arith.constant dense<true> : vector<16xi1>
            %not3A_188 = arith.xori %and3A_180, %not3A : vector<16xi1>
            %and3A_189 = arith.andi %while3A_178, %not3A_188 : vector<16xi1>
            scf.yield %and3A_189 : vector<16xi1>
          }
          %scan3A_177 = arith.constant 0 : i32
          scf.yield %scan3A_177 : i32
        }
        %scan3A_142 = arith.constant 4 : i32
        %while3A_143 = arith.constant 0 : i32
        scf.yield %while3A_143 : i32
      }
      %shift_left3A = arith.constant 6 : i32
      %shift_left3A_70 = arith.shli %shift_right_arithmetic3A_53, %shift_left3A : i32
      %add3A_71 = arith.constant 0 : i32
      %add3A_72 = arith.addi %shift_left3A_70, %add3A_71 : i32
      %get3A = arith.index_cast %add3A_72 : i32 to index
      %get3A_73 = tpu.vector_load %arg10[%get3A] {strides = array<i32>} : memref<6464xi32, #tpu.memory_space<vmem>>, vector<16xi32>,
      %add3A_74 = arith.constant 0 : i32
      %add3A_75 = arith.addi %shift_left3A_70, %add3A_74 : i32
      %get3A_76 = arith.index_cast %add3A_75 : i32 to index
      %get3A_77 = tpu.vector_load %arg11[%get3A_76] {strides = array<i32>} : memref<6464xi32, #tpu.memory_space<vmem>>, vector<16xi32>,
      %swap3A = arith.constant 0 : index
      %swap3A_78 = tpu.vector_load %arg10[%swap3A] {strides = array<i32>} : memref<6464xi32, #tpu.memory_space<vmem>>, vector<16xi32>,
      tpu.vector_store %arg10[%swap3A], %get3A_73 {strides = array<i32>} : memref<6464xi32, #tpu.memory_space<vmem>>, vector<16xi32>,
      %swap3A_79 = arith.constant 0 : index
      %swap3A_80 = tpu.vector_load %arg11[%swap3A_79] {strides = array<i32>} : memref<6464xi32, #tpu.memory_space<vmem>>, vector<16xi32>,
      tpu.vector_store %arg11[%swap3A_79], %get3A_77 {strides = array<i32>} : memref<6464xi32, #tpu.memory_space<vmem>>, vector<16xi32>,
      %add3A_81 = arith.constant 16 : i32
      %add3A_82 = arith.addi %shift_left3A_70, %add3A_81 : i32
      %get3A_83 = arith.index_cast %add3A_82 : i32 to index
      %get3A_84 = tpu.vector_load %arg10[%get3A_83] {strides = array<i32>} : memref<6464xi32, #tpu.memory_space<vmem>>, vector<16xi32>,
      %add3A_85 = arith.constant 16 : i32
      %add3A_86 = arith.addi %shift_left3A_70, %add3A_85 : i32
      %get3A_87 = arith.index_cast %add3A_86 : i32 to index
      %get3A_88 = tpu.vector_load %arg11[%get3A_87] {strides = array<i32>} : memref<6464xi32, #tpu.memory_space<vmem>>, vector<16xi32>,
      %swap3A_89 = arith.constant 16 : index
      %swap3A_90 = tpu.vector_load %arg10[%swap3A_89] {strides = array<i32>} : memref<6464xi32, #tpu.memory_space<vmem>>, vector<16xi32>,
      tpu.vector_store %arg10[%swap3A_89], %get3A_84 {strides = array<i32>} : memref<6464xi32, #tpu.memory_space<vmem>>, vector<16xi32>,
      %swap3A_91 = arith.constant 16 : index
      %swap3A_92 = tpu.vector_load %arg11[%swap3A_91] {strides = array<i32>} : memref<6464xi32, #tpu.memory_space<vmem>>, vector<16xi32>,
      tpu.vector_store %arg11[%swap3A_91], %get3A_88 {strides = array<i32>} : memref<6464xi32, #tpu.memory_space<vmem>>, vector<16xi32>,
      %add3A_93 = arith.constant 32 : i32
      %add3A_94 = arith.addi %shift_left3A_70, %add3A_93 : i32
      %get3A_95 = arith.index_cast %add3A_94 : i32 to index
      %get3A_96 = tpu.vector_load %arg10[%get3A_95] {strides = array<i32>} : memref<6464xi32, #tpu.memory_space<vmem>>, vector<16xi32>,
      %add3A_97 = arith.constant 32 : i32
      %add3A_98 = arith.addi %shift_left3A_70, %add3A_97 : i32
      %get3A_99 = arith.index_cast %add3A_98 : i32 to index
      %get3A_100 = tpu.vector_load %arg11[%get3A_99] {strides = array<i32>} : memref<6464xi32, #tpu.memory_space<vmem>>, vector<16xi32>,
      %swap3A_101 = arith.constant 32 : index
      %swap3A_102 = tpu.vector_load %arg10[%swap3A_101] {strides = array<i32>} : memref<6464xi32, #tpu.memory_space<vmem>>, vector<16xi32>,
      tpu.vector_store %arg10[%swap3A_101], %get3A_96 {strides = array<i32>} : memref<6464xi32, #tpu.memory_space<vmem>>, vector<16xi32>,
      %swap3A_103 = arith.constant 32 : index
      %swap3A_104 = tpu.vector_load %arg11[%swap3A_103] {strides = array<i32>} : memref<6464xi32, #tpu.memory_space<vmem>>, vector<16xi32>,
      tpu.vector_store %arg11[%swap3A_103], %get3A_100 {strides = array<i32>} : memref<6464xi32, #tpu.memory_space<vmem>>, vector<16xi32>,
      %add3A_105 = arith.constant 48 : i32
      %add3A_106 = arith.addi %shift_left3A_70, %add3A_105 : i32
      %get3A_107 = arith.index_cast %add3A_106 : i32 to index
      %get3A_108 = tpu.vector_load %arg10[%get3A_107] {strides = array<i32>} : memref<6464xi32, #tpu.memory_space<vmem>>, vector<16xi32>,
      %add3A_109 = arith.constant 48 : i32
      %add3A_110 = arith.addi %shift_left3A_70, %add3A_109 : i32
      %get3A_111 = arith.index_cast %add3A_110 : i32 to index
      %get3A_112 = tpu.vector_load %arg11[%get3A_111] {strides = array<i32>} : memref<6464xi32, #tpu.memory_space<vmem>>, vector<16xi32>,
      %swap3A_113 = arith.constant 48 : index
      %swap3A_114 = tpu.vector_load %arg10[%swap3A_113] {strides = array<i32>} : memref<6464xi32, #tpu.memory_space<vmem>>, vector<16xi32>,
      tpu.vector_store %arg10[%swap3A_113], %get3A_108 {strides = array<i32>} : memref<6464xi32, #tpu.memory_space<vmem>>, vector<16xi32>,
      %swap3A_115 = arith.constant 48 : index
      %swap3A_116 = tpu.vector_load %arg11[%swap3A_115] {strides = array<i32>} : memref<6464xi32, #tpu.memory_space<vmem>>, vector<16xi32>,
      tpu.vector_store %arg11[%swap3A_115], %get3A_112 {strides = array<i32>} : memref<6464xi32, #tpu.memory_space<vmem>>, vector<16xi32>,
      %sub3A = arith.subi %reduce_max3A_52, %shift_left3A_70 : i32
      scf.yield %sub3A : i32
    }
    %scan3A_24 = arith.constant 50 : i32
    %gt3A = arith.constant 0 : i32
    %gt3A_25 = arith.cmpi sgt, %scan3A_23, %gt3A : i32
    %convert_element_type3A = arith.extui %gt3A_25 : i1 to i32
    %cond3A = arith.constant 0 : i32
    %cond3A_26 = arith.cmpi ne, %convert_element_type3A, %cond3A : i32
    scf.if %cond3A_26 {
      %eq3A = arith.constant 0 : i32
      %eq3A_34 = arith.constant 0 : i32
      %eq3A_35 = arith.cmpi eq, %eq3A, %eq3A_34 : i32
      %convert_element_type3A_36 = arith.extui %eq3A_35 : i1 to i32
      %cond3A_37 = arith.constant 0 : i32
      %cond3A_38 = arith.constant 0 : i32
      %cond3A_39 = arith.cmpi ne, %convert_element_type3A_36, %cond3A_38 : i32
      scf.if %cond3A_39 {
        %dma_start3A = arith.constant 0 : i32
        %dma_start3A_69 = arith.constant 0 : i32
        %dma_start3A_70 = tpu.memref_slice %arg12[%cond3A_37, %dma_start3A, %dma_start3A_69] : memref<2x64x128xf32, #tpu.memory_space<vmem>> -> memref<1x64x128xf32, #tpu.memory_space<vmem>>
        %dma_start3A_71 = tpu.memref_squeeze %dma_start3A_70 : memref<1x64x128xf32, #tpu.memory_space<vmem>> -> memref<64x128xf32, #tpu.memory_space<vmem>>
        %dma_start3A_72 = arith.constant 0 : i32
        %dma_start3A_73 = tpu.memref_slice %arg10[%dma_start3A_72] : memref<6464xi32, #tpu.memory_space<vmem>> -> memref<64xi32, #tpu.memory_space<vmem>>
        %dma_start3A_74 = arith.constant 0 : i32
        %dma_start3A_75 = arith.constant 0 : i32
        %dma_start3A_76 = tpu.memref_slice %arg2[%dma_start3A_74, %dma_start3A_75] : memref<10240x128xf32, #tpu.memory_space<hbm>> -> memref<10240x128xf32, #tpu.memory_space<hbm>>
        tpu.enqueue_indirect_dma source(%dma_start3A_76 : memref<10240x128xf32, #tpu.memory_space<hbm>>) target(%dma_start3A_71 : memref<64x128xf32, #tpu.memory_space<vmem>>) offsets(%dma_start3A_73 : memref<64xi32, #tpu.memory_space<vmem>>) semaphore(%arg15 : memref<!tpu.dma_semaphore, #tpu.memory_space<semaphore_mem>>)
      } else {
      }
      %eq3A_40 = arith.constant 0 : i32
      %eq3A_41 = arith.constant 1 : i32
      %eq3A_42 = arith.cmpi eq, %eq3A_40, %eq3A_41 : i32
      %convert_element_type3A_43 = arith.extui %eq3A_42 : i1 to i32
      %cond3A_44 = arith.constant 0 : i32
      %cond3A_45 = arith.constant 0 : i32
      %cond3A_46 = arith.cmpi ne, %convert_element_type3A_43, %cond3A_45 : i32
      scf.if %cond3A_46 {
        %dma_start3A = arith.constant 0 : i32
        %dma_start3A_69 = arith.constant 0 : i32
        %dma_start3A_70 = tpu.memref_slice %arg12[%cond3A_44, %dma_start3A, %dma_start3A_69] : memref<2x64x128xf32, #tpu.memory_space<vmem>> -> memref<1x64x128xf32, #tpu.memory_space<vmem>>
        %dma_start3A_71 = tpu.memref_squeeze %dma_start3A_70 : memref<1x64x128xf32, #tpu.memory_space<vmem>> -> memref<64x128xf32, #tpu.memory_space<vmem>>
        %dma_start3A_72 = arith.constant 0 : i32
        %dma_start3A_73 = tpu.memref_slice %arg10[%dma_start3A_72] : memref<6464xi32, #tpu.memory_space<vmem>> -> memref<64xi32, #tpu.memory_space<vmem>>
        %dma_start3A_74 = arith.constant 0 : i32
        %dma_start3A_75 = arith.constant 0 : i32
        %dma_start3A_76 = tpu.memref_slice %arg2[%dma_start3A_74, %dma_start3A_75] : memref<10240x128xf32, #tpu.memory_space<hbm>> -> memref<10240x128xf32, #tpu.memory_space<hbm>>
        tpu.enqueue_indirect_dma source(%dma_start3A_76 : memref<10240x128xf32, #tpu.memory_space<hbm>>) target(%dma_start3A_71 : memref<64x128xf32, #tpu.memory_space<vmem>>) offsets(%dma_start3A_73 : memref<64xi32, #tpu.memory_space<vmem>>) semaphore(%arg16 : memref<!tpu.dma_semaphore, #tpu.memory_space<semaphore_mem>>)
      } else {
      }
      %eq3A_47 = arith.constant 0 : i32
      %eq3A_48 = arith.constant 0 : i32
      %eq3A_49 = arith.cmpi eq, %eq3A_47, %eq3A_48 : i32
      %convert_element_type3A_50 = arith.extui %eq3A_49 : i1 to i32
      %cond3A_51 = arith.constant 0 : i32
      %cond3A_52 = arith.constant 0 : i32
      %cond3A_53 = arith.cmpi ne, %convert_element_type3A_50, %cond3A_52 : i32
      scf.if %cond3A_53 {
        %dma_wait3A = arith.constant 0 : i32
        %dma_wait3A_69 = arith.constant 0 : i32
        %dma_wait3A_70 = tpu.memref_slice %arg12[%cond3A_51, %dma_wait3A, %dma_wait3A_69] : memref<2x64x128xf32, #tpu.memory_space<vmem>> -> memref<1x64x128xf32, #tpu.memory_space<vmem>>
        %dma_wait3A_71 = tpu.memref_squeeze %dma_wait3A_70 : memref<1x64x128xf32, #tpu.memory_space<vmem>> -> memref<64x128xf32, #tpu.memory_space<vmem>>
        %dma_wait3A_72 = arith.constant 0 : i32
        %dma_wait3A_73 = arith.constant 0 : i32
        %dma_wait3A_74 = tpu.memref_slice %arg2[%dma_wait3A_72, %dma_wait3A_73] : memref<10240x128xf32, #tpu.memory_space<hbm>> -> memref<64x128xf32, #tpu.memory_space<hbm>>
        %dma_wait3A_75 = arith.constant 0 : i32
        %dma_wait3A_76 = arith.constant 0 : i32
        %dma_wait3A_77 = tpu.memref_slice %arg12[%cond3A_51, %dma_wait3A_75, %dma_wait3A_76] : memref<2x64x128xf32, #tpu.memory_space<vmem>> -> memref<1x64x128xf32, #tpu.memory_space<vmem>>
        %dma_wait3A_78 = tpu.memref_squeeze %dma_wait3A_77 : memref<1x64x128xf32, #tpu.memory_space<vmem>> -> memref<64x128xf32, #tpu.memory_space<vmem>>
        %dma_wait3A_79 = arith.constant 0 : i32
        %dma_wait3A_80 = arith.constant 0 : i32
        %dma_wait3A_81 = tpu.memref_slice %arg2[%dma_wait3A_79, %dma_wait3A_80] : memref<10240x128xf32, #tpu.memory_space<hbm>> -> memref<64x128xf32, #tpu.memory_space<hbm>>
        tpu.wait_dma2 semaphore(%arg15 : memref<!tpu.dma_semaphore, #tpu.memory_space<semaphore_mem>>) src(%dma_wait3A_81 : memref<64x128xf32, #tpu.memory_space<hbm>>) dst(%dma_wait3A_78 : memref<64x128xf32, #tpu.memory_space<vmem>>)
      } else {
      }
      %eq3A_54 = arith.constant 0 : i32
      %eq3A_55 = arith.constant 1 : i32
      %eq3A_56 = arith.cmpi eq, %eq3A_54, %eq3A_55 : i32
      %convert_element_type3A_57 = arith.extui %eq3A_56 : i1 to i32
      %cond3A_58 = arith.constant 0 : i32
      %cond3A_59 = arith.constant 0 : i32
      %cond3A_60 = arith.cmpi ne, %convert_element_type3A_57, %cond3A_59 : i32
      scf.if %cond3A_60 {
        %dma_wait3A = arith.constant 0 : i32
        %dma_wait3A_69 = arith.constant 0 : i32
        %dma_wait3A_70 = tpu.memref_slice %arg12[%cond3A_58, %dma_wait3A, %dma_wait3A_69] : memref<2x64x128xf32, #tpu.memory_space<vmem>> -> memref<1x64x128xf32, #tpu.memory_space<vmem>>
        %dma_wait3A_71 = tpu.memref_squeeze %dma_wait3A_70 : memref<1x64x128xf32, #tpu.memory_space<vmem>> -> memref<64x128xf32, #tpu.memory_space<vmem>>
        %dma_wait3A_72 = arith.constant 0 : i32
        %dma_wait3A_73 = arith.constant 0 : i32
        %dma_wait3A_74 = tpu.memref_slice %arg2[%dma_wait3A_72, %dma_wait3A_73] : memref<10240x128xf32, #tpu.memory_space<hbm>> -> memref<64x128xf32, #tpu.memory_space<hbm>>
        %dma_wait3A_75 = arith.constant 0 : i32
        %dma_wait3A_76 = arith.constant 0 : i32
        %dma_wait3A_77 = tpu.memref_slice %arg12[%cond3A_58, %dma_wait3A_75, %dma_wait3A_76] : memref<2x64x128xf32, #tpu.memory_space<vmem>> -> memref<1x64x128xf32, #tpu.memory_space<vmem>>
        %dma_wait3A_78 = tpu.memref_squeeze %dma_wait3A_77 : memref<1x64x128xf32, #tpu.memory_space<vmem>> -> memref<64x128xf32, #tpu.memory_space<vmem>>
        %dma_wait3A_79 = arith.constant 0 : i32
        %dma_wait3A_80 = arith.constant 0 : i32
        %dma_wait3A_81 = tpu.memref_slice %arg2[%dma_wait3A_79, %dma_wait3A_80] : memref<10240x128xf32, #tpu.memory_space<hbm>> -> memref<64x128xf32, #tpu.memory_space<hbm>>
        tpu.wait_dma2 semaphore(%arg16 : memref<!tpu.dma_semaphore, #tpu.memory_space<semaphore_mem>>) src(%dma_wait3A_81 : memref<64x128xf32, #tpu.memory_space<hbm>>) dst(%dma_wait3A_78 : memref<64x128xf32, #tpu.memory_space<vmem>>)
      } else {
      }
      %scan3A_61 = arith.constant 0 : i32
      %scan3A_62 = arith.constant 0 : i32
      %scan3A_63 = arith.constant 0 : i32
      %scan3A_64 = arith.constant 4 : i32
      %scan3A_65 = arith.addi %scan3A_63, %scan3A_64 : i32
      %scan3A_66 = arith.constant 1 : i32
      %scan3A_67 = scf.for %scan3A_69 = %scan3A_63 to %scan3A_65 step %scan3A_66 iter_args(%scan3A_70 = %scan3A_62) -> (i32)  : i32 {
        %mul3A_71 = arith.constant 16 : i32
        %mul3A_72 = arith.muli %scan3A_69, %mul3A_71 : i32
        %add3A_73 = arith.constant 0 : i32
        %add3A_74 = arith.addi %add3A_73, %mul3A_72 : i32
        %get3A = arith.index_cast %add3A_74 : i32 to index
        %get3A_75 = tpu.vector_load %arg11[%get3A] {strides = array<i32>} : memref<6464xi32, #tpu.memory_space<vmem>>, vector<16xi32>,
        %sub3A = vector.broadcast %mul3A_2 : i32 to vector<16xi32>
        %sub3A_76 = arith.subi %get3A_75, %sub3A : vector<16xi32>
        %add3A_77 = vector.broadcast %add3A_74 : i32 to vector<16xi32>
        %add3A_78 = arith.addi %add3A_77, %iota3A : vector<16xi32>
        %lt3A = vector.broadcast %scan3A_23 : i32 to vector<16xi32>
        %lt3A_79 = arith.cmpi slt, %add3A_78, %lt3A : vector<16xi32>
        %mul3A_80 = arith.constant 16 : i32
        %mul3A_81 = arith.muli %scan3A_69, %mul3A_80 : i32
        %add3A_82 = vector.broadcast %mul3A_81 : i32 to vector<16xi32>
        %add3A_83 = arith.addi %add3A_82, %iota3A : vector<16xi32>
        %broadcast_in_dim3A = arith.constant 0.000000e+00 : f32
        %broadcast_in_dim3A_84 = vector.broadcast %broadcast_in_dim3A : f32 to vector<16xf32>
        %scan3A_85 = arith.constant 0 : i32
        %scan3A_86 = arith.constant 16 : i32
        %scan3A_87 = arith.addi %scan3A_85, %scan3A_86 : i32
        %scan3A_88 = arith.constant 1 : i32
        %scan3A_89 = scf.for %scan3A_99 = %scan3A_85 to %scan3A_87 step %scan3A_88 iter_args(%scan3A_100 = %broadcast_in_dim3A_84) -> (vector<16xf32>)  : i32 {
          %mul3A_101 = arith.constant 8 : i32
          %mul3A_102 = arith.muli %scan3A_99, %mul3A_101 : i32
          %add3A_103 = arith.constant 0 : i32
          %add3A_104 = arith.addi %mul3A_102, %add3A_103 : i32
          %broadcast_in_dim3A_105 = vector.broadcast %add3A_104 : i32 to vector<16xi32>
          %add3A_106 = arith.addi %broadcast_in_dim3A_105, %iota3A : vector<16xi32>
          %and3A = arith.constant 127 : i32
          %and3A_107 = vector.broadcast %and3A : i32 to vector<16xi32>
          %and3A_108 = arith.andi %add3A_106, %and3A_107 : vector<16xi32>
          %gather3A = arith.constant 0 : i32
          %gather3A_109 = arith.constant 0 : i32
          %gather3A_110 = tpu.memref_slice %arg12[%scan3A_61, %gather3A, %gather3A_109] : memref<2x64x128xf32, #tpu.memory_space<vmem>> -> memref<1x64x128xf32, #tpu.memory_space<vmem>>
          %gather3A_111 = tpu.memref_squeeze %gather3A_110 : memref<1x64x128xf32, #tpu.memory_space<vmem>> -> memref<64x128xf32, #tpu.memory_space<vmem>>
          %gather3A_112 = tpu.vector_load_idx %gather3A_111[%add3A_83, %and3A_108] : memref<64x128xf32, #tpu.memory_space<vmem>>[vector<16xi32>, vector<16xi32>], vector<16xf32>,
          %gather3A_113 = tpu.vector_load_idx %arg13[%sub3A_76, %and3A_108] : memref<320x128xf32, #tpu.memory_space<vmem>>[vector<16xi32>, vector<16xi32>], vector<16xf32>,
          %mul3A_114 = arith.mulf %gather3A_112, %gather3A_113 : vector<16xf32>
          %add3A_115 = arith.addf %scan3A_100, %mul3A_114 : vector<16xf32>
          %mul3A_116 = arith.constant 8 : i32
          %mul3A_117 = arith.muli %scan3A_99, %mul3A_116 : i32
          %add3A_118 = arith.constant 1 : i32
          %add3A_119 = arith.addi %mul3A_117, %add3A_118 : i32
          %broadcast_in_dim3A_120 = vector.broadcast %add3A_119 : i32 to vector<16xi32>
          %add3A_121 = arith.addi %broadcast_in_dim3A_120, %iota3A : vector<16xi32>
          %and3A_122 = arith.constant 127 : i32
          %and3A_123 = vector.broadcast %and3A_122 : i32 to vector<16xi32>
          %and3A_124 = arith.andi %add3A_121, %and3A_123 : vector<16xi32>
          %gather3A_125 = arith.constant 0 : i32
          %gather3A_126 = arith.constant 0 : i32
          %gather3A_127 = tpu.memref_slice %arg12[%scan3A_61, %gather3A_125, %gather3A_126] : memref<2x64x128xf32, #tpu.memory_space<vmem>> -> memref<1x64x128xf32, #tpu.memory_space<vmem>>
          %gather3A_128 = tpu.memref_squeeze %gather3A_127 : memref<1x64x128xf32, #tpu.memory_space<vmem>> -> memref<64x128xf32, #tpu.memory_space<vmem>>
          %gather3A_129 = tpu.vector_load_idx %gather3A_128[%add3A_83, %and3A_124] : memref<64x128xf32, #tpu.memory_space<vmem>>[vector<16xi32>, vector<16xi32>], vector<16xf32>,
          %gather3A_130 = tpu.vector_load_idx %arg13[%sub3A_76, %and3A_124] : memref<320x128xf32, #tpu.memory_space<vmem>>[vector<16xi32>, vector<16xi32>], vector<16xf32>,
          %mul3A_131 = arith.mulf %gather3A_129, %gather3A_130 : vector<16xf32>
          %add3A_132 = arith.addf %add3A_115, %mul3A_131 : vector<16xf32>
          %mul3A_133 = arith.constant 8 : i32
          %mul3A_134 = arith.muli %scan3A_99, %mul3A_133 : i32
          %add3A_135 = arith.constant 2 : i32
          %add3A_136 = arith.addi %mul3A_134, %add3A_135 : i32
          %broadcast_in_dim3A_137 = vector.broadcast %add3A_136 : i32 to vector<16xi32>
          %add3A_138 = arith.addi %broadcast_in_dim3A_137, %iota3A : vector<16xi32>
          %and3A_139 = arith.constant 127 : i32
          %and3A_140 = vector.broadcast %and3A_139 : i32 to vector<16xi32>
          %and3A_141 = arith.andi %add3A_138, %and3A_140 : vector<16xi32>
          %gather3A_142 = arith.constant 0 : i32
          %gather3A_143 = arith.constant 0 : i32
          %gather3A_144 = tpu.memref_slice %arg12[%scan3A_61, %gather3A_142, %gather3A_143] : memref<2x64x128xf32, #tpu.memory_space<vmem>> -> memref<1x64x128xf32, #tpu.memory_space<vmem>>
          %gather3A_145 = tpu.memref_squeeze %gather3A_144 : memref<1x64x128xf32, #tpu.memory_space<vmem>> -> memref<64x128xf32, #tpu.memory_space<vmem>>
          %gather3A_146 = tpu.vector_load_idx %gather3A_145[%add3A_83, %and3A_141] : memref<64x128xf32, #tpu.memory_space<vmem>>[vector<16xi32>, vector<16xi32>], vector<16xf32>,
          %gather3A_147 = tpu.vector_load_idx %arg13[%sub3A_76, %and3A_141] : memref<320x128xf32, #tpu.memory_space<vmem>>[vector<16xi32>, vector<16xi32>], vector<16xf32>,
          %mul3A_148 = arith.mulf %gather3A_146, %gather3A_147 : vector<16xf32>
          %add3A_149 = arith.addf %add3A_132, %mul3A_148 : vector<16xf32>
          %mul3A_150 = arith.constant 8 : i32
          %mul3A_151 = arith.muli %scan3A_99, %mul3A_150 : i32
          %add3A_152 = arith.constant 3 : i32
          %add3A_153 = arith.addi %mul3A_151, %add3A_152 : i32
          %broadcast_in_dim3A_154 = vector.broadcast %add3A_153 : i32 to vector<16xi32>
          %add3A_155 = arith.addi %broadcast_in_dim3A_154, %iota3A : vector<16xi32>
          %and3A_156 = arith.constant 127 : i32
          %and3A_157 = vector.broadcast %and3A_156 : i32 to vector<16xi32>
          %and3A_158 = arith.andi %add3A_155, %and3A_157 : vector<16xi32>
          %gather3A_159 = arith.constant 0 : i32
          %gather3A_160 = arith.constant 0 : i32
          %gather3A_161 = tpu.memref_slice %arg12[%scan3A_61, %gather3A_159, %gather3A_160] : memref<2x64x128xf32, #tpu.memory_space<vmem>> -> memref<1x64x128xf32, #tpu.memory_space<vmem>>
          %gather3A_162 = tpu.memref_squeeze %gather3A_161 : memref<1x64x128xf32, #tpu.memory_space<vmem>> -> memref<64x128xf32, #tpu.memory_space<vmem>>
          %gather3A_163 = tpu.vector_load_idx %gather3A_162[%add3A_83, %and3A_158] : memref<64x128xf32, #tpu.memory_space<vmem>>[vector<16xi32>, vector<16xi32>], vector<16xf32>,
          %gather3A_164 = tpu.vector_load_idx %arg13[%sub3A_76, %and3A_158] : memref<320x128xf32, #tpu.memory_space<vmem>>[vector<16xi32>, vector<16xi32>], vector<16xf32>,
          %mul3A_165 = arith.mulf %gather3A_163, %gather3A_164 : vector<16xf32>
          %add3A_166 = arith.addf %add3A_149, %mul3A_165 : vector<16xf32>
          %mul3A_167 = arith.constant 8 : i32
          %mul3A_168 = arith.muli %scan3A_99, %mul3A_167 : i32
          %add3A_169 = arith.constant 4 : i32
          %add3A_170 = arith.addi %mul3A_168, %add3A_169 : i32
          %broadcast_in_dim3A_171 = vector.broadcast %add3A_170 : i32 to vector<16xi32>
          %add3A_172 = arith.addi %broadcast_in_dim3A_171, %iota3A : vector<16xi32>
          %and3A_173 = arith.constant 127 : i32
          %and3A_174 = vector.broadcast %and3A_173 : i32 to vector<16xi32>
          %and3A_175 = arith.andi %add3A_172, %and3A_174 : vector<16xi32>
          %gather3A_176 = arith.constant 0 : i32
          %gather3A_177 = arith.constant 0 : i32
          %gather3A_178 = tpu.memref_slice %arg12[%scan3A_61, %gather3A_176, %gather3A_177] : memref<2x64x128xf32, #tpu.memory_space<vmem>> -> memref<1x64x128xf32, #tpu.memory_space<vmem>>
          %gather3A_179 = tpu.memref_squeeze %gather3A_178 : memref<1x64x128xf32, #tpu.memory_space<vmem>> -> memref<64x128xf32, #tpu.memory_space<vmem>>
          %gather3A_180 = tpu.vector_load_idx %gather3A_179[%add3A_83, %and3A_175] : memref<64x128xf32, #tpu.memory_space<vmem>>[vector<16xi32>, vector<16xi32>], vector<16xf32>,
          %gather3A_181 = tpu.vector_load_idx %arg13[%sub3A_76, %and3A_175] : memref<320x128xf32, #tpu.memory_space<vmem>>[vector<16xi32>, vector<16xi32>], vector<16xf32>,
          %mul3A_182 = arith.mulf %gather3A_180, %gather3A_181 : vector<16xf32>
          %add3A_183 = arith.addf %add3A_166, %mul3A_182 : vector<16xf32>
          %mul3A_184 = arith.constant 8 : i32
          %mul3A_185 = arith.muli %scan3A_99, %mul3A_184 : i32
          %add3A_186 = arith.constant 5 : i32
          %add3A_187 = arith.addi %mul3A_185, %add3A_186 : i32
          %broadcast_in_dim3A_188 = vector.broadcast %add3A_187 : i32 to vector<16xi32>
          %add3A_189 = arith.addi %broadcast_in_dim3A_188, %iota3A : vector<16xi32>
          %and3A_190 = arith.constant 127 : i32
          %and3A_191 = vector.broadcast %and3A_190 : i32 to vector<16xi32>
          %and3A_192 = arith.andi %add3A_189, %and3A_191 : vector<16xi32>
          %gather3A_193 = arith.constant 0 : i32
          %gather3A_194 = arith.constant 0 : i32
          %gather3A_195 = tpu.memref_slice %arg12[%scan3A_61, %gather3A_193, %gather3A_194] : memref<2x64x128xf32, #tpu.memory_space<vmem>> -> memref<1x64x128xf32, #tpu.memory_space<vmem>>
          %gather3A_196 = tpu.memref_squeeze %gather3A_195 : memref<1x64x128xf32, #tpu.memory_space<vmem>> -> memref<64x128xf32, #tpu.memory_space<vmem>>
          %gather3A_197 = tpu.vector_load_idx %gather3A_196[%add3A_83, %and3A_192] : memref<64x128xf32, #tpu.memory_space<vmem>>[vector<16xi32>, vector<16xi32>], vector<16xf32>,
          %gather3A_198 = tpu.vector_load_idx %arg13[%sub3A_76, %and3A_192] : memref<320x128xf32, #tpu.memory_space<vmem>>[vector<16xi32>, vector<16xi32>], vector<16xf32>,
          %mul3A_199 = arith.mulf %gather3A_197, %gather3A_198 : vector<16xf32>
          %add3A_200 = arith.addf %add3A_183, %mul3A_199 : vector<16xf32>
          %mul3A_201 = arith.constant 8 : i32
          %mul3A_202 = arith.muli %scan3A_99, %mul3A_201 : i32
          %add3A_203 = arith.constant 6 : i32
          %add3A_204 = arith.addi %mul3A_202, %add3A_203 : i32
          %broadcast_in_dim3A_205 = vector.broadcast %add3A_204 : i32 to vector<16xi32>
          %add3A_206 = arith.addi %broadcast_in_dim3A_205, %iota3A : vector<16xi32>
          %and3A_207 = arith.constant 127 : i32
          %and3A_208 = vector.broadcast %and3A_207 : i32 to vector<16xi32>
          %and3A_209 = arith.andi %add3A_206, %and3A_208 : vector<16xi32>
          %gather3A_210 = arith.constant 0 : i32
          %gather3A_211 = arith.constant 0 : i32
          %gather3A_212 = tpu.memref_slice %arg12[%scan3A_61, %gather3A_210, %gather3A_211] : memref<2x64x128xf32, #tpu.memory_space<vmem>> -> memref<1x64x128xf32, #tpu.memory_space<vmem>>
          %gather3A_213 = tpu.memref_squeeze %gather3A_212 : memref<1x64x128xf32, #tpu.memory_space<vmem>> -> memref<64x128xf32, #tpu.memory_space<vmem>>
          %gather3A_214 = tpu.vector_load_idx %gather3A_213[%add3A_83, %and3A_209] : memref<64x128xf32, #tpu.memory_space<vmem>>[vector<16xi32>, vector<16xi32>], vector<16xf32>,
          %gather3A_215 = tpu.vector_load_idx %arg13[%sub3A_76, %and3A_209] : memref<320x128xf32, #tpu.memory_space<vmem>>[vector<16xi32>, vector<16xi32>], vector<16xf32>,
          %mul3A_216 = arith.mulf %gather3A_214, %gather3A_215 : vector<16xf32>
          %add3A_217 = arith.addf %add3A_200, %mul3A_216 : vector<16xf32>
          %mul3A_218 = arith.constant 8 : i32
          %mul3A_219 = arith.muli %scan3A_99, %mul3A_218 : i32
          %add3A_220 = arith.constant 7 : i32
          %add3A_221 = arith.addi %mul3A_219, %add3A_220 : i32
          %broadcast_in_dim3A_222 = vector.broadcast %add3A_221 : i32 to vector<16xi32>
          %add3A_223 = arith.addi %broadcast_in_dim3A_222, %iota3A : vector<16xi32>
          %and3A_224 = arith.constant 127 : i32
          %and3A_225 = vector.broadcast %and3A_224 : i32 to vector<16xi32>
          %and3A_226 = arith.andi %add3A_223, %and3A_225 : vector<16xi32>
          %gather3A_227 = arith.constant 0 : i32
          %gather3A_228 = arith.constant 0 : i32
          %gather3A_229 = tpu.memref_slice %arg12[%scan3A_61, %gather3A_227, %gather3A_228] : memref<2x64x128xf32, #tpu.memory_space<vmem>> -> memref<1x64x128xf32, #tpu.memory_space<vmem>>
          %gather3A_230 = tpu.memref_squeeze %gather3A_229 : memref<1x64x128xf32, #tpu.memory_space<vmem>> -> memref<64x128xf32, #tpu.memory_space<vmem>>
          %gather3A_231 = tpu.vector_load_idx %gather3A_230[%add3A_83, %and3A_226] : memref<64x128xf32, #tpu.memory_space<vmem>>[vector<16xi32>, vector<16xi32>], vector<16xf32>,
          %gather3A_232 = tpu.vector_load_idx %arg13[%sub3A_76, %and3A_226] : memref<320x128xf32, #tpu.memory_space<vmem>>[vector<16xi32>, vector<16xi32>], vector<16xf32>,
          %mul3A_233 = arith.mulf %gather3A_231, %gather3A_232 : vector<16xf32>
          %add3A_234 = arith.addf %add3A_217, %mul3A_233 : vector<16xf32>
          scf.yield %add3A_234 : vector<16xf32>
        }
        %scan3A_90 = arith.constant 16 : i32
        %neg3A = arith.constant 0.000000e+00 : f32
        %neg3A_91 = vector.broadcast %neg3A : f32 to vector<16xf32>
        %neg3A_92 = arith.subf %neg3A_91, %scan3A_89 : vector<16xf32>
        %exp3A = math.exp %neg3A_92 : vector<16xf32>
        %add3A_93 = arith.constant 1.000000e+00 : f32
        %add3A_94 = vector.broadcast %add3A_93 : f32 to vector<16xf32>
        %add3A_95 = arith.addf %add3A_94, %exp3A : vector<16xf32>
        %div3A = arith.constant 1.000000e+00 : f32
        %div3A_96 = vector.broadcast %div3A : f32 to vector<16xf32>
        %div3A_97 = arith.divf %div3A_96, %add3A_95 : vector<16xf32>
        %while3A = scf.while (%while3A_99 = %lt3A_79) : (vector<16xi1>) -> vector<16xi1> {
          %all_reduce_population_count3A = tpu.all_reduce %while3A_99 {dim = 0 : i64, kind = #tpu.reduction_kind<sum>} : vector<16xi1> -> vector<16xi32>
          %reduce_max3A = arith.constant true
          %reduce_max3A_100 = vector.broadcast %reduce_max3A : i1 to vector<16xi1>
          %reduce_max3A_101 = arith.constant -2147483648 : i32
          %reduce_max3A_102 = vector.broadcast %reduce_max3A_101 : i32 to vector<16xi32>
          %reduce_max3A_103 = arith.xori %all_reduce_population_count3A, %reduce_max3A_102 : vector<16xi32>
          %reduce_max3A_104 = tpu.scan <max>, %reduce_max3A_103 masked %reduce_max3A_100 : vector<16xi32>, vector<16xi1> -> vector<16xi32>
          %reduce_max3A_105 = arith.xori %reduce_max3A_104, %reduce_max3A_102 : vector<16xi32>
          %reduce_max3A_106 = vector.extract %reduce_max3A_105[15] : i32 from vector<16xi32>
          %gt3A_107 = arith.constant 0 : i32
          %gt3A_108 = arith.cmpi sgt, %reduce_max3A_106, %gt3A_107 : i32
          scf.condition(%gt3A_108) %while3A_99 : vector<16xi1>
        } do {
        ^bb0(%while3A_99: vector<16xi1>):
          tpu.vector_store_idx %arg14[%sub3A_76], %iota3A masked %while3A_99 : memref<320xi32, #tpu.memory_space<vmem>>[vector<16xi32>], vector<16xi32>, vector<16xi1>
          %gather3A = tpu.vector_load_idx %arg14[%sub3A_76] masked %while3A_99 : memref<320xi32, #tpu.memory_space<vmem>>[vector<16xi32>], vector<16xi32>, vector<16xi1>
          %eq3A_100 = arith.cmpi eq, %gather3A, %iota3A : vector<16xi32>
          %and3A = arith.andi %while3A_99, %eq3A_100 : vector<16xi1>
          %scan3A_101 = arith.constant 0 : i32
          %scan3A_102 = arith.constant 0 : i32
          %scan3A_103 = arith.constant 16 : i32
          %scan3A_104 = arith.addi %scan3A_102, %scan3A_103 : i32
          %scan3A_105 = arith.constant 1 : i32
          %scan3A_106 = scf.for %scan3A_110 = %scan3A_102 to %scan3A_104 step %scan3A_105 iter_args(%scan3A_111 = %scan3A_101) -> (i32)  : i32 {
            %mul3A_112 = arith.constant 8 : i32
            %mul3A_113 = arith.muli %scan3A_110, %mul3A_112 : i32
            %add3A_114 = arith.constant 0 : i32
            %add3A_115 = arith.addi %mul3A_113, %add3A_114 : i32
            %broadcast_in_dim3A_116 = vector.broadcast %add3A_115 : i32 to vector<16xi32>
            %add3A_117 = arith.addi %broadcast_in_dim3A_116, %iota3A : vector<16xi32>
            %and3A_118 = arith.constant 127 : i32
            %and3A_119 = vector.broadcast %and3A_118 : i32 to vector<16xi32>
            %and3A_120 = arith.andi %add3A_117, %and3A_119 : vector<16xi32>
            %gather3A_121 = arith.constant 0 : i32
            %gather3A_122 = arith.constant 0 : i32
            %gather3A_123 = tpu.memref_slice %arg12[%scan3A_61, %gather3A_121, %gather3A_122] : memref<2x64x128xf32, #tpu.memory_space<vmem>> -> memref<1x64x128xf32, #tpu.memory_space<vmem>>
            %gather3A_124 = tpu.memref_squeeze %gather3A_123 : memref<1x64x128xf32, #tpu.memory_space<vmem>> -> memref<64x128xf32, #tpu.memory_space<vmem>>
            %gather3A_125 = tpu.vector_load_idx %gather3A_124[%add3A_83, %and3A_120] : memref<64x128xf32, #tpu.memory_space<vmem>>[vector<16xi32>, vector<16xi32>], vector<16xf32>,
            %mul3A_126 = arith.mulf %gather3A_125, %div3A_97 : vector<16xf32>
            %gather3A_127 = tpu.vector_load_idx %arg7[%sub3A_76, %and3A_120] masked %and3A : memref<320x128xf32, #tpu.memory_space<vmem>>[vector<16xi32>, vector<16xi32>], vector<16xf32>, vector<16xi1>
            %max3A = arith.maximumf %gather3A_127, %mul3A_126 : vector<16xf32>
            tpu.vector_store_idx %arg7[%sub3A_76, %and3A_120], %max3A masked %and3A : memref<320x128xf32, #tpu.memory_space<vmem>>[vector<16xi32>, vector<16xi32>], vector<16xf32>, vector<16xi1>
            %mul3A_128 = arith.constant 8 : i32
            %mul3A_129 = arith.muli %scan3A_110, %mul3A_128 : i32
            %add3A_130 = arith.constant 1 : i32
            %add3A_131 = arith.addi %mul3A_129, %add3A_130 : i32
            %broadcast_in_dim3A_132 = vector.broadcast %add3A_131 : i32 to vector<16xi32>
            %add3A_133 = arith.addi %broadcast_in_dim3A_132, %iota3A : vector<16xi32>
            %and3A_134 = arith.constant 127 : i32
            %and3A_135 = vector.broadcast %and3A_134 : i32 to vector<16xi32>
            %and3A_136 = arith.andi %add3A_133, %and3A_135 : vector<16xi32>
            %gather3A_137 = arith.constant 0 : i32
            %gather3A_138 = arith.constant 0 : i32
            %gather3A_139 = tpu.memref_slice %arg12[%scan3A_61, %gather3A_137, %gather3A_138] : memref<2x64x128xf32, #tpu.memory_space<vmem>> -> memref<1x64x128xf32, #tpu.memory_space<vmem>>
            %gather3A_140 = tpu.memref_squeeze %gather3A_139 : memref<1x64x128xf32, #tpu.memory_space<vmem>> -> memref<64x128xf32, #tpu.memory_space<vmem>>
            %gather3A_141 = tpu.vector_load_idx %gather3A_140[%add3A_83, %and3A_136] : memref<64x128xf32, #tpu.memory_space<vmem>>[vector<16xi32>, vector<16xi32>], vector<16xf32>,
            %mul3A_142 = arith.mulf %gather3A_141, %div3A_97 : vector<16xf32>
            %gather3A_143 = tpu.vector_load_idx %arg7[%sub3A_76, %and3A_136] masked %and3A : memref<320x128xf32, #tpu.memory_space<vmem>>[vector<16xi32>, vector<16xi32>], vector<16xf32>, vector<16xi1>
            %max3A_144 = arith.maximumf %gather3A_143, %mul3A_142 : vector<16xf32>
            tpu.vector_store_idx %arg7[%sub3A_76, %and3A_136], %max3A_144 masked %and3A : memref<320x128xf32, #tpu.memory_space<vmem>>[vector<16xi32>, vector<16xi32>], vector<16xf32>, vector<16xi1>
            %mul3A_145 = arith.constant 8 : i32
            %mul3A_146 = arith.muli %scan3A_110, %mul3A_145 : i32
            %add3A_147 = arith.constant 2 : i32
            %add3A_148 = arith.addi %mul3A_146, %add3A_147 : i32
            %broadcast_in_dim3A_149 = vector.broadcast %add3A_148 : i32 to vector<16xi32>
            %add3A_150 = arith.addi %broadcast_in_dim3A_149, %iota3A : vector<16xi32>
            %and3A_151 = arith.constant 127 : i32
            %and3A_152 = vector.broadcast %and3A_151 : i32 to vector<16xi32>
            %and3A_153 = arith.andi %add3A_150, %and3A_152 : vector<16xi32>
            %gather3A_154 = arith.constant 0 : i32
            %gather3A_155 = arith.constant 0 : i32
            %gather3A_156 = tpu.memref_slice %arg12[%scan3A_61, %gather3A_154, %gather3A_155] : memref<2x64x128xf32, #tpu.memory_space<vmem>> -> memref<1x64x128xf32, #tpu.memory_space<vmem>>
            %gather3A_157 = tpu.memref_squeeze %gather3A_156 : memref<1x64x128xf32, #tpu.memory_space<vmem>> -> memref<64x128xf32, #tpu.memory_space<vmem>>
            %gather3A_158 = tpu.vector_load_idx %gather3A_157[%add3A_83, %and3A_153] : memref<64x128xf32, #tpu.memory_space<vmem>>[vector<16xi32>, vector<16xi32>], vector<16xf32>,
            %mul3A_159 = arith.mulf %gather3A_158, %div3A_97 : vector<16xf32>
            %gather3A_160 = tpu.vector_load_idx %arg7[%sub3A_76, %and3A_153] masked %and3A : memref<320x128xf32, #tpu.memory_space<vmem>>[vector<16xi32>, vector<16xi32>], vector<16xf32>, vector<16xi1>
            %max3A_161 = arith.maximumf %gather3A_160, %mul3A_159 : vector<16xf32>
            tpu.vector_store_idx %arg7[%sub3A_76, %and3A_153], %max3A_161 masked %and3A : memref<320x128xf32, #tpu.memory_space<vmem>>[vector<16xi32>, vector<16xi32>], vector<16xf32>, vector<16xi1>
            %mul3A_162 = arith.constant 8 : i32
            %mul3A_163 = arith.muli %scan3A_110, %mul3A_162 : i32
            %add3A_164 = arith.constant 3 : i32
            %add3A_165 = arith.addi %mul3A_163, %add3A_164 : i32
            %broadcast_in_dim3A_166 = vector.broadcast %add3A_165 : i32 to vector<16xi32>
            %add3A_167 = arith.addi %broadcast_in_dim3A_166, %iota3A : vector<16xi32>
            %and3A_168 = arith.constant 127 : i32
            %and3A_169 = vector.broadcast %and3A_168 : i32 to vector<16xi32>
            %and3A_170 = arith.andi %add3A_167, %and3A_169 : vector<16xi32>
            %gather3A_171 = arith.constant 0 : i32
            %gather3A_172 = arith.constant 0 : i32
            %gather3A_173 = tpu.memref_slice %arg12[%scan3A_61, %gather3A_171, %gather3A_172] : memref<2x64x128xf32, #tpu.memory_space<vmem>> -> memref<1x64x128xf32, #tpu.memory_space<vmem>>
            %gather3A_174 = tpu.memref_squeeze %gather3A_173 : memref<1x64x128xf32, #tpu.memory_space<vmem>> -> memref<64x128xf32, #tpu.memory_space<vmem>>
            %gather3A_175 = tpu.vector_load_idx %gather3A_174[%add3A_83, %and3A_170] : memref<64x128xf32, #tpu.memory_space<vmem>>[vector<16xi32>, vector<16xi32>], vector<16xf32>,
            %mul3A_176 = arith.mulf %gather3A_175, %div3A_97 : vector<16xf32>
            %gather3A_177 = tpu.vector_load_idx %arg7[%sub3A_76, %and3A_170] masked %and3A : memref<320x128xf32, #tpu.memory_space<vmem>>[vector<16xi32>, vector<16xi32>], vector<16xf32>, vector<16xi1>
            %max3A_178 = arith.maximumf %gather3A_177, %mul3A_176 : vector<16xf32>
            tpu.vector_store_idx %arg7[%sub3A_76, %and3A_170], %max3A_178 masked %and3A : memref<320x128xf32, #tpu.memory_space<vmem>>[vector<16xi32>, vector<16xi32>], vector<16xf32>, vector<16xi1>
            %mul3A_179 = arith.constant 8 : i32
            %mul3A_180 = arith.muli %scan3A_110, %mul3A_179 : i32
            %add3A_181 = arith.constant 4 : i32
            %add3A_182 = arith.addi %mul3A_180, %add3A_181 : i32
            %broadcast_in_dim3A_183 = vector.broadcast %add3A_182 : i32 to vector<16xi32>
            %add3A_184 = arith.addi %broadcast_in_dim3A_183, %iota3A : vector<16xi32>
            %and3A_185 = arith.constant 127 : i32
            %and3A_186 = vector.broadcast %and3A_185 : i32 to vector<16xi32>
            %and3A_187 = arith.andi %add3A_184, %and3A_186 : vector<16xi32>
            %gather3A_188 = arith.constant 0 : i32
            %gather3A_189 = arith.constant 0 : i32
            %gather3A_190 = tpu.memref_slice %arg12[%scan3A_61, %gather3A_188, %gather3A_189] : memref<2x64x128xf32, #tpu.memory_space<vmem>> -> memref<1x64x128xf32, #tpu.memory_space<vmem>>
            %gather3A_191 = tpu.memref_squeeze %gather3A_190 : memref<1x64x128xf32, #tpu.memory_space<vmem>> -> memref<64x128xf32, #tpu.memory_space<vmem>>
            %gather3A_192 = tpu.vector_load_idx %gather3A_191[%add3A_83, %and3A_187] : memref<64x128xf32, #tpu.memory_space<vmem>>[vector<16xi32>, vector<16xi32>], vector<16xf32>,
            %mul3A_193 = arith.mulf %gather3A_192, %div3A_97 : vector<16xf32>
            %gather3A_194 = tpu.vector_load_idx %arg7[%sub3A_76, %and3A_187] masked %and3A : memref<320x128xf32, #tpu.memory_space<vmem>>[vector<16xi32>, vector<16xi32>], vector<16xf32>, vector<16xi1>
            %max3A_195 = arith.maximumf %gather3A_194, %mul3A_193 : vector<16xf32>
            tpu.vector_store_idx %arg7[%sub3A_76, %and3A_187], %max3A_195 masked %and3A : memref<320x128xf32, #tpu.memory_space<vmem>>[vector<16xi32>, vector<16xi32>], vector<16xf32>, vector<16xi1>
            %mul3A_196 = arith.constant 8 : i32
            %mul3A_197 = arith.muli %scan3A_110, %mul3A_196 : i32
            %add3A_198 = arith.constant 5 : i32
            %add3A_199 = arith.addi %mul3A_197, %add3A_198 : i32
            %broadcast_in_dim3A_200 = vector.broadcast %add3A_199 : i32 to vector<16xi32>
            %add3A_201 = arith.addi %broadcast_in_dim3A_200, %iota3A : vector<16xi32>
            %and3A_202 = arith.constant 127 : i32
            %and3A_203 = vector.broadcast %and3A_202 : i32 to vector<16xi32>
            %and3A_204 = arith.andi %add3A_201, %and3A_203 : vector<16xi32>
            %gather3A_205 = arith.constant 0 : i32
            %gather3A_206 = arith.constant 0 : i32
            %gather3A_207 = tpu.memref_slice %arg12[%scan3A_61, %gather3A_205, %gather3A_206] : memref<2x64x128xf32, #tpu.memory_space<vmem>> -> memref<1x64x128xf32, #tpu.memory_space<vmem>>
            %gather3A_208 = tpu.memref_squeeze %gather3A_207 : memref<1x64x128xf32, #tpu.memory_space<vmem>> -> memref<64x128xf32, #tpu.memory_space<vmem>>
            %gather3A_209 = tpu.vector_load_idx %gather3A_208[%add3A_83, %and3A_204] : memref<64x128xf32, #tpu.memory_space<vmem>>[vector<16xi32>, vector<16xi32>], vector<16xf32>,
            %mul3A_210 = arith.mulf %gather3A_209, %div3A_97 : vector<16xf32>
            %gather3A_211 = tpu.vector_load_idx %arg7[%sub3A_76, %and3A_204] masked %and3A : memref<320x128xf32, #tpu.memory_space<vmem>>[vector<16xi32>, vector<16xi32>], vector<16xf32>, vector<16xi1>
            %max3A_212 = arith.maximumf %gather3A_211, %mul3A_210 : vector<16xf32>
            tpu.vector_store_idx %arg7[%sub3A_76, %and3A_204], %max3A_212 masked %and3A : memref<320x128xf32, #tpu.memory_space<vmem>>[vector<16xi32>, vector<16xi32>], vector<16xf32>, vector<16xi1>
            %mul3A_213 = arith.constant 8 : i32
            %mul3A_214 = arith.muli %scan3A_110, %mul3A_213 : i32
            %add3A_215 = arith.constant 6 : i32
            %add3A_216 = arith.addi %mul3A_214, %add3A_215 : i32
            %broadcast_in_dim3A_217 = vector.broadcast %add3A_216 : i32 to vector<16xi32>
            %add3A_218 = arith.addi %broadcast_in_dim3A_217, %iota3A : vector<16xi32>
            %and3A_219 = arith.constant 127 : i32
            %and3A_220 = vector.broadcast %and3A_219 : i32 to vector<16xi32>
            %and3A_221 = arith.andi %add3A_218, %and3A_220 : vector<16xi32>
            %gather3A_222 = arith.constant 0 : i32
            %gather3A_223 = arith.constant 0 : i32
            %gather3A_224 = tpu.memref_slice %arg12[%scan3A_61, %gather3A_222, %gather3A_223] : memref<2x64x128xf32, #tpu.memory_space<vmem>> -> memref<1x64x128xf32, #tpu.memory_space<vmem>>
            %gather3A_225 = tpu.memref_squeeze %gather3A_224 : memref<1x64x128xf32, #tpu.memory_space<vmem>> -> memref<64x128xf32, #tpu.memory_space<vmem>>
            %gather3A_226 = tpu.vector_load_idx %gather3A_225[%add3A_83, %and3A_221] : memref<64x128xf32, #tpu.memory_space<vmem>>[vector<16xi32>, vector<16xi32>], vector<16xf32>,
            %mul3A_227 = arith.mulf %gather3A_226, %div3A_97 : vector<16xf32>
            %gather3A_228 = tpu.vector_load_idx %arg7[%sub3A_76, %and3A_221] masked %and3A : memref<320x128xf32, #tpu.memory_space<vmem>>[vector<16xi32>, vector<16xi32>], vector<16xf32>, vector<16xi1>
            %max3A_229 = arith.maximumf %gather3A_228, %mul3A_227 : vector<16xf32>
            tpu.vector_store_idx %arg7[%sub3A_76, %and3A_221], %max3A_229 masked %and3A : memref<320x128xf32, #tpu.memory_space<vmem>>[vector<16xi32>, vector<16xi32>], vector<16xf32>, vector<16xi1>
            %mul3A_230 = arith.constant 8 : i32
            %mul3A_231 = arith.muli %scan3A_110, %mul3A_230 : i32
            %add3A_232 = arith.constant 7 : i32
            %add3A_233 = arith.addi %mul3A_231, %add3A_232 : i32
            %broadcast_in_dim3A_234 = vector.broadcast %add3A_233 : i32 to vector<16xi32>
            %add3A_235 = arith.addi %broadcast_in_dim3A_234, %iota3A : vector<16xi32>
            %and3A_236 = arith.constant 127 : i32
            %and3A_237 = vector.broadcast %and3A_236 : i32 to vector<16xi32>
            %and3A_238 = arith.andi %add3A_235, %and3A_237 : vector<16xi32>
            %gather3A_239 = arith.constant 0 : i32
            %gather3A_240 = arith.constant 0 : i32
            %gather3A_241 = tpu.memref_slice %arg12[%scan3A_61, %gather3A_239, %gather3A_240] : memref<2x64x128xf32, #tpu.memory_space<vmem>> -> memref<1x64x128xf32, #tpu.memory_space<vmem>>
            %gather3A_242 = tpu.memref_squeeze %gather3A_241 : memref<1x64x128xf32, #tpu.memory_space<vmem>> -> memref<64x128xf32, #tpu.memory_space<vmem>>
            %gather3A_243 = tpu.vector_load_idx %gather3A_242[%add3A_83, %and3A_238] : memref<64x128xf32, #tpu.memory_space<vmem>>[vector<16xi32>, vector<16xi32>], vector<16xf32>,
            %mul3A_244 = arith.mulf %gather3A_243, %div3A_97 : vector<16xf32>
            %gather3A_245 = tpu.vector_load_idx %arg7[%sub3A_76, %and3A_238] masked %and3A : memref<320x128xf32, #tpu.memory_space<vmem>>[vector<16xi32>, vector<16xi32>], vector<16xf32>, vector<16xi1>
            %max3A_246 = arith.maximumf %gather3A_245, %mul3A_244 : vector<16xf32>
            tpu.vector_store_idx %arg7[%sub3A_76, %and3A_238], %max3A_246 masked %and3A : memref<320x128xf32, #tpu.memory_space<vmem>>[vector<16xi32>, vector<16xi32>], vector<16xf32>, vector<16xi1>
            %scan3A_247 = arith.constant 0 : i32
            scf.yield %scan3A_247 : i32
          }
          %scan3A_107 = arith.constant 16 : i32
          %not3A = arith.constant dense<true> : vector<16xi1>
          %not3A_108 = arith.xori %and3A, %not3A : vector<16xi1>
          %and3A_109 = arith.andi %while3A_99, %not3A_108 : vector<16xi1>
          scf.yield %and3A_109 : vector<16xi1>
        }
        %scan3A_98 = arith.constant 0 : i32
        scf.yield %scan3A_98 : i32
      }
      %scan3A_68 = arith.constant 4 : i32
    } else {
    }
    %scan3A_27 = arith.constant 0 : i32
    %scan3A_28 = arith.constant 0 : i32
    %scan3A_29 = arith.constant 5 : i32
    %scan3A_30 = arith.addi %scan3A_28, %scan3A_29 : i32
    %scan3A_31 = arith.constant 1 : i32
    %scan3A_32 = scf.for %scan3A_34 = %scan3A_28 to %scan3A_30 step %scan3A_31 iter_args(%scan3A_35 = %scan3A_27) -> (i32)  : i32 {
      %mul3A_36 = arith.constant 64 : i32
      %mul3A_37 = arith.muli %scan3A_34, %mul3A_36 : i32
      %add3A_38 = arith.addi %mul3A_2, %mul3A_37 : i32
      %run_scoped3A = arith.constant 0 : i32
      "tpu.region"() ({
        %run_scoped3A_52 = tpu.sem_alloc : memref<!tpu.dma_semaphore, #tpu.memory_space<semaphore_mem>>
        %dma_start3A = arith.constant 0 : i32
        %dma_start3A_53 = arith.constant 0 : i32
        %dma_start3A_54 = tpu.memref_slice %arg12[%run_scoped3A, %dma_start3A, %dma_start3A_53] : memref<2x64x128xf32, #tpu.memory_space<vmem>> -> memref<1x64x128xf32, #tpu.memory_space<vmem>>
        %dma_start3A_55 = tpu.memref_squeeze %dma_start3A_54 : memref<1x64x128xf32, #tpu.memory_space<vmem>> -> memref<64x128xf32, #tpu.memory_space<vmem>>
        %dma_start3A_56 = arith.constant 0 : i32
        %dma_start3A_57 = tpu.memref_slice %arg3[%add3A_38, %dma_start3A_56] : memref<10240x128xf32, #tpu.memory_space<hbm>> -> memref<64x128xf32, #tpu.memory_space<hbm>>
        %dma_start3A_58 = arith.constant 0 : i32
        %dma_start3A_59 = arith.constant 0 : i32
        %dma_start3A_60 = tpu.memref_slice %arg12[%run_scoped3A, %dma_start3A_58, %dma_start3A_59] : memref<2x64x128xf32, #tpu.memory_space<vmem>> -> memref<1x64x128xf32, #tpu.memory_space<vmem>>
        %dma_start3A_61 = tpu.memref_squeeze %dma_start3A_60 : memref<1x64x128xf32, #tpu.memory_space<vmem>> -> memref<64x128xf32, #tpu.memory_space<vmem>>
        %dma_start3A_62 = arith.constant 0 : i32
        %dma_start3A_63 = tpu.memref_slice %arg3[%add3A_38, %dma_start3A_62] : memref<10240x128xf32, #tpu.memory_space<hbm>> -> memref<64x128xf32, #tpu.memory_space<hbm>>
        tpu.enqueue_dma source(%dma_start3A_63 : memref<64x128xf32, #tpu.memory_space<hbm>>) target(%dma_start3A_61 : memref<64x128xf32, #tpu.memory_space<vmem>>) target_semaphore(%run_scoped3A_52 : memref<!tpu.dma_semaphore, #tpu.memory_space<semaphore_mem>>)
        %dma_wait3A = arith.constant 0 : i32
        %dma_wait3A_64 = arith.constant 0 : i32
        %dma_wait3A_65 = tpu.memref_slice %arg12[%run_scoped3A, %dma_wait3A, %dma_wait3A_64] : memref<2x64x128xf32, #tpu.memory_space<vmem>> -> memref<1x64x128xf32, #tpu.memory_space<vmem>>
        %dma_wait3A_66 = tpu.memref_squeeze %dma_wait3A_65 : memref<1x64x128xf32, #tpu.memory_space<vmem>> -> memref<64x128xf32, #tpu.memory_space<vmem>>
        %dma_wait3A_67 = arith.constant 0 : i32
        %dma_wait3A_68 = tpu.memref_slice %arg3[%add3A_38, %dma_wait3A_67] : memref<10240x128xf32, #tpu.memory_space<hbm>> -> memref<64x128xf32, #tpu.memory_space<hbm>>
        %dma_wait3A_69 = arith.constant 0 : i32
        %dma_wait3A_70 = arith.constant 0 : i32
        %dma_wait3A_71 = tpu.memref_slice %arg12[%run_scoped3A, %dma_wait3A_69, %dma_wait3A_70] : memref<2x64x128xf32, #tpu.memory_space<vmem>> -> memref<1x64x128xf32, #tpu.memory_space<vmem>>
        %dma_wait3A_72 = tpu.memref_squeeze %dma_wait3A_71 : memref<1x64x128xf32, #tpu.memory_space<vmem>> -> memref<64x128xf32, #tpu.memory_space<vmem>>
        %dma_wait3A_73 = arith.constant 0 : i32
        %dma_wait3A_74 = tpu.memref_slice %arg3[%add3A_38, %dma_wait3A_73] : memref<10240x128xf32, #tpu.memory_space<hbm>> -> memref<64x128xf32, #tpu.memory_space<hbm>>
        tpu.wait_dma2 semaphore(%run_scoped3A_52 : memref<!tpu.dma_semaphore, #tpu.memory_space<semaphore_mem>>) src(%dma_wait3A_74 : memref<64x128xf32, #tpu.memory_space<hbm>>) dst(%dma_wait3A_72 : memref<64x128xf32, #tpu.memory_space<vmem>>)
        tpu.yield
      }) : () -> ()
      %scan3A_39 = arith.constant 0 : i32
      %scan3A_40 = arith.constant 0 : i32
      %scan3A_41 = arith.constant 0 : i32
      %scan3A_42 = arith.constant 64 : i32
      %scan3A_43 = arith.addi %scan3A_41, %scan3A_42 : i32
      %scan3A_44 = arith.constant 1 : i32
      %scan3A_45 = scf.for %scan3A_52 = %scan3A_41 to %scan3A_43 step %scan3A_44 iter_args(%scan3A_53 = %scan3A_40) -> (i32)  : i32 {
        %mul3A_54 = arith.constant 64 : i32
        %mul3A_55 = arith.muli %scan3A_34, %mul3A_54 : i32
        %add3A_56 = arith.addi %mul3A_55, %scan3A_52 : i32
        %get3A = arith.index_cast %add3A_56 : i32 to index
        %get3A_57 = arith.constant 0 : index
        %get3A_58 = tpu.vector_load %arg7[%get3A, %get3A_57] {strides = array<i32>} : memref<320x128xf32, #tpu.memory_space<vmem>>, vector<16xf32>,
        %eq3A = arith.constant 0xFF800000 : f32
        %eq3A_59 = vector.broadcast %eq3A : f32 to vector<16xf32>
        %eq3A_60 = arith.cmpf oeq, %get3A_58, %eq3A_59 : vector<16xf32>
        %jit3A = arith.constant 0.000000e+00 : f32
        %broadcast_in_dim3A = vector.broadcast %jit3A : f32 to vector<16xf32>
        %select_n3A = arith.select %eq3A_60, %broadcast_in_dim3A, %get3A_58 : vector<16xi1>, vector<16xf32>
        %get3A_61 = arith.constant 0 : i32
        %get3A_62 = arith.constant 0 : i32
        %get3A_63 = tpu.memref_slice %arg12[%scan3A_39, %get3A_61, %get3A_62] : memref<2x64x128xf32, #tpu.memory_space<vmem>> -> memref<1x64x128xf32, #tpu.memory_space<vmem>>
        %get3A_64 = tpu.memref_squeeze %get3A_63 : memref<1x64x128xf32, #tpu.memory_space<vmem>> -> memref<64x128xf32, #tpu.memory_space<vmem>>
        %get3A_65 = arith.index_cast %scan3A_52 : i32 to index
        %get3A_66 = arith.constant 0 : index
        %get3A_67 = tpu.vector_load %get3A_64[%get3A_65, %get3A_66] {strides = array<i32>} : memref<64x128xf32, #tpu.memory_space<vmem>>, vector<16xf32>,
        %add3A_68 = arith.addf %get3A_67, %select_n3A : vector<16xf32>
        %mul3A_69 = arith.constant 0.00999999977 : f32
        %mul3A_70 = vector.broadcast %mul3A_69 : f32 to vector<16xf32>
        %mul3A_71 = arith.mulf %mul3A_70, %add3A_68 : vector<16xf32>
        %max3A = arith.maximumf %add3A_68, %mul3A_71 : vector<16xf32>
        %swap3A = arith.constant 0 : i32
        %swap3A_72 = arith.constant 0 : i32
        %swap3A_73 = tpu.memref_slice %arg12[%scan3A_39, %swap3A, %swap3A_72] : memref<2x64x128xf32, #tpu.memory_space<vmem>> -> memref<1x64x128xf32, #tpu.memory_space<vmem>>
        %swap3A_74 = tpu.memref_squeeze %swap3A_73 : memref<1x64x128xf32, #tpu.memory_space<vmem>> -> memref<64x128xf32, #tpu.memory_space<vmem>>
        %swap3A_75 = arith.index_cast %scan3A_52 : i32 to index
        %swap3A_76 = arith.constant 0 : index
        %swap3A_77 = tpu.vector_load %swap3A_74[%swap3A_75, %swap3A_76] {strides = array<i32>} : memref<64x128xf32, #tpu.memory_space<vmem>>, vector<16xf32>,
        tpu.vector_store %swap3A_74[%swap3A_75, %swap3A_76], %max3A {strides = array<i32>} : memref<64x128xf32, #tpu.memory_space<vmem>>, vector<16xf32>,
        %mul3A_78 = arith.constant 64 : i32
        %mul3A_79 = arith.muli %scan3A_34, %mul3A_78 : i32
        %add3A_80 = arith.addi %mul3A_79, %scan3A_52 : i32
        %get3A_81 = arith.index_cast %add3A_80 : i32 to index
        %get3A_82 = arith.constant 16 : index
        %get3A_83 = tpu.vector_load %arg7[%get3A_81, %get3A_82] {strides = array<i32>} : memref<320x128xf32, #tpu.memory_space<vmem>>, vector<16xf32>,
        %eq3A_84 = arith.constant 0xFF800000 : f32
        %eq3A_85 = vector.broadcast %eq3A_84 : f32 to vector<16xf32>
        %eq3A_86 = arith.cmpf oeq, %get3A_83, %eq3A_85 : vector<16xf32>
        %jit3A_87 = arith.constant 0.000000e+00 : f32
        %broadcast_in_dim3A_88 = vector.broadcast %jit3A_87 : f32 to vector<16xf32>
        %select_n3A_89 = arith.select %eq3A_86, %broadcast_in_dim3A_88, %get3A_83 : vector<16xi1>, vector<16xf32>
        %get3A_90 = arith.constant 0 : i32
        %get3A_91 = arith.constant 0 : i32
        %get3A_92 = tpu.memref_slice %arg12[%scan3A_39, %get3A_90, %get3A_91] : memref<2x64x128xf32, #tpu.memory_space<vmem>> -> memref<1x64x128xf32, #tpu.memory_space<vmem>>
        %get3A_93 = tpu.memref_squeeze %get3A_92 : memref<1x64x128xf32, #tpu.memory_space<vmem>> -> memref<64x128xf32, #tpu.memory_space<vmem>>
        %get3A_94 = arith.index_cast %scan3A_52 : i32 to index
        %get3A_95 = arith.constant 16 : index
        %get3A_96 = tpu.vector_load %get3A_93[%get3A_94, %get3A_95] {strides = array<i32>} : memref<64x128xf32, #tpu.memory_space<vmem>>, vector<16xf32>,
        %add3A_97 = arith.addf %get3A_96, %select_n3A_89 : vector<16xf32>
        %mul3A_98 = arith.constant 0.00999999977 : f32
        %mul3A_99 = vector.broadcast %mul3A_98 : f32 to vector<16xf32>
        %mul3A_100 = arith.mulf %mul3A_99, %add3A_97 : vector<16xf32>
        %max3A_101 = arith.maximumf %add3A_97, %mul3A_100 : vector<16xf32>
        %swap3A_102 = arith.constant 0 : i32
        %swap3A_103 = arith.constant 0 : i32
        %swap3A_104 = tpu.memref_slice %arg12[%scan3A_39, %swap3A_102, %swap3A_103] : memref<2x64x128xf32, #tpu.memory_space<vmem>> -> memref<1x64x128xf32, #tpu.memory_space<vmem>>
        %swap3A_105 = tpu.memref_squeeze %swap3A_104 : memref<1x64x128xf32, #tpu.memory_space<vmem>> -> memref<64x128xf32, #tpu.memory_space<vmem>>
        %swap3A_106 = arith.index_cast %scan3A_52 : i32 to index
        %swap3A_107 = arith.constant 16 : index
        %swap3A_108 = tpu.vector_load %swap3A_105[%swap3A_106, %swap3A_107] {strides = array<i32>} : memref<64x128xf32, #tpu.memory_space<vmem>>, vector<16xf32>,
        tpu.vector_store %swap3A_105[%swap3A_106, %swap3A_107], %max3A_101 {strides = array<i32>} : memref<64x128xf32, #tpu.memory_space<vmem>>, vector<16xf32>,
        %mul3A_109 = arith.constant 64 : i32
        %mul3A_110 = arith.muli %scan3A_34, %mul3A_109 : i32
        %add3A_111 = arith.addi %mul3A_110, %scan3A_52 : i32
        %get3A_112 = arith.index_cast %add3A_111 : i32 to index
        %get3A_113 = arith.constant 32 : index
        %get3A_114 = tpu.vector_load %arg7[%get3A_112, %get3A_113] {strides = array<i32>} : memref<320x128xf32, #tpu.memory_space<vmem>>, vector<16xf32>,
        %eq3A_115 = arith.constant 0xFF800000 : f32
        %eq3A_116 = vector.broadcast %eq3A_115 : f32 to vector<16xf32>
        %eq3A_117 = arith.cmpf oeq, %get3A_114, %eq3A_116 : vector<16xf32>
        %jit3A_118 = arith.constant 0.000000e+00 : f32
        %broadcast_in_dim3A_119 = vector.broadcast %jit3A_118 : f32 to vector<16xf32>
        %select_n3A_120 = arith.select %eq3A_117, %broadcast_in_dim3A_119, %get3A_114 : vector<16xi1>, vector<16xf32>
        %get3A_121 = arith.constant 0 : i32
        %get3A_122 = arith.constant 0 : i32
        %get3A_123 = tpu.memref_slice %arg12[%scan3A_39, %get3A_121, %get3A_122] : memref<2x64x128xf32, #tpu.memory_space<vmem>> -> memref<1x64x128xf32, #tpu.memory_space<vmem>>
        %get3A_124 = tpu.memref_squeeze %get3A_123 : memref<1x64x128xf32, #tpu.memory_space<vmem>> -> memref<64x128xf32, #tpu.memory_space<vmem>>
        %get3A_125 = arith.index_cast %scan3A_52 : i32 to index
        %get3A_126 = arith.constant 32 : index
        %get3A_127 = tpu.vector_load %get3A_124[%get3A_125, %get3A_126] {strides = array<i32>} : memref<64x128xf32, #tpu.memory_space<vmem>>, vector<16xf32>,
        %add3A_128 = arith.addf %get3A_127, %select_n3A_120 : vector<16xf32>
        %mul3A_129 = arith.constant 0.00999999977 : f32
        %mul3A_130 = vector.broadcast %mul3A_129 : f32 to vector<16xf32>
        %mul3A_131 = arith.mulf %mul3A_130, %add3A_128 : vector<16xf32>
        %max3A_132 = arith.maximumf %add3A_128, %mul3A_131 : vector<16xf32>
        %swap3A_133 = arith.constant 0 : i32
        %swap3A_134 = arith.constant 0 : i32
        %swap3A_135 = tpu.memref_slice %arg12[%scan3A_39, %swap3A_133, %swap3A_134] : memref<2x64x128xf32, #tpu.memory_space<vmem>> -> memref<1x64x128xf32, #tpu.memory_space<vmem>>
        %swap3A_136 = tpu.memref_squeeze %swap3A_135 : memref<1x64x128xf32, #tpu.memory_space<vmem>> -> memref<64x128xf32, #tpu.memory_space<vmem>>
        %swap3A_137 = arith.index_cast %scan3A_52 : i32 to index
        %swap3A_138 = arith.constant 32 : index
        %swap3A_139 = tpu.vector_load %swap3A_136[%swap3A_137, %swap3A_138] {strides = array<i32>} : memref<64x128xf32, #tpu.memory_space<vmem>>, vector<16xf32>,
        tpu.vector_store %swap3A_136[%swap3A_137, %swap3A_138], %max3A_132 {strides = array<i32>} : memref<64x128xf32, #tpu.memory_space<vmem>>, vector<16xf32>,
        %mul3A_140 = arith.constant 64 : i32
        %mul3A_141 = arith.muli %scan3A_34, %mul3A_140 : i32
        %add3A_142 = arith.addi %mul3A_141, %scan3A_52 : i32
        %get3A_143 = arith.index_cast %add3A_142 : i32 to index
        %get3A_144 = arith.constant 48 : index
        %get3A_145 = tpu.vector_load %arg7[%get3A_143, %get3A_144] {strides = array<i32>} : memref<320x128xf32, #tpu.memory_space<vmem>>, vector<16xf32>,
        %eq3A_146 = arith.constant 0xFF800000 : f32
        %eq3A_147 = vector.broadcast %eq3A_146 : f32 to vector<16xf32>
        %eq3A_148 = arith.cmpf oeq, %get3A_145, %eq3A_147 : vector<16xf32>
        %jit3A_149 = arith.constant 0.000000e+00 : f32
        %broadcast_in_dim3A_150 = vector.broadcast %jit3A_149 : f32 to vector<16xf32>
        %select_n3A_151 = arith.select %eq3A_148, %broadcast_in_dim3A_150, %get3A_145 : vector<16xi1>, vector<16xf32>
        %get3A_152 = arith.constant 0 : i32
        %get3A_153 = arith.constant 0 : i32
        %get3A_154 = tpu.memref_slice %arg12[%scan3A_39, %get3A_152, %get3A_153] : memref<2x64x128xf32, #tpu.memory_space<vmem>> -> memref<1x64x128xf32, #tpu.memory_space<vmem>>
        %get3A_155 = tpu.memref_squeeze %get3A_154 : memref<1x64x128xf32, #tpu.memory_space<vmem>> -> memref<64x128xf32, #tpu.memory_space<vmem>>
        %get3A_156 = arith.index_cast %scan3A_52 : i32 to index
        %get3A_157 = arith.constant 48 : index
        %get3A_158 = tpu.vector_load %get3A_155[%get3A_156, %get3A_157] {strides = array<i32>} : memref<64x128xf32, #tpu.memory_space<vmem>>, vector<16xf32>,
        %add3A_159 = arith.addf %get3A_158, %select_n3A_151 : vector<16xf32>
        %mul3A_160 = arith.constant 0.00999999977 : f32
        %mul3A_161 = vector.broadcast %mul3A_160 : f32 to vector<16xf32>
        %mul3A_162 = arith.mulf %mul3A_161, %add3A_159 : vector<16xf32>
        %max3A_163 = arith.maximumf %add3A_159, %mul3A_162 : vector<16xf32>
        %swap3A_164 = arith.constant 0 : i32
        %swap3A_165 = arith.constant 0 : i32
        %swap3A_166 = tpu.memref_slice %arg12[%scan3A_39, %swap3A_164, %swap3A_165] : memref<2x64x128xf32, #tpu.memory_space<vmem>> -> memref<1x64x128xf32, #tpu.memory_space<vmem>>
        %swap3A_167 = tpu.memref_squeeze %swap3A_166 : memref<1x64x128xf32, #tpu.memory_space<vmem>> -> memref<64x128xf32, #tpu.memory_space<vmem>>
        %swap3A_168 = arith.index_cast %scan3A_52 : i32 to index
        %swap3A_169 = arith.constant 48 : index
        %swap3A_170 = tpu.vector_load %swap3A_167[%swap3A_168, %swap3A_169] {strides = array<i32>} : memref<64x128xf32, #tpu.memory_space<vmem>>, vector<16xf32>,
        tpu.vector_store %swap3A_167[%swap3A_168, %swap3A_169], %max3A_163 {strides = array<i32>} : memref<64x128xf32, #tpu.memory_space<vmem>>, vector<16xf32>,
        %mul3A_171 = arith.constant 64 : i32
        %mul3A_172 = arith.muli %scan3A_34, %mul3A_171 : i32
        %add3A_173 = arith.addi %mul3A_172, %scan3A_52 : i32
        %get3A_174 = arith.index_cast %add3A_173 : i32 to index
        %get3A_175 = arith.constant 64 : index
        %get3A_176 = tpu.vector_load %arg7[%get3A_174, %get3A_175] {strides = array<i32>} : memref<320x128xf32, #tpu.memory_space<vmem>>, vector<16xf32>,
        %eq3A_177 = arith.constant 0xFF800000 : f32
        %eq3A_178 = vector.broadcast %eq3A_177 : f32 to vector<16xf32>
        %eq3A_179 = arith.cmpf oeq, %get3A_176, %eq3A_178 : vector<16xf32>
        %jit3A_180 = arith.constant 0.000000e+00 : f32
        %broadcast_in_dim3A_181 = vector.broadcast %jit3A_180 : f32 to vector<16xf32>
        %select_n3A_182 = arith.select %eq3A_179, %broadcast_in_dim3A_181, %get3A_176 : vector<16xi1>, vector<16xf32>
        %get3A_183 = arith.constant 0 : i32
        %get3A_184 = arith.constant 0 : i32
        %get3A_185 = tpu.memref_slice %arg12[%scan3A_39, %get3A_183, %get3A_184] : memref<2x64x128xf32, #tpu.memory_space<vmem>> -> memref<1x64x128xf32, #tpu.memory_space<vmem>>
        %get3A_186 = tpu.memref_squeeze %get3A_185 : memref<1x64x128xf32, #tpu.memory_space<vmem>> -> memref<64x128xf32, #tpu.memory_space<vmem>>
        %get3A_187 = arith.index_cast %scan3A_52 : i32 to index
        %get3A_188 = arith.constant 64 : index
        %get3A_189 = tpu.vector_load %get3A_186[%get3A_187, %get3A_188] {strides = array<i32>} : memref<64x128xf32, #tpu.memory_space<vmem>>, vector<16xf32>,
        %add3A_190 = arith.addf %get3A_189, %select_n3A_182 : vector<16xf32>
        %mul3A_191 = arith.constant 0.00999999977 : f32
        %mul3A_192 = vector.broadcast %mul3A_191 : f32 to vector<16xf32>
        %mul3A_193 = arith.mulf %mul3A_192, %add3A_190 : vector<16xf32>
        %max3A_194 = arith.maximumf %add3A_190, %mul3A_193 : vector<16xf32>
        %swap3A_195 = arith.constant 0 : i32
        %swap3A_196 = arith.constant 0 : i32
        %swap3A_197 = tpu.memref_slice %arg12[%scan3A_39, %swap3A_195, %swap3A_196] : memref<2x64x128xf32, #tpu.memory_space<vmem>> -> memref<1x64x128xf32, #tpu.memory_space<vmem>>
        %swap3A_198 = tpu.memref_squeeze %swap3A_197 : memref<1x64x128xf32, #tpu.memory_space<vmem>> -> memref<64x128xf32, #tpu.memory_space<vmem>>
        %swap3A_199 = arith.index_cast %scan3A_52 : i32 to index
        %swap3A_200 = arith.constant 64 : index
        %swap3A_201 = tpu.vector_load %swap3A_198[%swap3A_199, %swap3A_200] {strides = array<i32>} : memref<64x128xf32, #tpu.memory_space<vmem>>, vector<16xf32>,
        tpu.vector_store %swap3A_198[%swap3A_199, %swap3A_200], %max3A_194 {strides = array<i32>} : memref<64x128xf32, #tpu.memory_space<vmem>>, vector<16xf32>,
        %mul3A_202 = arith.constant 64 : i32
        %mul3A_203 = arith.muli %scan3A_34, %mul3A_202 : i32
        %add3A_204 = arith.addi %mul3A_203, %scan3A_52 : i32
        %get3A_205 = arith.index_cast %add3A_204 : i32 to index
        %get3A_206 = arith.constant 80 : index
        %get3A_207 = tpu.vector_load %arg7[%get3A_205, %get3A_206] {strides = array<i32>} : memref<320x128xf32, #tpu.memory_space<vmem>>, vector<16xf32>,
        %eq3A_208 = arith.constant 0xFF800000 : f32
        %eq3A_209 = vector.broadcast %eq3A_208 : f32 to vector<16xf32>
        %eq3A_210 = arith.cmpf oeq, %get3A_207, %eq3A_209 : vector<16xf32>
        %jit3A_211 = arith.constant 0.000000e+00 : f32
        %broadcast_in_dim3A_212 = vector.broadcast %jit3A_211 : f32 to vector<16xf32>
        %select_n3A_213 = arith.select %eq3A_210, %broadcast_in_dim3A_212, %get3A_207 : vector<16xi1>, vector<16xf32>
        %get3A_214 = arith.constant 0 : i32
        %get3A_215 = arith.constant 0 : i32
        %get3A_216 = tpu.memref_slice %arg12[%scan3A_39, %get3A_214, %get3A_215] : memref<2x64x128xf32, #tpu.memory_space<vmem>> -> memref<1x64x128xf32, #tpu.memory_space<vmem>>
        %get3A_217 = tpu.memref_squeeze %get3A_216 : memref<1x64x128xf32, #tpu.memory_space<vmem>> -> memref<64x128xf32, #tpu.memory_space<vmem>>
        %get3A_218 = arith.index_cast %scan3A_52 : i32 to index
        %get3A_219 = arith.constant 80 : index
        %get3A_220 = tpu.vector_load %get3A_217[%get3A_218, %get3A_219] {strides = array<i32>} : memref<64x128xf32, #tpu.memory_space<vmem>>, vector<16xf32>,
        %add3A_221 = arith.addf %get3A_220, %select_n3A_213 : vector<16xf32>
        %mul3A_222 = arith.constant 0.00999999977 : f32
        %mul3A_223 = vector.broadcast %mul3A_222 : f32 to vector<16xf32>
        %mul3A_224 = arith.mulf %mul3A_223, %add3A_221 : vector<16xf32>
        %max3A_225 = arith.maximumf %add3A_221, %mul3A_224 : vector<16xf32>
        %swap3A_226 = arith.constant 0 : i32
        %swap3A_227 = arith.constant 0 : i32
        %swap3A_228 = tpu.memref_slice %arg12[%scan3A_39, %swap3A_226, %swap3A_227] : memref<2x64x128xf32, #tpu.memory_space<vmem>> -> memref<1x64x128xf32, #tpu.memory_space<vmem>>
        %swap3A_229 = tpu.memref_squeeze %swap3A_228 : memref<1x64x128xf32, #tpu.memory_space<vmem>> -> memref<64x128xf32, #tpu.memory_space<vmem>>
        %swap3A_230 = arith.index_cast %scan3A_52 : i32 to index
        %swap3A_231 = arith.constant 80 : index
        %swap3A_232 = tpu.vector_load %swap3A_229[%swap3A_230, %swap3A_231] {strides = array<i32>} : memref<64x128xf32, #tpu.memory_space<vmem>>, vector<16xf32>,
        tpu.vector_store %swap3A_229[%swap3A_230, %swap3A_231], %max3A_225 {strides = array<i32>} : memref<64x128xf32, #tpu.memory_space<vmem>>, vector<16xf32>,
        %mul3A_233 = arith.constant 64 : i32
        %mul3A_234 = arith.muli %scan3A_34, %mul3A_233 : i32
        %add3A_235 = arith.addi %mul3A_234, %scan3A_52 : i32
        %get3A_236 = arith.index_cast %add3A_235 : i32 to index
        %get3A_237 = arith.constant 96 : index
        %get3A_238 = tpu.vector_load %arg7[%get3A_236, %get3A_237] {strides = array<i32>} : memref<320x128xf32, #tpu.memory_space<vmem>>, vector<16xf32>,
        %eq3A_239 = arith.constant 0xFF800000 : f32
        %eq3A_240 = vector.broadcast %eq3A_239 : f32 to vector<16xf32>
        %eq3A_241 = arith.cmpf oeq, %get3A_238, %eq3A_240 : vector<16xf32>
        %jit3A_242 = arith.constant 0.000000e+00 : f32
        %broadcast_in_dim3A_243 = vector.broadcast %jit3A_242 : f32 to vector<16xf32>
        %select_n3A_244 = arith.select %eq3A_241, %broadcast_in_dim3A_243, %get3A_238 : vector<16xi1>, vector<16xf32>
        %get3A_245 = arith.constant 0 : i32
        %get3A_246 = arith.constant 0 : i32
        %get3A_247 = tpu.memref_slice %arg12[%scan3A_39, %get3A_245, %get3A_246] : memref<2x64x128xf32, #tpu.memory_space<vmem>> -> memref<1x64x128xf32, #tpu.memory_space<vmem>>
        %get3A_248 = tpu.memref_squeeze %get3A_247 : memref<1x64x128xf32, #tpu.memory_space<vmem>> -> memref<64x128xf32, #tpu.memory_space<vmem>>
        %get3A_249 = arith.index_cast %scan3A_52 : i32 to index
        %get3A_250 = arith.constant 96 : index
        %get3A_251 = tpu.vector_load %get3A_248[%get3A_249, %get3A_250] {strides = array<i32>} : memref<64x128xf32, #tpu.memory_space<vmem>>, vector<16xf32>,
        %add3A_252 = arith.addf %get3A_251, %select_n3A_244 : vector<16xf32>
        %mul3A_253 = arith.constant 0.00999999977 : f32
        %mul3A_254 = vector.broadcast %mul3A_253 : f32 to vector<16xf32>
        %mul3A_255 = arith.mulf %mul3A_254, %add3A_252 : vector<16xf32>
        %max3A_256 = arith.maximumf %add3A_252, %mul3A_255 : vector<16xf32>
        %swap3A_257 = arith.constant 0 : i32
        %swap3A_258 = arith.constant 0 : i32
        %swap3A_259 = tpu.memref_slice %arg12[%scan3A_39, %swap3A_257, %swap3A_258] : memref<2x64x128xf32, #tpu.memory_space<vmem>> -> memref<1x64x128xf32, #tpu.memory_space<vmem>>
        %swap3A_260 = tpu.memref_squeeze %swap3A_259 : memref<1x64x128xf32, #tpu.memory_space<vmem>> -> memref<64x128xf32, #tpu.memory_space<vmem>>
        %swap3A_261 = arith.index_cast %scan3A_52 : i32 to index
        %swap3A_262 = arith.constant 96 : index
        %swap3A_263 = tpu.vector_load %swap3A_260[%swap3A_261, %swap3A_262] {strides = array<i32>} : memref<64x128xf32, #tpu.memory_space<vmem>>, vector<16xf32>,
        tpu.vector_store %swap3A_260[%swap3A_261, %swap3A_262], %max3A_256 {strides = array<i32>} : memref<64x128xf32, #tpu.memory_space<vmem>>, vector<16xf32>,
        %mul3A_264 = arith.constant 64 : i32
        %mul3A_265 = arith.muli %scan3A_34, %mul3A_264 : i32
        %add3A_266 = arith.addi %mul3A_265, %scan3A_52 : i32
        %get3A_267 = arith.index_cast %add3A_266 : i32 to index
        %get3A_268 = arith.constant 112 : index
        %get3A_269 = tpu.vector_load %arg7[%get3A_267, %get3A_268] {strides = array<i32>} : memref<320x128xf32, #tpu.memory_space<vmem>>, vector<16xf32>,
        %eq3A_270 = arith.constant 0xFF800000 : f32
        %eq3A_271 = vector.broadcast %eq3A_270 : f32 to vector<16xf32>
        %eq3A_272 = arith.cmpf oeq, %get3A_269, %eq3A_271 : vector<16xf32>
        %jit3A_273 = arith.constant 0.000000e+00 : f32
        %broadcast_in_dim3A_274 = vector.broadcast %jit3A_273 : f32 to vector<16xf32>
        %select_n3A_275 = arith.select %eq3A_272, %broadcast_in_dim3A_274, %get3A_269 : vector<16xi1>, vector<16xf32>
        %get3A_276 = arith.constant 0 : i32
        %get3A_277 = arith.constant 0 : i32
        %get3A_278 = tpu.memref_slice %arg12[%scan3A_39, %get3A_276, %get3A_277] : memref<2x64x128xf32, #tpu.memory_space<vmem>> -> memref<1x64x128xf32, #tpu.memory_space<vmem>>
        %get3A_279 = tpu.memref_squeeze %get3A_278 : memref<1x64x128xf32, #tpu.memory_space<vmem>> -> memref<64x128xf32, #tpu.memory_space<vmem>>
        %get3A_280 = arith.index_cast %scan3A_52 : i32 to index
        %get3A_281 = arith.constant 112 : index
        %get3A_282 = tpu.vector_load %get3A_279[%get3A_280, %get3A_281] {strides = array<i32>} : memref<64x128xf32, #tpu.memory_space<vmem>>, vector<16xf32>,
        %add3A_283 = arith.addf %get3A_282, %select_n3A_275 : vector<16xf32>
        %mul3A_284 = arith.constant 0.00999999977 : f32
        %mul3A_285 = vector.broadcast %mul3A_284 : f32 to vector<16xf32>
        %mul3A_286 = arith.mulf %mul3A_285, %add3A_283 : vector<16xf32>
        %max3A_287 = arith.maximumf %add3A_283, %mul3A_286 : vector<16xf32>
        %swap3A_288 = arith.constant 0 : i32
        %swap3A_289 = arith.constant 0 : i32
        %swap3A_290 = tpu.memref_slice %arg12[%scan3A_39, %swap3A_288, %swap3A_289] : memref<2x64x128xf32, #tpu.memory_space<vmem>> -> memref<1x64x128xf32, #tpu.memory_space<vmem>>
        %swap3A_291 = tpu.memref_squeeze %swap3A_290 : memref<1x64x128xf32, #tpu.memory_space<vmem>> -> memref<64x128xf32, #tpu.memory_space<vmem>>
        %swap3A_292 = arith.index_cast %scan3A_52 : i32 to index
        %swap3A_293 = arith.constant 112 : index
        %swap3A_294 = tpu.vector_load %swap3A_291[%swap3A_292, %swap3A_293] {strides = array<i32>} : memref<64x128xf32, #tpu.memory_space<vmem>>, vector<16xf32>,
        tpu.vector_store %swap3A_291[%swap3A_292, %swap3A_293], %max3A_287 {strides = array<i32>} : memref<64x128xf32, #tpu.memory_space<vmem>>, vector<16xf32>,
        %scan3A_295 = arith.constant 0 : i32
        scf.yield %scan3A_295 : i32
      }
      %scan3A_46 = arith.constant 64 : i32
      %mul3A_47 = arith.constant 64 : i32
      %mul3A_48 = arith.muli %scan3A_34, %mul3A_47 : i32
      %add3A_49 = arith.addi %mul3A_2, %mul3A_48 : i32
      %run_scoped3A_50 = arith.constant 0 : i32
      "tpu.region"() ({
        %run_scoped3A_52 = tpu.sem_alloc : memref<!tpu.dma_semaphore, #tpu.memory_space<semaphore_mem>>
        %dma_start3A = arith.constant 0 : i32
        %dma_start3A_53 = arith.constant 0 : i32
        %dma_start3A_54 = tpu.memref_slice %arg12[%run_scoped3A_50, %dma_start3A, %dma_start3A_53] : memref<2x64x128xf32, #tpu.memory_space<vmem>> -> memref<1x64x128xf32, #tpu.memory_space<vmem>>
        %dma_start3A_55 = tpu.memref_squeeze %dma_start3A_54 : memref<1x64x128xf32, #tpu.memory_space<vmem>> -> memref<64x128xf32, #tpu.memory_space<vmem>>
        %dma_start3A_56 = arith.constant 0 : i32
        %dma_start3A_57 = tpu.memref_slice %arg6[%add3A_49, %dma_start3A_56] : memref<10240x128xf32, #tpu.memory_space<hbm>> -> memref<64x128xf32, #tpu.memory_space<hbm>>
        %dma_start3A_58 = arith.constant 0 : i32
        %dma_start3A_59 = tpu.memref_slice %arg6[%add3A_49, %dma_start3A_58] : memref<10240x128xf32, #tpu.memory_space<hbm>> -> memref<64x128xf32, #tpu.memory_space<hbm>>
        %dma_start3A_60 = arith.constant 0 : i32
        %dma_start3A_61 = arith.constant 0 : i32
        %dma_start3A_62 = tpu.memref_slice %arg12[%run_scoped3A_50, %dma_start3A_60, %dma_start3A_61] : memref<2x64x128xf32, #tpu.memory_space<vmem>> -> memref<1x64x128xf32, #tpu.memory_space<vmem>>
        %dma_start3A_63 = tpu.memref_squeeze %dma_start3A_62 : memref<1x64x128xf32, #tpu.memory_space<vmem>> -> memref<64x128xf32, #tpu.memory_space<vmem>>
        tpu.enqueue_dma source(%dma_start3A_63 : memref<64x128xf32, #tpu.memory_space<vmem>>) target(%dma_start3A_59 : memref<64x128xf32, #tpu.memory_space<hbm>>) target_semaphore(%run_scoped3A_52 : memref<!tpu.dma_semaphore, #tpu.memory_space<semaphore_mem>>)
        %dma_wait3A = arith.constant 0 : i32
        %dma_wait3A_64 = arith.constant 0 : i32
        %dma_wait3A_65 = tpu.memref_slice %arg12[%run_scoped3A_50, %dma_wait3A, %dma_wait3A_64] : memref<2x64x128xf32, #tpu.memory_space<vmem>> -> memref<1x64x128xf32, #tpu.memory_space<vmem>>
        %dma_wait3A_66 = tpu.memref_squeeze %dma_wait3A_65 : memref<1x64x128xf32, #tpu.memory_space<vmem>> -> memref<64x128xf32, #tpu.memory_space<vmem>>
        %dma_wait3A_67 = arith.constant 0 : i32
        %dma_wait3A_68 = tpu.memref_slice %arg6[%add3A_49, %dma_wait3A_67] : memref<10240x128xf32, #tpu.memory_space<hbm>> -> memref<64x128xf32, #tpu.memory_space<hbm>>
        %dma_wait3A_69 = arith.constant 0 : i32
        %dma_wait3A_70 = tpu.memref_slice %arg6[%add3A_49, %dma_wait3A_69] : memref<10240x128xf32, #tpu.memory_space<hbm>> -> memref<64x128xf32, #tpu.memory_space<hbm>>
        %dma_wait3A_71 = arith.constant 0 : i32
        %dma_wait3A_72 = arith.constant 0 : i32
        %dma_wait3A_73 = tpu.memref_slice %arg12[%run_scoped3A_50, %dma_wait3A_71, %dma_wait3A_72] : memref<2x64x128xf32, #tpu.memory_space<vmem>> -> memref<1x64x128xf32, #tpu.memory_space<vmem>>
        %dma_wait3A_74 = tpu.memref_squeeze %dma_wait3A_73 : memref<1x64x128xf32, #tpu.memory_space<vmem>> -> memref<64x128xf32, #tpu.memory_space<vmem>>
        tpu.wait_dma2 semaphore(%run_scoped3A_52 : memref<!tpu.dma_semaphore, #tpu.memory_space<semaphore_mem>>) src(%dma_wait3A_74 : memref<64x128xf32, #tpu.memory_space<vmem>>) dst(%dma_wait3A_70 : memref<64x128xf32, #tpu.memory_space<hbm>>)
        tpu.yield
      }) : () -> ()
      %scan3A_51 = arith.constant 0 : i32
      scf.yield %scan3A_51 : i32
    }
    %scan3A_33 = arith.constant 5 : i32
    return
  }
}

module attributes {stable_mosaic.version = 14 : i64} {
  func.func @_mm_body(%arg0: i32, %arg1: memref<1024x128xf32, #tpu.memory_space<vmem>>, %arg2: memref<128x128xf32, #tpu.memory_space<vmem>>, %arg3: memref<128x128xf32, #tpu.memory_space<vmem>>, %arg4: memref<1024x128xf32, #tpu.memory_space<vmem>>, %arg5: memref<1024x128xf32, #tpu.memory_space<vmem>>) attributes {dimension_semantics = [#tpu.dimension_semantics<arbitrary>], iteration_bounds = array<i64: 10>, scalar_prefetch = 0 : i64, scratch_operands = 0 : i64, tpu.core_type = #tpu.core_type<tc>, window_params = [{transform_indices = @transform_0, window_bounds = array<i64: 1024, 128>}, {pipeline_mode = #tpu.pipeline_mode<synchronous>, transform_indices = @transform_1, window_bounds = array<i64: 128, 128>}, {pipeline_mode = #tpu.pipeline_mode<synchronous>, transform_indices = @transform_2, window_bounds = array<i64: 128, 128>}, {transform_indices = @transform_3, window_bounds = array<i64: 1024, 128>}, {transform_indices = @transform_4, window_bounds = array<i64: 1024, 128>}]} {
    %get3A = arith.constant 0 : index
    %get3A_0 = arith.constant 0 : index
    %get3A_1 = vector.load %arg1[%get3A, %get3A_0] : memref<1024x128xf32, #tpu.memory_space<vmem>>, vector<1024x128xf32>
    %get3A_2 = arith.constant 0 : index
    %get3A_3 = arith.constant 0 : index
    %get3A_4 = vector.load %arg2[%get3A_2, %get3A_3] : memref<128x128xf32, #tpu.memory_space<vmem>>, vector<128x128xf32>
    %dot_general3A = arith.constant dense<0.000000e+00> : vector<1024x128xf32>
    %dot_general3A_5 = tpu.matmul %get3A_1, %get3A_4, %dot_general3A {dimension_numbers = #tpu.dot_dimension_numbers<[1], [0], [0], [1], [0, 0, 1, 1], [], []>, transpose_lhs_hint = false} : vector<1024x128xf32>, vector<128x128xf32>, vector<1024x128xf32> -> vector<1024x128xf32>
    %swap3A = arith.constant 0 : index
    %swap3A_6 = arith.constant 0 : index
    %swap3A_7 = vector.load %arg4[%swap3A, %swap3A_6] : memref<1024x128xf32, #tpu.memory_space<vmem>>, vector<1024x128xf32>
    tpu.vector_store %arg4[%swap3A, %swap3A_6], %dot_general3A_5 {strides = array<i32>} : memref<1024x128xf32, #tpu.memory_space<vmem>>, vector<1024x128xf32>,
    %get3A_8 = arith.constant 0 : index
    %get3A_9 = arith.constant 0 : index
    %get3A_10 = vector.load %arg3[%get3A_8, %get3A_9] : memref<128x128xf32, #tpu.memory_space<vmem>>, vector<128x128xf32>
    %dot_general3A_11 = arith.constant dense<0.000000e+00> : vector<1024x128xf32>
    %dot_general3A_12 = tpu.matmul %dot_general3A_5, %get3A_10, %dot_general3A_11 {dimension_numbers = #tpu.dot_dimension_numbers<[1], [0], [0], [1], [0, 0, 1, 1], [], []>, transpose_lhs_hint = false} : vector<1024x128xf32>, vector<128x128xf32>, vector<1024x128xf32> -> vector<1024x128xf32>
    %swap3A_13 = arith.constant 0 : index
    %swap3A_14 = arith.constant 0 : index
    %swap3A_15 = vector.load %arg5[%swap3A_13, %swap3A_14] : memref<1024x128xf32, #tpu.memory_space<vmem>>, vector<1024x128xf32>
    tpu.vector_store %arg5[%swap3A_13, %swap3A_14], %dot_general3A_12 {strides = array<i32>} : memref<1024x128xf32, #tpu.memory_space<vmem>>, vector<1024x128xf32>,
    return
  }
  func.func @transform_0(%arg0: i32) -> (i32, i32) {
    %c0_i32 = arith.constant 0 : i32
    %c0_i32_0 = arith.constant 0 : i32
    return %arg0, %c0_i32 : i32, i32
  }
  func.func @transform_1(%arg0: i32) -> (i32, i32) {
    %c0_i32 = arith.constant 0 : i32
    %c0_i32_0 = arith.constant 0 : i32
    %c0_i32_1 = arith.constant 0 : i32
    return %c0_i32, %c0_i32_0 : i32, i32
  }
  func.func @transform_2(%arg0: i32) -> (i32, i32) {
    %c0_i32 = arith.constant 0 : i32
    %c0_i32_0 = arith.constant 0 : i32
    %c0_i32_1 = arith.constant 0 : i32
    return %c0_i32, %c0_i32_0 : i32, i32
  }
  func.func @transform_3(%arg0: i32) -> (i32, i32) {
    %c0_i32 = arith.constant 0 : i32
    %c0_i32_0 = arith.constant 0 : i32
    return %arg0, %c0_i32 : i32, i32
  }
  func.func @transform_4(%arg0: i32) -> (i32, i32) {
    %c0_i32 = arith.constant 0 : i32
    %c0_i32_0 = arith.constant 0 : i32
    return %arg0, %c0_i32 : i32, i32
  }
}

</mosaic_0001>

<sc_bundles>
// kernel: kernel.6.cloned.1.call-start
scs
__scs_entry_jumppad:
0x0: {  	(pc) =	sbr.rel $0x88, $3  }
0x1: {  	(tag) =	ssettag $0x0;
	lr =	simm.s32 $0x1  }
0x2: {  	[smem:$0x3F9B] =	sst lr;
	_ =	strace $0xD0000000  }
0x3: {  	_ = 	snop  }
0x4: {  	_ = 	snop  }
0x5: {  	_ = 	snop  }
0x6: {  	_ = 	snop  }
0x7: {  	_ = 	snop  }
__scs_overlays_trampoline_lowered:
0x8: {  	[smem:$0x3FAA] =	sst s0  }
0x9: {  	[smem:$0x3FAB] =	sst s1  }
0xa: {  	[smem:$0x3FAC] =	sst s2  }
0xb: {  	[smem:$0x3FAD] =	sst s3  }
0xc: {  	[smem:$0x3FAE] =	sst s4  }
0xd: {  	[smem:$0x3FAF] =	sst s5  }
0xe: {  	[smem:$0x3FB0] =	sst s6  }
0xf: {  	[smem:$0x3FB1] =	sst s7  }
0x10: {  	[smem:$0x3FB2] =	sst s8  }
0x11: {  	[smem:$0x3FB3] =	sst s9;
	s0 =	simm.s32 @!p0 $0x0  }
0x12: {  	s1 =	sld [smem:$0x3F99];
	s0 =	simm.s32 @p0 $0x1  }
0x13: {  	[smem:$0x3FB4] =	sst s0;
	s0 =	simm.s32 @!p1 $0x0  }
0x14: {  	s2 =	sld [smem:$0x3F98];
	s0 =	simm.s32 @p1 $0x1  }
0x15: {  	[smem:$0x3FB5] =	sst s0;
	s0 =	simm.s32 @!p2 $0x0  }
0x16: {  	s3 =	sld [smem:$0x3FDB];
	s0 =	simm.s32 @p2 $0x1  }
0x17: {  	s4 =	simm.s32 $0x1BF5;
	[smem:$0x3FB7] =	sst s0  }
0x18: {  	s0 =	sld [smem:$0x3F9A];
	_ =	swait.ge [sflag:s4], $0x0  }
0x19: {  	s7 =	sld [smem:$0x3F9B]  }
0x1a: {  	s8 =	sadd.s32 $0xFFFFE003, lr  }
0x1b: {  	s9 =	sadd.s32 $0xFFFFFEF7, lr;
	s5 =	simm.s32 $0xFFFFFFFF;
	p2 =	slt.u32 s8, $0xFFFFF086  }
0x1c: {  	p1 =	slt.u32 s9, $0xF7A;
	s5 =	simm.s32 @!p2 $0x0  }
0x1d: {  	s5 =	simm.s32 @p1 $0x1;
	p0 =	seq.s32 s7, s2  }
0x1e: {  	s7 =	smul.u32 @!p0 $0xF7A, s2;
	p2 =	seq.s32 @!p0 s5, $0x0  }
0x1f: {  	s9 =	smul.u32 $0xF7A, s1;
	s8 =	simm.s32 @!p0 $0x1BF5;
	p2 =	por !p2, p0  }
0x20: {  	[sflag:s8] =	ssyncset.s32 @!p0 $0xFFFFF086;
	s6 =	sadd.s32 @!p0 s3, s7;
	s7 =	simm.s32 @!p0 $0x108  }
0x21: {  	s3 =	sadd.s32 s3, s9;
	s6 =	sadd.s32 @!p0 $0x88, s6;
	s7 =	simm.s32 @p2 $0x1082  }
0x22: {  	[simem:s7], [sflag:s8] =	dma.local @!p0 [hbm:s6], $0xF7A  }
0x23: {  	s9 =	sor.u32 $0xD0000000, s2;
	s6 =	simm.s32 $0x108;
	_ =	swait.ge @!p0 [sflag:s8], $0x0  }
0x24: {  	s3 =	sadd.s32 $0x88, s3;
	s6 =	simm.s32 @!p1 $0x1082;
	[sflag:s4] =	ssyncset.s32 $0xFFFFF086  }
0x25: {  	[simem:s6], [sflag:s4] =	dma.local [hbm:s3], $0xF7A  }
0x26: {  	[smem:$0x3F9B] =	sst s1;
	(tag) =	ssettag s2;
	_ =	strace s9  }
0x27: {  	s1 =	sld [smem:$0x3FAB]  }
0x28: {  	s2 =	sld [smem:$0x3FAC]  }
0x29: {  	s4 =	sld [smem:$0x3FAE]  }
0x2a: {  	p0 =	seq.s32 s5, $0x0;
	s5 =	sld [smem:$0x3FAF]  }
0x2b: {  	s6 =	sld [smem:$0x3FB0]  }
0x2c: {  	s7 =	sld [smem:$0x3FB1]  }
0x2d: {  	s3 =	simm.s32 $0x108;
	s8 =	sld [smem:$0x3FB2]  }
0x2e: {  	s3 =	simm.s32 @!p0 $0x1082;
	s9 =	sld [smem:$0x3FB3]  }
0x2f: {  	lr =	sadd.s32 s0, s3;
	s0 =	sld [smem:$0x3FAA]  }
0x30: {  	s3 =	sld [smem:$0x3FAD]  }
0x31: {  	[smem:$0x3FB6] =	sst s10  }
0x32: {  	s10 =	sld [smem:$0x3FB4];
	_ =	sdelay $0x3  }
0x33: {  	p0 =	seq.s32 s10, $0x1;
	s10 =	sld [smem:$0x3FB6];
	_ =	sdelay $0x3  }
0x34: {  	[smem:$0x3FB6] =	sst s10  }
0x35: {  	s10 =	sld [smem:$0x3FB5];
	_ =	sdelay $0x3  }
0x36: {  	p1 =	seq.s32 s10, $0x1;
	s10 =	sld [smem:$0x3FB6];
	_ =	sdelay $0x3  }
0x37: {  	[smem:$0x3FB6] =	sst s10  }
0x38: {  	s10 =	sld [smem:$0x3FB7]  }
0x39: {  	_ = 	snop;
	(pc) =	sbr.ind lr, $3  }
0x3a: {  	_ = 	snop  }
0x3b: {  	_ = 	snop  }
0x3c: {  	p2 =	seq.s32 s10, $0x1;
	s10 =	sld [smem:$0x3FB6]  }
0x3d: {  	_ =	shalt  }
0x3e: {  	_ =	shalt  }
0x3f: {  	_ =	shalt  }
0x40: {  	_ =	shalt  }
0x41: {  	_ =	shalt  }
0x42: {  	_ =	shalt  }
0x43: {  	_ =	shalt  }
0x44: {  	_ =	shalt  }
0x45: {  	_ =	shalt  }
0x46: {  	_ =	shalt  }
0x47: {  	_ =	shalt  }
0x48: {  	_ =	shalt  }
0x49: {  	_ =	shalt  }
0x4a: {  	_ =	shalt  }
0x4b: {  	_ =	shalt  }
0x4c: {  	_ =	shalt  }
0x4d: {  	_ =	shalt  }
0x4e: {  	_ =	shalt  }
0x4f: {  	_ =	shalt  }
0x50: {  	_ =	shalt  }
0x51: {  	_ =	shalt  }
0x52: {  	_ =	shalt  }
0x53: {  	_ =	shalt  }
0x54: {  	_ =	shalt  }
0x55: {  	_ =	shalt  }
0x56: {  	_ =	shalt  }
0x57: {  	_ =	shalt  }
0x58: {  	_ =	shalt  }
0x59: {  	_ =	shalt  }
0x5a: {  	_ =	shalt  }
0x5b: {  	_ =	shalt  }
0x5c: {  	_ =	shalt  }
0x5d: {  	_ =	shalt  }
0x5e: {  	_ =	shalt  }
0x5f: {  	_ =	shalt  }
0x60: {  	_ =	shalt  }
0x61: {  	_ =	shalt  }
0x62: {  	_ =	shalt  }
0x63: {  	_ =	shalt  }
0x64: {  	_ =	shalt  }
0x65: {  	_ =	shalt  }
0x66: {  	_ =	shalt  }
0x67: {  	_ =	shalt  }
0x68: {  	_ =	shalt  }
0x69: {  	_ =	shalt  }
0x6a: {  	_ =	shalt  }
0x6b: {  	_ =	shalt  }
0x6c: {  	_ =	shalt  }
0x6d: {  	_ =	shalt  }
0x6e: {  	_ =	shalt  }
0x6f: {  	_ =	shalt  }
0x70: {  	_ =	shalt  }
0x71: {  	_ =	shalt  }
0x72: {  	_ =	shalt  }
0x73: {  	_ =	shalt  }
0x74: {  	_ =	shalt  }
0x75: {  	_ =	shalt  }
0x76: {  	_ =	shalt  }
0x77: {  	_ =	shalt  }
0x78: {  	_ =	shalt  }
0x79: {  	_ =	shalt  }
0x7a: {  	_ =	shalt  }
0x7b: {  	_ =	shalt  }
0x7c: {  	_ =	shalt  }
0x7d: {  	_ =	shalt  }
0x7e: {  	_ =	shalt  }
0x7f: {  	_ =	shalt  }
0x80: {  	_ =	shalt  }
0x81: {  	_ =	shalt  }
0x82: {  	_ =	shalt  }
0x83: {  	_ =	shalt  }
0x84: {  	_ =	shalt  }
0x85: {  	_ =	shalt  }
0x86: {  	_ =	shalt  }
0x87: {  	_ =	shalt  }
.Lfunc_end0:
.L_simem_size_0:
called_computation_lowered:
.L_overlay_start_0:
0x88: {  	s2 =	sld [smem:$0x3FD9]  }
0x89: {  	s3 =	sld [smem:$0x3FFE];
	_ =	sdelay $0x1  }
0x8a: {  	s1 =	srdreg.scid  }
0x8b: {  	s0 =	sand.u32 $0x1, s1  }
0x8c: {  	s17 =	sshll.u32 s0, $0xA;
	s2 =	sadd.s32 s3, s2  }
0x8d: {  	s2 =	sadd.s32 s2, s17  }
0x8e: {  	[smem:$0x3FC2] =	sst s2  }
0x8f: {  	_ = 	snop  }
0x90: {  	s2 =	sld [smem:$0x3FD0];
	(tm) =	ssettm $0x1  }
0x91: {  	s18 =	sld [smem:$0x3FFB];
	_ =	sdelay $0x3  }
0x92: {  	_ =	strace s18  }
0x93: {  	s3 =	sld [smem:$0x3FFC];
	_ =	sdelay $0x3  }
0x94: {  	_ =	strace s3  }
0x95: {  	s3 =	sld [smem:$0x3FFD];
	_ =	sdelay $0x3  }
0x96: {  	_ =	strace s3  }
0x97: {  	_ =	strace $0x8FFFFFFF  }
0x98: {  	s19 =	sld [smem:$0x3FDB];
	_ =	sdelay $0x1  }
0x99: {  	s4 =	simm.s32 $_scs_section_size  }
0x9a: {  	s5 =	simm.s32 $_size__tile_overlayer_lowered;
	s6 =	simm.s32 $_tile_overlayer_lowered  }
0x9b: {  	s22 =	simm.s32 $0x1BFF;
	s21 =	sshll.u32 s6, $0x1;
	s3 =	sadd.s32 s4, s19  }
0x9c: {  	s7 =	simm.s32 $0x0;
	s20 =	sshll.u32 s5, $0x1;
	s5 =	sadd.s32 s21, s3  }
0x9d: {  	[timem:s7], [sflag:s22] =	dma.local [hbm:s5], s20  }
0x9e: {  	_ =	swait.ge [sflag:s22], s20  }
0x9f: {  	s4 =	ssub.s32 $0x0, s20;
	[sflag:s22] =	ssyncset.done $0x0  }
0xa0: {  	[sflag:s22] =	ssyncadd.s32 s4;
	_ =	sdelay $0x1  }
0xa1: {  	s23 =	simm.s32 $0x1B8B  }
0xa2: {  	_ =	swait.ge [sflag:s23], $0x1  }
0xa3: {  	[sflag:s23] =	ssyncset.done $0x0  }
0xa4: {  	s25 =	simm.s32 $0x1B8E;
	s24 =	sld [smem:$0x3FFE];
	[sflag:s23] =	ssyncadd.s32 $0xFFFFFFFF  }
0xa5: {  	s26 =	simm.s32 $execute0_lowered;
	[smem:$0x3FD2] =	sst s25  }
0xa6: {  	s5 =	sshll.u32 s26, $0x1;
	_ =	strace $0x80000046;
	[dreg:$0x1] =	wrdreg $0xFFFFFFFF  }
0xa7: {  	s28 =	simm.s32 $_size_execute0_lowered;
	s3 =	sadd.s32 s3, s5;
	[dreg:$0x0] =	wrdreg $0x0  }
0xa8: {  	s5 =	sshll.u32 s28, $0x1;
	[dreg:$0x2] =	wrdreg s3  }
0xa9: {  	[dreg:$0x3] =	wrdreg s5  }
0xaa: {  	[dreg:$0x4] =	wrdreg $0xC0  }
0xab: {  	_ =	task [dreg:s7], $0x5FFFF  }
0xac: {  	[dreg:$0x1] =	wrdreg $0xFFFFFFFF  }
0xad: {  	[dreg:$0x0] =	wrdreg $0x60  }
0xae: {  	[dreg:$0x2] =	wrdreg s24  }
0xaf: {  	[dreg:$0x3] =	wrdreg s2  }
0xb0: {  	[dreg:$0x4] =	wrdreg $0x9  }
0xb1: {  	_ =	task.clear_ibuf [dreg:s7], $0x5FFFF;
	_ =	strace $0x90000046  }
0xb2: {  	s29 =	simm.s32 $0x9;
	_ =	strace $0x80000048  }
0xb3: {  	_ =	swait.ge [sflag:s29], $0x1  }
0xb4: {  	[sflag:s29] =	ssyncadd.s32 $0xFFFFFFFF  }
0xb5: {  	_ =	strace $0x90000048  }
0xb6: {  	_ =	sfence  }
0xb7: {  	s30 =	sld [smem:$0x0];
	_ =	sdelay $0x2  }
0xb8: {  	s31 =	sshll.u32 s1, $0xD;
	s1 =	sshrl.u32 s1, $0x2  }
0xb9: {  	s3 =	sand.u32 $0x4000, s31;
	s1 =	sadd.s32 s1, s30  }
0xba: {  	s0 =	sor.u32 s3, s0;
	s1 =	sshll.u32 s1, $0x11  }
0xbb: {  	s0 =	sor.u32 s1, s0  }
0xbc: {  	s0 =	sadd.s32 $0x8F2B, s0  }
0xbd: {  	[sflag:s0] =	ssyncadd.remote.s32 $0x1  }
0xbe: {  	_ =	sfence.sel $0xFFFF  }
0xbf: {  	[dreg:$0x0] =	wrdreg $0xFFFFFFFF;
	(pc) =	sbr.abs _section_cstart, $3  }
0xc0: {  	[dreg:$0x1] =	wrdreg $0xFFFFFFFF  }
0xc1: {  	_ =	task.clear_ibuf [dreg:s7], $0x2FFFF;
	_ =	strace $0x9FFFFFFF  }
0xc2: {  	(tm) =	ssettm $0x7FFFFFFF  }
0xc3: {  	_ =	shalt  }
tec
execute0_lowered:
.L_overlay_start_1:
0x0: {  	(tag) =	ssettag $0x1  }
0x1: {  	s0 =	rddreg [dreg:$0x0]  }
0x2: {  	s2 =	rddreg [dreg:$0x1]  }
0x3: {  	s1 =	srdreg.scid;
	s4 =	stileid.u32;
	s3 =	simm.s32 $0x0  }
0x4: {  	s11 =	simm.s32 $0x14500;
	s12 =	simm.s32 $0x3;
	s13 =	simm.s32 $0xA000  }
0x5: {  	s14 =	simm.s32 $0xB900;
	s15 =	simm.s32 $0xEB80;
	s16 =	simm.s32 $0xD200  }
0x6: {  	s17 =	simm.s32 $0x40;
	s18 =	simm.s32 $0x10500;
	s19 =	simm.s32 $0x1E500  }
0x7: {  	s21 =	simm.s32 $0x0;
	s1 =	sand.u32 $0x1, s1;
	s4 =	sshll.u32 s4, $0x1  }
0x8: {  	[smem:$0x7FF] =	sst s3;
	s6 =	sadd.s32 $0x33600, s0;
	s7 =	sor.u32 s1, s4  }
0x9: {  	s8 =	sadd.s32 $0x5B600, s0;
	s1 =	ssub.s32 $0x2, s1;
	s5 =	smul.u32 $0x140, s7  }
0xa: {  	s4 =	sadd.s32 $0xB600, s0;
	s9 =	smul.u32 $0x1400, s7;
	s30 =	sshrl.u32 s1, $0x1  }
0xb: {  	v2 =	vlaneseq.u32;
	v3 =	vimm.f32 $-Inf;
	v4 =	vimm.s32 $0x0;
	s7 =	sadd.s32 $0x1800, s0;
	s0 =	ssub.s32 s1, s30;
	s31 =	sadd.s32 $0x140, s5  }
0xc: {  	v5 =	vmul.u32 $0x80, v2;
	_ =	strace $0x80000047;
	s9 =	sadd.s32 s4, s9;
	s10 =	smax.u32 s0, $0x1;
	v0 =	vmov s5;
	v1 =	vmov s31  }
.LBB2_1:
0xd: {  	[tilespmem:s11], [sflag:$0x3] =	stream.linear.gather [hbm4b:s9+s3], $0xA000, $0x38;
	[tilespmem:$0x1E680] =	vst v63  }
0xe: {  	_ =	swait.ge [sflag:s12], $0xA000  }
0xf: {  	[sflag:s12] =	ssyncset.done $0x0  }
0x10: {  	s0 =	simm.s32 $0x0;
	s1 =	simm.s32 $0x200;
	[sflag:s12] =	ssyncadd.s32 $0xFFFF6000  }
.LBB2_2:
0x11: {  	p0 =	sne.s32 s1, $0x27E00;
	[tilespmem:s0+$0x70] =	vst v3  }
0x12: {  	[tilespmem:s0+$0x0] =	vst v3  }
0x13: {  	[tilespmem:s0+$0x10] =	vst v3  }
.Ltmp0:
0x14: {  	[tilespmem:s0+$0x20] =	vst v3;
	(pc) =	sbr.rel @p0 .LBB2_2-.Ltmp0, $4  }
0x15: {  	[tilespmem:s0+$0x30] =	vst v3  }
0x16: {  	[tilespmem:s0+$0x40] =	vst v3  }
0x17: {  	[tilespmem:s0+$0x50] =	vst v3  }
0x18: {  	[tilespmem:s0+$0x60] =	vst v3;
	s0 =	sshra.s32 s1, $0x2;
	s1 =	sadd.s32 $0x200, s1  }
0x19: {  	[tilespmem:s0+$0x70] =	vst v3  }
0x1a: {  	[tilespmem:s0+$0x0] =	vst v3  }
0x1b: {  	[tilespmem:s0+$0x10] =	vst v3  }
0x1c: {  	[tilespmem:s0+$0x20] =	vst v3  }
0x1d: {  	[tilespmem:s0+$0x30] =	vst v3  }
0x1e: {  	[tilespmem:s0+$0x40] =	vst v3  }
0x1f: {  	[tilespmem:s0+$0x50] =	vst v3  }
0x20: {  	s1 =	simm.s32 $0x0;
	[tilespmem:s0+$0x60] =	vst v3;
	s0 =	simm.s32 $0x40;
	s20 =	simm.s32 $0x0  }
.LBB2_4:
0x21: {  	p0 =	sne.s32 s0, $0x64C0;
	[tilespmem:s20+$0xD200] =	vst v4;
	s22 =	smov.u32 s0;
	s0 =	sadd.s32 $0x40, s0  }
.Ltmp1:
0x22: {  	[tilespmem:s20+$0xEB80] =	vst v0;
	(pc) =	sbr.rel @p0 .LBB2_4-.Ltmp1, $2  }
0x23: {  	_ =	sdelay $0x2  }
0x24: {  	s20 =	sshra.s32 s22, $0x2  }
.Ltmp2:
0x25: {  	(pc) =	sbr.rel .LBB2_6-.Ltmp2, $3  }
0x26: {  	_ =	sdelay $0x1  }
0x27: {  	[tilespmem:s20+$0xD200] =	vst v4  }
0x28: {  	[tilespmem:s20+$0xEB80] =	vst v0;
	s22 =	simm.s32 $0x0  }
.LBB2_19:
0x29: {  	s0 =	sand.u32 $0xFFFFFF80, s24;
	s1 =	sand.u32 $0x40, s23  }
0x2a: {  	s0 =	sor.u32 s1, s0  }
0x2b: {  	v6 =	vld [tilespmem:s0+$0xD200]  }
0x2c: {  	v7 =	vld [tilespmem:s0+$0xEB80];
	_ =	sdelay $0x3  }
0x2d: {  	[tilespmem:$0xD200] =	vst v6  }
0x2e: {  	[tilespmem:$0xEB80] =	vst v7  }
0x2f: {  	v6 =	vld [tilespmem:s0+$0xD210]  }
0x30: {  	v7 =	vld [tilespmem:s0+$0xEB90];
	_ =	sdelay $0x3  }
0x31: {  	[tilespmem:$0xD210] =	vst v6  }
0x32: {  	[tilespmem:$0xEB90] =	vst v7  }
0x33: {  	v6 =	vld [tilespmem:s0+$0xD220]  }
0x34: {  	v7 =	vld [tilespmem:s0+$0xEBA0];
	_ =	sdelay $0x3  }
0x35: {  	[tilespmem:$0xD220] =	vst v6  }
0x36: {  	[tilespmem:$0xEBA0] =	vst v7  }
0x37: {  	s22 =	sadd.s32 $0x1, s22;
	v6 =	vld [tilespmem:s0+$0xD230]  }
0x38: {  	p0 =	sne.s32 s22, $0x32;
	v7 =	vld [tilespmem:s0+$0xEBB0]  }
.Ltmp3:
0x39: {  	_ = 	snop;
	(pc) =	sbr.rel @!p0 .LBB2_20-.Ltmp3, $3  }
0x3a: {  	_ =	sdelay $0x1  }
0x3b: {  	[tilespmem:$0xD230] =	vst v6  }
0x3c: {  	s1 =	sand.u32 $0x3F, s23;
	[tilespmem:$0xEBB0] =	vst v7  }
.LBB2_6:
0x3d: {  	s20 =	smul.u32 $0x320, s22;
	_ =	sdelay $0x1  }
0x3e: {  	s0 =	simm.s32 $0x0;
	s23 =	sadd.s32 s7, s20  }
0x3f: {  	[tilespmem:s13], [sflag:$0x3] =	stream.linear.gather [hbm4b:s23+s0], $0x1900, $0x38;
	[tilespmem:$0x1E680] =	vst v63  }
0x40: {  	_ =	swait.ge [sflag:s12], $0x1900  }
0x41: {  	[sflag:s12] =	ssyncset.done $0x0  }
0x42: {  	s20 =	sadd.s32 s2, s20;
	[sflag:s12] =	ssyncadd.s32 $0xFFFFE700  }
0x43: {  	[tilespmem:s14], [sflag:$0x3] =	stream.linear.gather [hbm4b:s20+s0], $0x1900, $0x38;
	[tilespmem:$0x1E680] =	vst v63  }
0x44: {  	_ =	swait.ge [sflag:s12], $0x1900  }
0x45: {  	[sflag:s12] =	ssyncset.done $0x0  }
0x46: {  	v6 =	vmov s1;
	[sflag:s12] =	ssyncadd.s32 $0xFFFFE700  }
.LBB2_7:
0x47: {  	s1 =	sshra.s32 s0, $0x2  }
0x48: {  	v7 =	vld [tilespmem:s1+$0xB900];
	_ =	sdelay $0x4  }
0x49: {  	vm0 =	vge.s32 v7, v0;
	vm1 =	vlt.s32 v7, v1  }
0x4a: {  	vm0 =	vmand vm0, vm1  }
0x4b: {  	v8 =	vsel vm0, $0x1, v4  }
0x4c: {  	(xrf0) =	vadd.scan.msk.s32 $0xffff, v8;
	_ =	sdelay $0x5  }
0x4d: {  	v8, _, _ =	vpop (xrf0)  }
0x4e: {  	v8 =	vadd.s32 v8, v6  }
0x4f: {  	v8 =	vadd.s32 $0xFFFFFFFF, v8  }
0x50: {  	v9 =	vld [tilespmem:s1+$0xA000];
	_ =	sdelay $0x3  }
0x51: {  	[tilespmem:v8+s15+$0x0] =	vst.idx.msk vm0, v7  }
0x52: {  	[tilespmem:v8+s16+$0x0] =	vst.idx.msk vm0, v9  }
0x53: {  	v7 =	vld [tilespmem:s1+$0xB910];
	_ =	sdelay $0x4  }
0x54: {  	vm11 =	vge.s32 v7, v0;
	vm2 =	vlt.s32 v7, v1  }
0x55: {  	vm1 =	vmand vm11, vm2  }
0x56: {  	v8 =	vsel vm1, $0x1, v4  }
0x57: {  	(xrf0) =	vadd.scan.msk.s32 $0xffff, v8;
	_ =	sdelay $0x1  }
0x58: {  	v8 =	vmpcnt.ones.xlane vm0;
	_ =	sdelay $0x3  }
0x59: {  	v6 =	vadd.s32 v6, v8;
	v8, _, _ =	vpop (xrf0)  }
0x5a: {  	v8 =	vadd.s32 v8, v6  }
0x5b: {  	v8 =	vadd.s32 $0xFFFFFFFF, v8  }
0x5c: {  	v9 =	vld [tilespmem:s1+$0xA010];
	_ =	sdelay $0x3  }
0x5d: {  	[tilespmem:v8+s15+$0x0] =	vst.idx.msk vm1, v7  }
0x5e: {  	[tilespmem:v8+s16+$0x0] =	vst.idx.msk vm1, v9  }
0x5f: {  	v7 =	vld [tilespmem:s1+$0xB920];
	_ =	sdelay $0x4  }
0x60: {  	vm12 =	vge.s32 v7, v0;
	vm13 =	vlt.s32 v7, v1  }
0x61: {  	vm0 =	vmand vm12, vm13  }
0x62: {  	v8 =	vsel vm0, $0x1, v4  }
0x63: {  	(xrf0) =	vadd.scan.msk.s32 $0xffff, v8;
	_ =	sdelay $0x1  }
0x64: {  	v8 =	vmpcnt.ones.xlane vm1;
	_ =	sdelay $0x3  }
0x65: {  	v6 =	vadd.s32 v6, v8;
	v8, _, _ =	vpop (xrf0)  }
0x66: {  	v8 =	vadd.s32 v8, v6  }
0x67: {  	v8 =	vadd.s32 $0xFFFFFFFF, v8  }
0x68: {  	v9 =	vld [tilespmem:s1+$0xA020];
	_ =	sdelay $0x3  }
0x69: {  	[tilespmem:v8+s15+$0x0] =	vst.idx.msk vm0, v7  }
0x6a: {  	[tilespmem:v8+s16+$0x0] =	vst.idx.msk vm0, v9  }
0x6b: {  	v7 =	vld [tilespmem:s1+$0xB930];
	_ =	sdelay $0x4  }
0x6c: {  	vm14 =	vge.s32 v7, v0;
	vm15 =	vlt.s32 v7, v1  }
0x6d: {  	vm1 =	vmand vm14, vm15  }
0x6e: {  	v8 =	vsel vm1, $0x1, v4  }
0x6f: {  	(xrf0) =	vadd.scan.msk.s32 $0xffff, v8;
	_ =	sdelay $0x1  }
0x70: {  	v8 =	vmpcnt.ones.xlane vm0;
	_ =	sdelay $0x3  }
0x71: {  	v6 =	vadd.s32 v6, v8;
	v8, _, _ =	vpop (xrf0)  }
0x72: {  	v8 =	vadd.s32 v8, v6  }
0x73: {  	v8 =	vadd.s32 $0xFFFFFFFF, v8  }
0x74: {  	p0 =	sne.s32 s0, $0x6300;
	v9 =	vld [tilespmem:s1+$0xA030]  }
.Ltmp4:
0x75: {  	_ = 	snop;
	(pc) =	sbr.rel @p0 .LBB2_7-.Ltmp4, $4  }
0x76: {  	_ = 	snop  }
0x77: {  	v10 =	vmpcnt.ones.xlane vm1  }
0x78: {  	[tilespmem:v8+s15+$0x0] =	vst.idx.msk vm1, v7  }
0x79: {  	s0 =	sadd.s32 $0x100, s0;
	v6 =	vadd.s32 v6, v10;
	[tilespmem:v8+s16+$0x0] =	vst.idx.msk vm1, v9  }
0x7a: {  	v6 =	vxor.u32 $0x80000000, v6  }
0x7b: {  	(xrf0) =	vmax.scan.msk.u32 $0xffff, v6;
	_ =	sdelay $0x5  }
0x7c: {  	v6, _, _ =	vpop (xrf0)  }
0x7d: {  	(v2sf) =	vpush v6, $0xF;
	_ =	sdelay $0xe  }
0x7e: {  	s23 =	spop (v2sf)  }
0x7f: {  	s24 =	sxor.u32 $0x80000000, s23  }
0x80: {  	s25 =	sshra.s32 s24, $0x6  }
0x81: {  	p0 =	slt.s32 s25, $0x1  }
.Ltmp5:
0x82: {  	_ = 	snop;
	(pc) =	sbr.rel @p0 .LBB2_19-.Ltmp5, $1  }
0x83: {  	_ =	sdelay $0x3  }
.Ltmp6:
0x84: {  	(pc) =	sbr.rel .LBB2_11-.Ltmp6, $3  }
0x85: {  	_ =	sdelay $0x1  }
0x86: {  	[tilespmem:s18], [sflag:$0x1] =	stream.indirect.gather [hbm4b:s4+s17], $0x80, s16, s17, $0xb8;
	[tilespmem:$0x1E680] =	vst v63  }
0x87: {  	v6 =	vmov s24;
	s26 =	simm.s32 $0x0  }
.LBB2_10:
0x88: {  	p0 =	seq.s32 s26, s25  }
.Ltmp7:
0x89: {  	_ = 	snop;
	(pc) =	sbr.rel @p0 .LBB2_19-.Ltmp7, $1  }
0x8a: {  	_ =	sdelay $0x3  }
.LBB2_11:
0x8b: {  	s0 =	smov.u32 s26;
	s26 =	sadd.s32 $0x1, s26  }
0x8c: {  	p0 =	sge.s32 s26, s25  }
0x8d: {  	s1 =	sand.u32 $0x1, s0;
	s20 =	sshll.u32 @!p0 s26, $0x8  }
0x8e: {  	p1 =	seq.s32 @!p0 s1, $0x0;
	s20 =	sshra.s32 @!p0 s20, $0x2  }
0x8f: {  	p2 =	por !p1, p0;
	s20 =	sadd.s32 @!p0 $0xD200, s20  }
0x90: {  	s28 =	simm.s32 @!p2 $0x40;
	s29 =	simm.s32 @!p2 $0x12500;
	p0 =	por p1, p0  }
0x91: {  	[tilespmem:s29], [sflag:$0x2] =	stream.indirect.gather @!p2 [hbm4b:s4+s28], $0x80, s20, s28, $0xb8;
	[tilespmem:$0x1E680] =	vst v63  }
0x92: {  	s28 =	simm.s32 @!p0 $0x40;
	s29 =	simm.s32 @!p0 $0x10500  }
0x93: {  	[tilespmem:s29], [sflag:$0x1] =	stream.indirect.gather @!p0 [hbm4b:s4+s28], $0x80, s20, s28, $0xb8;
	[tilespmem:$0x1E680] =	vst v63  }
.Ltmp8:
0x94: {  	p0 =	seq.s32 s1, $0x1;
	s20 =	simm.s32 $0x2;
	(pc) =	sbr.rel .LBB2_12-.Ltmp8, $4  }
0x95: {  	s20 =	simm.s32 @!p0 $0x1  }
0x96: {  	_ =	swait.ge [sflag:s20], $0x2000  }
0x97: {  	s31 =	sshll.u32 s1, $0xD;
	s28 =	sshll.u32 s0, $0x6;
	[sflag:s20] =	ssyncset.done $0x0  }
0x98: {  	s30 =	simm.s32 $0x0;
	s29 =	sor.u32 $0x10500, s31;
	v7 =	vmov s28;
	[sflag:s20] =	ssyncadd.s32 $0xFFFFE000  }
.LBB2_18:
0x99: {  	s30 =	sadd.s32 $0x1, s30  }
0x9a: {  	p0 =	seq.s32 s30, $0x4  }
.Ltmp9:
0x9b: {  	_ = 	snop;
	(pc) =	sbr.rel @p0 .LBB2_10-.Ltmp9, $1  }
0x9c: {  	_ =	sdelay $0x3  }
.LBB2_12:
0x9d: {  	_ =	sdelay $0x2  }
0x9e: {  	s0 =	sshll.u32 s30, $0x4  }
0x9f: {  	v8 =	vld.idx.msk [tilespmem:v7+s0+$0xEB80 ss:$0x1], $0xffff;
	_ =	sdelay $0x1  }
0xa0: {  	s1 =	simm.s32 $0x0;
	v9 =	vmov s0  }
0xa1: {  	s20 =	simm.s32 $0x1;
	v10 =	vadd.s32 s1, v2;
	v9 =	vshll.u32 v9, $0x7  }
0xa2: {  	v12 =	vadd.s32 s20, v2;
	v11 =	vand.u32 $0x7F, v10;
	v9 =	vor.u32 v5, v9  }
0xa3: {  	v12 =	vand.u32 $0x7F, v12;
	v13 =	vor.u32 v9, v11;
	v8 =	vsub.s32 v8, v0  }
0xa4: {  	s20 =	simm.s32 $0x2;
	v15 =	vor.u32 v9, v12;
	v10 =	vshll.u32 v8, $0x7  }
0xa5: {  	v14 =	vadd.s32 s20, v2;
	v11 =	vor.u32 v10, v11  }
0xa6: {  	s20 =	simm.s32 $0x3;
	v14 =	vand.u32 $0x7F, v14;
	v12 =	vor.u32 v10, v12  }
0xa7: {  	v16 =	vadd.s32 s20, v2;
	v17 =	vor.u32 v9, v14  }
0xa8: {  	s20 =	simm.s32 $0x4;
	v16 =	vand.u32 $0x7F, v16;
	v14 =	vor.u32 v10, v14;
	v13 =	vld.idx.msk [tilespmem:v13+s29+$0x0], $0xffff  }
0xa9: {  	v18 =	vadd.s32 s20, v2;
	v21 =	vld.idx.msk [tilespmem:v15+s29+$0x0], $0xffff;
	v15 =	vor.u32 v10, v16  }
0xaa: {  	s20 =	simm.s32 $0x5;
	v19 =	vld.idx.msk [tilespmem:v11+s11+$0x0], $0xffff;
	v11 =	vor.u32 v9, v16;
	v16 =	vand.u32 $0x7F, v18  }
0xab: {  	v20 =	vadd.s32 s20, v2;
	v25 =	vld.idx.msk [tilespmem:v12+s11+$0x0], $0xffff;
	v18 =	vor.u32 v9, v16  }
0xac: {  	s20 =	simm.s32 $0x6;
	v12 =	vld.idx.msk [tilespmem:v17+s29+$0x0], $0xffff;
	v17 =	vor.u32 v10, v16;
	v16 =	vand.u32 $0x7F, v20  }
0xad: {  	v22 =	vadd.s32 s20, v2;
	v14 =	vld.idx.msk [tilespmem:v14+s11+$0x0], $0xffff;
	v20 =	vor.u32 v9, v16  }
0xae: {  	v24 =	vimm.f32 $0.0e+00;
	s20 =	simm.s32 $0x7;
	v23 =	vand.u32 $0x7F, v22;
	v15 =	vld.idx.msk [tilespmem:v15+s11+$0x0], $0xffff;
	v16 =	vor.u32 v10, v16  }
0xaf: {  	v26 =	vadd.s32 s20, v2;
	s20 =	simm.s32 $0x8;
	v11 =	vld.idx.msk [tilespmem:v11+s29+$0x0], $0xffff;
	v27 =	vmul.f32 v19, v13;
	v19 =	vor.u32 v9, v23  }
0xb0: {  	s31 =	sadd.s32 s28, s0;
	v22 =	vadd.s32 s20, v2;
	v13 =	vld.idx.msk [tilespmem:v18+s29+$0x0], $0xffff;
	v18 =	vor.u32 v10, v23;
	v23 =	vand.u32 $0x7F, v26  }
0xb1: {  	s0 =	simm.s32 $0xF;
	s1 =	simm.s32 $0x17;
	s20 =	simm.s32 $0x9;
	v25 =	vmul.f32 v25, v21;
	v17 =	vld.idx.msk [tilespmem:v17+s11+$0x0], $0xffff;
	v24 =	vadd.f32 v27, v24;
	v21 =	vor.u32 v9, v23  }
.LBB2_13:
0xb2: {  	p0 =	sne.s32 s1, $0x7F;
	v22 =	vand.u32 $0x7F, v22;
	v26 =	vadd.s32 s20, v2;
	v20 =	vld.idx.msk [tilespmem:v20+s29+$0x0], $0xffff;
	v23 =	vor.u32 v10, v23  }
0xb3: {  	s20 =	sadd.s32 $0xFFFFFFFB, s0;
	v12 =	vmul.f32 v14, v12;
	v27 =	vor.u32 v9, v22;
	v24 =	vadd.f32 v25, v24;
	v14 =	vld.idx.msk [tilespmem:v16+s11+$0x0], $0xffff  }
0xb4: {  	v16 =	vor.u32 v10, v22;
	v22 =	vand.u32 $0x7F, v26;
	v25 =	vadd.s32 s20, v2;
	v19 =	vld.idx.msk [tilespmem:v19+s29+$0x0], $0xffff  }
0xb5: {  	s20 =	sadd.s32 $0xFFFFFFFC, s0;
	v26 =	vor.u32 v9, v22;
	v11 =	vmul.f32 v15, v11;
	v12 =	vadd.f32 v12, v24;
	v15 =	vld.idx.msk [tilespmem:v18+s11+$0x0], $0xffff  }
0xb6: {  	v18 =	vor.u32 v10, v22;
	v22 =	vand.u32 $0x7F, v25;
	v24 =	vadd.s32 s20, v2;
	v21 =	vld.idx.msk [tilespmem:v21+s29+$0x0], $0xffff  }
0xb7: {  	s20 =	sadd.s32 $0xFFFFFFFD, s0;
	v25 =	vor.u32 v9, v22;
	v11 =	vadd.f32 v11, v12;
	v12 =	vmul.f32 v17, v13;
	v13 =	vld.idx.msk [tilespmem:v23+s11+$0x0], $0xffff  }
0xb8: {  	v22 =	vor.u32 v10, v22;
	v23 =	vand.u32 $0x7F, v24;
	v24 =	vadd.s32 s20, v2;
	v17 =	vld.idx.msk [tilespmem:v27+s29+$0x0], $0xffff  }
0xb9: {  	s20 =	sadd.s32 $0xFFFFFFFE, s0;
	v27 =	vld.idx.msk [tilespmem:v16+s11+$0x0], $0xffff;
	v16 =	vor.u32 v9, v23;
	v11 =	vadd.f32 v12, v11;
	v12 =	vmul.f32 v14, v20  }
0xba: {  	v23 =	vor.u32 v10, v23;
	v14 =	vand.u32 $0x7F, v24;
	v20 =	vadd.s32 s20, v2;
	v26 =	vld.idx.msk [tilespmem:v26+s29+$0x0], $0xffff  }
0xbb: {  	s20 =	sadd.s32 $0xFFFFFFFF, s0;
	v15 =	vmul.f32 v15, v19;
	v28 =	vld.idx.msk [tilespmem:v18+s11+$0x0], $0xffff;
	v18 =	vor.u32 v9, v14;
	v11 =	vadd.f32 v12, v11  }
0xbc: {  	v29 =	vor.u32 v10, v14;
	v19 =	vand.u32 $0x7F, v20;
	v24 =	vadd.s32 s20, v2;
	v12 =	vld.idx.msk [tilespmem:v25+s29+$0x0], $0xffff  }
.Ltmp10:
0xbd: {  	v20 =	vor.u32 v9, v19;
	v13 =	vmul.f32 v13, v21;
	v14 =	vld.idx.msk [tilespmem:v22+s11+$0x0], $0xffff;
	v22 =	vadd.f32 v15, v11;
	(pc) =	sbr.rel @p0 .LBB2_13-.Ltmp10, $4  }
0xbe: {  	v21 =	vand.u32 $0x7F, v24;
	v24 =	vadd.s32 s0, v2;
	s0 =	smov.u32 s1;
	v11 =	vld.idx.msk [tilespmem:v16+s29+$0x0], $0xffff;
	v16 =	vor.u32 v10, v19  }
0xbf: {  	s20 =	sadd.s32 $0xFFFFFFF9, s1;
	v17 =	vmul.f32 v27, v17;
	v19 =	vor.u32 v9, v21;
	v15 =	vld.idx.msk [tilespmem:v23+s11+$0x0], $0xffff;
	v25 =	vadd.f32 v13, v22  }
0xc0: {  	v22 =	vadd.s32 s20, v2;
	v23 =	vand.u32 $0x7F, v24;
	v13 =	vld.idx.msk [tilespmem:v18+s29+$0x0], $0xffff;
	v18 =	vor.u32 v10, v21  }
0xc1: {  	s1 =	sadd.s32 $0x8, s1;
	s20 =	sadd.s32 $0xFFFFFFFA, s0;
	v21 =	vor.u32 v9, v23;
	v24 =	vadd.f32 v17, v25;
	v25 =	vmul.f32 v28, v26;
	v17 =	vld.idx.msk [tilespmem:v29+s11+$0x0], $0xffff  }
0xc2: {  	_ =	sdelay $0x2  }
0xc3: {  	v22 =	vand.u32 $0x7F, v22;
	v23 =	vor.u32 v10, v23  }
0xc4: {  	v20 =	vld.idx.msk [tilespmem:v20+s29+$0x0], $0xffff;
	v12 =	vmul.f32 v14, v12;
	v34 =	vadd.s32 s20, v2;
	v24 =	vadd.f32 v25, v24  }
0xc5: {  	v16 =	vld.idx.msk [tilespmem:v16+s11+$0x0], $0xffff;
	s1 =	sadd.s32 $0xFFFFFFFB, s0;
	v35 =	vor.u32 v9, v22;
	v22 =	vor.u32 v10, v22;
	v14 =	vand.u32 $0x7F, v34  }
0xc6: {  	v19 =	vld.idx.msk [tilespmem:v19+s29+$0x0], $0xffff;
	s20 =	sadd.s32 $0xFFFFFFFC, s0;
	v36 =	vadd.s32 s1, v2;
	v11 =	vmul.f32 v15, v11;
	v12 =	vadd.f32 v12, v24  }
0xc7: {  	v18 =	vld.idx.msk [tilespmem:v18+s11+$0x0], $0xffff;
	v39 =	vadd.s32 s20, v2;
	v37 =	vor.u32 v9, v14;
	v14 =	vor.u32 v10, v14  }
0xc8: {  	v21 =	vld.idx.msk [tilespmem:v21+s29+$0x0], $0xffff;
	s20 =	sadd.s32 $0xFFFFFFFD, s0;
	v15 =	vand.u32 $0x7F, v36;
	v38 =	vmul.f32 v17, v13;
	v11 =	vadd.f32 v11, v12  }
0xc9: {  	v42 =	vadd.s32 s20, v2;
	v40 =	vor.u32 v9, v15;
	v15 =	vor.u32 v10, v15;
	v23 =	vld.idx.msk [tilespmem:v23+s11+$0x0], $0xffff  }
0xca: {  	s20 =	sadd.s32 $0xFFFFFFFE, s0;
	v13 =	vand.u32 $0x7F, v39;
	v41 =	vmul.f32 v16, v20;
	v25 =	vld.idx.msk [tilespmem:v35+s29+$0x0], $0xffff;
	v11 =	vadd.f32 v38, v11  }
0xcb: {  	v46 =	vadd.s32 s20, v2;
	v44 =	vor.u32 v9, v13;
	v13 =	vor.u32 v10, v13;
	v43 =	vld.idx.msk [tilespmem:v22+s11+$0x0], $0xffff  }
0xcc: {  	v16 =	vand.u32 $0x7F, v42;
	v45 =	vmul.f32 v18, v19;
	v24 =	vld.idx.msk [tilespmem:v37+s29+$0x0], $0xffff;
	v11 =	vadd.f32 v41, v11  }
0xcd: {  	v51 =	vadd.s32 s0, v2;
	v18 =	vand.u32 $0x7F, v46;
	v47 =	vor.u32 v9, v16;
	v14 =	vld.idx.msk [tilespmem:v14+s11+$0x0], $0xffff  }
0xce: {  	s20 =	sadd.s32 $0xFFFFFFFF, s0;
	v16 =	vor.u32 v10, v16;
	v17 =	vld.idx.msk [tilespmem:v40+s29+$0x0], $0xffff;
	v48 =	vmul.f32 v23, v21;
	v11 =	vadd.f32 v45, v11  }
0xcf: {  	v49 =	vadd.s32 s20, v2;
	v50 =	vor.u32 v9, v18;
	v18 =	vor.u32 v10, v18;
	v15 =	vld.idx.msk [tilespmem:v15+s11+$0x0], $0xffff  }
0xd0: {  	v22 =	vld.idx.msk [tilespmem:v44+s29+$0x0], $0xffff;
	v21 =	vand.u32 $0x7F, v49;
	v20 =	vmul.f32 v43, v25;
	v11 =	vadd.f32 v48, v11  }
0xd1: {  	v12 =	vand.u32 $0x7F, v51;
	v13 =	vld.idx.msk [tilespmem:v13+s11+$0x0], $0xffff;
	v52 =	vor.u32 v9, v21  }
0xd2: {  	v21 =	vor.u32 v10, v21;
	v19 =	vld.idx.msk [tilespmem:v47+s29+$0x0], $0xffff;
	v14 =	vmul.f32 v14, v24;
	v11 =	vadd.f32 v20, v11  }
0xd3: {  	v53 =	vor.u32 v9, v12;
	v16 =	vld.idx.msk [tilespmem:v16+s11+$0x0], $0xffff  }
0xd4: {  	v12 =	vor.u32 v10, v12;
	v23 =	vld.idx.msk [tilespmem:v50+s29+$0x0], $0xffff;
	v54 =	vmul.f32 v15, v17;
	v11 =	vadd.f32 v14, v11  }
0xd5: {  	v55 =	vld.idx.msk [tilespmem:v18+s11+$0x0], $0xffff  }
0xd6: {  	v13 =	vmul.f32 v13, v22;
	v56 =	vld.idx.msk [tilespmem:v52+s29+$0x0], $0xffff;
	v11 =	vadd.f32 v54, v11  }
0xd7: {  	v57 =	vld.idx.msk [tilespmem:v21+s11+$0x0], $0xffff  }
0xd8: {  	v58 =	vld.idx.msk [tilespmem:v53+s29+$0x0], $0xffff;
	v59 =	vmul.f32 v16, v19;
	v11 =	vadd.f32 v13, v11  }
0xd9: {  	v12 =	vld.idx.msk [tilespmem:v12+s11+$0x0], $0xffff  }
0xda: {  	v60 =	vmul.f32 v55, v23;
	v11 =	vadd.f32 v59, v11;
	_ =	sdelay $0x1  }
0xdb: {  	v61 =	vmul.f32 v57, v56;
	v11 =	vadd.f32 v60, v11  }
0xdc: {  	v62 =	vor.u32 s31, v2  }
0xdd: {  	vm0 =	vlt.s32 v62, v6;
	v12 =	vmul.f32 v12, v58;
	v11 =	vadd.f32 v61, v11  }
0xde: {  	v63 =	vmpcnt.ones.xlane vm0  }
0xdf: {  	v11 =	vadd.f32 v12, v11  }
0xe0: {  	v12 =	vxor.u32 $0x80000000, v63  }
0xe1: {  	(xrf0) =	vmax.scan.msk.u32 $0xffff, v12;
	v11 =	vsub.f32 $0.0e+00, v11;
	_ =	sdelay $0x1  }
0xe2: {  	v11 =	vmul.f32 $1.442695020e+00, v11;
	_ =	sdelay $0x3  }
0xe3: {  	(erf) = vpow2.f32 v11;
	v11, _, _ =	vpop (xrf0)  }
0xe4: {  	(v2sf) =	vpush v11, $0xF;
	_ =	sdelay $0x8  }
0xe5: {  	v11 =	vpop (erf)  }
0xe6: {  	v11 =	vadd.f32 $1.000000000e+00, v11;
	_ =	sdelay $0x1  }
0xe7: {  	(erf) = vrcp.f32 v11;
	_ =	sdelay $0x2  }
0xe8: {  	s31 =	spop (v2sf)  }
0xe9: {  	p0 =	slt.u32 s31, $0x80000001  }
.Ltmp11:
0xea: {  	_ = 	snop;
	(pc) =	sbr.rel @p0 .LBB2_18-.Ltmp11, $2  }
0xeb: {  	_ =	sdelay $0x2  }
0xec: {  	v11 =	vpop (erf)  }
.LBB2_15:
0xed: {  	_ =	sdelay $0x4  }
0xee: {  	[tilespmem:v8+s19+$0x0] =	vst.idx.msk vm0, v2  }
0xef: {  	v12 =	vld.idx.msk [tilespmem:v8+s19+$0x0], vm0;
	_ =	sdelay $0x1  }
0xf0: {  	s0 =	simm.s32 $0x0  }
0xf1: {  	v13 =	vadd.s32 s0, v2  }
0xf2: {  	v13 =	vand.u32 $0x7F, v13  }
0xf3: {  	vm1 =	veq.s32 v12, v2;
	v12 =	vor.u32 v9, v13  }
0xf4: {  	vm1 =	vmand vm0, vm1  }
0xf5: {  	v13 =	vor.u32 v10, v13;
	_ =	sdelay $0x2  }
0xf6: {  	v12 =	vld.idx.msk [tilespmem:v12+s29+$0x0], $0xffff  }
0xf7: {  	s1 =	simm.s32 $0x1  }
0xf8: {  	v15 =	vadd.s32 s1, v2;
	v14 =	vld.idx.msk [tilespmem:v13+s3+$0x0], vm1  }
0xf9: {  	v15 =	vand.u32 $0x7F, v15  }
0xfa: {  	v16 =	vor.u32 v9, v15  }
0xfb: {  	v12 =	vmul.f32 v12, v11  }
0xfc: {  	v15 =	vor.u32 v10, v15  }
0xfd: {  	v12 =	vmax.f32 v14, v12  }
0xfe: {  	[tilespmem:v13+s3+$0x0] =	vst.idx.msk vm1, v12  }
0xff: {  	v12 =	vld.idx.msk [tilespmem:v16+s29+$0x0], $0xffff  }
0x100: {  	s20 =	simm.s32 $0x2  }
0x101: {  	v14 =	vadd.s32 s20, v2;
	v13 =	vld.idx.msk [tilespmem:v15+s3+$0x0], vm1  }
0x102: {  	v14 =	vand.u32 $0x7F, v14  }
0x103: {  	v16 =	vor.u32 v9, v14  }
0x104: {  	v12 =	vmul.f32 v12, v11  }
0x105: {  	v14 =	vor.u32 v10, v14  }
0x106: {  	v12 =	vmax.f32 v13, v12  }
0x107: {  	[tilespmem:v15+s3+$0x0] =	vst.idx.msk vm1, v12  }
0x108: {  	v12 =	vld.idx.msk [tilespmem:v16+s29+$0x0], $0xffff  }
0x109: {  	s1 =	simm.s32 $0x3  }
0x10a: {  	v15 =	vadd.s32 s1, v2;
	v13 =	vld.idx.msk [tilespmem:v14+s3+$0x0], vm1  }
0x10b: {  	v15 =	vand.u32 $0x7F, v15  }
0x10c: {  	v16 =	vor.u32 v9, v15  }
0x10d: {  	v12 =	vmul.f32 v12, v11  }
0x10e: {  	v15 =	vor.u32 v10, v15  }
0x10f: {  	v12 =	vmax.f32 v13, v12  }
0x110: {  	[tilespmem:v14+s3+$0x0] =	vst.idx.msk vm1, v12  }
0x111: {  	v12 =	vld.idx.msk [tilespmem:v16+s29+$0x0], $0xffff  }
0x112: {  	s20 =	simm.s32 $0x4  }
0x113: {  	v14 =	vadd.s32 s20, v2;
	v13 =	vld.idx.msk [tilespmem:v15+s3+$0x0], vm1  }
0x114: {  	v14 =	vand.u32 $0x7F, v14  }
0x115: {  	v16 =	vor.u32 v9, v14  }
0x116: {  	v12 =	vmul.f32 v12, v11  }
0x117: {  	v14 =	vor.u32 v10, v14  }
0x118: {  	v12 =	vmax.f32 v13, v12  }
0x119: {  	[tilespmem:v15+s3+$0x0] =	vst.idx.msk vm1, v12  }
0x11a: {  	v12 =	vld.idx.msk [tilespmem:v16+s29+$0x0], $0xffff  }
0x11b: {  	s1 =	simm.s32 $0x5  }
0x11c: {  	v15 =	vadd.s32 s1, v2;
	v13 =	vld.idx.msk [tilespmem:v14+s3+$0x0], vm1  }
0x11d: {  	v15 =	vand.u32 $0x7F, v15  }
0x11e: {  	v16 =	vor.u32 v9, v15  }
0x11f: {  	v12 =	vmul.f32 v12, v11  }
0x120: {  	v15 =	vor.u32 v10, v15  }
0x121: {  	v12 =	vmax.f32 v13, v12  }
0x122: {  	[tilespmem:v14+s3+$0x0] =	vst.idx.msk vm1, v12  }
0x123: {  	v12 =	vld.idx.msk [tilespmem:v16+s29+$0x0], $0xffff  }
0x124: {  	s20 =	simm.s32 $0x6  }
0x125: {  	v14 =	vadd.s32 s20, v2;
	v13 =	vld.idx.msk [tilespmem:v15+s3+$0x0], vm1  }
0x126: {  	v14 =	vand.u32 $0x7F, v14  }
0x127: {  	v16 =	vor.u32 v9, v14  }
0x128: {  	v12 =	vmul.f32 v12, v11  }
0x129: {  	v14 =	vor.u32 v10, v14  }
0x12a: {  	v12 =	vmax.f32 v13, v12  }
0x12b: {  	[tilespmem:v15+s3+$0x0] =	vst.idx.msk vm1, v12  }
0x12c: {  	v12 =	vld.idx.msk [tilespmem:v16+s29+$0x0], $0xffff  }
0x12d: {  	s1 =	simm.s32 $0x7  }
0x12e: {  	v15 =	vadd.s32 s1, v2;
	v13 =	vld.idx.msk [tilespmem:v14+s3+$0x0], vm1  }
0x12f: {  	v15 =	vand.u32 $0x7F, v15  }
0x130: {  	v16 =	vor.u32 v9, v15  }
0x131: {  	v17 =	vmul.f32 v12, v11;
	_ =	sdelay $0x1  }
0x132: {  	v13 =	vmax.f32 v13, v17  }
0x133: {  	v12 =	vor.u32 v10, v15;
	[tilespmem:v14+s3+$0x0] =	vst.idx.msk vm1, v13  }
0x134: {  	v13 =	vld.idx.msk [tilespmem:v16+s29+$0x0], $0xffff;
	_ =	sdelay $0x2  }
0x135: {  	s20 =	simm.s32 $0x8  }
0x136: {  	v14 =	vadd.s32 s20, v2;
	v15 =	vld.idx.msk [tilespmem:v12+s3+$0x0], vm1  }
0x137: {  	v16 =	vmul.f32 v13, v11;
	v13 =	vand.u32 $0x7F, v14  }
0x138: {  	v14 =	vor.u32 v9, v13;
	_ =	sdelay $0x1  }
0x139: {  	v13 =	vor.u32 v10, v13  }
0x13a: {  	s31 =	simm.s32 $0xF;
	s0 =	simm.s32 $0x17;
	v15 =	vmax.f32 v15, v16  }
.LBB2_16:
0x13b: {  	p0 =	sne.s32 s0, $0x7F;
	[tilespmem:v12+s3+$0x0] =	vst.idx.msk vm1, v15;
	s1 =	smov.u32 s0;
	s0 =	sadd.s32 $0x8, s0  }
0x13c: {  	v12 =	vld.idx.msk [tilespmem:v14+s29+$0x0], $0xffff;
	_ =	sdelay $0x1  }
0x13d: {  	s20 =	sadd.s32 $0xFFFFFFFA, s31;
	v14 =	vld.idx.msk [tilespmem:v13+s3+$0x0], vm1  }
0x13e: {  	v15 =	vadd.s32 s20, v2  }
0x13f: {  	v15 =	vand.u32 $0x7F, v15  }
0x140: {  	v16 =	vor.u32 v9, v15  }
0x141: {  	v12 =	vmul.f32 v12, v11  }
0x142: {  	v15 =	vor.u32 v10, v15  }
0x143: {  	v12 =	vmax.f32 v14, v12  }
0x144: {  	[tilespmem:v13+s3+$0x0] =	vst.idx.msk vm1, v12  }
0x145: {  	v12 =	vld.idx.msk [tilespmem:v16+s29+$0x0], $0xffff;
	_ =	sdelay $0x1  }
0x146: {  	s20 =	sadd.s32 $0xFFFFFFFB, s31;
	v13 =	vld.idx.msk [tilespmem:v15+s3+$0x0], vm1  }
0x147: {  	v14 =	vadd.s32 s20, v2  }
0x148: {  	v14 =	vand.u32 $0x7F, v14  }
0x149: {  	v16 =	vor.u32 v9, v14  }
0x14a: {  	v12 =	vmul.f32 v12, v11  }
0x14b: {  	v14 =	vor.u32 v10, v14  }
0x14c: {  	v12 =	vmax.f32 v13, v12  }
0x14d: {  	[tilespmem:v15+s3+$0x0] =	vst.idx.msk vm1, v12  }
0x14e: {  	v12 =	vld.idx.msk [tilespmem:v16+s29+$0x0], $0xffff;
	_ =	sdelay $0x1  }
0x14f: {  	s20 =	sadd.s32 $0xFFFFFFFC, s31;
	v13 =	vld.idx.msk [tilespmem:v14+s3+$0x0], vm1  }
0x150: {  	v15 =	vadd.s32 s20, v2  }
0x151: {  	v15 =	vand.u32 $0x7F, v15  }
0x152: {  	v16 =	vor.u32 v9, v15  }
0x153: {  	v12 =	vmul.f32 v12, v11  }
0x154: {  	v15 =	vor.u32 v10, v15  }
0x155: {  	v12 =	vmax.f32 v13, v12  }
0x156: {  	[tilespmem:v14+s3+$0x0] =	vst.idx.msk vm1, v12  }
0x157: {  	v12 =	vld.idx.msk [tilespmem:v16+s29+$0x0], $0xffff;
	_ =	sdelay $0x1  }
0x158: {  	s20 =	sadd.s32 $0xFFFFFFFD, s31;
	v13 =	vld.idx.msk [tilespmem:v15+s3+$0x0], vm1  }
0x159: {  	v14 =	vadd.s32 s20, v2  }
0x15a: {  	v14 =	vand.u32 $0x7F, v14  }
0x15b: {  	v16 =	vor.u32 v9, v14  }
0x15c: {  	v12 =	vmul.f32 v12, v11  }
0x15d: {  	v14 =	vor.u32 v10, v14  }
0x15e: {  	v12 =	vmax.f32 v13, v12  }
0x15f: {  	[tilespmem:v15+s3+$0x0] =	vst.idx.msk vm1, v12  }
0x160: {  	v12 =	vld.idx.msk [tilespmem:v16+s29+$0x0], $0xffff;
	_ =	sdelay $0x1  }
0x161: {  	s20 =	sadd.s32 $0xFFFFFFFE, s31;
	v13 =	vld.idx.msk [tilespmem:v14+s3+$0x0], vm1  }
0x162: {  	v15 =	vadd.s32 s20, v2  }
0x163: {  	v15 =	vand.u32 $0x7F, v15  }
0x164: {  	v16 =	vor.u32 v9, v15  }
0x165: {  	v15 =	vor.u32 v10, v15;
	v12 =	vmul.f32 v12, v11;
	_ =	sdelay $0x1  }
0x166: {  	v12 =	vmax.f32 v13, v12  }
0x167: {  	[tilespmem:v14+s3+$0x0] =	vst.idx.msk vm1, v12  }
0x168: {  	v12 =	vld.idx.msk [tilespmem:v16+s29+$0x0], $0xffff  }
0x169: {  	v13 =	vld.idx.msk [tilespmem:v15+s3+$0x0], vm1  }
0x16a: {  	s20 =	sadd.s32 $0xFFFFFFFF, s31  }
0x16b: {  	v14 =	vadd.s32 s20, v2  }
0x16c: {  	v14 =	vand.u32 $0x7F, v14  }
0x16d: {  	v16 =	vor.u32 v9, v14  }
0x16e: {  	v14 =	vor.u32 v10, v14;
	v12 =	vmul.f32 v12, v11;
	_ =	sdelay $0x1  }
0x16f: {  	v12 =	vmax.f32 v13, v12  }
0x170: {  	[tilespmem:v15+s3+$0x0] =	vst.idx.msk vm1, v12  }
0x171: {  	v12 =	vld.idx.msk [tilespmem:v16+s29+$0x0], $0xffff  }
0x172: {  	v13 =	vld.idx.msk [tilespmem:v14+s3+$0x0], vm1;
	_ =	sdelay $0x1  }
0x173: {  	v15 =	vadd.s32 s31, v2;
	s31 =	smov.u32 s1  }
0x174: {  	v15 =	vand.u32 $0x7F, v15  }
0x175: {  	v16 =	vor.u32 v9, v15  }
0x176: {  	v17 =	vmul.f32 v12, v11;
	v12 =	vor.u32 v10, v15;
	_ =	sdelay $0x1  }
0x177: {  	v13 =	vmax.f32 v13, v17  }
0x178: {  	[tilespmem:v14+s3+$0x0] =	vst.idx.msk vm1, v13  }
0x179: {  	v13 =	vld.idx.msk [tilespmem:v16+s29+$0x0], $0xffff  }
0x17a: {  	v15 =	vld.idx.msk [tilespmem:v12+s3+$0x0], vm1  }
0x17b: {  	s1 =	sadd.s32 $0xFFFFFFF9, s31  }
0x17c: {  	v14 =	vadd.s32 s1, v2  }
.Ltmp12:
0x17d: {  	v16 =	vand.u32 $0x7F, v14;
	(pc) =	sbr.rel @p0 .LBB2_16-.Ltmp12, $4  }
0x17e: {  	v14 =	vor.u32 v9, v16  }
0x17f: {  	v17 =	vmul.f32 v13, v11  }
0x180: {  	v13 =	vor.u32 v10, v16  }
0x181: {  	v15 =	vmax.f32 v15, v17  }
0x182: {  	_ =	sdelay $0x4  }
0x183: {  	[tilespmem:v12+s3+$0x0] =	vst.idx.msk vm1, v15  }
0x184: {  	v12 =	vld.idx.msk [tilespmem:v14+s29+$0x0], $0xffff  }
0x185: {  	s0 =	sadd.s32 $0xFFFFFFFA, s31  }
0x186: {  	v42 =	vld.idx.msk [tilespmem:v13+s3+$0x0], vm1;
	v43 =	vadd.s32 s0, v2  }
0x187: {  	v15 =	vand.u32 $0x7F, v43  }
0x188: {  	v16 =	vor.u32 v9, v15  }
0x189: {  	v12 =	vmul.f32 v12, v11  }
0x18a: {  	v15 =	vor.u32 v10, v15  }
0x18b: {  	v12 =	vmax.f32 v42, v12  }
0x18c: {  	[tilespmem:v13+s3+$0x0] =	vst.idx.msk vm1, v12  }
0x18d: {  	v12 =	vld.idx.msk [tilespmem:v16+s29+$0x0], $0xffff  }
0x18e: {  	s20 =	sadd.s32 $0xFFFFFFFB, s31  }
0x18f: {  	v44 =	vadd.s32 s20, v2;
	v13 =	vld.idx.msk [tilespmem:v15+s3+$0x0], vm1  }
0x190: {  	v14 =	vand.u32 $0x7F, v44  }
0x191: {  	v45 =	vor.u32 v9, v14  }
0x192: {  	v12 =	vmul.f32 v12, v11  }
0x193: {  	v14 =	vor.u32 v10, v14  }
0x194: {  	v12 =	vmax.f32 v13, v12  }
0x195: {  	[tilespmem:v15+s3+$0x0] =	vst.idx.msk vm1, v12  }
0x196: {  	v12 =	vld.idx.msk [tilespmem:v45+s29+$0x0], $0xffff  }
0x197: {  	s1 =	sadd.s32 $0xFFFFFFFC, s31  }
0x198: {  	v47 =	vadd.s32 s1, v2;
	v46 =	vld.idx.msk [tilespmem:v14+s3+$0x0], vm1  }
0x199: {  	v15 =	vand.u32 $0x7F, v47  }
0x19a: {  	v48 =	vor.u32 v9, v15  }
0x19b: {  	v12 =	vmul.f32 v12, v11  }
0x19c: {  	v15 =	vor.u32 v10, v15  }
0x19d: {  	v12 =	vmax.f32 v46, v12  }
0x19e: {  	[tilespmem:v14+s3+$0x0] =	vst.idx.msk vm1, v12  }
0x19f: {  	v12 =	vld.idx.msk [tilespmem:v48+s29+$0x0], $0xffff  }
0x1a0: {  	s20 =	sadd.s32 $0xFFFFFFFD, s31  }
0x1a1: {  	v50 =	vadd.s32 s20, v2;
	v49 =	vld.idx.msk [tilespmem:v15+s3+$0x0], vm1  }
0x1a2: {  	v14 =	vand.u32 $0x7F, v50  }
0x1a3: {  	v51 =	vor.u32 v9, v14  }
0x1a4: {  	v12 =	vmul.f32 v12, v11  }
0x1a5: {  	v14 =	vor.u32 v10, v14  }
0x1a6: {  	v12 =	vmax.f32 v49, v12  }
0x1a7: {  	[tilespmem:v15+s3+$0x0] =	vst.idx.msk vm1, v12  }
0x1a8: {  	v12 =	vld.idx.msk [tilespmem:v51+s29+$0x0], $0xffff;
	_ =	sdelay $0x1  }
0x1a9: {  	v52 =	vld.idx.msk [tilespmem:v14+s3+$0x0], vm1  }
0x1aa: {  	s1 =	sadd.s32 $0xFFFFFFFE, s31  }
0x1ab: {  	v53 =	vadd.s32 s1, v2  }
0x1ac: {  	vm0 =	vmxor vm0, vm1;
	v15 =	vand.u32 $0x7F, v53;
	v12 =	vmul.f32 v12, v11  }
0x1ad: {  	v55 =	vmpcnt.ones.xlane vm0;
	v54 =	vor.u32 v9, v15  }
0x1ae: {  	v12 =	vmax.f32 v52, v12  }
0x1af: {  	v15 =	vor.u32 v10, v15;
	[tilespmem:v14+s3+$0x0] =	vst.idx.msk vm1, v12;
	v12 =	vxor.u32 $0x80000000, v55  }
0x1b0: {  	(xrf0) =	vmax.scan.msk.u32 $0xffff, v12;
	_ =	sdelay $0x1  }
0x1b1: {  	v56 =	vld.idx.msk [tilespmem:v54+s29+$0x0], $0xffff  }
0x1b2: {  	s20 =	sadd.s32 $0xFFFFFFFF, s31  }
0x1b3: {  	v57 =	vadd.s32 s20, v2;
	v14 =	vld.idx.msk [tilespmem:v15+s3+$0x0], vm1  }
0x1b4: {  	v58 =	vand.u32 $0x7F, v57  }
0x1b5: {  	v16 =	vor.u32 v9, v58;
	v59, _, _ =	vpop (xrf0)  }
0x1b6: {  	v13 =	vmul.f32 v56, v11;
	(v2sf) =	vpush v59, $0xF  }
0x1b7: {  	v12 =	vor.u32 v10, v58  }
0x1b8: {  	v13 =	vmax.f32 v14, v13  }
0x1b9: {  	[tilespmem:v15+s3+$0x0] =	vst.idx.msk vm1, v13  }
0x1ba: {  	v60 =	vld.idx.msk [tilespmem:v16+s29+$0x0], $0xffff;
	_ =	sdelay $0x1  }
0x1bb: {  	v62 =	vadd.s32 s31, v2;
	v61 =	vld.idx.msk [tilespmem:v12+s3+$0x0], vm1  }
0x1bc: {  	v15 =	vand.u32 $0x7F, v62  }
0x1bd: {  	v63 =	vor.u32 v9, v15  }
0x1be: {  	v14 =	vmul.f32 v60, v11  }
0x1bf: {  	v15 =	vor.u32 v10, v15  }
0x1c0: {  	v13 =	vmax.f32 v61, v14  }
0x1c1: {  	[tilespmem:v12+s3+$0x0] =	vst.idx.msk vm1, v13  }
0x1c2: {  	v12 =	vld.idx.msk [tilespmem:v63+s29+$0x0], $0xffff;
	_ =	sdelay $0x1  }
0x1c3: {  	v13 =	vld.idx.msk [tilespmem:v15+s3+$0x0], vm1;
	s31 =	spop (v2sf)  }
0x1c4: {  	p0 =	sgt.u32 s31, $0x80000000  }
.Ltmp13:
0x1c5: {  	_ = 	snop;
	(pc) =	sbr.rel @p0 .LBB2_15-.Ltmp13, $4  }
.Ltmp14:
0x1c6: {  	v12 =	vmul.f32 v12, v11;
	(pc) =	sbr.rel @!p0 .LBB2_18-.Ltmp14, $4  }
0x1c7: {  	_ = 	snop  }
0x1c8: {  	v12 =	vmax.f32 v13, v12  }
0x1c9: {  	[tilespmem:v15+s3+$0x0] =	vst.idx.msk vm1, v12  }
0x1ca: {  	_ = 	snop  }
.LBB2_20:
0x1cb: {  	p0 =	seq.s32 s1, $0x0  }
.Ltmp15:
0x1cc: {  	_ = 	snop;
	(pc) =	sbr.rel @p0 .LBB2_29-.Ltmp15, $1  }
0x1cd: {  	_ =	sdelay $0x3  }
0x1ce: {  	[tilespmem:s18], [sflag:$0x1] =	stream.indirect.gather [hbm4b:s4+s17], $0x80, s16, s17, $0xb8;
	[tilespmem:$0x1E680] =	vst v63  }
.Ltmp16:
0x1cf: {  	_ = 	snop;
	(pc) =	sbr.rel .LBB2_22-.Ltmp16, $4  }
0x1d0: {  	s0 =	simm.s32 $0x1  }
0x1d1: {  	_ =	swait.ge [sflag:s0], $0x2000  }
0x1d2: {  	[sflag:s0] =	ssyncset.done $0x0  }
0x1d3: {  	v6 =	vmov s1;
	s22 =	simm.s32 $0x0;
	[sflag:s0] =	ssyncadd.s32 $0xFFFFE000  }
.LBB2_28:
0x1d4: {  	s22 =	sadd.s32 $0x1, s22  }
0x1d5: {  	p0 =	sne.s32 s22, $0x4  }
.Ltmp17:
0x1d6: {  	_ = 	snop;
	(pc) =	sbr.rel @!p0 .LBB2_29-.Ltmp17, $1  }
0x1d7: {  	_ =	sdelay $0x3  }
.LBB2_22:
0x1d8: {  	s0 =	sshll.u32 s22, $0x4  }
0x1d9: {  	v7 =	vld [tilespmem:s0+$0xEB80];
	_ =	sdelay $0x1  }
0x1da: {  	s1 =	simm.s32 $0x0  }
0x1db: {  	s23 =	simm.s32 $0x1;
	v10 =	vor.u32 s0, v2;
	v9 =	vadd.s32 s1, v2  }
0x1dc: {  	v12 =	vadd.s32 s23, v2;
	v8 =	vshll.u32 v10, $0x7;
	v11 =	vand.u32 $0x7F, v9  }
0x1dd: {  	v12 =	vand.u32 $0x7F, v12;
	v13 =	vor.u32 v8, v11;
	v7 =	vsub.s32 v7, v0  }
0x1de: {  	s24 =	simm.s32 $0x2;
	v15 =	vor.u32 v8, v12;
	v9 =	vshll.u32 v7, $0x7  }
0x1df: {  	v14 =	vadd.s32 s24, v2;
	v11 =	vor.u32 v9, v11  }
0x1e0: {  	s25 =	simm.s32 $0x3;
	v14 =	vand.u32 $0x7F, v14;
	v12 =	vor.u32 v9, v12  }
0x1e1: {  	v16 =	vadd.s32 s25, v2;
	v17 =	vor.u32 v8, v14  }
0x1e2: {  	s26 =	simm.s32 $0x4;
	v16 =	vand.u32 $0x7F, v16;
	v13 =	vld.idx.msk [tilespmem:v13+s18+$0x0], $0xffff;
	v14 =	vor.u32 v9, v14  }
0x1e3: {  	v18 =	vadd.s32 s26, v2;
	v21 =	vld.idx.msk [tilespmem:v15+s18+$0x0], $0xffff;
	v15 =	vor.u32 v9, v16  }
0x1e4: {  	s28 =	simm.s32 $0x5;
	v19 =	vld.idx.msk [tilespmem:v11+s11+$0x0], $0xffff;
	v11 =	vor.u32 v8, v16;
	v16 =	vand.u32 $0x7F, v18  }
0x1e5: {  	v20 =	vadd.s32 s28, v2;
	v25 =	vld.idx.msk [tilespmem:v12+s11+$0x0], $0xffff;
	v18 =	vor.u32 v8, v16  }
0x1e6: {  	s29 =	simm.s32 $0x6;
	v12 =	vld.idx.msk [tilespmem:v17+s18+$0x0], $0xffff;
	v17 =	vor.u32 v9, v16;
	v16 =	vand.u32 $0x7F, v20  }
0x1e7: {  	v22 =	vadd.s32 s29, v2;
	v14 =	vld.idx.msk [tilespmem:v14+s11+$0x0], $0xffff;
	v20 =	vor.u32 v8, v16  }
0x1e8: {  	v24 =	vimm.f32 $0.0e+00;
	s30 =	simm.s32 $0x7;
	v23 =	vand.u32 $0x7F, v22;
	v15 =	vld.idx.msk [tilespmem:v15+s11+$0x0], $0xffff;
	v16 =	vor.u32 v9, v16  }
0x1e9: {  	s31 =	simm.s32 $0x8;
	v26 =	vadd.s32 s30, v2;
	v11 =	vld.idx.msk [tilespmem:v11+s18+$0x0], $0xffff;
	v27 =	vmul.f32 v19, v13;
	v19 =	vor.u32 v8, v23  }
0x1ea: {  	v22 =	vadd.s32 s31, v2;
	v13 =	vld.idx.msk [tilespmem:v18+s18+$0x0], $0xffff;
	v18 =	vor.u32 v9, v23;
	v23 =	vand.u32 $0x7F, v26  }
0x1eb: {  	s20 =	simm.s32 $0x9;
	s0 =	simm.s32 $0xF;
	s1 =	simm.s32 $0x17;
	v25 =	vmul.f32 v25, v21;
	v17 =	vld.idx.msk [tilespmem:v17+s11+$0x0], $0xffff;
	v24 =	vadd.f32 v27, v24;
	v21 =	vor.u32 v8, v23  }
.LBB2_23:
0x1ec: {  	p0 =	sne.s32 s1, $0x7F;
	v22 =	vand.u32 $0x7F, v22;
	v26 =	vadd.s32 s20, v2;
	v20 =	vld.idx.msk [tilespmem:v20+s18+$0x0], $0xffff;
	v23 =	vor.u32 v9, v23  }
0x1ed: {  	s20 =	sadd.s32 $0xFFFFFFFB, s0;
	v12 =	vmul.f32 v14, v12;
	v27 =	vor.u32 v8, v22;
	v24 =	vadd.f32 v25, v24;
	v14 =	vld.idx.msk [tilespmem:v16+s11+$0x0], $0xffff  }
0x1ee: {  	v16 =	vor.u32 v9, v22;
	v22 =	vand.u32 $0x7F, v26;
	v25 =	vadd.s32 s20, v2;
	v19 =	vld.idx.msk [tilespmem:v19+s18+$0x0], $0xffff  }
0x1ef: {  	s20 =	sadd.s32 $0xFFFFFFFC, s0;
	v26 =	vor.u32 v8, v22;
	v11 =	vmul.f32 v15, v11;
	v12 =	vadd.f32 v12, v24;
	v15 =	vld.idx.msk [tilespmem:v18+s11+$0x0], $0xffff  }
0x1f0: {  	v18 =	vor.u32 v9, v22;
	v22 =	vand.u32 $0x7F, v25;
	v24 =	vadd.s32 s20, v2;
	v21 =	vld.idx.msk [tilespmem:v21+s18+$0x0], $0xffff  }
0x1f1: {  	s20 =	sadd.s32 $0xFFFFFFFD, s0;
	v25 =	vor.u32 v8, v22;
	v11 =	vadd.f32 v11, v12;
	v12 =	vmul.f32 v17, v13;
	v13 =	vld.idx.msk [tilespmem:v23+s11+$0x0], $0xffff  }
0x1f2: {  	v22 =	vor.u32 v9, v22;
	v23 =	vand.u32 $0x7F, v24;
	v24 =	vadd.s32 s20, v2;
	v17 =	vld.idx.msk [tilespmem:v27+s18+$0x0], $0xffff  }
0x1f3: {  	s20 =	sadd.s32 $0xFFFFFFFE, s0;
	v27 =	vld.idx.msk [tilespmem:v16+s11+$0x0], $0xffff;
	v16 =	vor.u32 v8, v23;
	v11 =	vadd.f32 v12, v11;
	v12 =	vmul.f32 v14, v20  }
0x1f4: {  	v23 =	vor.u32 v9, v23;
	v14 =	vand.u32 $0x7F, v24;
	v20 =	vadd.s32 s20, v2;
	v26 =	vld.idx.msk [tilespmem:v26+s18+$0x0], $0xffff  }
0x1f5: {  	s20 =	sadd.s32 $0xFFFFFFFF, s0;
	v15 =	vmul.f32 v15, v19;
	v28 =	vld.idx.msk [tilespmem:v18+s11+$0x0], $0xffff;
	v18 =	vor.u32 v8, v14;
	v11 =	vadd.f32 v12, v11  }
0x1f6: {  	v29 =	vor.u32 v9, v14;
	v19 =	vand.u32 $0x7F, v20;
	v24 =	vadd.s32 s20, v2;
	v12 =	vld.idx.msk [tilespmem:v25+s18+$0x0], $0xffff  }
.Ltmp18:
0x1f7: {  	v20 =	vor.u32 v8, v19;
	v13 =	vmul.f32 v13, v21;
	v14 =	vld.idx.msk [tilespmem:v22+s11+$0x0], $0xffff;
	v22 =	vadd.f32 v15, v11;
	(pc) =	sbr.rel @p0 .LBB2_23-.Ltmp18, $4  }
0x1f8: {  	v21 =	vand.u32 $0x7F, v24;
	v24 =	vadd.s32 s0, v2;
	s0 =	smov.u32 s1;
	v11 =	vld.idx.msk [tilespmem:v16+s18+$0x0], $0xffff;
	v16 =	vor.u32 v9, v19  }
0x1f9: {  	s20 =	sadd.s32 $0xFFFFFFF9, s1;
	v17 =	vmul.f32 v27, v17;
	v19 =	vor.u32 v8, v21;
	v15 =	vld.idx.msk [tilespmem:v23+s11+$0x0], $0xffff;
	v25 =	vadd.f32 v13, v22  }
0x1fa: {  	v22 =	vadd.s32 s20, v2;
	v23 =	vand.u32 $0x7F, v24;
	v13 =	vld.idx.msk [tilespmem:v18+s18+$0x0], $0xffff;
	v18 =	vor.u32 v9, v21  }
0x1fb: {  	s1 =	sadd.s32 $0x8, s1;
	s20 =	sadd.s32 $0xFFFFFFFA, s0;
	v21 =	vor.u32 v8, v23;
	v24 =	vadd.f32 v17, v25;
	v25 =	vmul.f32 v28, v26;
	v17 =	vld.idx.msk [tilespmem:v29+s11+$0x0], $0xffff  }
0x1fc: {  	_ =	sdelay $0x2  }
0x1fd: {  	v22 =	vand.u32 $0x7F, v22;
	v23 =	vor.u32 v9, v23  }
0x1fe: {  	v20 =	vld.idx.msk [tilespmem:v20+s18+$0x0], $0xffff;
	v12 =	vmul.f32 v14, v12;
	v36 =	vadd.s32 s20, v2;
	v24 =	vadd.f32 v25, v24  }
0x1ff: {  	v16 =	vld.idx.msk [tilespmem:v16+s11+$0x0], $0xffff;
	s1 =	sadd.s32 $0xFFFFFFFB, s0;
	v37 =	vor.u32 v8, v22;
	v22 =	vor.u32 v9, v22;
	v14 =	vand.u32 $0x7F, v36  }
0x200: {  	v19 =	vld.idx.msk [tilespmem:v19+s18+$0x0], $0xffff;
	s26 =	sadd.s32 $0xFFFFFFFC, s0;
	v38 =	vadd.s32 s1, v2;
	v11 =	vmul.f32 v15, v11;
	v12 =	vadd.f32 v12, v24  }
0x201: {  	v18 =	vld.idx.msk [tilespmem:v18+s11+$0x0], $0xffff;
	v41 =	vadd.s32 s26, v2;
	v39 =	vor.u32 v8, v14;
	v14 =	vor.u32 v9, v14  }
0x202: {  	v21 =	vld.idx.msk [tilespmem:v21+s18+$0x0], $0xffff;
	s28 =	sadd.s32 $0xFFFFFFFD, s0;
	v15 =	vand.u32 $0x7F, v38;
	v40 =	vmul.f32 v17, v13;
	v11 =	vadd.f32 v11, v12  }
0x203: {  	v44 =	vadd.s32 s28, v2;
	v42 =	vor.u32 v8, v15;
	v15 =	vor.u32 v9, v15;
	v23 =	vld.idx.msk [tilespmem:v23+s11+$0x0], $0xffff  }
0x204: {  	s29 =	sadd.s32 $0xFFFFFFFE, s0;
	v13 =	vand.u32 $0x7F, v41;
	v43 =	vmul.f32 v16, v20;
	v25 =	vld.idx.msk [tilespmem:v37+s18+$0x0], $0xffff;
	v11 =	vadd.f32 v40, v11  }
0x205: {  	v48 =	vadd.s32 s29, v2;
	v46 =	vor.u32 v8, v13;
	v13 =	vor.u32 v9, v13;
	v45 =	vld.idx.msk [tilespmem:v22+s11+$0x0], $0xffff  }
0x206: {  	v16 =	vand.u32 $0x7F, v44;
	v47 =	vmul.f32 v18, v19;
	v24 =	vld.idx.msk [tilespmem:v39+s18+$0x0], $0xffff;
	v11 =	vadd.f32 v43, v11  }
0x207: {  	v53 =	vadd.s32 s0, v2;
	v18 =	vand.u32 $0x7F, v48;
	v49 =	vor.u32 v8, v16;
	v14 =	vld.idx.msk [tilespmem:v14+s11+$0x0], $0xffff  }
0x208: {  	s30 =	sadd.s32 $0xFFFFFFFF, s0;
	v16 =	vor.u32 v9, v16;
	v17 =	vld.idx.msk [tilespmem:v42+s18+$0x0], $0xffff;
	v50 =	vmul.f32 v23, v21;
	v11 =	vadd.f32 v47, v11  }
0x209: {  	v51 =	vadd.s32 s30, v2;
	v52 =	vor.u32 v8, v18;
	v18 =	vor.u32 v9, v18;
	v15 =	vld.idx.msk [tilespmem:v15+s11+$0x0], $0xffff  }
0x20a: {  	v22 =	vld.idx.msk [tilespmem:v46+s18+$0x0], $0xffff;
	v21 =	vand.u32 $0x7F, v51;
	v20 =	vmul.f32 v45, v25;
	v11 =	vadd.f32 v50, v11  }
0x20b: {  	v12 =	vand.u32 $0x7F, v53;
	v13 =	vld.idx.msk [tilespmem:v13+s11+$0x0], $0xffff;
	v54 =	vor.u32 v8, v21  }
0x20c: {  	v21 =	vor.u32 v9, v21;
	v19 =	vld.idx.msk [tilespmem:v49+s18+$0x0], $0xffff;
	v14 =	vmul.f32 v14, v24;
	v11 =	vadd.f32 v20, v11  }
0x20d: {  	v55 =	vor.u32 v8, v12;
	v16 =	vld.idx.msk [tilespmem:v16+s11+$0x0], $0xffff  }
0x20e: {  	v12 =	vor.u32 v9, v12;
	v23 =	vld.idx.msk [tilespmem:v52+s18+$0x0], $0xffff;
	v56 =	vmul.f32 v15, v17;
	v11 =	vadd.f32 v14, v11  }
0x20f: {  	v57 =	vld.idx.msk [tilespmem:v18+s11+$0x0], $0xffff  }
0x210: {  	v13 =	vmul.f32 v13, v22;
	v58 =	vld.idx.msk [tilespmem:v54+s18+$0x0], $0xffff;
	v11 =	vadd.f32 v56, v11  }
0x211: {  	v59 =	vld.idx.msk [tilespmem:v21+s11+$0x0], $0xffff  }
0x212: {  	v60 =	vld.idx.msk [tilespmem:v55+s18+$0x0], $0xffff;
	v61 =	vmul.f32 v16, v19;
	v11 =	vadd.f32 v13, v11  }
0x213: {  	v12 =	vld.idx.msk [tilespmem:v12+s11+$0x0], $0xffff  }
0x214: {  	v62 =	vmul.f32 v57, v23;
	v11 =	vadd.f32 v61, v11;
	_ =	sdelay $0x1  }
0x215: {  	v63 =	vmul.f32 v59, v58;
	v11 =	vadd.f32 v62, v11;
	_ =	sdelay $0x1  }
0x216: {  	v12 =	vmul.f32 v12, v60;
	v11 =	vadd.f32 v63, v11  }
0x217: {  	vm0 =	vlt.u32 v10, v6  }
0x218: {  	v10 =	vadd.f32 v12, v11;
	v11 =	vmpcnt.ones.xlane vm0;
	_ =	sdelay $0x1  }
0x219: {  	v11 =	vxor.u32 $0x80000000, v11  }
0x21a: {  	v10 =	vsub.f32 $0.0e+00, v10;
	(xrf0) =	vmax.scan.msk.u32 $0xffff, v11;
	_ =	sdelay $0x1  }
0x21b: {  	v10 =	vmul.f32 $1.442695020e+00, v10;
	_ =	sdelay $0x3  }
0x21c: {  	(erf) = vpow2.f32 v10;
	v10, _, _ =	vpop (xrf0)  }
0x21d: {  	(v2sf) =	vpush v10, $0xF;
	_ =	sdelay $0x8  }
0x21e: {  	v10 =	vpop (erf)  }
0x21f: {  	v10 =	vadd.f32 $1.000000000e+00, v10;
	_ =	sdelay $0x1  }
0x220: {  	(erf) = vrcp.f32 v10;
	_ =	sdelay $0x2  }
0x221: {  	s31 =	spop (v2sf)  }
0x222: {  	p0 =	slt.u32 s31, $0x80000001  }
.Ltmp19:
0x223: {  	_ = 	snop;
	(pc) =	sbr.rel @p0 .LBB2_28-.Ltmp19, $2  }
0x224: {  	_ =	sdelay $0x2  }
0x225: {  	v10 =	vpop (erf)  }
.LBB2_25:
0x226: {  	_ =	sdelay $0x4  }
0x227: {  	[tilespmem:v7+s19+$0x0] =	vst.idx.msk vm0, v2  }
0x228: {  	v11 =	vld.idx.msk [tilespmem:v7+s19+$0x0], vm0;
	_ =	sdelay $0x1  }
0x229: {  	s0 =	simm.s32 $0x0  }
0x22a: {  	v12 =	vadd.s32 s0, v2  }
0x22b: {  	v12 =	vand.u32 $0x7F, v12  }
0x22c: {  	vm1 =	veq.s32 v11, v2;
	v11 =	vor.u32 v8, v12  }
0x22d: {  	vm1 =	vmand vm0, vm1  }
0x22e: {  	v12 =	vor.u32 v9, v12;
	_ =	sdelay $0x2  }
0x22f: {  	v11 =	vld.idx.msk [tilespmem:v11+s18+$0x0], $0xffff  }
0x230: {  	s23 =	simm.s32 $0x1  }
0x231: {  	v14 =	vadd.s32 s23, v2;
	v13 =	vld.idx.msk [tilespmem:v12+s3+$0x0], vm1  }
0x232: {  	v14 =	vand.u32 $0x7F, v14  }
0x233: {  	v15 =	vor.u32 v8, v14  }
0x234: {  	v11 =	vmul.f32 v11, v10  }
0x235: {  	v14 =	vor.u32 v9, v14  }
0x236: {  	v11 =	vmax.f32 v13, v11  }
0x237: {  	[tilespmem:v12+s3+$0x0] =	vst.idx.msk vm1, v11  }
0x238: {  	v11 =	vld.idx.msk [tilespmem:v15+s18+$0x0], $0xffff  }
0x239: {  	s24 =	simm.s32 $0x2  }
0x23a: {  	v13 =	vadd.s32 s24, v2;
	v12 =	vld.idx.msk [tilespmem:v14+s3+$0x0], vm1  }
0x23b: {  	v13 =	vand.u32 $0x7F, v13  }
0x23c: {  	v15 =	vor.u32 v8, v13  }
0x23d: {  	v11 =	vmul.f32 v11, v10  }
0x23e: {  	v13 =	vor.u32 v9, v13  }
0x23f: {  	v11 =	vmax.f32 v12, v11  }
0x240: {  	[tilespmem:v14+s3+$0x0] =	vst.idx.msk vm1, v11  }
0x241: {  	v11 =	vld.idx.msk [tilespmem:v15+s18+$0x0], $0xffff  }
0x242: {  	s25 =	simm.s32 $0x3  }
0x243: {  	v14 =	vadd.s32 s25, v2;
	v12 =	vld.idx.msk [tilespmem:v13+s3+$0x0], vm1  }
0x244: {  	v14 =	vand.u32 $0x7F, v14  }
0x245: {  	v15 =	vor.u32 v8, v14  }
0x246: {  	v11 =	vmul.f32 v11, v10  }
0x247: {  	v14 =	vor.u32 v9, v14  }
0x248: {  	v11 =	vmax.f32 v12, v11  }
0x249: {  	[tilespmem:v13+s3+$0x0] =	vst.idx.msk vm1, v11  }
0x24a: {  	v11 =	vld.idx.msk [tilespmem:v15+s18+$0x0], $0xffff  }
0x24b: {  	s26 =	simm.s32 $0x4  }
0x24c: {  	v13 =	vadd.s32 s26, v2;
	v12 =	vld.idx.msk [tilespmem:v14+s3+$0x0], vm1  }
0x24d: {  	v13 =	vand.u32 $0x7F, v13  }
0x24e: {  	v15 =	vor.u32 v8, v13  }
0x24f: {  	v11 =	vmul.f32 v11, v10  }
0x250: {  	v13 =	vor.u32 v9, v13  }
0x251: {  	v11 =	vmax.f32 v12, v11  }
0x252: {  	[tilespmem:v14+s3+$0x0] =	vst.idx.msk vm1, v11  }
0x253: {  	v11 =	vld.idx.msk [tilespmem:v15+s18+$0x0], $0xffff  }
0x254: {  	s28 =	simm.s32 $0x5  }
0x255: {  	v14 =	vadd.s32 s28, v2;
	v12 =	vld.idx.msk [tilespmem:v13+s3+$0x0], vm1  }
0x256: {  	v14 =	vand.u32 $0x7F, v14  }
0x257: {  	v15 =	vor.u32 v8, v14  }
0x258: {  	v11 =	vmul.f32 v11, v10  }
0x259: {  	v14 =	vor.u32 v9, v14  }
0x25a: {  	v11 =	vmax.f32 v12, v11  }
0x25b: {  	[tilespmem:v13+s3+$0x0] =	vst.idx.msk vm1, v11  }
0x25c: {  	v11 =	vld.idx.msk [tilespmem:v15+s18+$0x0], $0xffff  }
0x25d: {  	s29 =	simm.s32 $0x6  }
0x25e: {  	v13 =	vadd.s32 s29, v2;
	v12 =	vld.idx.msk [tilespmem:v14+s3+$0x0], vm1  }
0x25f: {  	v13 =	vand.u32 $0x7F, v13  }
0x260: {  	v15 =	vor.u32 v8, v13  }
0x261: {  	v11 =	vmul.f32 v11, v10  }
0x262: {  	v13 =	vor.u32 v9, v13  }
0x263: {  	v11 =	vmax.f32 v12, v11  }
0x264: {  	[tilespmem:v14+s3+$0x0] =	vst.idx.msk vm1, v11  }
0x265: {  	v11 =	vld.idx.msk [tilespmem:v15+s18+$0x0], $0xffff  }
0x266: {  	s30 =	simm.s32 $0x7  }
0x267: {  	v14 =	vadd.s32 s30, v2;
	v12 =	vld.idx.msk [tilespmem:v13+s3+$0x0], vm1  }
0x268: {  	v14 =	vand.u32 $0x7F, v14  }
0x269: {  	v15 =	vor.u32 v8, v14  }
0x26a: {  	v16 =	vmul.f32 v11, v10;
	_ =	sdelay $0x1  }
0x26b: {  	v12 =	vmax.f32 v12, v16  }
0x26c: {  	v11 =	vor.u32 v9, v14;
	[tilespmem:v13+s3+$0x0] =	vst.idx.msk vm1, v12  }
0x26d: {  	v12 =	vld.idx.msk [tilespmem:v15+s18+$0x0], $0xffff;
	_ =	sdelay $0x2  }
0x26e: {  	s31 =	simm.s32 $0x8  }
0x26f: {  	v13 =	vadd.s32 s31, v2;
	v14 =	vld.idx.msk [tilespmem:v11+s3+$0x0], vm1  }
0x270: {  	v15 =	vmul.f32 v12, v10;
	v12 =	vand.u32 $0x7F, v13  }
0x271: {  	v13 =	vor.u32 v8, v12;
	_ =	sdelay $0x1  }
0x272: {  	v12 =	vor.u32 v9, v12  }
0x273: {  	s23 =	simm.s32 $0xF;
	s0 =	simm.s32 $0x17;
	v14 =	vmax.f32 v14, v15  }
.LBB2_26:
0x274: {  	p0 =	sne.s32 s0, $0x7F;
	[tilespmem:v11+s3+$0x0] =	vst.idx.msk vm1, v14;
	s1 =	smov.u32 s0;
	s0 =	sadd.s32 $0x8, s0  }
0x275: {  	v11 =	vld.idx.msk [tilespmem:v13+s18+$0x0], $0xffff;
	_ =	sdelay $0x1  }
0x276: {  	s20 =	sadd.s32 $0xFFFFFFFA, s23;
	v13 =	vld.idx.msk [tilespmem:v12+s3+$0x0], vm1  }
0x277: {  	v14 =	vadd.s32 s20, v2  }
0x278: {  	v14 =	vand.u32 $0x7F, v14  }
0x279: {  	v15 =	vor.u32 v8, v14  }
0x27a: {  	v11 =	vmul.f32 v11, v10  }
0x27b: {  	v14 =	vor.u32 v9, v14  }
0x27c: {  	v11 =	vmax.f32 v13, v11  }
0x27d: {  	[tilespmem:v12+s3+$0x0] =	vst.idx.msk vm1, v11  }
0x27e: {  	v11 =	vld.idx.msk [tilespmem:v15+s18+$0x0], $0xffff;
	_ =	sdelay $0x1  }
0x27f: {  	s20 =	sadd.s32 $0xFFFFFFFB, s23;
	v12 =	vld.idx.msk [tilespmem:v14+s3+$0x0], vm1  }
0x280: {  	v13 =	vadd.s32 s20, v2  }
0x281: {  	v13 =	vand.u32 $0x7F, v13  }
0x282: {  	v15 =	vor.u32 v8, v13  }
0x283: {  	v11 =	vmul.f32 v11, v10  }
0x284: {  	v13 =	vor.u32 v9, v13  }
0x285: {  	v11 =	vmax.f32 v12, v11  }
0x286: {  	[tilespmem:v14+s3+$0x0] =	vst.idx.msk vm1, v11  }
0x287: {  	v11 =	vld.idx.msk [tilespmem:v15+s18+$0x0], $0xffff;
	_ =	sdelay $0x1  }
0x288: {  	s20 =	sadd.s32 $0xFFFFFFFC, s23;
	v12 =	vld.idx.msk [tilespmem:v13+s3+$0x0], vm1  }
0x289: {  	v14 =	vadd.s32 s20, v2  }
0x28a: {  	v14 =	vand.u32 $0x7F, v14  }
0x28b: {  	v15 =	vor.u32 v8, v14  }
0x28c: {  	v11 =	vmul.f32 v11, v10  }
0x28d: {  	v14 =	vor.u32 v9, v14  }
0x28e: {  	v11 =	vmax.f32 v12, v11  }
0x28f: {  	[tilespmem:v13+s3+$0x0] =	vst.idx.msk vm1, v11  }
0x290: {  	v11 =	vld.idx.msk [tilespmem:v15+s18+$0x0], $0xffff;
	_ =	sdelay $0x1  }
0x291: {  	s20 =	sadd.s32 $0xFFFFFFFD, s23;
	v12 =	vld.idx.msk [tilespmem:v14+s3+$0x0], vm1  }
0x292: {  	v13 =	vadd.s32 s20, v2  }
0x293: {  	v13 =	vand.u32 $0x7F, v13  }
0x294: {  	v15 =	vor.u32 v8, v13  }
0x295: {  	v11 =	vmul.f32 v11, v10  }
0x296: {  	v13 =	vor.u32 v9, v13  }
0x297: {  	v11 =	vmax.f32 v12, v11  }
0x298: {  	[tilespmem:v14+s3+$0x0] =	vst.idx.msk vm1, v11  }
0x299: {  	v11 =	vld.idx.msk [tilespmem:v15+s18+$0x0], $0xffff;
	_ =	sdelay $0x1  }
0x29a: {  	s20 =	sadd.s32 $0xFFFFFFFE, s23;
	v12 =	vld.idx.msk [tilespmem:v13+s3+$0x0], vm1  }
0x29b: {  	v14 =	vadd.s32 s20, v2  }
0x29c: {  	v14 =	vand.u32 $0x7F, v14  }
0x29d: {  	v15 =	vor.u32 v8, v14  }
0x29e: {  	v14 =	vor.u32 v9, v14;
	v11 =	vmul.f32 v11, v10;
	_ =	sdelay $0x1  }
0x29f: {  	v11 =	vmax.f32 v12, v11  }
0x2a0: {  	[tilespmem:v13+s3+$0x0] =	vst.idx.msk vm1, v11  }
0x2a1: {  	v11 =	vld.idx.msk [tilespmem:v15+s18+$0x0], $0xffff  }
0x2a2: {  	v12 =	vld.idx.msk [tilespmem:v14+s3+$0x0], vm1  }
0x2a3: {  	s20 =	sadd.s32 $0xFFFFFFFF, s23  }
0x2a4: {  	v13 =	vadd.s32 s20, v2  }
0x2a5: {  	v13 =	vand.u32 $0x7F, v13  }
0x2a6: {  	v15 =	vor.u32 v8, v13  }
0x2a7: {  	v13 =	vor.u32 v9, v13;
	v11 =	vmul.f32 v11, v10;
	_ =	sdelay $0x1  }
0x2a8: {  	v11 =	vmax.f32 v12, v11  }
0x2a9: {  	[tilespmem:v14+s3+$0x0] =	vst.idx.msk vm1, v11  }
0x2aa: {  	v11 =	vld.idx.msk [tilespmem:v15+s18+$0x0], $0xffff  }
0x2ab: {  	v12 =	vld.idx.msk [tilespmem:v13+s3+$0x0], vm1;
	_ =	sdelay $0x1  }
0x2ac: {  	v14 =	vadd.s32 s23, v2;
	s23 =	smov.u32 s1  }
0x2ad: {  	v14 =	vand.u32 $0x7F, v14  }
0x2ae: {  	v15 =	vor.u32 v8, v14  }
0x2af: {  	v16 =	vmul.f32 v11, v10;
	v11 =	vor.u32 v9, v14;
	_ =	sdelay $0x1  }
0x2b0: {  	v12 =	vmax.f32 v12, v16  }
0x2b1: {  	[tilespmem:v13+s3+$0x0] =	vst.idx.msk vm1, v12  }
0x2b2: {  	v12 =	vld.idx.msk [tilespmem:v15+s18+$0x0], $0xffff  }
0x2b3: {  	v14 =	vld.idx.msk [tilespmem:v11+s3+$0x0], vm1  }
0x2b4: {  	s1 =	sadd.s32 $0xFFFFFFF9, s23  }
0x2b5: {  	v13 =	vadd.s32 s1, v2  }
.Ltmp20:
0x2b6: {  	v15 =	vand.u32 $0x7F, v13;
	(pc) =	sbr.rel @p0 .LBB2_26-.Ltmp20, $4  }
0x2b7: {  	v13 =	vor.u32 v8, v15  }
0x2b8: {  	v16 =	vmul.f32 v12, v10  }
0x2b9: {  	v12 =	vor.u32 v9, v15  }
0x2ba: {  	v14 =	vmax.f32 v14, v16  }
0x2bb: {  	_ =	sdelay $0x4  }
0x2bc: {  	[tilespmem:v11+s3+$0x0] =	vst.idx.msk vm1, v14  }
0x2bd: {  	v11 =	vld.idx.msk [tilespmem:v13+s18+$0x0], $0xffff  }
0x2be: {  	s0 =	sadd.s32 $0xFFFFFFFA, s23  }
0x2bf: {  	v44 =	vld.idx.msk [tilespmem:v12+s3+$0x0], vm1;
	v45 =	vadd.s32 s0, v2  }
0x2c0: {  	v14 =	vand.u32 $0x7F, v45  }
0x2c1: {  	v15 =	vor.u32 v8, v14  }
0x2c2: {  	v11 =	vmul.f32 v11, v10  }
0x2c3: {  	v14 =	vor.u32 v9, v14  }
0x2c4: {  	v11 =	vmax.f32 v44, v11  }
0x2c5: {  	[tilespmem:v12+s3+$0x0] =	vst.idx.msk vm1, v11  }
0x2c6: {  	v11 =	vld.idx.msk [tilespmem:v15+s18+$0x0], $0xffff  }
0x2c7: {  	s25 =	sadd.s32 $0xFFFFFFFB, s23  }
0x2c8: {  	v46 =	vadd.s32 s25, v2;
	v12 =	vld.idx.msk [tilespmem:v14+s3+$0x0], vm1  }
0x2c9: {  	v13 =	vand.u32 $0x7F, v46  }
0x2ca: {  	v47 =	vor.u32 v8, v13  }
0x2cb: {  	v11 =	vmul.f32 v11, v10  }
0x2cc: {  	v13 =	vor.u32 v9, v13  }
0x2cd: {  	v11 =	vmax.f32 v12, v11  }
0x2ce: {  	[tilespmem:v14+s3+$0x0] =	vst.idx.msk vm1, v11  }
0x2cf: {  	v11 =	vld.idx.msk [tilespmem:v47+s18+$0x0], $0xffff  }
0x2d0: {  	s26 =	sadd.s32 $0xFFFFFFFC, s23  }
0x2d1: {  	v49 =	vadd.s32 s26, v2;
	v48 =	vld.idx.msk [tilespmem:v13+s3+$0x0], vm1  }
0x2d2: {  	v14 =	vand.u32 $0x7F, v49  }
0x2d3: {  	v50 =	vor.u32 v8, v14  }
0x2d4: {  	v11 =	vmul.f32 v11, v10  }
0x2d5: {  	v14 =	vor.u32 v9, v14  }
0x2d6: {  	v11 =	vmax.f32 v48, v11  }
0x2d7: {  	[tilespmem:v13+s3+$0x0] =	vst.idx.msk vm1, v11  }
0x2d8: {  	v11 =	vld.idx.msk [tilespmem:v50+s18+$0x0], $0xffff  }
0x2d9: {  	s28 =	sadd.s32 $0xFFFFFFFD, s23  }
0x2da: {  	v52 =	vadd.s32 s28, v2;
	v51 =	vld.idx.msk [tilespmem:v14+s3+$0x0], vm1  }
0x2db: {  	v13 =	vand.u32 $0x7F, v52  }
0x2dc: {  	v53 =	vor.u32 v8, v13  }
0x2dd: {  	v11 =	vmul.f32 v11, v10  }
0x2de: {  	v13 =	vor.u32 v9, v13  }
0x2df: {  	v11 =	vmax.f32 v51, v11  }
0x2e0: {  	[tilespmem:v14+s3+$0x0] =	vst.idx.msk vm1, v11  }
0x2e1: {  	v11 =	vld.idx.msk [tilespmem:v53+s18+$0x0], $0xffff;
	_ =	sdelay $0x1  }
0x2e2: {  	v54 =	vld.idx.msk [tilespmem:v13+s3+$0x0], vm1;
	_ =	sdelay $0x2  }
0x2e3: {  	s29 =	sadd.s32 $0xFFFFFFFE, s23;
	v11 =	vmul.f32 v11, v10  }
0x2e4: {  	v55 =	vadd.s32 s29, v2  }
0x2e5: {  	vm0 =	vmxor vm0, vm1;
	v14 =	vand.u32 $0x7F, v55;
	v11 =	vmax.f32 v54, v11  }
0x2e6: {  	v56 =	vor.u32 v8, v14;
	[tilespmem:v13+s3+$0x0] =	vst.idx.msk vm1, v11;
	v11 =	vmpcnt.ones.xlane vm0;
	_ =	sdelay $0x1  }
0x2e7: {  	v14 =	vor.u32 v9, v14;
	v11 =	vxor.u32 $0x80000000, v11  }
0x2e8: {  	(xrf0) =	vmax.scan.msk.u32 $0xffff, v11;
	_ =	sdelay $0x1  }
0x2e9: {  	v57 =	vld.idx.msk [tilespmem:v56+s18+$0x0], $0xffff  }
0x2ea: {  	s30 =	sadd.s32 $0xFFFFFFFF, s23  }
0x2eb: {  	v58 =	vadd.s32 s30, v2;
	v13 =	vld.idx.msk [tilespmem:v14+s3+$0x0], vm1  }
0x2ec: {  	v11 =	vand.u32 $0x7F, v58  }
0x2ed: {  	v15 =	vor.u32 v8, v11;
	v59, _, _ =	vpop (xrf0)  }
0x2ee: {  	v12 =	vmul.f32 v57, v10;
	(v2sf) =	vpush v59, $0xF  }
0x2ef: {  	v11 =	vor.u32 v9, v11  }
0x2f0: {  	v12 =	vmax.f32 v13, v12  }
0x2f1: {  	[tilespmem:v14+s3+$0x0] =	vst.idx.msk vm1, v12  }
0x2f2: {  	v60 =	vld.idx.msk [tilespmem:v15+s18+$0x0], $0xffff;
	_ =	sdelay $0x1  }
0x2f3: {  	v62 =	vadd.s32 s23, v2;
	v61 =	vld.idx.msk [tilespmem:v11+s3+$0x0], vm1  }
0x2f4: {  	v14 =	vand.u32 $0x7F, v62  }
0x2f5: {  	v63 =	vor.u32 v8, v14  }
0x2f6: {  	v13 =	vmul.f32 v60, v10  }
0x2f7: {  	v14 =	vor.u32 v9, v14  }
0x2f8: {  	v12 =	vmax.f32 v61, v13  }
0x2f9: {  	[tilespmem:v11+s3+$0x0] =	vst.idx.msk vm1, v12  }
0x2fa: {  	v11 =	vld.idx.msk [tilespmem:v63+s18+$0x0], $0xffff;
	_ =	sdelay $0x1  }
0x2fb: {  	v12 =	vld.idx.msk [tilespmem:v14+s3+$0x0], vm1;
	s31 =	spop (v2sf)  }
0x2fc: {  	p0 =	sgt.u32 s31, $0x80000000  }
.Ltmp21:
0x2fd: {  	_ = 	snop;
	(pc) =	sbr.rel @p0 .LBB2_25-.Ltmp21, $4  }
.Ltmp22:
0x2fe: {  	v11 =	vmul.f32 v11, v10;
	(pc) =	sbr.rel @!p0 .LBB2_28-.Ltmp22, $4  }
0x2ff: {  	_ = 	snop  }
0x300: {  	v11 =	vmax.f32 v12, v11  }
0x301: {  	[tilespmem:v14+s3+$0x0] =	vst.idx.msk vm1, v11  }
0x302: {  	_ = 	snop  }
.LBB2_29:
0x303: {  	s22 =	simm.s32 $0x0;
	s23 =	simm.s32 $0x0;
	s24 =	simm.s32 $0x0  }
.LBB2_30:
0x304: {  	s0 =	sshll.u32 s24, $0x6  }
0x305: {  	s0 =	sadd.s32 s5, s0  }
0x306: {  	s25 =	sshll.u32 s0, $0x4  }
0x307: {  	v6 =	vmov s23;
	s0 =	sadd.s32 s6, s25  }
0x308: {  	[tilespmem:s18], [sflag:$0x3] =	stream.linear.gather [hbm4b:s0+s22], $0x2000, $0x38;
	[tilespmem:$0x1E680] =	vst v63  }
0x309: {  	_ =	swait.ge [sflag:s12], $0x2000  }
0x30a: {  	[sflag:s12] =	ssyncset.done $0x0  }
0x30b: {  	s26 =	simm.s32 $0x0;
	s28 =	simm.s32 $0x200;
	[sflag:s12] =	ssyncadd.s32 $0xFFFFE000  }
.LBB2_31:
0x30c: {  	p0 =	sne.s32 s28, $0x7E00;
	v7 =	vld.idx.msk [tilespmem:v6+s26+$0x0 ss:$0x1], $0xffff;
	_ =	sdelay $0x2  }
0x30d: {  	v8 =	vld [tilespmem:s26+$0x10500];
	_ =	sdelay $0x2  }
0x30e: {  	vm0 =	veq.f32 v7, $-Inf  }
0x30f: {  	v7 =	vsel vm0, $0x0, v7  }
0x310: {  	v7 =	vadd.f32 v7, v8;
	_ =	sdelay $0x1  }
0x311: {  	v8 =	vmul.f32 $9.999999770e-03, v7;
	_ =	sdelay $0x1  }
0x312: {  	v7 =	vmax.f32 v7, v8  }
0x313: {  	[tilespmem:s26+$0x10500] =	vst v7  }
0x314: {  	v7 =	vld.idx.msk [tilespmem:v6+s26+$0x10 ss:$0x1], $0xffff;
	_ =	sdelay $0x2  }
0x315: {  	v8 =	vld [tilespmem:s26+$0x10510];
	_ =	sdelay $0x2  }
0x316: {  	vm0 =	veq.f32 v7, $-Inf  }
0x317: {  	v7 =	vsel vm0, $0x0, v7  }
0x318: {  	v7 =	vadd.f32 v7, v8;
	_ =	sdelay $0x1  }
0x319: {  	v8 =	vmul.f32 $9.999999770e-03, v7;
	_ =	sdelay $0x1  }
0x31a: {  	v7 =	vmax.f32 v7, v8  }
0x31b: {  	[tilespmem:s26+$0x10510] =	vst v7  }
0x31c: {  	v7 =	vld.idx.msk [tilespmem:v6+s26+$0x20 ss:$0x1], $0xffff;
	_ =	sdelay $0x2  }
0x31d: {  	v8 =	vld [tilespmem:s26+$0x10520];
	_ =	sdelay $0x2  }
0x31e: {  	vm0 =	veq.f32 v7, $-Inf  }
0x31f: {  	v7 =	vsel vm0, $0x0, v7  }
0x320: {  	v7 =	vadd.f32 v7, v8;
	_ =	sdelay $0x1  }
0x321: {  	v8 =	vmul.f32 $9.999999770e-03, v7;
	_ =	sdelay $0x1  }
0x322: {  	v7 =	vmax.f32 v7, v8  }
0x323: {  	[tilespmem:s26+$0x10520] =	vst v7  }
0x324: {  	v7 =	vld.idx.msk [tilespmem:v6+s26+$0x30 ss:$0x1], $0xffff;
	_ =	sdelay $0x2  }
0x325: {  	v8 =	vld [tilespmem:s26+$0x10530];
	_ =	sdelay $0x2  }
0x326: {  	vm0 =	veq.f32 v7, $-Inf  }
0x327: {  	v7 =	vsel vm0, $0x0, v7  }
0x328: {  	v7 =	vadd.f32 v7, v8;
	_ =	sdelay $0x1  }
0x329: {  	v8 =	vmul.f32 $9.999999770e-03, v7;
	_ =	sdelay $0x1  }
0x32a: {  	v7 =	vmax.f32 v7, v8  }
0x32b: {  	[tilespmem:s26+$0x10530] =	vst v7  }
0x32c: {  	v7 =	vld.idx.msk [tilespmem:v6+s26+$0x40 ss:$0x1], $0xffff;
	_ =	sdelay $0x2  }
0x32d: {  	v8 =	vld [tilespmem:s26+$0x10540];
	_ =	sdelay $0x2  }
0x32e: {  	vm0 =	veq.f32 v7, $-Inf  }
0x32f: {  	v7 =	vsel vm0, $0x0, v7  }
0x330: {  	v7 =	vadd.f32 v7, v8;
	_ =	sdelay $0x1  }
0x331: {  	v8 =	vmul.f32 $9.999999770e-03, v7;
	_ =	sdelay $0x1  }
0x332: {  	v7 =	vmax.f32 v7, v8  }
0x333: {  	[tilespmem:s26+$0x10540] =	vst v7  }
0x334: {  	v7 =	vld.idx.msk [tilespmem:v6+s26+$0x50 ss:$0x1], $0xffff;
	_ =	sdelay $0x2  }
0x335: {  	v8 =	vld [tilespmem:s26+$0x10550];
	_ =	sdelay $0x2  }
0x336: {  	vm0 =	veq.f32 v7, $-Inf  }
0x337: {  	v7 =	vsel vm0, $0x0, v7  }
0x338: {  	v7 =	vadd.f32 v7, v8;
	_ =	sdelay $0x1  }
0x339: {  	v8 =	vmul.f32 $9.999999770e-03, v7;
	_ =	sdelay $0x1  }
0x33a: {  	v7 =	vmax.f32 v7, v8  }
0x33b: {  	[tilespmem:s26+$0x10550] =	vst v7  }
0x33c: {  	v7 =	vld.idx.msk [tilespmem:v6+s26+$0x60 ss:$0x1], $0xffff;
	_ =	sdelay $0x2  }
0x33d: {  	v8 =	vld [tilespmem:s26+$0x10560];
	_ =	sdelay $0x2  }
0x33e: {  	vm0 =	veq.f32 v7, $-Inf  }
0x33f: {  	v7 =	vsel vm0, $0x0, v7  }
0x340: {  	v7 =	vadd.f32 v7, v8;
	_ =	sdelay $0x1  }
0x341: {  	v8 =	vmul.f32 $9.999999770e-03, v7;
	_ =	sdelay $0x1  }
0x342: {  	v7 =	vmax.f32 v7, v8  }
0x343: {  	[tilespmem:s26+$0x10560] =	vst v7  }
0x344: {  	v7 =	vld.idx.msk [tilespmem:v6+s26+$0x70 ss:$0x1], $0xffff;
	_ =	sdelay $0x2  }
0x345: {  	v8 =	vld [tilespmem:s26+$0x10570];
	_ =	sdelay $0x2  }
0x346: {  	vm0 =	veq.f32 v7, $-Inf  }
0x347: {  	v7 =	vsel vm0, $0x0, v7  }
0x348: {  	v7 =	vadd.f32 v7, v8  }
.Ltmp23:
0x349: {  	(pc) =	sbr.rel @p0 .LBB2_31-.Ltmp23, $3  }
0x34a: {  	v8 =	vmul.f32 $9.999999770e-03, v7;
	_ =	sdelay $0x1  }
0x34b: {  	v7 =	vmax.f32 v7, v8  }
0x34c: {  	[tilespmem:s26+$0x10570] =	vst v7;
	s26 =	sshra.s32 s28, $0x2;
	s28 =	sadd.s32 $0x200, s28  }
0x34d: {  	_ =	sdelay $0x3  }
0x34e: {  	v7 =	vld.idx.msk [tilespmem:v6+s26+$0x0 ss:$0x1], $0xffff;
	_ =	sdelay $0x1  }
0x34f: {  	v8 =	vld [tilespmem:s26+$0x10500];
	_ =	sdelay $0x2  }
0x350: {  	vm0 =	veq.f32 v7, $-Inf  }
0x351: {  	v7 =	vsel vm0, $0x0, v7  }
0x352: {  	v7 =	vadd.f32 v7, v8;
	_ =	sdelay $0x1  }
0x353: {  	v8 =	vmul.f32 $9.999999770e-03, v7;
	_ =	sdelay $0x1  }
0x354: {  	v7 =	vmax.f32 v7, v8  }
0x355: {  	[tilespmem:s26+$0x10500] =	vst v7  }
0x356: {  	v7 =	vld.idx.msk [tilespmem:v6+s26+$0x10 ss:$0x1], $0xffff;
	_ =	sdelay $0x1  }
0x357: {  	v58 =	vld [tilespmem:s26+$0x10510];
	_ =	sdelay $0x2  }
0x358: {  	vm9 =	veq.f32 v7, $-Inf  }
0x359: {  	v7 =	vsel vm9, $0x0, v7  }
0x35a: {  	v7 =	vadd.f32 v7, v58;
	_ =	sdelay $0x1  }
0x35b: {  	v8 =	vmul.f32 $9.999999770e-03, v7;
	_ =	sdelay $0x1  }
0x35c: {  	v7 =	vmax.f32 v7, v8  }
0x35d: {  	[tilespmem:s26+$0x10510] =	vst v7  }
0x35e: {  	v7 =	vld.idx.msk [tilespmem:v6+s26+$0x20 ss:$0x1], $0xffff;
	_ =	sdelay $0x1  }
0x35f: {  	v59 =	vld [tilespmem:s26+$0x10520];
	_ =	sdelay $0x2  }
0x360: {  	vm10 =	veq.f32 v7, $-Inf  }
0x361: {  	v7 =	vsel vm10, $0x0, v7  }
0x362: {  	v7 =	vadd.f32 v7, v59;
	_ =	sdelay $0x1  }
0x363: {  	v8 =	vmul.f32 $9.999999770e-03, v7;
	_ =	sdelay $0x1  }
0x364: {  	v7 =	vmax.f32 v7, v8  }
0x365: {  	[tilespmem:s26+$0x10520] =	vst v7  }
0x366: {  	v7 =	vld.idx.msk [tilespmem:v6+s26+$0x30 ss:$0x1], $0xffff;
	_ =	sdelay $0x1  }
0x367: {  	v60 =	vld [tilespmem:s26+$0x10530];
	_ =	sdelay $0x2  }
0x368: {  	vm11 =	veq.f32 v7, $-Inf  }
0x369: {  	v7 =	vsel vm11, $0x0, v7  }
0x36a: {  	v7 =	vadd.f32 v7, v60;
	_ =	sdelay $0x1  }
0x36b: {  	v8 =	vmul.f32 $9.999999770e-03, v7;
	_ =	sdelay $0x1  }
0x36c: {  	v7 =	vmax.f32 v7, v8  }
0x36d: {  	[tilespmem:s26+$0x10530] =	vst v7  }
0x36e: {  	v7 =	vld.idx.msk [tilespmem:v6+s26+$0x40 ss:$0x1], $0xffff;
	_ =	sdelay $0x1  }
0x36f: {  	v61 =	vld [tilespmem:s26+$0x10540];
	_ =	sdelay $0x2  }
0x370: {  	vm12 =	veq.f32 v7, $-Inf  }
0x371: {  	v7 =	vsel vm12, $0x0, v7  }
0x372: {  	v7 =	vadd.f32 v7, v61;
	_ =	sdelay $0x1  }
0x373: {  	v8 =	vmul.f32 $9.999999770e-03, v7;
	_ =	sdelay $0x1  }
0x374: {  	v7 =	vmax.f32 v7, v8  }
0x375: {  	[tilespmem:s26+$0x10540] =	vst v7  }
0x376: {  	v7 =	vld.idx.msk [tilespmem:v6+s26+$0x50 ss:$0x1], $0xffff;
	_ =	sdelay $0x1  }
0x377: {  	v62 =	vld [tilespmem:s26+$0x10550];
	_ =	sdelay $0x2  }
0x378: {  	vm13 =	veq.f32 v7, $-Inf  }
0x379: {  	v7 =	vsel vm13, $0x0, v7  }
0x37a: {  	v7 =	vadd.f32 v7, v62;
	_ =	sdelay $0x1  }
0x37b: {  	v8 =	vmul.f32 $9.999999770e-03, v7;
	_ =	sdelay $0x1  }
0x37c: {  	v7 =	vmax.f32 v7, v8  }
0x37d: {  	[tilespmem:s26+$0x10550] =	vst v7  }
0x37e: {  	v7 =	vld.idx.msk [tilespmem:v6+s26+$0x60 ss:$0x1], $0xffff;
	_ =	sdelay $0x1  }
0x37f: {  	v63 =	vld [tilespmem:s26+$0x10560];
	_ =	sdelay $0x2  }
0x380: {  	vm14 =	veq.f32 v7, $-Inf  }
0x381: {  	v7 =	vsel vm14, $0x0, v7  }
0x382: {  	v7 =	vadd.f32 v7, v63;
	_ =	sdelay $0x1  }
0x383: {  	v8 =	vmul.f32 $9.999999770e-03, v7;
	_ =	sdelay $0x1  }
0x384: {  	v7 =	vmax.f32 v7, v8  }
0x385: {  	[tilespmem:s26+$0x10560] =	vst v7  }
0x386: {  	v6 =	vld.idx.msk [tilespmem:v6+s26+$0x70 ss:$0x1], $0xffff;
	_ =	sdelay $0x1  }
0x387: {  	v7 =	vld [tilespmem:s26+$0x10570];
	_ =	sdelay $0x2  }
0x388: {  	vm15 =	veq.f32 v6, $-Inf  }
0x389: {  	v6 =	vsel vm15, $0x0, v6  }
0x38a: {  	v6 =	vadd.f32 v6, v7;
	_ =	sdelay $0x1  }
0x38b: {  	v7 =	vmul.f32 $9.999999770e-03, v6  }
0x38c: {  	s24 =	sadd.s32 $0x1, s24  }
0x38d: {  	p0 =	sne.s32 s24, $0x5;
	v6 =	vmax.f32 v6, v7  }
.Ltmp24:
0x38e: {  	s0 =	sadd.s32 s8, s25;
	[tilespmem:s26+$0x10570] =	vst v6;
	(pc) =	sbr.rel @p0 .LBB2_30-.Ltmp24, $4  }
0x38f: {  	[hbm4b:s0+s3] =	stream.linear.scatter [tilespmem:s18], [sflag:$0x3], $0x2000, $0x38;
	[tilespmem:$0x1E680] =	vst v63  }
0x390: {  	_ =	swait.ge [sflag:s12], $0x2000  }
0x391: {  	[sflag:s12] =	ssyncset.done $0x0  }
0x392: {  	s23 =	sadd.s32 $0x2000, s23;
	[sflag:s12] =	ssyncadd.s32 $0xFFFFE000  }
0x393: {  	s21 =	sadd.s32 $0x1, s21  }
0x394: {  	p0 =	sne.s32 s21, s10  }
.Ltmp25:
0x395: {  	_ = 	snop;
	(pc) =	sbr.rel @p0 .LBB2_1-.Ltmp25, $1  }
0x396: {  	_ =	sdelay $0x3  }
0x397: {  	_ =	sfence.sel $0x180000  }
0x398: {  	[bflag:$0x0] =	sbarrier.arrive $0xFFFF  }
0x399: {  	_ =	strace $0x90000047  }
0x39a: {  	s0 =	stileid.u32;
	[bflag:$0x2] =	sbarrier.arrive $0xFFFF  }
0x39b: {  	p0 =	sne.s32 s0, $0x0;
	s0 =	rddreg [dreg:$0x2]  }
0x39c: {  	s0 =	sadd.s32 @!p0 $0x100000, s0  }
0x39d: {  	[sflag:s0] =	ssyncadd.tile.s32 @!p0 $0x1;
	_ =	shalt  }
.Lfunc_end2:
_tile_overlayer_lowered:
.L_overlay_start_2:
0x39e: {  	(tag) =	ssettag $0x2  }
0x39f: {  	s0 =	rddreg [dreg:$0x0];
	s2 =	stileid.u32  }
0x3a0: {  	s1 =	rddreg [dreg:$0x1];
	p0 =	sne.s32 s2, $0x0  }
0x3a1: {  	s3 =	rddreg [dreg:$0x2];
	[bflag:$0x3] =	sbarrier.arrive $0xFFFF;
	s2 =	simm.s32 @!p0 $0x1C03  }
0x3a2: {  	[timem:s3], [sflag:s2] =	dma.local @!p0 [hbm:s0], s1  }
0x3a3: {  	s0 =	simm.s32 @!p0 $0x3  }
0x3a4: {  	_ =	swait.ge @!p0 [sflag:s0], s1  }
0x3a5: {  	s1 =	ssub.s32 @!p0 $0x0, s1;
	[sflag:s0] =	ssyncset.done @!p0 $0x0  }
0x3a6: {  	[sflag:s0] =	ssyncadd.s32 @!p0 s1  }
0x3a7: {  	[bflag:$0x3] =	sbarrier.arrive $0xFFFF  }
0x3a8: {  	_ =	shalt  }

// kernel: kernel.9.cloned.1.call-start
scs
__scs_entry_jumppad:
0x0: {  	(pc) =	sbr.rel $0x88, $3  }
0x1: {  	(tag) =	ssettag $0x0;
	lr =	simm.s32 $0x1  }
0x2: {  	[smem:$0x3F9B] =	sst lr;
	_ =	strace $0xD0000000  }
0x3: {  	_ = 	snop  }
0x4: {  	_ = 	snop  }
0x5: {  	_ = 	snop  }
0x6: {  	_ = 	snop  }
0x7: {  	_ = 	snop  }
__scs_overlays_trampoline_lowered:
0x8: {  	[smem:$0x3FAA] =	sst s0  }
0x9: {  	[smem:$0x3FAB] =	sst s1  }
0xa: {  	[smem:$0x3FAC] =	sst s2  }
0xb: {  	[smem:$0x3FAD] =	sst s3  }
0xc: {  	[smem:$0x3FAE] =	sst s4  }
0xd: {  	[smem:$0x3FAF] =	sst s5  }
0xe: {  	[smem:$0x3FB0] =	sst s6  }
0xf: {  	[smem:$0x3FB1] =	sst s7  }
0x10: {  	[smem:$0x3FB2] =	sst s8  }
0x11: {  	[smem:$0x3FB3] =	sst s9;
	s0 =	simm.s32 @!p0 $0x0  }
0x12: {  	s1 =	sld [smem:$0x3F99];
	s0 =	simm.s32 @p0 $0x1  }
0x13: {  	[smem:$0x3FB4] =	sst s0;
	s0 =	simm.s32 @!p1 $0x0  }
0x14: {  	s2 =	sld [smem:$0x3F98];
	s0 =	simm.s32 @p1 $0x1  }
0x15: {  	[smem:$0x3FB5] =	sst s0;
	s0 =	simm.s32 @!p2 $0x0  }
0x16: {  	s3 =	sld [smem:$0x3FDB];
	s0 =	simm.s32 @p2 $0x1  }
0x17: {  	s4 =	simm.s32 $0x1BF5;
	[smem:$0x3FB7] =	sst s0  }
0x18: {  	s0 =	sld [smem:$0x3F9A];
	_ =	swait.ge [sflag:s4], $0x0  }
0x19: {  	s7 =	sld [smem:$0x3F9B]  }
0x1a: {  	s8 =	sadd.s32 $0xFFFFE003, lr  }
0x1b: {  	s9 =	sadd.s32 $0xFFFFFEF7, lr;
	s5 =	simm.s32 $0xFFFFFFFF;
	p2 =	slt.u32 s8, $0xFFFFF086  }
0x1c: {  	p1 =	slt.u32 s9, $0xF7A;
	s5 =	simm.s32 @!p2 $0x0  }
0x1d: {  	s5 =	simm.s32 @p1 $0x1;
	p0 =	seq.s32 s7, s2  }
0x1e: {  	s7 =	smul.u32 @!p0 $0xF7A, s2;
	p2 =	seq.s32 @!p0 s5, $0x0  }
0x1f: {  	s9 =	smul.u32 $0xF7A, s1;
	s8 =	simm.s32 @!p0 $0x1BF5;
	p2 =	por !p2, p0  }
0x20: {  	[sflag:s8] =	ssyncset.s32 @!p0 $0xFFFFF086;
	s6 =	sadd.s32 @!p0 s3, s7;
	s7 =	simm.s32 @!p0 $0x108  }
0x21: {  	s3 =	sadd.s32 s3, s9;
	s6 =	sadd.s32 @!p0 $0x88, s6;
	s7 =	simm.s32 @p2 $0x1082  }
0x22: {  	[simem:s7], [sflag:s8] =	dma.local @!p0 [hbm:s6], $0xF7A  }
0x23: {  	s9 =	sor.u32 $0xD0000000, s2;
	s6 =	simm.s32 $0x108;
	_ =	swait.ge @!p0 [sflag:s8], $0x0  }
0x24: {  	s3 =	sadd.s32 $0x88, s3;
	s6 =	simm.s32 @!p1 $0x1082;
	[sflag:s4] =	ssyncset.s32 $0xFFFFF086  }
0x25: {  	[simem:s6], [sflag:s4] =	dma.local [hbm:s3], $0xF7A  }
0x26: {  	[smem:$0x3F9B] =	sst s1;
	(tag) =	ssettag s2;
	_ =	strace s9  }
0x27: {  	s1 =	sld [smem:$0x3FAB]  }
0x28: {  	s2 =	sld [smem:$0x3FAC]  }
0x29: {  	s4 =	sld [smem:$0x3FAE]  }
0x2a: {  	p0 =	seq.s32 s5, $0x0;
	s5 =	sld [smem:$0x3FAF]  }
0x2b: {  	s6 =	sld [smem:$0x3FB0]  }
0x2c: {  	s7 =	sld [smem:$0x3FB1]  }
0x2d: {  	s3 =	simm.s32 $0x108;
	s8 =	sld [smem:$0x3FB2]  }
0x2e: {  	s3 =	simm.s32 @!p0 $0x1082;
	s9 =	sld [smem:$0x3FB3]  }
0x2f: {  	lr =	sadd.s32 s0, s3;
	s0 =	sld [smem:$0x3FAA]  }
0x30: {  	s3 =	sld [smem:$0x3FAD]  }
0x31: {  	[smem:$0x3FB6] =	sst s10  }
0x32: {  	s10 =	sld [smem:$0x3FB4];
	_ =	sdelay $0x3  }
0x33: {  	p0 =	seq.s32 s10, $0x1;
	s10 =	sld [smem:$0x3FB6];
	_ =	sdelay $0x3  }
0x34: {  	[smem:$0x3FB6] =	sst s10  }
0x35: {  	s10 =	sld [smem:$0x3FB5];
	_ =	sdelay $0x3  }
0x36: {  	p1 =	seq.s32 s10, $0x1;
	s10 =	sld [smem:$0x3FB6];
	_ =	sdelay $0x3  }
0x37: {  	[smem:$0x3FB6] =	sst s10  }
0x38: {  	s10 =	sld [smem:$0x3FB7]  }
0x39: {  	_ = 	snop;
	(pc) =	sbr.ind lr, $3  }
0x3a: {  	_ = 	snop  }
0x3b: {  	_ = 	snop  }
0x3c: {  	p2 =	seq.s32 s10, $0x1;
	s10 =	sld [smem:$0x3FB6]  }
0x3d: {  	_ =	shalt  }
0x3e: {  	_ =	shalt  }
0x3f: {  	_ =	shalt  }
0x40: {  	_ =	shalt  }
0x41: {  	_ =	shalt  }
0x42: {  	_ =	shalt  }
0x43: {  	_ =	shalt  }
0x44: {  	_ =	shalt  }
0x45: {  	_ =	shalt  }
0x46: {  	_ =	shalt  }
0x47: {  	_ =	shalt  }
0x48: {  	_ =	shalt  }
0x49: {  	_ =	shalt  }
0x4a: {  	_ =	shalt  }
0x4b: {  	_ =	shalt  }
0x4c: {  	_ =	shalt  }
0x4d: {  	_ =	shalt  }
0x4e: {  	_ =	shalt  }
0x4f: {  	_ =	shalt  }
0x50: {  	_ =	shalt  }
0x51: {  	_ =	shalt  }
0x52: {  	_ =	shalt  }
0x53: {  	_ =	shalt  }
0x54: {  	_ =	shalt  }
0x55: {  	_ =	shalt  }
0x56: {  	_ =	shalt  }
0x57: {  	_ =	shalt  }
0x58: {  	_ =	shalt  }
0x59: {  	_ =	shalt  }
0x5a: {  	_ =	shalt  }
0x5b: {  	_ =	shalt  }
0x5c: {  	_ =	shalt  }
0x5d: {  	_ =	shalt  }
0x5e: {  	_ =	shalt  }
0x5f: {  	_ =	shalt  }
0x60: {  	_ =	shalt  }
0x61: {  	_ =	shalt  }
0x62: {  	_ =	shalt  }
0x63: {  	_ =	shalt  }
0x64: {  	_ =	shalt  }
0x65: {  	_ =	shalt  }
0x66: {  	_ =	shalt  }
0x67: {  	_ =	shalt  }
0x68: {  	_ =	shalt  }
0x69: {  	_ =	shalt  }
0x6a: {  	_ =	shalt  }
0x6b: {  	_ =	shalt  }
0x6c: {  	_ =	shalt  }
0x6d: {  	_ =	shalt  }
0x6e: {  	_ =	shalt  }
0x6f: {  	_ =	shalt  }
0x70: {  	_ =	shalt  }
0x71: {  	_ =	shalt  }
0x72: {  	_ =	shalt  }
0x73: {  	_ =	shalt  }
0x74: {  	_ =	shalt  }
0x75: {  	_ =	shalt  }
0x76: {  	_ =	shalt  }
0x77: {  	_ =	shalt  }
0x78: {  	_ =	shalt  }
0x79: {  	_ =	shalt  }
0x7a: {  	_ =	shalt  }
0x7b: {  	_ =	shalt  }
0x7c: {  	_ =	shalt  }
0x7d: {  	_ =	shalt  }
0x7e: {  	_ =	shalt  }
0x7f: {  	_ =	shalt  }
0x80: {  	_ =	shalt  }
0x81: {  	_ =	shalt  }
0x82: {  	_ =	shalt  }
0x83: {  	_ =	shalt  }
0x84: {  	_ =	shalt  }
0x85: {  	_ =	shalt  }
0x86: {  	_ =	shalt  }
0x87: {  	_ =	shalt  }
.Lfunc_end0:
.L_simem_size_0:
called_computation.1_lowered:
.L_overlay_start_0:
0x88: {  	s2 =	sld [smem:$0x3FD9]  }
0x89: {  	s3 =	sld [smem:$0x3FFE];
	_ =	sdelay $0x1  }
0x8a: {  	s1 =	srdreg.scid  }
0x8b: {  	s0 =	sand.u32 $0x1, s1  }
0x8c: {  	s17 =	sshll.u32 s0, $0xA;
	s2 =	sadd.s32 s3, s2  }
0x8d: {  	s2 =	sadd.s32 s2, s17  }
0x8e: {  	[smem:$0x3FC2] =	sst s2  }
0x8f: {  	_ = 	snop  }
0x90: {  	s2 =	sld [smem:$0x3FD0];
	(tm) =	ssettm $0x1  }
0x91: {  	s18 =	sld [smem:$0x3FFB];
	_ =	sdelay $0x3  }
0x92: {  	_ =	strace s18  }
0x93: {  	s3 =	sld [smem:$0x3FFC];
	_ =	sdelay $0x3  }
0x94: {  	_ =	strace s3  }
0x95: {  	s3 =	sld [smem:$0x3FFD];
	_ =	sdelay $0x3  }
0x96: {  	_ =	strace s3  }
0x97: {  	_ =	strace $0x8FFFFFFF  }
0x98: {  	s19 =	sld [smem:$0x3FDB];
	_ =	sdelay $0x1  }
0x99: {  	s4 =	simm.s32 $_scs_section_size  }
0x9a: {  	s5 =	simm.s32 $_size__tile_overlayer_lowered;
	s6 =	simm.s32 $_tile_overlayer_lowered  }
0x9b: {  	s22 =	simm.s32 $0x1BFF;
	s21 =	sshll.u32 s6, $0x1;
	s3 =	sadd.s32 s4, s19  }
0x9c: {  	s7 =	simm.s32 $0x0;
	s20 =	sshll.u32 s5, $0x1;
	s5 =	sadd.s32 s21, s3  }
0x9d: {  	[timem:s7], [sflag:s22] =	dma.local [hbm:s5], s20  }
0x9e: {  	_ =	swait.ge [sflag:s22], s20  }
0x9f: {  	s4 =	ssub.s32 $0x0, s20;
	[sflag:s22] =	ssyncset.done $0x0  }
0xa0: {  	[sflag:s22] =	ssyncadd.s32 s4;
	_ =	sdelay $0x1  }
0xa1: {  	s23 =	simm.s32 $0x1B8B  }
0xa2: {  	_ =	swait.ge [sflag:s23], $0x1  }
0xa3: {  	[sflag:s23] =	ssyncset.done $0x0  }
0xa4: {  	s25 =	simm.s32 $0x1B8E;
	s24 =	sld [smem:$0x3FFE];
	[sflag:s23] =	ssyncadd.s32 $0xFFFFFFFF  }
0xa5: {  	s26 =	simm.s32 $execute0_lowered;
	[smem:$0x3FD2] =	sst s25  }
0xa6: {  	s5 =	sshll.u32 s26, $0x1;
	_ =	strace $0x80000049;
	[dreg:$0x1] =	wrdreg $0xFFFFFFFF  }
0xa7: {  	s28 =	simm.s32 $_size_execute0_lowered;
	s3 =	sadd.s32 s3, s5;
	[dreg:$0x0] =	wrdreg $0x0  }
0xa8: {  	s5 =	sshll.u32 s28, $0x1;
	[dreg:$0x2] =	wrdreg s3  }
0xa9: {  	[dreg:$0x3] =	wrdreg s5  }
0xaa: {  	[dreg:$0x4] =	wrdreg $0xC0  }
0xab: {  	_ =	task [dreg:s7], $0x5FFFF  }
0xac: {  	[dreg:$0x1] =	wrdreg $0xFFFFFFFF  }
0xad: {  	[dreg:$0x0] =	wrdreg $0x60  }
0xae: {  	[dreg:$0x2] =	wrdreg s24  }
0xaf: {  	[dreg:$0x3] =	wrdreg s2  }
0xb0: {  	[dreg:$0x4] =	wrdreg $0x9  }
0xb1: {  	_ =	task.clear_ibuf [dreg:s7], $0x5FFFF;
	_ =	strace $0x90000049  }
0xb2: {  	s29 =	simm.s32 $0x9;
	_ =	strace $0x8000004B  }
0xb3: {  	_ =	swait.ge [sflag:s29], $0x1  }
0xb4: {  	[sflag:s29] =	ssyncadd.s32 $0xFFFFFFFF  }
0xb5: {  	_ =	strace $0x9000004B  }
0xb6: {  	_ =	sfence  }
0xb7: {  	s30 =	sld [smem:$0x0];
	_ =	sdelay $0x2  }
0xb8: {  	s31 =	sshll.u32 s1, $0xD;
	s1 =	sshrl.u32 s1, $0x2  }
0xb9: {  	s3 =	sand.u32 $0x4000, s31;
	s1 =	sadd.s32 s1, s30  }
0xba: {  	s0 =	sor.u32 s3, s0;
	s1 =	sshll.u32 s1, $0x11  }
0xbb: {  	s0 =	sor.u32 s1, s0  }
0xbc: {  	s0 =	sadd.s32 $0x8F2B, s0  }
0xbd: {  	[sflag:s0] =	ssyncadd.remote.s32 $0x1  }
0xbe: {  	_ =	sfence.sel $0xFFFF  }
0xbf: {  	[dreg:$0x0] =	wrdreg $0xFFFFFFFF;
	(pc) =	sbr.abs _section_cstart, $3  }
0xc0: {  	[dreg:$0x1] =	wrdreg $0xFFFFFFFF  }
0xc1: {  	_ =	task.clear_ibuf [dreg:s7], $0x2FFFF;
	_ =	strace $0x9FFFFFFF  }
0xc2: {  	(tm) =	ssettm $0x7FFFFFFF  }
0xc3: {  	_ =	shalt  }
tec
execute0_lowered:
.L_overlay_start_1:
0x0: {  	(tag) =	ssettag $0x1  }
0x1: {  	s0 =	rddreg [dreg:$0x0]  }
0x2: {  	s2 =	rddreg [dreg:$0x1]  }
0x3: {  	s1 =	srdreg.scid;
	s4 =	stileid.u32;
	s3 =	simm.s32 $0x0  }
0x4: {  	s11 =	simm.s32 $0x14500;
	s12 =	simm.s32 $0x3;
	s13 =	simm.s32 $0xA000  }
0x5: {  	s14 =	simm.s32 $0xB900;
	s15 =	simm.s32 $0xEB80;
	s16 =	simm.s32 $0xD200  }
0x6: {  	s17 =	simm.s32 $0x40;
	s18 =	simm.s32 $0x10500;
	s19 =	simm.s32 $0x1E500  }
0x7: {  	s21 =	simm.s32 $0x0;
	s1 =	sand.u32 $0x1, s1;
	s4 =	sshll.u32 s4, $0x1  }
0x8: {  	[smem:$0x7FF] =	sst s3;
	s6 =	sadd.s32 $0x33600, s0;
	s7 =	sor.u32 s1, s4  }
0x9: {  	s8 =	sadd.s32 $0x5B600, s0;
	s1 =	ssub.s32 $0x2, s1;
	s5 =	smul.u32 $0x140, s7  }
0xa: {  	s4 =	sadd.s32 $0xB600, s0;
	s9 =	smul.u32 $0x1400, s7;
	s30 =	sshrl.u32 s1, $0x1  }
0xb: {  	v2 =	vlaneseq.u32;
	v3 =	vimm.f32 $-Inf;
	v4 =	vimm.s32 $0x0;
	s7 =	sadd.s32 $0x1800, s0;
	s0 =	ssub.s32 s1, s30;
	s31 =	sadd.s32 $0x140, s5  }
0xc: {  	v5 =	vmul.u32 $0x80, v2;
	_ =	strace $0x8000004A;
	s9 =	sadd.s32 s4, s9;
	s10 =	smax.u32 s0, $0x1;
	v0 =	vmov s5;
	v1 =	vmov s31  }
.LBB2_1:
0xd: {  	[tilespmem:s11], [sflag:$0x3] =	stream.linear.gather [hbm4b:s9+s3], $0xA000, $0x38;
	[tilespmem:$0x1E680] =	vst v63  }
0xe: {  	_ =	swait.ge [sflag:s12], $0xA000  }
0xf: {  	[sflag:s12] =	ssyncset.done $0x0  }
0x10: {  	s0 =	simm.s32 $0x0;
	s1 =	simm.s32 $0x200;
	[sflag:s12] =	ssyncadd.s32 $0xFFFF6000  }
.LBB2_2:
0x11: {  	p0 =	sne.s32 s1, $0x27E00;
	[tilespmem:s0+$0x70] =	vst v3  }
0x12: {  	[tilespmem:s0+$0x0] =	vst v3  }
0x13: {  	[tilespmem:s0+$0x10] =	vst v3  }
.Ltmp0:
0x14: {  	[tilespmem:s0+$0x20] =	vst v3;
	(pc) =	sbr.rel @p0 .LBB2_2-.Ltmp0, $4  }
0x15: {  	[tilespmem:s0+$0x30] =	vst v3  }
0x16: {  	[tilespmem:s0+$0x40] =	vst v3  }
0x17: {  	[tilespmem:s0+$0x50] =	vst v3  }
0x18: {  	[tilespmem:s0+$0x60] =	vst v3;
	s0 =	sshra.s32 s1, $0x2;
	s1 =	sadd.s32 $0x200, s1  }
0x19: {  	[tilespmem:s0+$0x70] =	vst v3  }
0x1a: {  	[tilespmem:s0+$0x0] =	vst v3  }
0x1b: {  	[tilespmem:s0+$0x10] =	vst v3  }
0x1c: {  	[tilespmem:s0+$0x20] =	vst v3  }
0x1d: {  	[tilespmem:s0+$0x30] =	vst v3  }
0x1e: {  	[tilespmem:s0+$0x40] =	vst v3  }
0x1f: {  	[tilespmem:s0+$0x50] =	vst v3  }
0x20: {  	s1 =	simm.s32 $0x0;
	[tilespmem:s0+$0x60] =	vst v3;
	s0 =	simm.s32 $0x40;
	s20 =	simm.s32 $0x0  }
.LBB2_4:
0x21: {  	p0 =	sne.s32 s0, $0x64C0;
	[tilespmem:s20+$0xD200] =	vst v4;
	s22 =	smov.u32 s0;
	s0 =	sadd.s32 $0x40, s0  }
.Ltmp1:
0x22: {  	[tilespmem:s20+$0xEB80] =	vst v0;
	(pc) =	sbr.rel @p0 .LBB2_4-.Ltmp1, $2  }
0x23: {  	_ =	sdelay $0x2  }
0x24: {  	s20 =	sshra.s32 s22, $0x2  }
.Ltmp2:
0x25: {  	(pc) =	sbr.rel .LBB2_6-.Ltmp2, $3  }
0x26: {  	_ =	sdelay $0x1  }
0x27: {  	[tilespmem:s20+$0xD200] =	vst v4  }
0x28: {  	[tilespmem:s20+$0xEB80] =	vst v0;
	s22 =	simm.s32 $0x0  }
.LBB2_19:
0x29: {  	s0 =	sand.u32 $0xFFFFFF80, s24;
	s1 =	sand.u32 $0x40, s23  }
0x2a: {  	s0 =	sor.u32 s1, s0  }
0x2b: {  	v6 =	vld [tilespmem:s0+$0xD200]  }
0x2c: {  	v7 =	vld [tilespmem:s0+$0xEB80];
	_ =	sdelay $0x3  }
0x2d: {  	[tilespmem:$0xD200] =	vst v6  }
0x2e: {  	[tilespmem:$0xEB80] =	vst v7  }
0x2f: {  	v6 =	vld [tilespmem:s0+$0xD210]  }
0x30: {  	v7 =	vld [tilespmem:s0+$0xEB90];
	_ =	sdelay $0x3  }
0x31: {  	[tilespmem:$0xD210] =	vst v6  }
0x32: {  	[tilespmem:$0xEB90] =	vst v7  }
0x33: {  	v6 =	vld [tilespmem:s0+$0xD220]  }
0x34: {  	v7 =	vld [tilespmem:s0+$0xEBA0];
	_ =	sdelay $0x3  }
0x35: {  	[tilespmem:$0xD220] =	vst v6  }
0x36: {  	[tilespmem:$0xEBA0] =	vst v7  }
0x37: {  	s22 =	sadd.s32 $0x1, s22;
	v6 =	vld [tilespmem:s0+$0xD230]  }
0x38: {  	p0 =	sne.s32 s22, $0x32;
	v7 =	vld [tilespmem:s0+$0xEBB0]  }
.Ltmp3:
0x39: {  	_ = 	snop;
	(pc) =	sbr.rel @!p0 .LBB2_20-.Ltmp3, $3  }
0x3a: {  	_ =	sdelay $0x1  }
0x3b: {  	[tilespmem:$0xD230] =	vst v6  }
0x3c: {  	s1 =	sand.u32 $0x3F, s23;
	[tilespmem:$0xEBB0] =	vst v7  }
.LBB2_6:
0x3d: {  	s20 =	smul.u32 $0x320, s22;
	_ =	sdelay $0x1  }
0x3e: {  	s0 =	simm.s32 $0x0;
	s23 =	sadd.s32 s7, s20  }
0x3f: {  	[tilespmem:s13], [sflag:$0x3] =	stream.linear.gather [hbm4b:s23+s0], $0x1900, $0x38;
	[tilespmem:$0x1E680] =	vst v63  }
0x40: {  	_ =	swait.ge [sflag:s12], $0x1900  }
0x41: {  	[sflag:s12] =	ssyncset.done $0x0  }
0x42: {  	s20 =	sadd.s32 s2, s20;
	[sflag:s12] =	ssyncadd.s32 $0xFFFFE700  }
0x43: {  	[tilespmem:s14], [sflag:$0x3] =	stream.linear.gather [hbm4b:s20+s0], $0x1900, $0x38;
	[tilespmem:$0x1E680] =	vst v63  }
0x44: {  	_ =	swait.ge [sflag:s12], $0x1900  }
0x45: {  	[sflag:s12] =	ssyncset.done $0x0  }
0x46: {  	v6 =	vmov s1;
	[sflag:s12] =	ssyncadd.s32 $0xFFFFE700  }
.LBB2_7:
0x47: {  	s1 =	sshra.s32 s0, $0x2  }
0x48: {  	v7 =	vld [tilespmem:s1+$0xB900];
	_ =	sdelay $0x4  }
0x49: {  	vm0 =	vge.s32 v7, v0;
	vm1 =	vlt.s32 v7, v1  }
0x4a: {  	vm0 =	vmand vm0, vm1  }
0x4b: {  	v8 =	vsel vm0, $0x1, v4  }
0x4c: {  	(xrf0) =	vadd.scan.msk.s32 $0xffff, v8;
	_ =	sdelay $0x5  }
0x4d: {  	v8, _, _ =	vpop (xrf0)  }
0x4e: {  	v8 =	vadd.s32 v8, v6  }
0x4f: {  	v8 =	vadd.s32 $0xFFFFFFFF, v8  }
0x50: {  	v9 =	vld [tilespmem:s1+$0xA000];
	_ =	sdelay $0x3  }
0x51: {  	[tilespmem:v8+s15+$0x0] =	vst.idx.msk vm0, v7  }
0x52: {  	[tilespmem:v8+s16+$0x0] =	vst.idx.msk vm0, v9  }
0x53: {  	v7 =	vld [tilespmem:s1+$0xB910];
	_ =	sdelay $0x4  }
0x54: {  	vm11 =	vge.s32 v7, v0;
	vm2 =	vlt.s32 v7, v1  }
0x55: {  	vm1 =	vmand vm11, vm2  }
0x56: {  	v8 =	vsel vm1, $0x1, v4  }
0x57: {  	(xrf0) =	vadd.scan.msk.s32 $0xffff, v8;
	_ =	sdelay $0x1  }
0x58: {  	v8 =	vmpcnt.ones.xlane vm0;
	_ =	sdelay $0x3  }
0x59: {  	v6 =	vadd.s32 v6, v8;
	v8, _, _ =	vpop (xrf0)  }
0x5a: {  	v8 =	vadd.s32 v8, v6  }
0x5b: {  	v8 =	vadd.s32 $0xFFFFFFFF, v8  }
0x5c: {  	v9 =	vld [tilespmem:s1+$0xA010];
	_ =	sdelay $0x3  }
0x5d: {  	[tilespmem:v8+s15+$0x0] =	vst.idx.msk vm1, v7  }
0x5e: {  	[tilespmem:v8+s16+$0x0] =	vst.idx.msk vm1, v9  }
0x5f: {  	v7 =	vld [tilespmem:s1+$0xB920];
	_ =	sdelay $0x4  }
0x60: {  	vm12 =	vge.s32 v7, v0;
	vm13 =	vlt.s32 v7, v1  }
0x61: {  	vm0 =	vmand vm12, vm13  }
0x62: {  	v8 =	vsel vm0, $0x1, v4  }
0x63: {  	(xrf0) =	vadd.scan.msk.s32 $0xffff, v8;
	_ =	sdelay $0x1  }
0x64: {  	v8 =	vmpcnt.ones.xlane vm1;
	_ =	sdelay $0x3  }
0x65: {  	v6 =	vadd.s32 v6, v8;
	v8, _, _ =	vpop (xrf0)  }
0x66: {  	v8 =	vadd.s32 v8, v6  }
0x67: {  	v8 =	vadd.s32 $0xFFFFFFFF, v8  }
0x68: {  	v9 =	vld [tilespmem:s1+$0xA020];
	_ =	sdelay $0x3  }
0x69: {  	[tilespmem:v8+s15+$0x0] =	vst.idx.msk vm0, v7  }
0x6a: {  	[tilespmem:v8+s16+$0x0] =	vst.idx.msk vm0, v9  }
0x6b: {  	v7 =	vld [tilespmem:s1+$0xB930];
	_ =	sdelay $0x4  }
0x6c: {  	vm14 =	vge.s32 v7, v0;
	vm15 =	vlt.s32 v7, v1  }
0x6d: {  	vm1 =	vmand vm14, vm15  }
0x6e: {  	v8 =	vsel vm1, $0x1, v4  }
0x6f: {  	(xrf0) =	vadd.scan.msk.s32 $0xffff, v8;
	_ =	sdelay $0x1  }
0x70: {  	v8 =	vmpcnt.ones.xlane vm0;
	_ =	sdelay $0x3  }
0x71: {  	v6 =	vadd.s32 v6, v8;
	v8, _, _ =	vpop (xrf0)  }
0x72: {  	v8 =	vadd.s32 v8, v6  }
0x73: {  	v8 =	vadd.s32 $0xFFFFFFFF, v8  }
0x74: {  	p0 =	sne.s32 s0, $0x6300;
	v9 =	vld [tilespmem:s1+$0xA030]  }
.Ltmp4:
0x75: {  	_ = 	snop;
	(pc) =	sbr.rel @p0 .LBB2_7-.Ltmp4, $4  }
0x76: {  	_ = 	snop  }
0x77: {  	v10 =	vmpcnt.ones.xlane vm1  }
0x78: {  	[tilespmem:v8+s15+$0x0] =	vst.idx.msk vm1, v7  }
0x79: {  	s0 =	sadd.s32 $0x100, s0;
	v6 =	vadd.s32 v6, v10;
	[tilespmem:v8+s16+$0x0] =	vst.idx.msk vm1, v9  }
0x7a: {  	v6 =	vxor.u32 $0x80000000, v6  }
0x7b: {  	(xrf0) =	vmax.scan.msk.u32 $0xffff, v6;
	_ =	sdelay $0x5  }
0x7c: {  	v6, _, _ =	vpop (xrf0)  }
0x7d: {  	(v2sf) =	vpush v6, $0xF;
	_ =	sdelay $0xe  }
0x7e: {  	s23 =	spop (v2sf)  }
0x7f: {  	s24 =	sxor.u32 $0x80000000, s23  }
0x80: {  	s25 =	sshra.s32 s24, $0x6  }
0x81: {  	p0 =	slt.s32 s25, $0x1  }
.Ltmp5:
0x82: {  	_ = 	snop;
	(pc) =	sbr.rel @p0 .LBB2_19-.Ltmp5, $1  }
0x83: {  	_ =	sdelay $0x3  }
.Ltmp6:
0x84: {  	(pc) =	sbr.rel .LBB2_11-.Ltmp6, $3  }
0x85: {  	_ =	sdelay $0x1  }
0x86: {  	[tilespmem:s18], [sflag:$0x1] =	stream.indirect.gather [hbm4b:s4+s17], $0x80, s16, s17, $0xb8;
	[tilespmem:$0x1E680] =	vst v63  }
0x87: {  	v6 =	vmov s24;
	s26 =	simm.s32 $0x0  }
.LBB2_10:
0x88: {  	p0 =	seq.s32 s26, s25  }
.Ltmp7:
0x89: {  	_ = 	snop;
	(pc) =	sbr.rel @p0 .LBB2_19-.Ltmp7, $1  }
0x8a: {  	_ =	sdelay $0x3  }
.LBB2_11:
0x8b: {  	s0 =	smov.u32 s26;
	s26 =	sadd.s32 $0x1, s26  }
0x8c: {  	p0 =	sge.s32 s26, s25  }
0x8d: {  	s1 =	sand.u32 $0x1, s0;
	s20 =	sshll.u32 @!p0 s26, $0x8  }
0x8e: {  	p1 =	seq.s32 @!p0 s1, $0x0;
	s20 =	sshra.s32 @!p0 s20, $0x2  }
0x8f: {  	p2 =	por !p1, p0;
	s20 =	sadd.s32 @!p0 $0xD200, s20  }
0x90: {  	s28 =	simm.s32 @!p2 $0x40;
	s29 =	simm.s32 @!p2 $0x12500;
	p0 =	por p1, p0  }
0x91: {  	[tilespmem:s29], [sflag:$0x2] =	stream.indirect.gather @!p2 [hbm4b:s4+s28], $0x80, s20, s28, $0xb8;
	[tilespmem:$0x1E680] =	vst v63  }
0x92: {  	s28 =	simm.s32 @!p0 $0x40;
	s29 =	simm.s32 @!p0 $0x10500  }
0x93: {  	[tilespmem:s29], [sflag:$0x1] =	stream.indirect.gather @!p0 [hbm4b:s4+s28], $0x80, s20, s28, $0xb8;
	[tilespmem:$0x1E680] =	vst v63  }
.Ltmp8:
0x94: {  	p0 =	seq.s32 s1, $0x1;
	s20 =	simm.s32 $0x2;
	(pc) =	sbr.rel .LBB2_12-.Ltmp8, $4  }
0x95: {  	s20 =	simm.s32 @!p0 $0x1  }
0x96: {  	_ =	swait.ge [sflag:s20], $0x2000  }
0x97: {  	s31 =	sshll.u32 s1, $0xD;
	s28 =	sshll.u32 s0, $0x6;
	[sflag:s20] =	ssyncset.done $0x0  }
0x98: {  	s30 =	simm.s32 $0x0;
	s29 =	sor.u32 $0x10500, s31;
	v7 =	vmov s28;
	[sflag:s20] =	ssyncadd.s32 $0xFFFFE000  }
.LBB2_18:
0x99: {  	s30 =	sadd.s32 $0x1, s30  }
0x9a: {  	p0 =	seq.s32 s30, $0x4  }
.Ltmp9:
0x9b: {  	_ = 	snop;
	(pc) =	sbr.rel @p0 .LBB2_10-.Ltmp9, $1  }
0x9c: {  	_ =	sdelay $0x3  }
.LBB2_12:
0x9d: {  	_ =	sdelay $0x2  }
0x9e: {  	s0 =	sshll.u32 s30, $0x4  }
0x9f: {  	v8 =	vld.idx.msk [tilespmem:v7+s0+$0xEB80 ss:$0x1], $0xffff;
	_ =	sdelay $0x1  }
0xa0: {  	s1 =	simm.s32 $0x0;
	v9 =	vmov s0  }
0xa1: {  	s20 =	simm.s32 $0x1;
	v10 =	vadd.s32 s1, v2;
	v9 =	vshll.u32 v9, $0x7  }
0xa2: {  	v12 =	vadd.s32 s20, v2;
	v11 =	vand.u32 $0x7F, v10;
	v9 =	vor.u32 v5, v9  }
0xa3: {  	v12 =	vand.u32 $0x7F, v12;
	v13 =	vor.u32 v9, v11;
	v8 =	vsub.s32 v8, v0  }
0xa4: {  	s20 =	simm.s32 $0x2;
	v15 =	vor.u32 v9, v12;
	v10 =	vshll.u32 v8, $0x7  }
0xa5: {  	v14 =	vadd.s32 s20, v2;
	v11 =	vor.u32 v10, v11  }
0xa6: {  	s20 =	simm.s32 $0x3;
	v14 =	vand.u32 $0x7F, v14;
	v12 =	vor.u32 v10, v12  }
0xa7: {  	v16 =	vadd.s32 s20, v2;
	v17 =	vor.u32 v9, v14  }
0xa8: {  	s20 =	simm.s32 $0x4;
	v16 =	vand.u32 $0x7F, v16;
	v14 =	vor.u32 v10, v14;
	v13 =	vld.idx.msk [tilespmem:v13+s29+$0x0], $0xffff  }
0xa9: {  	v18 =	vadd.s32 s20, v2;
	v21 =	vld.idx.msk [tilespmem:v15+s29+$0x0], $0xffff;
	v15 =	vor.u32 v10, v16  }
0xaa: {  	s20 =	simm.s32 $0x5;
	v19 =	vld.idx.msk [tilespmem:v11+s11+$0x0], $0xffff;
	v11 =	vor.u32 v9, v16;
	v16 =	vand.u32 $0x7F, v18  }
0xab: {  	v20 =	vadd.s32 s20, v2;
	v25 =	vld.idx.msk [tilespmem:v12+s11+$0x0], $0xffff;
	v18 =	vor.u32 v9, v16  }
0xac: {  	s20 =	simm.s32 $0x6;
	v12 =	vld.idx.msk [tilespmem:v17+s29+$0x0], $0xffff;
	v17 =	vor.u32 v10, v16;
	v16 =	vand.u32 $0x7F, v20  }
0xad: {  	v22 =	vadd.s32 s20, v2;
	v14 =	vld.idx.msk [tilespmem:v14+s11+$0x0], $0xffff;
	v20 =	vor.u32 v9, v16  }
0xae: {  	v24 =	vimm.f32 $0.0e+00;
	s20 =	simm.s32 $0x7;
	v23 =	vand.u32 $0x7F, v22;
	v15 =	vld.idx.msk [tilespmem:v15+s11+$0x0], $0xffff;
	v16 =	vor.u32 v10, v16  }
0xaf: {  	v26 =	vadd.s32 s20, v2;
	s20 =	simm.s32 $0x8;
	v11 =	vld.idx.msk [tilespmem:v11+s29+$0x0], $0xffff;
	v27 =	vmul.f32 v19, v13;
	v19 =	vor.u32 v9, v23  }
0xb0: {  	s31 =	sadd.s32 s28, s0;
	v22 =	vadd.s32 s20, v2;
	v13 =	vld.idx.msk [tilespmem:v18+s29+$0x0], $0xffff;
	v18 =	vor.u32 v10, v23;
	v23 =	vand.u32 $0x7F, v26  }
0xb1: {  	s0 =	simm.s32 $0xF;
	s1 =	simm.s32 $0x17;
	s20 =	simm.s32 $0x9;
	v25 =	vmul.f32 v25, v21;
	v17 =	vld.idx.msk [tilespmem:v17+s11+$0x0], $0xffff;
	v24 =	vadd.f32 v27, v24;
	v21 =	vor.u32 v9, v23  }
.LBB2_13:
0xb2: {  	p0 =	sne.s32 s1, $0x7F;
	v22 =	vand.u32 $0x7F, v22;
	v26 =	vadd.s32 s20, v2;
	v20 =	vld.idx.msk [tilespmem:v20+s29+$0x0], $0xffff;
	v23 =	vor.u32 v10, v23  }
0xb3: {  	s20 =	sadd.s32 $0xFFFFFFFB, s0;
	v12 =	vmul.f32 v14, v12;
	v27 =	vor.u32 v9, v22;
	v24 =	vadd.f32 v25, v24;
	v14 =	vld.idx.msk [tilespmem:v16+s11+$0x0], $0xffff  }
0xb4: {  	v16 =	vor.u32 v10, v22;
	v22 =	vand.u32 $0x7F, v26;
	v25 =	vadd.s32 s20, v2;
	v19 =	vld.idx.msk [tilespmem:v19+s29+$0x0], $0xffff  }
0xb5: {  	s20 =	sadd.s32 $0xFFFFFFFC, s0;
	v26 =	vor.u32 v9, v22;
	v11 =	vmul.f32 v15, v11;
	v12 =	vadd.f32 v12, v24;
	v15 =	vld.idx.msk [tilespmem:v18+s11+$0x0], $0xffff  }
0xb6: {  	v18 =	vor.u32 v10, v22;
	v22 =	vand.u32 $0x7F, v25;
	v24 =	vadd.s32 s20, v2;
	v21 =	vld.idx.msk [tilespmem:v21+s29+$0x0], $0xffff  }
0xb7: {  	s20 =	sadd.s32 $0xFFFFFFFD, s0;
	v25 =	vor.u32 v9, v22;
	v11 =	vadd.f32 v11, v12;
	v12 =	vmul.f32 v17, v13;
	v13 =	vld.idx.msk [tilespmem:v23+s11+$0x0], $0xffff  }
0xb8: {  	v22 =	vor.u32 v10, v22;
	v23 =	vand.u32 $0x7F, v24;
	v24 =	vadd.s32 s20, v2;
	v17 =	vld.idx.msk [tilespmem:v27+s29+$0x0], $0xffff  }
0xb9: {  	s20 =	sadd.s32 $0xFFFFFFFE, s0;
	v27 =	vld.idx.msk [tilespmem:v16+s11+$0x0], $0xffff;
	v16 =	vor.u32 v9, v23;
	v11 =	vadd.f32 v12, v11;
	v12 =	vmul.f32 v14, v20  }
0xba: {  	v23 =	vor.u32 v10, v23;
	v14 =	vand.u32 $0x7F, v24;
	v20 =	vadd.s32 s20, v2;
	v26 =	vld.idx.msk [tilespmem:v26+s29+$0x0], $0xffff  }
0xbb: {  	s20 =	sadd.s32 $0xFFFFFFFF, s0;
	v15 =	vmul.f32 v15, v19;
	v28 =	vld.idx.msk [tilespmem:v18+s11+$0x0], $0xffff;
	v18 =	vor.u32 v9, v14;
	v11 =	vadd.f32 v12, v11  }
0xbc: {  	v29 =	vor.u32 v10, v14;
	v19 =	vand.u32 $0x7F, v20;
	v24 =	vadd.s32 s20, v2;
	v12 =	vld.idx.msk [tilespmem:v25+s29+$0x0], $0xffff  }
.Ltmp10:
0xbd: {  	v20 =	vor.u32 v9, v19;
	v13 =	vmul.f32 v13, v21;
	v14 =	vld.idx.msk [tilespmem:v22+s11+$0x0], $0xffff;
	v22 =	vadd.f32 v15, v11;
	(pc) =	sbr.rel @p0 .LBB2_13-.Ltmp10, $4  }
0xbe: {  	v21 =	vand.u32 $0x7F, v24;
	v24 =	vadd.s32 s0, v2;
	s0 =	smov.u32 s1;
	v11 =	vld.idx.msk [tilespmem:v16+s29+$0x0], $0xffff;
	v16 =	vor.u32 v10, v19  }
0xbf: {  	s20 =	sadd.s32 $0xFFFFFFF9, s1;
	v17 =	vmul.f32 v27, v17;
	v19 =	vor.u32 v9, v21;
	v15 =	vld.idx.msk [tilespmem:v23+s11+$0x0], $0xffff;
	v25 =	vadd.f32 v13, v22  }
0xc0: {  	v22 =	vadd.s32 s20, v2;
	v23 =	vand.u32 $0x7F, v24;
	v13 =	vld.idx.msk [tilespmem:v18+s29+$0x0], $0xffff;
	v18 =	vor.u32 v10, v21  }
0xc1: {  	s1 =	sadd.s32 $0x8, s1;
	s20 =	sadd.s32 $0xFFFFFFFA, s0;
	v21 =	vor.u32 v9, v23;
	v24 =	vadd.f32 v17, v25;
	v25 =	vmul.f32 v28, v26;
	v17 =	vld.idx.msk [tilespmem:v29+s11+$0x0], $0xffff  }
0xc2: {  	_ =	sdelay $0x2  }
0xc3: {  	v22 =	vand.u32 $0x7F, v22;
	v23 =	vor.u32 v10, v23  }
0xc4: {  	v20 =	vld.idx.msk [tilespmem:v20+s29+$0x0], $0xffff;
	v12 =	vmul.f32 v14, v12;
	v34 =	vadd.s32 s20, v2;
	v24 =	vadd.f32 v25, v24  }
0xc5: {  	v16 =	vld.idx.msk [tilespmem:v16+s11+$0x0], $0xffff;
	s1 =	sadd.s32 $0xFFFFFFFB, s0;
	v35 =	vor.u32 v9, v22;
	v22 =	vor.u32 v10, v22;
	v14 =	vand.u32 $0x7F, v34  }
0xc6: {  	v19 =	vld.idx.msk [tilespmem:v19+s29+$0x0], $0xffff;
	s20 =	sadd.s32 $0xFFFFFFFC, s0;
	v36 =	vadd.s32 s1, v2;
	v11 =	vmul.f32 v15, v11;
	v12 =	vadd.f32 v12, v24  }
0xc7: {  	v18 =	vld.idx.msk [tilespmem:v18+s11+$0x0], $0xffff;
	v39 =	vadd.s32 s20, v2;
	v37 =	vor.u32 v9, v14;
	v14 =	vor.u32 v10, v14  }
0xc8: {  	v21 =	vld.idx.msk [tilespmem:v21+s29+$0x0], $0xffff;
	s20 =	sadd.s32 $0xFFFFFFFD, s0;
	v15 =	vand.u32 $0x7F, v36;
	v38 =	vmul.f32 v17, v13;
	v11 =	vadd.f32 v11, v12  }
0xc9: {  	v42 =	vadd.s32 s20, v2;
	v40 =	vor.u32 v9, v15;
	v15 =	vor.u32 v10, v15;
	v23 =	vld.idx.msk [tilespmem:v23+s11+$0x0], $0xffff  }
0xca: {  	s20 =	sadd.s32 $0xFFFFFFFE, s0;
	v13 =	vand.u32 $0x7F, v39;
	v41 =	vmul.f32 v16, v20;
	v25 =	vld.idx.msk [tilespmem:v35+s29+$0x0], $0xffff;
	v11 =	vadd.f32 v38, v11  }
0xcb: {  	v46 =	vadd.s32 s20, v2;
	v44 =	vor.u32 v9, v13;
	v13 =	vor.u32 v10, v13;
	v43 =	vld.idx.msk [tilespmem:v22+s11+$0x0], $0xffff  }
0xcc: {  	v16 =	vand.u32 $0x7F, v42;
	v45 =	vmul.f32 v18, v19;
	v24 =	vld.idx.msk [tilespmem:v37+s29+$0x0], $0xffff;
	v11 =	vadd.f32 v41, v11  }
0xcd: {  	v51 =	vadd.s32 s0, v2;
	v18 =	vand.u32 $0x7F, v46;
	v47 =	vor.u32 v9, v16;
	v14 =	vld.idx.msk [tilespmem:v14+s11+$0x0], $0xffff  }
0xce: {  	s20 =	sadd.s32 $0xFFFFFFFF, s0;
	v16 =	vor.u32 v10, v16;
	v17 =	vld.idx.msk [tilespmem:v40+s29+$0x0], $0xffff;
	v48 =	vmul.f32 v23, v21;
	v11 =	vadd.f32 v45, v11  }
0xcf: {  	v49 =	vadd.s32 s20, v2;
	v50 =	vor.u32 v9, v18;
	v18 =	vor.u32 v10, v18;
	v15 =	vld.idx.msk [tilespmem:v15+s11+$0x0], $0xffff  }
0xd0: {  	v22 =	vld.idx.msk [tilespmem:v44+s29+$0x0], $0xffff;
	v21 =	vand.u32 $0x7F, v49;
	v20 =	vmul.f32 v43, v25;
	v11 =	vadd.f32 v48, v11  }
0xd1: {  	v12 =	vand.u32 $0x7F, v51;
	v13 =	vld.idx.msk [tilespmem:v13+s11+$0x0], $0xffff;
	v52 =	vor.u32 v9, v21  }
0xd2: {  	v21 =	vor.u32 v10, v21;
	v19 =	vld.idx.msk [tilespmem:v47+s29+$0x0], $0xffff;
	v14 =	vmul.f32 v14, v24;
	v11 =	vadd.f32 v20, v11  }
0xd3: {  	v53 =	vor.u32 v9, v12;
	v16 =	vld.idx.msk [tilespmem:v16+s11+$0x0], $0xffff  }
0xd4: {  	v12 =	vor.u32 v10, v12;
	v23 =	vld.idx.msk [tilespmem:v50+s29+$0x0], $0xffff;
	v54 =	vmul.f32 v15, v17;
	v11 =	vadd.f32 v14, v11  }
0xd5: {  	v55 =	vld.idx.msk [tilespmem:v18+s11+$0x0], $0xffff  }
0xd6: {  	v13 =	vmul.f32 v13, v22;
	v56 =	vld.idx.msk [tilespmem:v52+s29+$0x0], $0xffff;
	v11 =	vadd.f32 v54, v11  }
0xd7: {  	v57 =	vld.idx.msk [tilespmem:v21+s11+$0x0], $0xffff  }
0xd8: {  	v58 =	vld.idx.msk [tilespmem:v53+s29+$0x0], $0xffff;
	v59 =	vmul.f32 v16, v19;
	v11 =	vadd.f32 v13, v11  }
0xd9: {  	v12 =	vld.idx.msk [tilespmem:v12+s11+$0x0], $0xffff  }
0xda: {  	v60 =	vmul.f32 v55, v23;
	v11 =	vadd.f32 v59, v11;
	_ =	sdelay $0x1  }
0xdb: {  	v61 =	vmul.f32 v57, v56;
	v11 =	vadd.f32 v60, v11  }
0xdc: {  	v62 =	vor.u32 s31, v2  }
0xdd: {  	vm0 =	vlt.s32 v62, v6;
	v12 =	vmul.f32 v12, v58;
	v11 =	vadd.f32 v61, v11  }
0xde: {  	v63 =	vmpcnt.ones.xlane vm0  }
0xdf: {  	v11 =	vadd.f32 v12, v11  }
0xe0: {  	v12 =	vxor.u32 $0x80000000, v63  }
0xe1: {  	(xrf0) =	vmax.scan.msk.u32 $0xffff, v12;
	v11 =	vsub.f32 $0.0e+00, v11;
	_ =	sdelay $0x1  }
0xe2: {  	v11 =	vmul.f32 $1.442695020e+00, v11;
	_ =	sdelay $0x3  }
0xe3: {  	(erf) = vpow2.f32 v11;
	v11, _, _ =	vpop (xrf0)  }
0xe4: {  	(v2sf) =	vpush v11, $0xF;
	_ =	sdelay $0x8  }
0xe5: {  	v11 =	vpop (erf)  }
0xe6: {  	v11 =	vadd.f32 $1.000000000e+00, v11;
	_ =	sdelay $0x1  }
0xe7: {  	(erf) = vrcp.f32 v11;
	_ =	sdelay $0x2  }
0xe8: {  	s31 =	spop (v2sf)  }
0xe9: {  	p0 =	slt.u32 s31, $0x80000001  }
.Ltmp11:
0xea: {  	_ = 	snop;
	(pc) =	sbr.rel @p0 .LBB2_18-.Ltmp11, $2  }
0xeb: {  	_ =	sdelay $0x2  }
0xec: {  	v11 =	vpop (erf)  }
.LBB2_15:
0xed: {  	_ =	sdelay $0x4  }
0xee: {  	[tilespmem:v8+s19+$0x0] =	vst.idx.msk vm0, v2  }
0xef: {  	v12 =	vld.idx.msk [tilespmem:v8+s19+$0x0], vm0;
	_ =	sdelay $0x1  }
0xf0: {  	s0 =	simm.s32 $0x0  }
0xf1: {  	v13 =	vadd.s32 s0, v2  }
0xf2: {  	v13 =	vand.u32 $0x7F, v13  }
0xf3: {  	vm1 =	veq.s32 v12, v2;
	v12 =	vor.u32 v9, v13  }
0xf4: {  	vm1 =	vmand vm0, vm1  }
0xf5: {  	v13 =	vor.u32 v10, v13;
	_ =	sdelay $0x2  }
0xf6: {  	v12 =	vld.idx.msk [tilespmem:v12+s29+$0x0], $0xffff  }
0xf7: {  	s1 =	simm.s32 $0x1  }
0xf8: {  	v15 =	vadd.s32 s1, v2;
	v14 =	vld.idx.msk [tilespmem:v13+s3+$0x0], vm1  }
0xf9: {  	v15 =	vand.u32 $0x7F, v15  }
0xfa: {  	v16 =	vor.u32 v9, v15  }
0xfb: {  	v12 =	vmul.f32 v12, v11  }
0xfc: {  	v15 =	vor.u32 v10, v15  }
0xfd: {  	v12 =	vmax.f32 v14, v12  }
0xfe: {  	[tilespmem:v13+s3+$0x0] =	vst.idx.msk vm1, v12  }
0xff: {  	v12 =	vld.idx.msk [tilespmem:v16+s29+$0x0], $0xffff  }
0x100: {  	s20 =	simm.s32 $0x2  }
0x101: {  	v14 =	vadd.s32 s20, v2;
	v13 =	vld.idx.msk [tilespmem:v15+s3+$0x0], vm1  }
0x102: {  	v14 =	vand.u32 $0x7F, v14  }
0x103: {  	v16 =	vor.u32 v9, v14  }
0x104: {  	v12 =	vmul.f32 v12, v11  }
0x105: {  	v14 =	vor.u32 v10, v14  }
0x106: {  	v12 =	vmax.f32 v13, v12  }
0x107: {  	[tilespmem:v15+s3+$0x0] =	vst.idx.msk vm1, v12  }
0x108: {  	v12 =	vld.idx.msk [tilespmem:v16+s29+$0x0], $0xffff  }
0x109: {  	s1 =	simm.s32 $0x3  }
0x10a: {  	v15 =	vadd.s32 s1, v2;
	v13 =	vld.idx.msk [tilespmem:v14+s3+$0x0], vm1  }
0x10b: {  	v15 =	vand.u32 $0x7F, v15  }
0x10c: {  	v16 =	vor.u32 v9, v15  }
0x10d: {  	v12 =	vmul.f32 v12, v11  }
0x10e: {  	v15 =	vor.u32 v10, v15  }
0x10f: {  	v12 =	vmax.f32 v13, v12  }
0x110: {  	[tilespmem:v14+s3+$0x0] =	vst.idx.msk vm1, v12  }
0x111: {  	v12 =	vld.idx.msk [tilespmem:v16+s29+$0x0], $0xffff  }
0x112: {  	s20 =	simm.s32 $0x4  }
0x113: {  	v14 =	vadd.s32 s20, v2;
	v13 =	vld.idx.msk [tilespmem:v15+s3+$0x0], vm1  }
0x114: {  	v14 =	vand.u32 $0x7F, v14  }
0x115: {  	v16 =	vor.u32 v9, v14  }
0x116: {  	v12 =	vmul.f32 v12, v11  }
0x117: {  	v14 =	vor.u32 v10, v14  }
0x118: {  	v12 =	vmax.f32 v13, v12  }
0x119: {  	[tilespmem:v15+s3+$0x0] =	vst.idx.msk vm1, v12  }
0x11a: {  	v12 =	vld.idx.msk [tilespmem:v16+s29+$0x0], $0xffff  }
0x11b: {  	s1 =	simm.s32 $0x5  }
0x11c: {  	v15 =	vadd.s32 s1, v2;
	v13 =	vld.idx.msk [tilespmem:v14+s3+$0x0], vm1  }
0x11d: {  	v15 =	vand.u32 $0x7F, v15  }
0x11e: {  	v16 =	vor.u32 v9, v15  }
0x11f: {  	v12 =	vmul.f32 v12, v11  }
0x120: {  	v15 =	vor.u32 v10, v15  }
0x121: {  	v12 =	vmax.f32 v13, v12  }
0x122: {  	[tilespmem:v14+s3+$0x0] =	vst.idx.msk vm1, v12  }
0x123: {  	v12 =	vld.idx.msk [tilespmem:v16+s29+$0x0], $0xffff  }
0x124: {  	s20 =	simm.s32 $0x6  }
0x125: {  	v14 =	vadd.s32 s20, v2;
	v13 =	vld.idx.msk [tilespmem:v15+s3+$0x0], vm1  }
0x126: {  	v14 =	vand.u32 $0x7F, v14  }
0x127: {  	v16 =	vor.u32 v9, v14  }
0x128: {  	v12 =	vmul.f32 v12, v11  }
0x129: {  	v14 =	vor.u32 v10, v14  }
0x12a: {  	v12 =	vmax.f32 v13, v12  }
0x12b: {  	[tilespmem:v15+s3+$0x0] =	vst.idx.msk vm1, v12  }
0x12c: {  	v12 =	vld.idx.msk [tilespmem:v16+s29+$0x0], $0xffff  }
0x12d: {  	s1 =	simm.s32 $0x7  }
0x12e: {  	v15 =	vadd.s32 s1, v2;
	v13 =	vld.idx.msk [tilespmem:v14+s3+$0x0], vm1  }
0x12f: {  	v15 =	vand.u32 $0x7F, v15  }
0x130: {  	v16 =	vor.u32 v9, v15  }
0x131: {  	v17 =	vmul.f32 v12, v11;
	_ =	sdelay $0x1  }
0x132: {  	v13 =	vmax.f32 v13, v17  }
0x133: {  	v12 =	vor.u32 v10, v15;
	[tilespmem:v14+s3+$0x0] =	vst.idx.msk vm1, v13  }
0x134: {  	v13 =	vld.idx.msk [tilespmem:v16+s29+$0x0], $0xffff;
	_ =	sdelay $0x2  }
0x135: {  	s20 =	simm.s32 $0x8  }
0x136: {  	v14 =	vadd.s32 s20, v2;
	v15 =	vld.idx.msk [tilespmem:v12+s3+$0x0], vm1  }
0x137: {  	v16 =	vmul.f32 v13, v11;
	v13 =	vand.u32 $0x7F, v14  }
0x138: {  	v14 =	vor.u32 v9, v13;
	_ =	sdelay $0x1  }
0x139: {  	v13 =	vor.u32 v10, v13  }
0x13a: {  	s31 =	simm.s32 $0xF;
	s0 =	simm.s32 $0x17;
	v15 =	vmax.f32 v15, v16  }
.LBB2_16:
0x13b: {  	p0 =	sne.s32 s0, $0x7F;
	[tilespmem:v12+s3+$0x0] =	vst.idx.msk vm1, v15;
	s1 =	smov.u32 s0;
	s0 =	sadd.s32 $0x8, s0  }
0x13c: {  	v12 =	vld.idx.msk [tilespmem:v14+s29+$0x0], $0xffff;
	_ =	sdelay $0x1  }
0x13d: {  	s20 =	sadd.s32 $0xFFFFFFFA, s31;
	v14 =	vld.idx.msk [tilespmem:v13+s3+$0x0], vm1  }
0x13e: {  	v15 =	vadd.s32 s20, v2  }
0x13f: {  	v15 =	vand.u32 $0x7F, v15  }
0x140: {  	v16 =	vor.u32 v9, v15  }
0x141: {  	v12 =	vmul.f32 v12, v11  }
0x142: {  	v15 =	vor.u32 v10, v15  }
0x143: {  	v12 =	vmax.f32 v14, v12  }
0x144: {  	[tilespmem:v13+s3+$0x0] =	vst.idx.msk vm1, v12  }
0x145: {  	v12 =	vld.idx.msk [tilespmem:v16+s29+$0x0], $0xffff;
	_ =	sdelay $0x1  }
0x146: {  	s20 =	sadd.s32 $0xFFFFFFFB, s31;
	v13 =	vld.idx.msk [tilespmem:v15+s3+$0x0], vm1  }
0x147: {  	v14 =	vadd.s32 s20, v2  }
0x148: {  	v14 =	vand.u32 $0x7F, v14  }
0x149: {  	v16 =	vor.u32 v9, v14  }
0x14a: {  	v12 =	vmul.f32 v12, v11  }
0x14b: {  	v14 =	vor.u32 v10, v14  }
0x14c: {  	v12 =	vmax.f32 v13, v12  }
0x14d: {  	[tilespmem:v15+s3+$0x0] =	vst.idx.msk vm1, v12  }
0x14e: {  	v12 =	vld.idx.msk [tilespmem:v16+s29+$0x0], $0xffff;
	_ =	sdelay $0x1  }
0x14f: {  	s20 =	sadd.s32 $0xFFFFFFFC, s31;
	v13 =	vld.idx.msk [tilespmem:v14+s3+$0x0], vm1  }
0x150: {  	v15 =	vadd.s32 s20, v2  }
0x151: {  	v15 =	vand.u32 $0x7F, v15  }
0x152: {  	v16 =	vor.u32 v9, v15  }
0x153: {  	v12 =	vmul.f32 v12, v11  }
0x154: {  	v15 =	vor.u32 v10, v15  }
0x155: {  	v12 =	vmax.f32 v13, v12  }
0x156: {  	[tilespmem:v14+s3+$0x0] =	vst.idx.msk vm1, v12  }
0x157: {  	v12 =	vld.idx.msk [tilespmem:v16+s29+$0x0], $0xffff;
	_ =	sdelay $0x1  }
0x158: {  	s20 =	sadd.s32 $0xFFFFFFFD, s31;
	v13 =	vld.idx.msk [tilespmem:v15+s3+$0x0], vm1  }
0x159: {  	v14 =	vadd.s32 s20, v2  }
0x15a: {  	v14 =	vand.u32 $0x7F, v14  }
0x15b: {  	v16 =	vor.u32 v9, v14  }
0x15c: {  	v12 =	vmul.f32 v12, v11  }
0x15d: {  	v14 =	vor.u32 v10, v14  }
0x15e: {  	v12 =	vmax.f32 v13, v12  }
0x15f: {  	[tilespmem:v15+s3+$0x0] =	vst.idx.msk vm1, v12  }
0x160: {  	v12 =	vld.idx.msk [tilespmem:v16+s29+$0x0], $0xffff;
	_ =	sdelay $0x1  }
0x161: {  	s20 =	sadd.s32 $0xFFFFFFFE, s31;
	v13 =	vld.idx.msk [tilespmem:v14+s3+$0x0], vm1  }
0x162: {  	v15 =	vadd.s32 s20, v2  }
0x163: {  	v15 =	vand.u32 $0x7F, v15  }
0x164: {  	v16 =	vor.u32 v9, v15  }
0x165: {  	v15 =	vor.u32 v10, v15;
	v12 =	vmul.f32 v12, v11;
	_ =	sdelay $0x1  }
0x166: {  	v12 =	vmax.f32 v13, v12  }
0x167: {  	[tilespmem:v14+s3+$0x0] =	vst.idx.msk vm1, v12  }
0x168: {  	v12 =	vld.idx.msk [tilespmem:v16+s29+$0x0], $0xffff  }
0x169: {  	v13 =	vld.idx.msk [tilespmem:v15+s3+$0x0], vm1  }
0x16a: {  	s20 =	sadd.s32 $0xFFFFFFFF, s31  }
0x16b: {  	v14 =	vadd.s32 s20, v2  }
0x16c: {  	v14 =	vand.u32 $0x7F, v14  }
0x16d: {  	v16 =	vor.u32 v9, v14  }
0x16e: {  	v14 =	vor.u32 v10, v14;
	v12 =	vmul.f32 v12, v11;
	_ =	sdelay $0x1  }
0x16f: {  	v12 =	vmax.f32 v13, v12  }
0x170: {  	[tilespmem:v15+s3+$0x0] =	vst.idx.msk vm1, v12  }
0x171: {  	v12 =	vld.idx.msk [tilespmem:v16+s29+$0x0], $0xffff  }
0x172: {  	v13 =	vld.idx.msk [tilespmem:v14+s3+$0x0], vm1;
	_ =	sdelay $0x1  }
0x173: {  	v15 =	vadd.s32 s31, v2;
	s31 =	smov.u32 s1  }
0x174: {  	v15 =	vand.u32 $0x7F, v15  }
0x175: {  	v16 =	vor.u32 v9, v15  }
0x176: {  	v17 =	vmul.f32 v12, v11;
	v12 =	vor.u32 v10, v15;
	_ =	sdelay $0x1  }
0x177: {  	v13 =	vmax.f32 v13, v17  }
0x178: {  	[tilespmem:v14+s3+$0x0] =	vst.idx.msk vm1, v13  }
0x179: {  	v13 =	vld.idx.msk [tilespmem:v16+s29+$0x0], $0xffff  }
0x17a: {  	v15 =	vld.idx.msk [tilespmem:v12+s3+$0x0], vm1  }
0x17b: {  	s1 =	sadd.s32 $0xFFFFFFF9, s31  }
0x17c: {  	v14 =	vadd.s32 s1, v2  }
.Ltmp12:
0x17d: {  	v16 =	vand.u32 $0x7F, v14;
	(pc) =	sbr.rel @p0 .LBB2_16-.Ltmp12, $4  }
0x17e: {  	v14 =	vor.u32 v9, v16  }
0x17f: {  	v17 =	vmul.f32 v13, v11  }
0x180: {  	v13 =	vor.u32 v10, v16  }
0x181: {  	v15 =	vmax.f32 v15, v17  }
0x182: {  	_ =	sdelay $0x4  }
0x183: {  	[tilespmem:v12+s3+$0x0] =	vst.idx.msk vm1, v15  }
0x184: {  	v12 =	vld.idx.msk [tilespmem:v14+s29+$0x0], $0xffff  }
0x185: {  	s0 =	sadd.s32 $0xFFFFFFFA, s31  }
0x186: {  	v42 =	vld.idx.msk [tilespmem:v13+s3+$0x0], vm1;
	v43 =	vadd.s32 s0, v2  }
0x187: {  	v15 =	vand.u32 $0x7F, v43  }
0x188: {  	v16 =	vor.u32 v9, v15  }
0x189: {  	v12 =	vmul.f32 v12, v11  }
0x18a: {  	v15 =	vor.u32 v10, v15  }
0x18b: {  	v12 =	vmax.f32 v42, v12  }
0x18c: {  	[tilespmem:v13+s3+$0x0] =	vst.idx.msk vm1, v12  }
0x18d: {  	v12 =	vld.idx.msk [tilespmem:v16+s29+$0x0], $0xffff  }
0x18e: {  	s20 =	sadd.s32 $0xFFFFFFFB, s31  }
0x18f: {  	v44 =	vadd.s32 s20, v2;
	v13 =	vld.idx.msk [tilespmem:v15+s3+$0x0], vm1  }
0x190: {  	v14 =	vand.u32 $0x7F, v44  }
0x191: {  	v45 =	vor.u32 v9, v14  }
0x192: {  	v12 =	vmul.f32 v12, v11  }
0x193: {  	v14 =	vor.u32 v10, v14  }
0x194: {  	v12 =	vmax.f32 v13, v12  }
0x195: {  	[tilespmem:v15+s3+$0x0] =	vst.idx.msk vm1, v12  }
0x196: {  	v12 =	vld.idx.msk [tilespmem:v45+s29+$0x0], $0xffff  }
0x197: {  	s1 =	sadd.s32 $0xFFFFFFFC, s31  }
0x198: {  	v47 =	vadd.s32 s1, v2;
	v46 =	vld.idx.msk [tilespmem:v14+s3+$0x0], vm1  }
0x199: {  	v15 =	vand.u32 $0x7F, v47  }
0x19a: {  	v48 =	vor.u32 v9, v15  }
0x19b: {  	v12 =	vmul.f32 v12, v11  }
0x19c: {  	v15 =	vor.u32 v10, v15  }
0x19d: {  	v12 =	vmax.f32 v46, v12  }
0x19e: {  	[tilespmem:v14+s3+$0x0] =	vst.idx.msk vm1, v12  }
0x19f: {  	v12 =	vld.idx.msk [tilespmem:v48+s29+$0x0], $0xffff  }
0x1a0: {  	s20 =	sadd.s32 $0xFFFFFFFD, s31  }
0x1a1: {  	v50 =	vadd.s32 s20, v2;
	v49 =	vld.idx.msk [tilespmem:v15+s3+$0x0], vm1  }
0x1a2: {  	v14 =	vand.u32 $0x7F, v50  }
0x1a3: {  	v51 =	vor.u32 v9, v14  }
0x1a4: {  	v12 =	vmul.f32 v12, v11  }
0x1a5: {  	v14 =	vor.u32 v10, v14  }
0x1a6: {  	v12 =	vmax.f32 v49, v12  }
0x1a7: {  	[tilespmem:v15+s3+$0x0] =	vst.idx.msk vm1, v12  }
0x1a8: {  	v12 =	vld.idx.msk [tilespmem:v51+s29+$0x0], $0xffff;
	_ =	sdelay $0x1  }
0x1a9: {  	v52 =	vld.idx.msk [tilespmem:v14+s3+$0x0], vm1  }
0x1aa: {  	s1 =	sadd.s32 $0xFFFFFFFE, s31  }
0x1ab: {  	v53 =	vadd.s32 s1, v2  }
0x1ac: {  	vm0 =	vmxor vm0, vm1;
	v15 =	vand.u32 $0x7F, v53;
	v12 =	vmul.f32 v12, v11  }
0x1ad: {  	v55 =	vmpcnt.ones.xlane vm0;
	v54 =	vor.u32 v9, v15  }
0x1ae: {  	v12 =	vmax.f32 v52, v12  }
0x1af: {  	v15 =	vor.u32 v10, v15;
	[tilespmem:v14+s3+$0x0] =	vst.idx.msk vm1, v12;
	v12 =	vxor.u32 $0x80000000, v55  }
0x1b0: {  	(xrf0) =	vmax.scan.msk.u32 $0xffff, v12;
	_ =	sdelay $0x1  }
0x1b1: {  	v56 =	vld.idx.msk [tilespmem:v54+s29+$0x0], $0xffff  }
0x1b2: {  	s20 =	sadd.s32 $0xFFFFFFFF, s31  }
0x1b3: {  	v57 =	vadd.s32 s20, v2;
	v14 =	vld.idx.msk [tilespmem:v15+s3+$0x0], vm1  }
0x1b4: {  	v58 =	vand.u32 $0x7F, v57  }
0x1b5: {  	v16 =	vor.u32 v9, v58;
	v59, _, _ =	vpop (xrf0)  }
0x1b6: {  	v13 =	vmul.f32 v56, v11;
	(v2sf) =	vpush v59, $0xF  }
0x1b7: {  	v12 =	vor.u32 v10, v58  }
0x1b8: {  	v13 =	vmax.f32 v14, v13  }
0x1b9: {  	[tilespmem:v15+s3+$0x0] =	vst.idx.msk vm1, v13  }
0x1ba: {  	v60 =	vld.idx.msk [tilespmem:v16+s29+$0x0], $0xffff;
	_ =	sdelay $0x1  }
0x1bb: {  	v62 =	vadd.s32 s31, v2;
	v61 =	vld.idx.msk [tilespmem:v12+s3+$0x0], vm1  }
0x1bc: {  	v15 =	vand.u32 $0x7F, v62  }
0x1bd: {  	v63 =	vor.u32 v9, v15  }
0x1be: {  	v14 =	vmul.f32 v60, v11  }
0x1bf: {  	v15 =	vor.u32 v10, v15  }
0x1c0: {  	v13 =	vmax.f32 v61, v14  }
0x1c1: {  	[tilespmem:v12+s3+$0x0] =	vst.idx.msk vm1, v13  }
0x1c2: {  	v12 =	vld.idx.msk [tilespmem:v63+s29+$0x0], $0xffff;
	_ =	sdelay $0x1  }
0x1c3: {  	v13 =	vld.idx.msk [tilespmem:v15+s3+$0x0], vm1;
	s31 =	spop (v2sf)  }
0x1c4: {  	p0 =	sgt.u32 s31, $0x80000000  }
.Ltmp13:
0x1c5: {  	_ = 	snop;
	(pc) =	sbr.rel @p0 .LBB2_15-.Ltmp13, $4  }
.Ltmp14:
0x1c6: {  	v12 =	vmul.f32 v12, v11;
	(pc) =	sbr.rel @!p0 .LBB2_18-.Ltmp14, $4  }
0x1c7: {  	_ = 	snop  }
0x1c8: {  	v12 =	vmax.f32 v13, v12  }
0x1c9: {  	[tilespmem:v15+s3+$0x0] =	vst.idx.msk vm1, v12  }
0x1ca: {  	_ = 	snop  }
.LBB2_20:
0x1cb: {  	p0 =	seq.s32 s1, $0x0  }
.Ltmp15:
0x1cc: {  	_ = 	snop;
	(pc) =	sbr.rel @p0 .LBB2_29-.Ltmp15, $1  }
0x1cd: {  	_ =	sdelay $0x3  }
0x1ce: {  	[tilespmem:s18], [sflag:$0x1] =	stream.indirect.gather [hbm4b:s4+s17], $0x80, s16, s17, $0xb8;
	[tilespmem:$0x1E680] =	vst v63  }
.Ltmp16:
0x1cf: {  	_ = 	snop;
	(pc) =	sbr.rel .LBB2_22-.Ltmp16, $4  }
0x1d0: {  	s0 =	simm.s32 $0x1  }
0x1d1: {  	_ =	swait.ge [sflag:s0], $0x2000  }
0x1d2: {  	[sflag:s0] =	ssyncset.done $0x0  }
0x1d3: {  	v6 =	vmov s1;
	s22 =	simm.s32 $0x0;
	[sflag:s0] =	ssyncadd.s32 $0xFFFFE000  }
.LBB2_28:
0x1d4: {  	s22 =	sadd.s32 $0x1, s22  }
0x1d5: {  	p0 =	sne.s32 s22, $0x4  }
.Ltmp17:
0x1d6: {  	_ = 	snop;
	(pc) =	sbr.rel @!p0 .LBB2_29-.Ltmp17, $1  }
0x1d7: {  	_ =	sdelay $0x3  }
.LBB2_22:
0x1d8: {  	s0 =	sshll.u32 s22, $0x4  }
0x1d9: {  	v7 =	vld [tilespmem:s0+$0xEB80];
	_ =	sdelay $0x1  }
0x1da: {  	s1 =	simm.s32 $0x0  }
0x1db: {  	s23 =	simm.s32 $0x1;
	v10 =	vor.u32 s0, v2;
	v9 =	vadd.s32 s1, v2  }
0x1dc: {  	v12 =	vadd.s32 s23, v2;
	v8 =	vshll.u32 v10, $0x7;
	v11 =	vand.u32 $0x7F, v9  }
0x1dd: {  	v12 =	vand.u32 $0x7F, v12;
	v13 =	vor.u32 v8, v11;
	v7 =	vsub.s32 v7, v0  }
0x1de: {  	s24 =	simm.s32 $0x2;
	v15 =	vor.u32 v8, v12;
	v9 =	vshll.u32 v7, $0x7  }
0x1df: {  	v14 =	vadd.s32 s24, v2;
	v11 =	vor.u32 v9, v11  }
0x1e0: {  	s25 =	simm.s32 $0x3;
	v14 =	vand.u32 $0x7F, v14;
	v12 =	vor.u32 v9, v12  }
0x1e1: {  	v16 =	vadd.s32 s25, v2;
	v17 =	vor.u32 v8, v14  }
0x1e2: {  	s26 =	simm.s32 $0x4;
	v16 =	vand.u32 $0x7F, v16;
	v13 =	vld.idx.msk [tilespmem:v13+s18+$0x0], $0xffff;
	v14 =	vor.u32 v9, v14  }
0x1e3: {  	v18 =	vadd.s32 s26, v2;
	v21 =	vld.idx.msk [tilespmem:v15+s18+$0x0], $0xffff;
	v15 =	vor.u32 v9, v16  }
0x1e4: {  	s28 =	simm.s32 $0x5;
	v19 =	vld.idx.msk [tilespmem:v11+s11+$0x0], $0xffff;
	v11 =	vor.u32 v8, v16;
	v16 =	vand.u32 $0x7F, v18  }
0x1e5: {  	v20 =	vadd.s32 s28, v2;
	v25 =	vld.idx.msk [tilespmem:v12+s11+$0x0], $0xffff;
	v18 =	vor.u32 v8, v16  }
0x1e6: {  	s29 =	simm.s32 $0x6;
	v12 =	vld.idx.msk [tilespmem:v17+s18+$0x0], $0xffff;
	v17 =	vor.u32 v9, v16;
	v16 =	vand.u32 $0x7F, v20  }
0x1e7: {  	v22 =	vadd.s32 s29, v2;
	v14 =	vld.idx.msk [tilespmem:v14+s11+$0x0], $0xffff;
	v20 =	vor.u32 v8, v16  }
0x1e8: {  	v24 =	vimm.f32 $0.0e+00;
	s30 =	simm.s32 $0x7;
	v23 =	vand.u32 $0x7F, v22;
	v15 =	vld.idx.msk [tilespmem:v15+s11+$0x0], $0xffff;
	v16 =	vor.u32 v9, v16  }
0x1e9: {  	s31 =	simm.s32 $0x8;
	v26 =	vadd.s32 s30, v2;
	v11 =	vld.idx.msk [tilespmem:v11+s18+$0x0], $0xffff;
	v27 =	vmul.f32 v19, v13;
	v19 =	vor.u32 v8, v23  }
0x1ea: {  	v22 =	vadd.s32 s31, v2;
	v13 =	vld.idx.msk [tilespmem:v18+s18+$0x0], $0xffff;
	v18 =	vor.u32 v9, v23;
	v23 =	vand.u32 $0x7F, v26  }
0x1eb: {  	s20 =	simm.s32 $0x9;
	s0 =	simm.s32 $0xF;
	s1 =	simm.s32 $0x17;
	v25 =	vmul.f32 v25, v21;
	v17 =	vld.idx.msk [tilespmem:v17+s11+$0x0], $0xffff;
	v24 =	vadd.f32 v27, v24;
	v21 =	vor.u32 v8, v23  }
.LBB2_23:
0x1ec: {  	p0 =	sne.s32 s1, $0x7F;
	v22 =	vand.u32 $0x7F, v22;
	v26 =	vadd.s32 s20, v2;
	v20 =	vld.idx.msk [tilespmem:v20+s18+$0x0], $0xffff;
	v23 =	vor.u32 v9, v23  }
0x1ed: {  	s20 =	sadd.s32 $0xFFFFFFFB, s0;
	v12 =	vmul.f32 v14, v12;
	v27 =	vor.u32 v8, v22;
	v24 =	vadd.f32 v25, v24;
	v14 =	vld.idx.msk [tilespmem:v16+s11+$0x0], $0xffff  }
0x1ee: {  	v16 =	vor.u32 v9, v22;
	v22 =	vand.u32 $0x7F, v26;
	v25 =	vadd.s32 s20, v2;
	v19 =	vld.idx.msk [tilespmem:v19+s18+$0x0], $0xffff  }
0x1ef: {  	s20 =	sadd.s32 $0xFFFFFFFC, s0;
	v26 =	vor.u32 v8, v22;
	v11 =	vmul.f32 v15, v11;
	v12 =	vadd.f32 v12, v24;
	v15 =	vld.idx.msk [tilespmem:v18+s11+$0x0], $0xffff  }
0x1f0: {  	v18 =	vor.u32 v9, v22;
	v22 =	vand.u32 $0x7F, v25;
	v24 =	vadd.s32 s20, v2;
	v21 =	vld.idx.msk [tilespmem:v21+s18+$0x0], $0xffff  }
0x1f1: {  	s20 =	sadd.s32 $0xFFFFFFFD, s0;
	v25 =	vor.u32 v8, v22;
	v11 =	vadd.f32 v11, v12;
	v12 =	vmul.f32 v17, v13;
	v13 =	vld.idx.msk [tilespmem:v23+s11+$0x0], $0xffff  }
0x1f2: {  	v22 =	vor.u32 v9, v22;
	v23 =	vand.u32 $0x7F, v24;
	v24 =	vadd.s32 s20, v2;
	v17 =	vld.idx.msk [tilespmem:v27+s18+$0x0], $0xffff  }
0x1f3: {  	s20 =	sadd.s32 $0xFFFFFFFE, s0;
	v27 =	vld.idx.msk [tilespmem:v16+s11+$0x0], $0xffff;
	v16 =	vor.u32 v8, v23;
	v11 =	vadd.f32 v12, v11;
	v12 =	vmul.f32 v14, v20  }
0x1f4: {  	v23 =	vor.u32 v9, v23;
	v14 =	vand.u32 $0x7F, v24;
	v20 =	vadd.s32 s20, v2;
	v26 =	vld.idx.msk [tilespmem:v26+s18+$0x0], $0xffff  }
0x1f5: {  	s20 =	sadd.s32 $0xFFFFFFFF, s0;
	v15 =	vmul.f32 v15, v19;
	v28 =	vld.idx.msk [tilespmem:v18+s11+$0x0], $0xffff;
	v18 =	vor.u32 v8, v14;
	v11 =	vadd.f32 v12, v11  }
0x1f6: {  	v29 =	vor.u32 v9, v14;
	v19 =	vand.u32 $0x7F, v20;
	v24 =	vadd.s32 s20, v2;
	v12 =	vld.idx.msk [tilespmem:v25+s18+$0x0], $0xffff  }
.Ltmp18:
0x1f7: {  	v20 =	vor.u32 v8, v19;
	v13 =	vmul.f32 v13, v21;
	v14 =	vld.idx.msk [tilespmem:v22+s11+$0x0], $0xffff;
	v22 =	vadd.f32 v15, v11;
	(pc) =	sbr.rel @p0 .LBB2_23-.Ltmp18, $4  }
0x1f8: {  	v21 =	vand.u32 $0x7F, v24;
	v24 =	vadd.s32 s0, v2;
	s0 =	smov.u32 s1;
	v11 =	vld.idx.msk [tilespmem:v16+s18+$0x0], $0xffff;
	v16 =	vor.u32 v9, v19  }
0x1f9: {  	s20 =	sadd.s32 $0xFFFFFFF9, s1;
	v17 =	vmul.f32 v27, v17;
	v19 =	vor.u32 v8, v21;
	v15 =	vld.idx.msk [tilespmem:v23+s11+$0x0], $0xffff;
	v25 =	vadd.f32 v13, v22  }
0x1fa: {  	v22 =	vadd.s32 s20, v2;
	v23 =	vand.u32 $0x7F, v24;
	v13 =	vld.idx.msk [tilespmem:v18+s18+$0x0], $0xffff;
	v18 =	vor.u32 v9, v21  }
0x1fb: {  	s1 =	sadd.s32 $0x8, s1;
	s20 =	sadd.s32 $0xFFFFFFFA, s0;
	v21 =	vor.u32 v8, v23;
	v24 =	vadd.f32 v17, v25;
	v25 =	vmul.f32 v28, v26;
	v17 =	vld.idx.msk [tilespmem:v29+s11+$0x0], $0xffff  }
0x1fc: {  	_ =	sdelay $0x2  }
0x1fd: {  	v22 =	vand.u32 $0x7F, v22;
	v23 =	vor.u32 v9, v23  }
0x1fe: {  	v20 =	vld.idx.msk [tilespmem:v20+s18+$0x0], $0xffff;
	v12 =	vmul.f32 v14, v12;
	v36 =	vadd.s32 s20, v2;
	v24 =	vadd.f32 v25, v24  }
0x1ff: {  	v16 =	vld.idx.msk [tilespmem:v16+s11+$0x0], $0xffff;
	s1 =	sadd.s32 $0xFFFFFFFB, s0;
	v37 =	vor.u32 v8, v22;
	v22 =	vor.u32 v9, v22;
	v14 =	vand.u32 $0x7F, v36  }
0x200: {  	v19 =	vld.idx.msk [tilespmem:v19+s18+$0x0], $0xffff;
	s26 =	sadd.s32 $0xFFFFFFFC, s0;
	v38 =	vadd.s32 s1, v2;
	v11 =	vmul.f32 v15, v11;
	v12 =	vadd.f32 v12, v24  }
0x201: {  	v18 =	vld.idx.msk [tilespmem:v18+s11+$0x0], $0xffff;
	v41 =	vadd.s32 s26, v2;
	v39 =	vor.u32 v8, v14;
	v14 =	vor.u32 v9, v14  }
0x202: {  	v21 =	vld.idx.msk [tilespmem:v21+s18+$0x0], $0xffff;
	s28 =	sadd.s32 $0xFFFFFFFD, s0;
	v15 =	vand.u32 $0x7F, v38;
	v40 =	vmul.f32 v17, v13;
	v11 =	vadd.f32 v11, v12  }
0x203: {  	v44 =	vadd.s32 s28, v2;
	v42 =	vor.u32 v8, v15;
	v15 =	vor.u32 v9, v15;
	v23 =	vld.idx.msk [tilespmem:v23+s11+$0x0], $0xffff  }
0x204: {  	s29 =	sadd.s32 $0xFFFFFFFE, s0;
	v13 =	vand.u32 $0x7F, v41;
	v43 =	vmul.f32 v16, v20;
	v25 =	vld.idx.msk [tilespmem:v37+s18+$0x0], $0xffff;
	v11 =	vadd.f32 v40, v11  }
0x205: {  	v48 =	vadd.s32 s29, v2;
	v46 =	vor.u32 v8, v13;
	v13 =	vor.u32 v9, v13;
	v45 =	vld.idx.msk [tilespmem:v22+s11+$0x0], $0xffff  }
0x206: {  	v16 =	vand.u32 $0x7F, v44;
	v47 =	vmul.f32 v18, v19;
	v24 =	vld.idx.msk [tilespmem:v39+s18+$0x0], $0xffff;
	v11 =	vadd.f32 v43, v11  }
0x207: {  	v53 =	vadd.s32 s0, v2;
	v18 =	vand.u32 $0x7F, v48;
	v49 =	vor.u32 v8, v16;
	v14 =	vld.idx.msk [tilespmem:v14+s11+$0x0], $0xffff  }
0x208: {  	s30 =	sadd.s32 $0xFFFFFFFF, s0;
	v16 =	vor.u32 v9, v16;
	v17 =	vld.idx.msk [tilespmem:v42+s18+$0x0], $0xffff;
	v50 =	vmul.f32 v23, v21;
	v11 =	vadd.f32 v47, v11  }
0x209: {  	v51 =	vadd.s32 s30, v2;
	v52 =	vor.u32 v8, v18;
	v18 =	vor.u32 v9, v18;
	v15 =	vld.idx.msk [tilespmem:v15+s11+$0x0], $0xffff  }
0x20a: {  	v22 =	vld.idx.msk [tilespmem:v46+s18+$0x0], $0xffff;
	v21 =	vand.u32 $0x7F, v51;
	v20 =	vmul.f32 v45, v25;
	v11 =	vadd.f32 v50, v11  }
0x20b: {  	v12 =	vand.u32 $0x7F, v53;
	v13 =	vld.idx.msk [tilespmem:v13+s11+$0x0], $0xffff;
	v54 =	vor.u32 v8, v21  }
0x20c: {  	v21 =	vor.u32 v9, v21;
	v19 =	vld.idx.msk [tilespmem:v49+s18+$0x0], $0xffff;
	v14 =	vmul.f32 v14, v24;
	v11 =	vadd.f32 v20, v11  }
0x20d: {  	v55 =	vor.u32 v8, v12;
	v16 =	vld.idx.msk [tilespmem:v16+s11+$0x0], $0xffff  }
0x20e: {  	v12 =	vor.u32 v9, v12;
	v23 =	vld.idx.msk [tilespmem:v52+s18+$0x0], $0xffff;
	v56 =	vmul.f32 v15, v17;
	v11 =	vadd.f32 v14, v11  }
0x20f: {  	v57 =	vld.idx.msk [tilespmem:v18+s11+$0x0], $0xffff  }
0x210: {  	v13 =	vmul.f32 v13, v22;
	v58 =	vld.idx.msk [tilespmem:v54+s18+$0x0], $0xffff;
	v11 =	vadd.f32 v56, v11  }
0x211: {  	v59 =	vld.idx.msk [tilespmem:v21+s11+$0x0], $0xffff  }
0x212: {  	v60 =	vld.idx.msk [tilespmem:v55+s18+$0x0], $0xffff;
	v61 =	vmul.f32 v16, v19;
	v11 =	vadd.f32 v13, v11  }
0x213: {  	v12 =	vld.idx.msk [tilespmem:v12+s11+$0x0], $0xffff  }
0x214: {  	v62 =	vmul.f32 v57, v23;
	v11 =	vadd.f32 v61, v11;
	_ =	sdelay $0x1  }
0x215: {  	v63 =	vmul.f32 v59, v58;
	v11 =	vadd.f32 v62, v11;
	_ =	sdelay $0x1  }
0x216: {  	v12 =	vmul.f32 v12, v60;
	v11 =	vadd.f32 v63, v11  }
0x217: {  	vm0 =	vlt.u32 v10, v6  }
0x218: {  	v10 =	vadd.f32 v12, v11;
	v11 =	vmpcnt.ones.xlane vm0;
	_ =	sdelay $0x1  }
0x219: {  	v11 =	vxor.u32 $0x80000000, v11  }
0x21a: {  	v10 =	vsub.f32 $0.0e+00, v10;
	(xrf0) =	vmax.scan.msk.u32 $0xffff, v11;
	_ =	sdelay $0x1  }
0x21b: {  	v10 =	vmul.f32 $1.442695020e+00, v10;
	_ =	sdelay $0x3  }
0x21c: {  	(erf) = vpow2.f32 v10;
	v10, _, _ =	vpop (xrf0)  }
0x21d: {  	(v2sf) =	vpush v10, $0xF;
	_ =	sdelay $0x8  }
0x21e: {  	v10 =	vpop (erf)  }
0x21f: {  	v10 =	vadd.f32 $1.000000000e+00, v10;
	_ =	sdelay $0x1  }
0x220: {  	(erf) = vrcp.f32 v10;
	_ =	sdelay $0x2  }
0x221: {  	s31 =	spop (v2sf)  }
0x222: {  	p0 =	slt.u32 s31, $0x80000001  }
.Ltmp19:
0x223: {  	_ = 	snop;
	(pc) =	sbr.rel @p0 .LBB2_28-.Ltmp19, $2  }
0x224: {  	_ =	sdelay $0x2  }
0x225: {  	v10 =	vpop (erf)  }
.LBB2_25:
0x226: {  	_ =	sdelay $0x4  }
0x227: {  	[tilespmem:v7+s19+$0x0] =	vst.idx.msk vm0, v2  }
0x228: {  	v11 =	vld.idx.msk [tilespmem:v7+s19+$0x0], vm0;
	_ =	sdelay $0x1  }
0x229: {  	s0 =	simm.s32 $0x0  }
0x22a: {  	v12 =	vadd.s32 s0, v2  }
0x22b: {  	v12 =	vand.u32 $0x7F, v12  }
0x22c: {  	vm1 =	veq.s32 v11, v2;
	v11 =	vor.u32 v8, v12  }
0x22d: {  	vm1 =	vmand vm0, vm1  }
0x22e: {  	v12 =	vor.u32 v9, v12;
	_ =	sdelay $0x2  }
0x22f: {  	v11 =	vld.idx.msk [tilespmem:v11+s18+$0x0], $0xffff  }
0x230: {  	s23 =	simm.s32 $0x1  }
0x231: {  	v14 =	vadd.s32 s23, v2;
	v13 =	vld.idx.msk [tilespmem:v12+s3+$0x0], vm1  }
0x232: {  	v14 =	vand.u32 $0x7F, v14  }
0x233: {  	v15 =	vor.u32 v8, v14  }
0x234: {  	v11 =	vmul.f32 v11, v10  }
0x235: {  	v14 =	vor.u32 v9, v14  }
0x236: {  	v11 =	vmax.f32 v13, v11  }
0x237: {  	[tilespmem:v12+s3+$0x0] =	vst.idx.msk vm1, v11  }
0x238: {  	v11 =	vld.idx.msk [tilespmem:v15+s18+$0x0], $0xffff  }
0x239: {  	s24 =	simm.s32 $0x2  }
0x23a: {  	v13 =	vadd.s32 s24, v2;
	v12 =	vld.idx.msk [tilespmem:v14+s3+$0x0], vm1  }
0x23b: {  	v13 =	vand.u32 $0x7F, v13  }
0x23c: {  	v15 =	vor.u32 v8, v13  }
0x23d: {  	v11 =	vmul.f32 v11, v10  }
0x23e: {  	v13 =	vor.u32 v9, v13  }
0x23f: {  	v11 =	vmax.f32 v12, v11  }
0x240: {  	[tilespmem:v14+s3+$0x0] =	vst.idx.msk vm1, v11  }
0x241: {  	v11 =	vld.idx.msk [tilespmem:v15+s18+$0x0], $0xffff  }
0x242: {  	s25 =	simm.s32 $0x3  }
0x243: {  	v14 =	vadd.s32 s25, v2;
	v12 =	vld.idx.msk [tilespmem:v13+s3+$0x0], vm1  }
0x244: {  	v14 =	vand.u32 $0x7F, v14  }
0x245: {  	v15 =	vor.u32 v8, v14  }
0x246: {  	v11 =	vmul.f32 v11, v10  }
0x247: {  	v14 =	vor.u32 v9, v14  }
0x248: {  	v11 =	vmax.f32 v12, v11  }
0x249: {  	[tilespmem:v13+s3+$0x0] =	vst.idx.msk vm1, v11  }
0x24a: {  	v11 =	vld.idx.msk [tilespmem:v15+s18+$0x0], $0xffff  }
0x24b: {  	s26 =	simm.s32 $0x4  }
0x24c: {  	v13 =	vadd.s32 s26, v2;
	v12 =	vld.idx.msk [tilespmem:v14+s3+$0x0], vm1  }
0x24d: {  	v13 =	vand.u32 $0x7F, v13  }
0x24e: {  	v15 =	vor.u32 v8, v13  }
0x24f: {  	v11 =	vmul.f32 v11, v10  }
0x250: {  	v13 =	vor.u32 v9, v13  }
0x251: {  	v11 =	vmax.f32 v12, v11  }
0x252: {  	[tilespmem:v14+s3+$0x0] =	vst.idx.msk vm1, v11  }
0x253: {  	v11 =	vld.idx.msk [tilespmem:v15+s18+$0x0], $0xffff  }
0x254: {  	s28 =	simm.s32 $0x5  }
0x255: {  	v14 =	vadd.s32 s28, v2;
	v12 =	vld.idx.msk [tilespmem:v13+s3+$0x0], vm1  }
0x256: {  	v14 =	vand.u32 $0x7F, v14  }
0x257: {  	v15 =	vor.u32 v8, v14  }
0x258: {  	v11 =	vmul.f32 v11, v10  }
0x259: {  	v14 =	vor.u32 v9, v14  }
0x25a: {  	v11 =	vmax.f32 v12, v11  }
0x25b: {  	[tilespmem:v13+s3+$0x0] =	vst.idx.msk vm1, v11  }
0x25c: {  	v11 =	vld.idx.msk [tilespmem:v15+s18+$0x0], $0xffff  }
0x25d: {  	s29 =	simm.s32 $0x6  }
0x25e: {  	v13 =	vadd.s32 s29, v2;
	v12 =	vld.idx.msk [tilespmem:v14+s3+$0x0], vm1  }
0x25f: {  	v13 =	vand.u32 $0x7F, v13  }
0x260: {  	v15 =	vor.u32 v8, v13  }
0x261: {  	v11 =	vmul.f32 v11, v10  }
0x262: {  	v13 =	vor.u32 v9, v13  }
0x263: {  	v11 =	vmax.f32 v12, v11  }
0x264: {  	[tilespmem:v14+s3+$0x0] =	vst.idx.msk vm1, v11  }
0x265: {  	v11 =	vld.idx.msk [tilespmem:v15+s18+$0x0], $0xffff  }
0x266: {  	s30 =	simm.s32 $0x7  }
0x267: {  	v14 =	vadd.s32 s30, v2;
	v12 =	vld.idx.msk [tilespmem:v13+s3+$0x0], vm1  }
0x268: {  	v14 =	vand.u32 $0x7F, v14  }
0x269: {  	v15 =	vor.u32 v8, v14  }
0x26a: {  	v16 =	vmul.f32 v11, v10;
	_ =	sdelay $0x1  }
0x26b: {  	v12 =	vmax.f32 v12, v16  }
0x26c: {  	v11 =	vor.u32 v9, v14;
	[tilespmem:v13+s3+$0x0] =	vst.idx.msk vm1, v12  }
0x26d: {  	v12 =	vld.idx.msk [tilespmem:v15+s18+$0x0], $0xffff;
	_ =	sdelay $0x2  }
0x26e: {  	s31 =	simm.s32 $0x8  }
0x26f: {  	v13 =	vadd.s32 s31, v2;
	v14 =	vld.idx.msk [tilespmem:v11+s3+$0x0], vm1  }
0x270: {  	v15 =	vmul.f32 v12, v10;
	v12 =	vand.u32 $0x7F, v13  }
0x271: {  	v13 =	vor.u32 v8, v12;
	_ =	sdelay $0x1  }
0x272: {  	v12 =	vor.u32 v9, v12  }
0x273: {  	s23 =	simm.s32 $0xF;
	s0 =	simm.s32 $0x17;
	v14 =	vmax.f32 v14, v15  }
.LBB2_26:
0x274: {  	p0 =	sne.s32 s0, $0x7F;
	[tilespmem:v11+s3+$0x0] =	vst.idx.msk vm1, v14;
	s1 =	smov.u32 s0;
	s0 =	sadd.s32 $0x8, s0  }
0x275: {  	v11 =	vld.idx.msk [tilespmem:v13+s18+$0x0], $0xffff;
	_ =	sdelay $0x1  }
0x276: {  	s20 =	sadd.s32 $0xFFFFFFFA, s23;
	v13 =	vld.idx.msk [tilespmem:v12+s3+$0x0], vm1  }
0x277: {  	v14 =	vadd.s32 s20, v2  }
0x278: {  	v14 =	vand.u32 $0x7F, v14  }
0x279: {  	v15 =	vor.u32 v8, v14  }
0x27a: {  	v11 =	vmul.f32 v11, v10  }
0x27b: {  	v14 =	vor.u32 v9, v14  }
0x27c: {  	v11 =	vmax.f32 v13, v11  }
0x27d: {  	[tilespmem:v12+s3+$0x0] =	vst.idx.msk vm1, v11  }
0x27e: {  	v11 =	vld.idx.msk [tilespmem:v15+s18+$0x0], $0xffff;
	_ =	sdelay $0x1  }
0x27f: {  	s20 =	sadd.s32 $0xFFFFFFFB, s23;
	v12 =	vld.idx.msk [tilespmem:v14+s3+$0x0], vm1  }
0x280: {  	v13 =	vadd.s32 s20, v2  }
0x281: {  	v13 =	vand.u32 $0x7F, v13  }
0x282: {  	v15 =	vor.u32 v8, v13  }
0x283: {  	v11 =	vmul.f32 v11, v10  }
0x284: {  	v13 =	vor.u32 v9, v13  }
0x285: {  	v11 =	vmax.f32 v12, v11  }
0x286: {  	[tilespmem:v14+s3+$0x0] =	vst.idx.msk vm1, v11  }
0x287: {  	v11 =	vld.idx.msk [tilespmem:v15+s18+$0x0], $0xffff;
	_ =	sdelay $0x1  }
0x288: {  	s20 =	sadd.s32 $0xFFFFFFFC, s23;
	v12 =	vld.idx.msk [tilespmem:v13+s3+$0x0], vm1  }
0x289: {  	v14 =	vadd.s32 s20, v2  }
0x28a: {  	v14 =	vand.u32 $0x7F, v14  }
0x28b: {  	v15 =	vor.u32 v8, v14  }
0x28c: {  	v11 =	vmul.f32 v11, v10  }
0x28d: {  	v14 =	vor.u32 v9, v14  }
0x28e: {  	v11 =	vmax.f32 v12, v11  }
0x28f: {  	[tilespmem:v13+s3+$0x0] =	vst.idx.msk vm1, v11  }
0x290: {  	v11 =	vld.idx.msk [tilespmem:v15+s18+$0x0], $0xffff;
	_ =	sdelay $0x1  }
0x291: {  	s20 =	sadd.s32 $0xFFFFFFFD, s23;
	v12 =	vld.idx.msk [tilespmem:v14+s3+$0x0], vm1  }
0x292: {  	v13 =	vadd.s32 s20, v2  }
0x293: {  	v13 =	vand.u32 $0x7F, v13  }
0x294: {  	v15 =	vor.u32 v8, v13  }
0x295: {  	v11 =	vmul.f32 v11, v10  }
0x296: {  	v13 =	vor.u32 v9, v13  }
0x297: {  	v11 =	vmax.f32 v12, v11  }
0x298: {  	[tilespmem:v14+s3+$0x0] =	vst.idx.msk vm1, v11  }
0x299: {  	v11 =	vld.idx.msk [tilespmem:v15+s18+$0x0], $0xffff;
	_ =	sdelay $0x1  }
0x29a: {  	s20 =	sadd.s32 $0xFFFFFFFE, s23;
	v12 =	vld.idx.msk [tilespmem:v13+s3+$0x0], vm1  }
0x29b: {  	v14 =	vadd.s32 s20, v2  }
0x29c: {  	v14 =	vand.u32 $0x7F, v14  }
0x29d: {  	v15 =	vor.u32 v8, v14  }
0x29e: {  	v14 =	vor.u32 v9, v14;
	v11 =	vmul.f32 v11, v10;
	_ =	sdelay $0x1  }
0x29f: {  	v11 =	vmax.f32 v12, v11  }
0x2a0: {  	[tilespmem:v13+s3+$0x0] =	vst.idx.msk vm1, v11  }
0x2a1: {  	v11 =	vld.idx.msk [tilespmem:v15+s18+$0x0], $0xffff  }
0x2a2: {  	v12 =	vld.idx.msk [tilespmem:v14+s3+$0x0], vm1  }
0x2a3: {  	s20 =	sadd.s32 $0xFFFFFFFF, s23  }
0x2a4: {  	v13 =	vadd.s32 s20, v2  }
0x2a5: {  	v13 =	vand.u32 $0x7F, v13  }
0x2a6: {  	v15 =	vor.u32 v8, v13  }
0x2a7: {  	v13 =	vor.u32 v9, v13;
	v11 =	vmul.f32 v11, v10;
	_ =	sdelay $0x1  }
0x2a8: {  	v11 =	vmax.f32 v12, v11  }
0x2a9: {  	[tilespmem:v14+s3+$0x0] =	vst.idx.msk vm1, v11  }
0x2aa: {  	v11 =	vld.idx.msk [tilespmem:v15+s18+$0x0], $0xffff  }
0x2ab: {  	v12 =	vld.idx.msk [tilespmem:v13+s3+$0x0], vm1;
	_ =	sdelay $0x1  }
0x2ac: {  	v14 =	vadd.s32 s23, v2;
	s23 =	smov.u32 s1  }
0x2ad: {  	v14 =	vand.u32 $0x7F, v14  }
0x2ae: {  	v15 =	vor.u32 v8, v14  }
0x2af: {  	v16 =	vmul.f32 v11, v10;
	v11 =	vor.u32 v9, v14;
	_ =	sdelay $0x1  }
0x2b0: {  	v12 =	vmax.f32 v12, v16  }
0x2b1: {  	[tilespmem:v13+s3+$0x0] =	vst.idx.msk vm1, v12  }
0x2b2: {  	v12 =	vld.idx.msk [tilespmem:v15+s18+$0x0], $0xffff  }
0x2b3: {  	v14 =	vld.idx.msk [tilespmem:v11+s3+$0x0], vm1  }
0x2b4: {  	s1 =	sadd.s32 $0xFFFFFFF9, s23  }
0x2b5: {  	v13 =	vadd.s32 s1, v2  }
.Ltmp20:
0x2b6: {  	v15 =	vand.u32 $0x7F, v13;
	(pc) =	sbr.rel @p0 .LBB2_26-.Ltmp20, $4  }
0x2b7: {  	v13 =	vor.u32 v8, v15  }
0x2b8: {  	v16 =	vmul.f32 v12, v10  }
0x2b9: {  	v12 =	vor.u32 v9, v15  }
0x2ba: {  	v14 =	vmax.f32 v14, v16  }
0x2bb: {  	_ =	sdelay $0x4  }
0x2bc: {  	[tilespmem:v11+s3+$0x0] =	vst.idx.msk vm1, v14  }
0x2bd: {  	v11 =	vld.idx.msk [tilespmem:v13+s18+$0x0], $0xffff  }
0x2be: {  	s0 =	sadd.s32 $0xFFFFFFFA, s23  }
0x2bf: {  	v44 =	vld.idx.msk [tilespmem:v12+s3+$0x0], vm1;
	v45 =	vadd.s32 s0, v2  }
0x2c0: {  	v14 =	vand.u32 $0x7F, v45  }
0x2c1: {  	v15 =	vor.u32 v8, v14  }
0x2c2: {  	v11 =	vmul.f32 v11, v10  }
0x2c3: {  	v14 =	vor.u32 v9, v14  }
0x2c4: {  	v11 =	vmax.f32 v44, v11  }
0x2c5: {  	[tilespmem:v12+s3+$0x0] =	vst.idx.msk vm1, v11  }
0x2c6: {  	v11 =	vld.idx.msk [tilespmem:v15+s18+$0x0], $0xffff  }
0x2c7: {  	s25 =	sadd.s32 $0xFFFFFFFB, s23  }
0x2c8: {  	v46 =	vadd.s32 s25, v2;
	v12 =	vld.idx.msk [tilespmem:v14+s3+$0x0], vm1  }
0x2c9: {  	v13 =	vand.u32 $0x7F, v46  }
0x2ca: {  	v47 =	vor.u32 v8, v13  }
0x2cb: {  	v11 =	vmul.f32 v11, v10  }
0x2cc: {  	v13 =	vor.u32 v9, v13  }
0x2cd: {  	v11 =	vmax.f32 v12, v11  }
0x2ce: {  	[tilespmem:v14+s3+$0x0] =	vst.idx.msk vm1, v11  }
0x2cf: {  	v11 =	vld.idx.msk [tilespmem:v47+s18+$0x0], $0xffff  }
0x2d0: {  	s26 =	sadd.s32 $0xFFFFFFFC, s23  }
0x2d1: {  	v49 =	vadd.s32 s26, v2;
	v48 =	vld.idx.msk [tilespmem:v13+s3+$0x0], vm1  }
0x2d2: {  	v14 =	vand.u32 $0x7F, v49  }
0x2d3: {  	v50 =	vor.u32 v8, v14  }
0x2d4: {  	v11 =	vmul.f32 v11, v10  }
0x2d5: {  	v14 =	vor.u32 v9, v14  }
0x2d6: {  	v11 =	vmax.f32 v48, v11  }
0x2d7: {  	[tilespmem:v13+s3+$0x0] =	vst.idx.msk vm1, v11  }
0x2d8: {  	v11 =	vld.idx.msk [tilespmem:v50+s18+$0x0], $0xffff  }
0x2d9: {  	s28 =	sadd.s32 $0xFFFFFFFD, s23  }
0x2da: {  	v52 =	vadd.s32 s28, v2;
	v51 =	vld.idx.msk [tilespmem:v14+s3+$0x0], vm1  }
0x2db: {  	v13 =	vand.u32 $0x7F, v52  }
0x2dc: {  	v53 =	vor.u32 v8, v13  }
0x2dd: {  	v11 =	vmul.f32 v11, v10  }
0x2de: {  	v13 =	vor.u32 v9, v13  }
0x2df: {  	v11 =	vmax.f32 v51, v11  }
0x2e0: {  	[tilespmem:v14+s3+$0x0] =	vst.idx.msk vm1, v11  }
0x2e1: {  	v11 =	vld.idx.msk [tilespmem:v53+s18+$0x0], $0xffff;
	_ =	sdelay $0x1  }
0x2e2: {  	v54 =	vld.idx.msk [tilespmem:v13+s3+$0x0], vm1;
	_ =	sdelay $0x2  }
0x2e3: {  	s29 =	sadd.s32 $0xFFFFFFFE, s23;
	v11 =	vmul.f32 v11, v10  }
0x2e4: {  	v55 =	vadd.s32 s29, v2  }
0x2e5: {  	vm0 =	vmxor vm0, vm1;
	v14 =	vand.u32 $0x7F, v55;
	v11 =	vmax.f32 v54, v11  }
0x2e6: {  	v56 =	vor.u32 v8, v14;
	[tilespmem:v13+s3+$0x0] =	vst.idx.msk vm1, v11;
	v11 =	vmpcnt.ones.xlane vm0;
	_ =	sdelay $0x1  }
0x2e7: {  	v14 =	vor.u32 v9, v14;
	v11 =	vxor.u32 $0x80000000, v11  }
0x2e8: {  	(xrf0) =	vmax.scan.msk.u32 $0xffff, v11;
	_ =	sdelay $0x1  }
0x2e9: {  	v57 =	vld.idx.msk [tilespmem:v56+s18+$0x0], $0xffff  }
0x2ea: {  	s30 =	sadd.s32 $0xFFFFFFFF, s23  }
0x2eb: {  	v58 =	vadd.s32 s30, v2;
	v13 =	vld.idx.msk [tilespmem:v14+s3+$0x0], vm1  }
0x2ec: {  	v11 =	vand.u32 $0x7F, v58  }
0x2ed: {  	v15 =	vor.u32 v8, v11;
	v59, _, _ =	vpop (xrf0)  }
0x2ee: {  	v12 =	vmul.f32 v57, v10;
	(v2sf) =	vpush v59, $0xF  }
0x2ef: {  	v11 =	vor.u32 v9, v11  }
0x2f0: {  	v12 =	vmax.f32 v13, v12  }
0x2f1: {  	[tilespmem:v14+s3+$0x0] =	vst.idx.msk vm1, v12  }
0x2f2: {  	v60 =	vld.idx.msk [tilespmem:v15+s18+$0x0], $0xffff;
	_ =	sdelay $0x1  }
0x2f3: {  	v62 =	vadd.s32 s23, v2;
	v61 =	vld.idx.msk [tilespmem:v11+s3+$0x0], vm1  }
0x2f4: {  	v14 =	vand.u32 $0x7F, v62  }
0x2f5: {  	v63 =	vor.u32 v8, v14  }
0x2f6: {  	v13 =	vmul.f32 v60, v10  }
0x2f7: {  	v14 =	vor.u32 v9, v14  }
0x2f8: {  	v12 =	vmax.f32 v61, v13  }
0x2f9: {  	[tilespmem:v11+s3+$0x0] =	vst.idx.msk vm1, v12  }
0x2fa: {  	v11 =	vld.idx.msk [tilespmem:v63+s18+$0x0], $0xffff;
	_ =	sdelay $0x1  }
0x2fb: {  	v12 =	vld.idx.msk [tilespmem:v14+s3+$0x0], vm1;
	s31 =	spop (v2sf)  }
0x2fc: {  	p0 =	sgt.u32 s31, $0x80000000  }
.Ltmp21:
0x2fd: {  	_ = 	snop;
	(pc) =	sbr.rel @p0 .LBB2_25-.Ltmp21, $4  }
.Ltmp22:
0x2fe: {  	v11 =	vmul.f32 v11, v10;
	(pc) =	sbr.rel @!p0 .LBB2_28-.Ltmp22, $4  }
0x2ff: {  	_ = 	snop  }
0x300: {  	v11 =	vmax.f32 v12, v11  }
0x301: {  	[tilespmem:v14+s3+$0x0] =	vst.idx.msk vm1, v11  }
0x302: {  	_ = 	snop  }
.LBB2_29:
0x303: {  	s22 =	simm.s32 $0x0;
	s23 =	simm.s32 $0x0;
	s24 =	simm.s32 $0x0  }
.LBB2_30:
0x304: {  	s0 =	sshll.u32 s24, $0x6  }
0x305: {  	s0 =	sadd.s32 s5, s0  }
0x306: {  	s25 =	sshll.u32 s0, $0x4  }
0x307: {  	v6 =	vmov s23;
	s0 =	sadd.s32 s6, s25  }
0x308: {  	[tilespmem:s18], [sflag:$0x3] =	stream.linear.gather [hbm4b:s0+s22], $0x2000, $0x38;
	[tilespmem:$0x1E680] =	vst v63  }
0x309: {  	_ =	swait.ge [sflag:s12], $0x2000  }
0x30a: {  	[sflag:s12] =	ssyncset.done $0x0  }
0x30b: {  	s26 =	simm.s32 $0x0;
	s28 =	simm.s32 $0x200;
	[sflag:s12] =	ssyncadd.s32 $0xFFFFE000  }
.LBB2_31:
0x30c: {  	p0 =	sne.s32 s28, $0x7E00;
	v7 =	vld.idx.msk [tilespmem:v6+s26+$0x0 ss:$0x1], $0xffff;
	_ =	sdelay $0x2  }
0x30d: {  	v8 =	vld [tilespmem:s26+$0x10500];
	_ =	sdelay $0x2  }
0x30e: {  	vm0 =	veq.f32 v7, $-Inf  }
0x30f: {  	v7 =	vsel vm0, $0x0, v7  }
0x310: {  	v7 =	vadd.f32 v7, v8;
	_ =	sdelay $0x1  }
0x311: {  	v8 =	vmul.f32 $9.999999770e-03, v7;
	_ =	sdelay $0x1  }
0x312: {  	v7 =	vmax.f32 v7, v8  }
0x313: {  	[tilespmem:s26+$0x10500] =	vst v7  }
0x314: {  	v7 =	vld.idx.msk [tilespmem:v6+s26+$0x10 ss:$0x1], $0xffff;
	_ =	sdelay $0x2  }
0x315: {  	v8 =	vld [tilespmem:s26+$0x10510];
	_ =	sdelay $0x2  }
0x316: {  	vm0 =	veq.f32 v7, $-Inf  }
0x317: {  	v7 =	vsel vm0, $0x0, v7  }
0x318: {  	v7 =	vadd.f32 v7, v8;
	_ =	sdelay $0x1  }
0x319: {  	v8 =	vmul.f32 $9.999999770e-03, v7;
	_ =	sdelay $0x1  }
0x31a: {  	v7 =	vmax.f32 v7, v8  }
0x31b: {  	[tilespmem:s26+$0x10510] =	vst v7  }
0x31c: {  	v7 =	vld.idx.msk [tilespmem:v6+s26+$0x20 ss:$0x1], $0xffff;
	_ =	sdelay $0x2  }
0x31d: {  	v8 =	vld [tilespmem:s26+$0x10520];
	_ =	sdelay $0x2  }
0x31e: {  	vm0 =	veq.f32 v7, $-Inf  }
0x31f: {  	v7 =	vsel vm0, $0x0, v7  }
0x320: {  	v7 =	vadd.f32 v7, v8;
	_ =	sdelay $0x1  }
0x321: {  	v8 =	vmul.f32 $9.999999770e-03, v7;
	_ =	sdelay $0x1  }
0x322: {  	v7 =	vmax.f32 v7, v8  }
0x323: {  	[tilespmem:s26+$0x10520] =	vst v7  }
0x324: {  	v7 =	vld.idx.msk [tilespmem:v6+s26+$0x30 ss:$0x1], $0xffff;
	_ =	sdelay $0x2  }
0x325: {  	v8 =	vld [tilespmem:s26+$0x10530];
	_ =	sdelay $0x2  }
0x326: {  	vm0 =	veq.f32 v7, $-Inf  }
0x327: {  	v7 =	vsel vm0, $0x0, v7  }
0x328: {  	v7 =	vadd.f32 v7, v8;
	_ =	sdelay $0x1  }
0x329: {  	v8 =	vmul.f32 $9.999999770e-03, v7;
	_ =	sdelay $0x1  }
0x32a: {  	v7 =	vmax.f32 v7, v8  }
0x32b: {  	[tilespmem:s26+$0x10530] =	vst v7  }
0x32c: {  	v7 =	vld.idx.msk [tilespmem:v6+s26+$0x40 ss:$0x1], $0xffff;
	_ =	sdelay $0x2  }
0x32d: {  	v8 =	vld [tilespmem:s26+$0x10540];
	_ =	sdelay $0x2  }
0x32e: {  	vm0 =	veq.f32 v7, $-Inf  }
0x32f: {  	v7 =	vsel vm0, $0x0, v7  }
0x330: {  	v7 =	vadd.f32 v7, v8;
	_ =	sdelay $0x1  }
0x331: {  	v8 =	vmul.f32 $9.999999770e-03, v7;
	_ =	sdelay $0x1  }
0x332: {  	v7 =	vmax.f32 v7, v8  }
0x333: {  	[tilespmem:s26+$0x10540] =	vst v7  }
0x334: {  	v7 =	vld.idx.msk [tilespmem:v6+s26+$0x50 ss:$0x1], $0xffff;
	_ =	sdelay $0x2  }
0x335: {  	v8 =	vld [tilespmem:s26+$0x10550];
	_ =	sdelay $0x2  }
0x336: {  	vm0 =	veq.f32 v7, $-Inf  }
0x337: {  	v7 =	vsel vm0, $0x0, v7  }
0x338: {  	v7 =	vadd.f32 v7, v8;
	_ =	sdelay $0x1  }
0x339: {  	v8 =	vmul.f32 $9.999999770e-03, v7;
	_ =	sdelay $0x1  }
0x33a: {  	v7 =	vmax.f32 v7, v8  }
0x33b: {  	[tilespmem:s26+$0x10550] =	vst v7  }
0x33c: {  	v7 =	vld.idx.msk [tilespmem:v6+s26+$0x60 ss:$0x1], $0xffff;
	_ =	sdelay $0x2  }
0x33d: {  	v8 =	vld [tilespmem:s26+$0x10560];
	_ =	sdelay $0x2  }
0x33e: {  	vm0 =	veq.f32 v7, $-Inf  }
0x33f: {  	v7 =	vsel vm0, $0x0, v7  }
0x340: {  	v7 =	vadd.f32 v7, v8;
	_ =	sdelay $0x1  }
0x341: {  	v8 =	vmul.f32 $9.999999770e-03, v7;
	_ =	sdelay $0x1  }
0x342: {  	v7 =	vmax.f32 v7, v8  }
0x343: {  	[tilespmem:s26+$0x10560] =	vst v7  }
0x344: {  	v7 =	vld.idx.msk [tilespmem:v6+s26+$0x70 ss:$0x1], $0xffff;
	_ =	sdelay $0x2  }
0x345: {  	v8 =	vld [tilespmem:s26+$0x10570];
	_ =	sdelay $0x2  }
0x346: {  	vm0 =	veq.f32 v7, $-Inf  }
0x347: {  	v7 =	vsel vm0, $0x0, v7  }
0x348: {  	v7 =	vadd.f32 v7, v8  }
.Ltmp23:
0x349: {  	(pc) =	sbr.rel @p0 .LBB2_31-.Ltmp23, $3  }
0x34a: {  	v8 =	vmul.f32 $9.999999770e-03, v7;
	_ =	sdelay $0x1  }
0x34b: {  	v7 =	vmax.f32 v7, v8  }
0x34c: {  	[tilespmem:s26+$0x10570] =	vst v7;
	s26 =	sshra.s32 s28, $0x2;
	s28 =	sadd.s32 $0x200, s28  }
0x34d: {  	_ =	sdelay $0x3  }
0x34e: {  	v7 =	vld.idx.msk [tilespmem:v6+s26+$0x0 ss:$0x1], $0xffff;
	_ =	sdelay $0x1  }
0x34f: {  	v8 =	vld [tilespmem:s26+$0x10500];
	_ =	sdelay $0x2  }
0x350: {  	vm0 =	veq.f32 v7, $-Inf  }
0x351: {  	v7 =	vsel vm0, $0x0, v7  }
0x352: {  	v7 =	vadd.f32 v7, v8;
	_ =	sdelay $0x1  }
0x353: {  	v8 =	vmul.f32 $9.999999770e-03, v7;
	_ =	sdelay $0x1  }
0x354: {  	v7 =	vmax.f32 v7, v8  }
0x355: {  	[tilespmem:s26+$0x10500] =	vst v7  }
0x356: {  	v7 =	vld.idx.msk [tilespmem:v6+s26+$0x10 ss:$0x1], $0xffff;
	_ =	sdelay $0x1  }
0x357: {  	v58 =	vld [tilespmem:s26+$0x10510];
	_ =	sdelay $0x2  }
0x358: {  	vm9 =	veq.f32 v7, $-Inf  }
0x359: {  	v7 =	vsel vm9, $0x0, v7  }
0x35a: {  	v7 =	vadd.f32 v7, v58;
	_ =	sdelay $0x1  }
0x35b: {  	v8 =	vmul.f32 $9.999999770e-03, v7;
	_ =	sdelay $0x1  }
0x35c: {  	v7 =	vmax.f32 v7, v8  }
0x35d: {  	[tilespmem:s26+$0x10510] =	vst v7  }
0x35e: {  	v7 =	vld.idx.msk [tilespmem:v6+s26+$0x20 ss:$0x1], $0xffff;
	_ =	sdelay $0x1  }
0x35f: {  	v59 =	vld [tilespmem:s26+$0x10520];
	_ =	sdelay $0x2  }
0x360: {  	vm10 =	veq.f32 v7, $-Inf  }
0x361: {  	v7 =	vsel vm10, $0x0, v7  }
0x362: {  	v7 =	vadd.f32 v7, v59;
	_ =	sdelay $0x1  }
0x363: {  	v8 =	vmul.f32 $9.999999770e-03, v7;
	_ =	sdelay $0x1  }
0x364: {  	v7 =	vmax.f32 v7, v8  }
0x365: {  	[tilespmem:s26+$0x10520] =	vst v7  }
0x366: {  	v7 =	vld.idx.msk [tilespmem:v6+s26+$0x30 ss:$0x1], $0xffff;
	_ =	sdelay $0x1  }
0x367: {  	v60 =	vld [tilespmem:s26+$0x10530];
	_ =	sdelay $0x2  }
0x368: {  	vm11 =	veq.f32 v7, $-Inf  }
0x369: {  	v7 =	vsel vm11, $0x0, v7  }
0x36a: {  	v7 =	vadd.f32 v7, v60;
	_ =	sdelay $0x1  }
0x36b: {  	v8 =	vmul.f32 $9.999999770e-03, v7;
	_ =	sdelay $0x1  }
0x36c: {  	v7 =	vmax.f32 v7, v8  }
0x36d: {  	[tilespmem:s26+$0x10530] =	vst v7  }
0x36e: {  	v7 =	vld.idx.msk [tilespmem:v6+s26+$0x40 ss:$0x1], $0xffff;
	_ =	sdelay $0x1  }
0x36f: {  	v61 =	vld [tilespmem:s26+$0x10540];
	_ =	sdelay $0x2  }
0x370: {  	vm12 =	veq.f32 v7, $-Inf  }
0x371: {  	v7 =	vsel vm12, $0x0, v7  }
0x372: {  	v7 =	vadd.f32 v7, v61;
	_ =	sdelay $0x1  }
0x373: {  	v8 =	vmul.f32 $9.999999770e-03, v7;
	_ =	sdelay $0x1  }
0x374: {  	v7 =	vmax.f32 v7, v8  }
0x375: {  	[tilespmem:s26+$0x10540] =	vst v7  }
0x376: {  	v7 =	vld.idx.msk [tilespmem:v6+s26+$0x50 ss:$0x1], $0xffff;
	_ =	sdelay $0x1  }
0x377: {  	v62 =	vld [tilespmem:s26+$0x10550];
	_ =	sdelay $0x2  }
0x378: {  	vm13 =	veq.f32 v7, $-Inf  }
0x379: {  	v7 =	vsel vm13, $0x0, v7  }
0x37a: {  	v7 =	vadd.f32 v7, v62;
	_ =	sdelay $0x1  }
0x37b: {  	v8 =	vmul.f32 $9.999999770e-03, v7;
	_ =	sdelay $0x1  }
0x37c: {  	v7 =	vmax.f32 v7, v8  }
0x37d: {  	[tilespmem:s26+$0x10550] =	vst v7  }
0x37e: {  	v7 =	vld.idx.msk [tilespmem:v6+s26+$0x60 ss:$0x1], $0xffff;
	_ =	sdelay $0x1  }
0x37f: {  	v63 =	vld [tilespmem:s26+$0x10560];
	_ =	sdelay $0x2  }
0x380: {  	vm14 =	veq.f32 v7, $-Inf  }
0x381: {  	v7 =	vsel vm14, $0x0, v7  }
0x382: {  	v7 =	vadd.f32 v7, v63;
	_ =	sdelay $0x1  }
0x383: {  	v8 =	vmul.f32 $9.999999770e-03, v7;
	_ =	sdelay $0x1  }
0x384: {  	v7 =	vmax.f32 v7, v8  }
0x385: {  	[tilespmem:s26+$0x10560] =	vst v7  }
0x386: {  	v6 =	vld.idx.msk [tilespmem:v6+s26+$0x70 ss:$0x1], $0xffff;
	_ =	sdelay $0x1  }
0x387: {  	v7 =	vld [tilespmem:s26+$0x10570];
	_ =	sdelay $0x2  }
0x388: {  	vm15 =	veq.f32 v6, $-Inf  }
0x389: {  	v6 =	vsel vm15, $0x0, v6  }
0x38a: {  	v6 =	vadd.f32 v6, v7;
	_ =	sdelay $0x1  }
0x38b: {  	v7 =	vmul.f32 $9.999999770e-03, v6  }
0x38c: {  	s24 =	sadd.s32 $0x1, s24  }
0x38d: {  	p0 =	sne.s32 s24, $0x5;
	v6 =	vmax.f32 v6, v7  }
.Ltmp24:
0x38e: {  	s0 =	sadd.s32 s8, s25;
	[tilespmem:s26+$0x10570] =	vst v6;
	(pc) =	sbr.rel @p0 .LBB2_30-.Ltmp24, $4  }
0x38f: {  	[hbm4b:s0+s3] =	stream.linear.scatter [tilespmem:s18], [sflag:$0x3], $0x2000, $0x38;
	[tilespmem:$0x1E680] =	vst v63  }
0x390: {  	_ =	swait.ge [sflag:s12], $0x2000  }
0x391: {  	[sflag:s12] =	ssyncset.done $0x0  }
0x392: {  	s23 =	sadd.s32 $0x2000, s23;
	[sflag:s12] =	ssyncadd.s32 $0xFFFFE000  }
0x393: {  	s21 =	sadd.s32 $0x1, s21  }
0x394: {  	p0 =	sne.s32 s21, s10  }
.Ltmp25:
0x395: {  	_ = 	snop;
	(pc) =	sbr.rel @p0 .LBB2_1-.Ltmp25, $1  }
0x396: {  	_ =	sdelay $0x3  }
0x397: {  	_ =	sfence.sel $0x180000  }
0x398: {  	[bflag:$0x0] =	sbarrier.arrive $0xFFFF  }
0x399: {  	_ =	strace $0x9000004A  }
0x39a: {  	s0 =	stileid.u32;
	[bflag:$0x2] =	sbarrier.arrive $0xFFFF  }
0x39b: {  	p0 =	sne.s32 s0, $0x0;
	s0 =	rddreg [dreg:$0x2]  }
0x39c: {  	s0 =	sadd.s32 @!p0 $0x100000, s0  }
0x39d: {  	[sflag:s0] =	ssyncadd.tile.s32 @!p0 $0x1;
	_ =	shalt  }
.Lfunc_end2:
_tile_overlayer_lowered:
.L_overlay_start_2:
0x39e: {  	(tag) =	ssettag $0x2  }
0x39f: {  	s0 =	rddreg [dreg:$0x0];
	s2 =	stileid.u32  }
0x3a0: {  	s1 =	rddreg [dreg:$0x1];
	p0 =	sne.s32 s2, $0x0  }
0x3a1: {  	s3 =	rddreg [dreg:$0x2];
	[bflag:$0x3] =	sbarrier.arrive $0xFFFF;
	s2 =	simm.s32 @!p0 $0x1C03  }
0x3a2: {  	[timem:s3], [sflag:s2] =	dma.local @!p0 [hbm:s0], s1  }
0x3a3: {  	s0 =	simm.s32 @!p0 $0x3  }
0x3a4: {  	_ =	swait.ge @!p0 [sflag:s0], s1  }
0x3a5: {  	s1 =	ssub.s32 @!p0 $0x0, s1;
	[sflag:s0] =	ssyncset.done @!p0 $0x0  }
0x3a6: {  	[sflag:s0] =	ssyncadd.s32 @!p0 s1  }
0x3a7: {  	[bflag:$0x3] =	sbarrier.arrive $0xFFFF  }
0x3a8: {  	_ =	shalt  }

</sc_bundles>
